<compile_context>
chip_gen: v7x
topology: tpu7x:2x2x1
jax: 0.10.2.dev20260603
libtpu: 0.0.44.dev20260713+nightly
codegen_flags: <defaults>
</compile_context>

<pallas_src>
import functools

import jax
import jax.numpy as jnp
from jax import lax
from jax.experimental import pallas as pl
from jax.experimental.pallas import tpu as pltpu
from jax.experimental.pallas import tpu_sc as plsc

NC, NS, L = 2, 16, 16
NW = NC * NS


@functools.lru_cache(maxsize=None)
def _build(B, N, C, K):
    nodes = B * N
    per_w = nodes // NW
    chunk = 5
    nchunk = per_w // chunk
    c2 = 2 * C
    glen = chunk * K + 8
    assert per_w * NW == nodes and nchunk * chunk == per_w
    assert glen <= 128 and glen % 8 == 0 and C % L == 0 and chunk + 3 <= L

    mesh = plsc.VectorSubcoreMesh(
        core_axis_name="c", subcore_axis_name="s",
        num_cores=NC, num_subcores=NS)

    @functools.partial(
        pl.kernel,
        out_type=jax.ShapeDtypeStruct((nodes, K, c2), jnp.float32),
        mesh=mesh,
        compiler_params=pltpu.CompilerParams(needs_layout_passes=False),
        scratch_types=[
            pltpu.VMEM((per_w * K,), jnp.int32),
            pltpu.VMEM((nchunk, glen), jnp.int32),
            pltpu.VMEM((glen, C), jnp.float32),
            pltpu.VMEM((glen, C), jnp.float32),
            pltpu.VMEM((chunk, K, c2), jnp.float32),
            pltpu.VMEM((chunk, K, c2), jnp.float32),
            pltpu.SemaphoreType.DMA,
            pltpu.SemaphoreType.DMA,
            pltpu.SemaphoreType.DMA,
            pltpu.SemaphoreType.DMA,
        ],
    )
    def ldg(points_hbm, idx_hbm, out_hbm,
            midx_v, cidx_v, g0_v, g1_v, o0_v, o1_v, gs0, gs1, ws0, ws1):
        g_v, o_v, gs, ws = (g0_v, g1_v), (o0_v, o1_v), (gs0, gs1), (ws0, ws1)
        wid = lax.axis_index("s") * NC + lax.axis_index("c")
        base0 = wid * per_w
        boff = jnp.where(base0 >= N, jnp.int32(N), jnp.int32(0))
        iot = lax.iota(jnp.int32, L)

        pltpu.sync_copy(idx_hbm.at[pl.ds(base0 * K, per_w * K)], midx_v)

        def build_body(ci, _):
            for r in range(chunk):
                cidx_v[ci, pl.ds(r * L, L)] = (
                    midx_v[pl.ds(ci * (chunk * K) + r * L, L)] + boff)
            plsc.store_scatter(
                cidx_v,
                [jnp.full((L,), ci, jnp.int32),
                 jnp.minimum(chunk * K + iot, jnp.int32(glen - 1))],
                jnp.minimum(base0 + ci * chunk + iot, jnp.int32(nodes - 1)))
            return 0

        lax.fori_loop(0, nchunk, build_body, 0)

        def fire_gather(ci, b):
            pltpu.async_copy(points_hbm.at[cidx_v.at[ci]], g_v[b], gs[b])

        def wait_gather(ci, b):
            pltpu.make_async_copy(
                points_hbm.at[cidx_v.at[ci]], g_v[b], gs[b]).wait()

        def out_slice(ci):
            return out_hbm.at[pl.ds(base0 + ci * chunk, chunk)]

        fire_gather(0, 0)

        def pair_body(it, _):
            for b in range(2):
                ci = it * 2 + b

                @pl.when(ci < nchunk)
                def _(ci=ci, b=b):
                    @pl.when(ci + 1 < nchunk)
                    def _():
                        fire_gather(ci + 1, 1 - b)

                    wait_gather(ci, b)

                    @pl.when(ci >= 2)
                    def _():
                        pltpu.make_async_copy(
                            o_v[b], out_slice(ci - 2), ws[b]).wait()

                    gb, ob = g_v[b], o_v[b]
                    for i in range(chunk):
                        xs = [gb[chunk * K + i, pl.ds(cc * L, L)]
                              for cc in range(C // L)]

                        @plsc.parallel_loop(0, K, unroll=8)
                        def _(j, i=i, xs=xs):
                            row = i * K + j
                            for cc in range(C // L):
                                gv = gb[row, pl.ds(cc * L, L)]
                                ob[i, j, pl.ds(cc * L, L)] = gv - xs[cc]
                                ob[i, j, pl.ds(C + cc * L, L)] = xs[cc]

                    pltpu.async_copy(o_v[b], out_slice(ci), ws[b])
            return 0

        lax.fori_loop(0, (nchunk + 1) // 2, pair_body, 0)
        pltpu.make_async_copy(o_v[1], out_slice(nchunk - 2), ws[1]).wait()
        pltpu.make_async_copy(o_v[0], out_slice(nchunk - 1), ws[0]).wait()

    return ldg


def kernel(points, idx):
    B, N, C = points.shape
    K = idx.shape[2]
    ldg = _build(B, N, C, K)
    out = ldg(points.reshape(B * N, C), idx.reshape(-1))
    return out.reshape(B, N, K, 2 * C).transpose(0, 1, 3, 2)

# --- scband reference (transcript-rebuilt; emitter-appended) ---
"""Pipeline reference for scband-local-dynamic-graph-79594333929751 (READ-ONLY COPY).

The authoritative reference and input builder live on the scoring server;
editing this copy changes nothing except your own understanding.
"""

import jax, jax.numpy as jnp
import numpy as np


def setup_inputs(seed: int = 0) -> dict:
    key = jax.random.key(seed)
    k1, k2 = jax.random.split(key)
    points = jax.random.normal(k1, (2, 10000, 128), dtype=jnp.float32)
    idx = jax.random.randint(k2, (2, 10000, 16), 0, 10000, dtype=jnp.int32)
    return {"points": points, "idx": idx}


def reference(points, idx):
    # Faithful translation of local_dynamic_graph (DGCNN edge-feature construction).
    B, N, C = points.shape
    k = idx.shape[2]
    idx_base = jnp.arange(B, dtype=idx.dtype).reshape(-1, 1, 1) * N
    flat_idx = (idx + idx_base).reshape(-1)
    # gather neighbor features: SparseCore-friendly row gather
    feature = jnp.take(points.reshape(B * N, C), flat_idx, axis=0)
    feature = feature.reshape(B, N, k, C)
    x = jnp.broadcast_to(points[:, :, None, :], (B, N, k, C))
    feature = jnp.concatenate((feature - x, x), axis=3).transpose(0, 1, 3, 2)
    return feature

if __name__ == "__main__":
    import jax
    _d = setup_inputs()
    print(jax.jit(kernel)(*tuple(_d.values())))

</pallas_src>

<mosaic_0001>
#map = affine_map<(d0, d1) -> (0, 0)>
#map1 = affine_map<(d0, d1) -> (0)>
#map2 = affine_map<(d0, d1) -> (0, 0, 0)>
module attributes {stable_mosaic.version = 14 : i64} {
  func.func @ldg(%arg0: i32, %arg1: i32, %arg2: memref<20000x128xf32, #tpu.memory_space<hbm>>, %arg3: memref<320000xi32, #tpu.memory_space<hbm>>, %arg4: memref<20000x16x256xf32, #tpu.memory_space<hbm>>, %arg5: memref<10000xi32, #tpu.memory_space<vmem>>, %arg6: memref<125x88xi32, #tpu.memory_space<vmem>>, %arg7: memref<88x128xf32, #tpu.memory_space<vmem>>, %arg8: memref<88x128xf32, #tpu.memory_space<vmem>>, %arg9: memref<5x16x256xf32, #tpu.memory_space<vmem>>, %arg10: memref<5x16x256xf32, #tpu.memory_space<vmem>>, %arg11: memref<!tpu.dma_semaphore, #tpu.memory_space<semaphore_mem>>, %arg12: memref<!tpu.dma_semaphore, #tpu.memory_space<semaphore_mem>>, %arg13: memref<!tpu.dma_semaphore, #tpu.memory_space<semaphore_mem>>, %arg14: memref<!tpu.dma_semaphore, #tpu.memory_space<semaphore_mem>>) attributes {dimension_semantics = [#tpu.dimension_semantics<core_parallel>, #tpu.dimension_semantics<subcore_parallel>], iteration_bounds = array<i64: 2, 16>, scalar_prefetch = 0 : i64, scratch_operands = 10 : i64, tpu.core_type = #tpu.core_type<sc_vector_subcore>, window_params = [{transform_indices = #map}, {transform_indices = #map1}, {transform_indices = #map2}]} {
    %mul3A = arith.constant 2 : i32
    %mul3A_0 = arith.muli %arg1, %mul3A : i32
    %add3A = arith.addi %mul3A_0, %arg0 : i32
    %mul3A_1 = arith.constant 625 : i32
    %mul3A_2 = arith.muli %add3A, %mul3A_1 : i32
    %ge3A = arith.constant 10000 : i32
    %ge3A_3 = arith.cmpi sge, %mul3A_2, %ge3A : i32
    %jit3A = arith.constant 10000 : i32
    %jit3A_4 = arith.constant 0 : i32
    %select_n3A = arith.select %ge3A_3, %jit3A, %jit3A_4 : i32
    %iota3A = tpu.iota {dimensions = array<i32: 0>} : vector<16xi32>
    %mul3A_5 = arith.constant 16 : i32
    %mul3A_6 = arith.muli %mul3A_2, %mul3A_5 : i32
    "tpu.region"() ({
      %run_scoped3A = tpu.sem_alloc : memref<!tpu.dma_semaphore, #tpu.memory_space<semaphore_mem>>
      %dma_start3A_41 = tpu.memref_slice %arg3[%mul3A_6] : memref<320000xi32, #tpu.memory_space<hbm>> -> memref<10000xi32, #tpu.memory_space<hbm>>
      %dma_start3A_42 = tpu.memref_slice %arg3[%mul3A_6] : memref<320000xi32, #tpu.memory_space<hbm>> -> memref<10000xi32, #tpu.memory_space<hbm>>
      tpu.enqueue_dma source(%dma_start3A_42 : memref<10000xi32, #tpu.memory_space<hbm>>) target(%arg5 : memref<10000xi32, #tpu.memory_space<vmem>>) target_semaphore(%run_scoped3A : memref<!tpu.dma_semaphore, #tpu.memory_space<semaphore_mem>>)
      %dma_wait3A_43 = tpu.memref_slice %arg3[%mul3A_6] : memref<320000xi32, #tpu.memory_space<hbm>> -> memref<10000xi32, #tpu.memory_space<hbm>>
      %dma_wait3A_44 = tpu.memref_slice %arg3[%mul3A_6] : memref<320000xi32, #tpu.memory_space<hbm>> -> memref<10000xi32, #tpu.memory_space<hbm>>
      tpu.wait_dma2 semaphore(%run_scoped3A : memref<!tpu.dma_semaphore, #tpu.memory_space<semaphore_mem>>) src(%dma_wait3A_44 : memref<10000xi32, #tpu.memory_space<hbm>>) dst(%arg5 : memref<10000xi32, #tpu.memory_space<vmem>>)
      tpu.yield
    }) : () -> ()
    %scan3A = arith.constant 0 : i32
    %scan3A_7 = arith.constant 0 : i32
    %scan3A_8 = arith.constant 125 : i32
    %scan3A_9 = arith.addi %scan3A_7, %scan3A_8 : i32
    %scan3A_10 = arith.constant 1 : i32
    %scan3A_11 = scf.for %scan3A_41 = %scan3A_7 to %scan3A_9 step %scan3A_10 iter_args(%scan3A_42 = %scan3A) -> (i32)  : i32 {
      %mul3A_43 = arith.constant 80 : i32
      %mul3A_44 = arith.muli %scan3A_41, %mul3A_43 : i32
      %add3A_45 = arith.constant 0 : i32
      %add3A_46 = arith.addi %mul3A_44, %add3A_45 : i32
      %get3A = arith.index_cast %add3A_46 : i32 to index
      %get3A_47 = tpu.vector_load %arg5[%get3A] {strides = array<i32>} : memref<10000xi32, #tpu.memory_space<vmem>>, vector<16xi32>,
      %add3A_48 = vector.broadcast %select_n3A : i32 to vector<16xi32>
      %add3A_49 = arith.addi %get3A_47, %add3A_48 : vector<16xi32>
      %swap3A = arith.index_cast %scan3A_41 : i32 to index
      %swap3A_50 = arith.constant 0 : index
      %swap3A_51 = tpu.vector_load %arg6[%swap3A, %swap3A_50] {strides = array<i32>} : memref<125x88xi32, #tpu.memory_space<vmem>>, vector<16xi32>,
      tpu.vector_store %arg6[%swap3A, %swap3A_50], %add3A_49 {strides = array<i32>} : memref<125x88xi32, #tpu.memory_space<vmem>>, vector<16xi32>,
      %mul3A_52 = arith.constant 80 : i32
      %mul3A_53 = arith.muli %scan3A_41, %mul3A_52 : i32
      %add3A_54 = arith.constant 16 : i32
      %add3A_55 = arith.addi %mul3A_53, %add3A_54 : i32
      %get3A_56 = arith.index_cast %add3A_55 : i32 to index
      %get3A_57 = tpu.vector_load %arg5[%get3A_56] {strides = array<i32>} : memref<10000xi32, #tpu.memory_space<vmem>>, vector<16xi32>,
      %add3A_58 = vector.broadcast %select_n3A : i32 to vector<16xi32>
      %add3A_59 = arith.addi %get3A_57, %add3A_58 : vector<16xi32>
      %swap3A_60 = arith.index_cast %scan3A_41 : i32 to index
      %swap3A_61 = arith.constant 16 : index
      %swap3A_62 = tpu.vector_load %arg6[%swap3A_60, %swap3A_61] {strides = array<i32>} : memref<125x88xi32, #tpu.memory_space<vmem>>, vector<16xi32>,
      tpu.vector_store %arg6[%swap3A_60, %swap3A_61], %add3A_59 {strides = array<i32>} : memref<125x88xi32, #tpu.memory_space<vmem>>, vector<16xi32>,
      %mul3A_63 = arith.constant 80 : i32
      %mul3A_64 = arith.muli %scan3A_41, %mul3A_63 : i32
      %add3A_65 = arith.constant 32 : i32
      %add3A_66 = arith.addi %mul3A_64, %add3A_65 : i32
      %get3A_67 = arith.index_cast %add3A_66 : i32 to index
      %get3A_68 = tpu.vector_load %arg5[%get3A_67] {strides = array<i32>} : memref<10000xi32, #tpu.memory_space<vmem>>, vector<16xi32>,
      %add3A_69 = vector.broadcast %select_n3A : i32 to vector<16xi32>
      %add3A_70 = arith.addi %get3A_68, %add3A_69 : vector<16xi32>
      %swap3A_71 = arith.index_cast %scan3A_41 : i32 to index
      %swap3A_72 = arith.constant 32 : index
      %swap3A_73 = tpu.vector_load %arg6[%swap3A_71, %swap3A_72] {strides = array<i32>} : memref<125x88xi32, #tpu.memory_space<vmem>>, vector<16xi32>,
      tpu.vector_store %arg6[%swap3A_71, %swap3A_72], %add3A_70 {strides = array<i32>} : memref<125x88xi32, #tpu.memory_space<vmem>>, vector<16xi32>,
      %mul3A_74 = arith.constant 80 : i32
      %mul3A_75 = arith.muli %scan3A_41, %mul3A_74 : i32
      %add3A_76 = arith.constant 48 : i32
      %add3A_77 = arith.addi %mul3A_75, %add3A_76 : i32
      %get3A_78 = arith.index_cast %add3A_77 : i32 to index
      %get3A_79 = tpu.vector_load %arg5[%get3A_78] {strides = array<i32>} : memref<10000xi32, #tpu.memory_space<vmem>>, vector<16xi32>,
      %add3A_80 = vector.broadcast %select_n3A : i32 to vector<16xi32>
      %add3A_81 = arith.addi %get3A_79, %add3A_80 : vector<16xi32>
      %swap3A_82 = arith.index_cast %scan3A_41 : i32 to index
      %swap3A_83 = arith.constant 48 : index
      %swap3A_84 = tpu.vector_load %arg6[%swap3A_82, %swap3A_83] {strides = array<i32>} : memref<125x88xi32, #tpu.memory_space<vmem>>, vector<16xi32>,
      tpu.vector_store %arg6[%swap3A_82, %swap3A_83], %add3A_81 {strides = array<i32>} : memref<125x88xi32, #tpu.memory_space<vmem>>, vector<16xi32>,
      %mul3A_85 = arith.constant 80 : i32
      %mul3A_86 = arith.muli %scan3A_41, %mul3A_85 : i32
      %add3A_87 = arith.constant 64 : i32
      %add3A_88 = arith.addi %mul3A_86, %add3A_87 : i32
      %get3A_89 = arith.index_cast %add3A_88 : i32 to index
      %get3A_90 = tpu.vector_load %arg5[%get3A_89] {strides = array<i32>} : memref<10000xi32, #tpu.memory_space<vmem>>, vector<16xi32>,
      %add3A_91 = vector.broadcast %select_n3A : i32 to vector<16xi32>
      %add3A_92 = arith.addi %get3A_90, %add3A_91 : vector<16xi32>
      %swap3A_93 = arith.index_cast %scan3A_41 : i32 to index
      %swap3A_94 = arith.constant 64 : index
      %swap3A_95 = tpu.vector_load %arg6[%swap3A_93, %swap3A_94] {strides = array<i32>} : memref<125x88xi32, #tpu.memory_space<vmem>>, vector<16xi32>,
      tpu.vector_store %arg6[%swap3A_93, %swap3A_94], %add3A_92 {strides = array<i32>} : memref<125x88xi32, #tpu.memory_space<vmem>>, vector<16xi32>,
      %broadcast_in_dim3A = vector.broadcast %scan3A_41 : i32 to vector<16xi32>
      %add3A_96 = arith.constant 80 : i32
      %add3A_97 = vector.broadcast %add3A_96 : i32 to vector<16xi32>
      %add3A_98 = arith.addi %add3A_97, %iota3A : vector<16xi32>
      %min3A = arith.constant 87 : i32
      %min3A_99 = vector.broadcast %min3A : i32 to vector<16xi32>
      %min3A_100 = arith.minsi %add3A_98, %min3A_99 : vector<16xi32>
      %mul3A_101 = arith.constant 5 : i32
      %mul3A_102 = arith.muli %scan3A_41, %mul3A_101 : i32
      %add3A_103 = arith.addi %mul3A_2, %mul3A_102 : i32
      %add3A_104 = vector.broadcast %add3A_103 : i32 to vector<16xi32>
      %add3A_105 = arith.addi %add3A_104, %iota3A : vector<16xi32>
      %min3A_106 = arith.constant 19999 : i32
      %min3A_107 = vector.broadcast %min3A_106 : i32 to vector<16xi32>
      %min3A_108 = arith.minsi %add3A_105, %min3A_107 : vector<16xi32>
      tpu.vector_store_idx %arg6[%broadcast_in_dim3A, %min3A_100], %min3A_108 : memref<125x88xi32, #tpu.memory_space<vmem>>[vector<16xi32>, vector<16xi32>], vector<16xi32>,
      %scan3A_109 = arith.constant 0 : i32
      scf.yield %scan3A_109 : i32
    }
    %scan3A_12 = arith.constant 125 : i32
    %dma_start3A = arith.constant 0 : i32
    %dma_start3A_13 = arith.constant 0 : i32
    %dma_start3A_14 = tpu.memref_slice %arg6[%dma_start3A, %dma_start3A_13] : memref<125x88xi32, #tpu.memory_space<vmem>> -> memref<1x88xi32, #tpu.memory_space<vmem>>
    %dma_start3A_15 = tpu.memref_squeeze %dma_start3A_14 : memref<1x88xi32, #tpu.memory_space<vmem>> -> memref<88xi32, #tpu.memory_space<vmem>>
    %dma_start3A_16 = arith.constant 0 : i32
    %dma_start3A_17 = arith.constant 0 : i32
    %dma_start3A_18 = tpu.memref_slice %arg2[%dma_start3A_16, %dma_start3A_17] : memref<20000x128xf32, #tpu.memory_space<hbm>> -> memref<20000x128xf32, #tpu.memory_space<hbm>>
    tpu.enqueue_indirect_dma source(%dma_start3A_18 : memref<20000x128xf32, #tpu.memory_space<hbm>>) target(%arg7 : memref<88x128xf32, #tpu.memory_space<vmem>>) offsets(%dma_start3A_15 : memref<88xi32, #tpu.memory_space<vmem>>) semaphore(%arg11 : memref<!tpu.dma_semaphore, #tpu.memory_space<semaphore_mem>>)
    %scan3A_19 = arith.constant 0 : i32
    %scan3A_20 = arith.constant 0 : i32
    %scan3A_21 = arith.constant 63 : i32
    %scan3A_22 = arith.addi %scan3A_20, %scan3A_21 : i32
    %scan3A_23 = arith.constant 1 : i32
    %scan3A_24 = scf.for %scan3A_41 = %scan3A_20 to %scan3A_22 step %scan3A_23 iter_args(%scan3A_42 = %scan3A_19) -> (i32)  : i32 {
      %mul3A_43 = arith.constant 2 : i32
      %mul3A_44 = arith.muli %scan3A_41, %mul3A_43 : i32
      %add3A_45 = arith.constant 0 : i32
      %add3A_46 = arith.addi %mul3A_44, %add3A_45 : i32
      %lt3A = arith.constant 125 : i32
      %lt3A_47 = arith.cmpi slt, %add3A_46, %lt3A : i32
      %convert_element_type3A = arith.extui %lt3A_47 : i1 to i32
      %cond3A = arith.constant 0 : i32
      %cond3A_48 = arith.cmpi ne, %convert_element_type3A, %cond3A : i32
      scf.if %cond3A_48 {
        %add3A_59 = arith.constant 1 : i32
        %add3A_60 = arith.addi %add3A_46, %add3A_59 : i32
        %lt3A_61 = arith.constant 125 : i32
        %lt3A_62 = arith.cmpi slt, %add3A_60, %lt3A_61 : i32
        %convert_element_type3A_63 = arith.extui %lt3A_62 : i1 to i32
        %cond3A_64 = arith.constant 0 : i32
        %cond3A_65 = arith.cmpi ne, %convert_element_type3A_63, %cond3A_64 : i32
        scf.if %cond3A_65 {
          %add3A_259 = arith.constant 1 : i32
          %add3A_260 = arith.addi %add3A_46, %add3A_259 : i32
          %dma_start3A_261 = arith.constant 0 : i32
          %dma_start3A_262 = tpu.memref_slice %arg6[%add3A_260, %dma_start3A_261] : memref<125x88xi32, #tpu.memory_space<vmem>> -> memref<1x88xi32, #tpu.memory_space<vmem>>
          %dma_start3A_263 = tpu.memref_squeeze %dma_start3A_262 : memref<1x88xi32, #tpu.memory_space<vmem>> -> memref<88xi32, #tpu.memory_space<vmem>>
          %dma_start3A_264 = arith.constant 0 : i32
          %dma_start3A_265 = arith.constant 0 : i32
          %dma_start3A_266 = tpu.memref_slice %arg2[%dma_start3A_264, %dma_start3A_265] : memref<20000x128xf32, #tpu.memory_space<hbm>> -> memref<20000x128xf32, #tpu.memory_space<hbm>>
          tpu.enqueue_indirect_dma source(%dma_start3A_266 : memref<20000x128xf32, #tpu.memory_space<hbm>>) target(%arg8 : memref<88x128xf32, #tpu.memory_space<vmem>>) offsets(%dma_start3A_263 : memref<88xi32, #tpu.memory_space<vmem>>) semaphore(%arg12 : memref<!tpu.dma_semaphore, #tpu.memory_space<semaphore_mem>>)
        } else {
        }
        %dma_wait3A_66 = arith.constant 0 : i32
        %dma_wait3A_67 = tpu.memref_slice %arg6[%add3A_46, %dma_wait3A_66] : memref<125x88xi32, #tpu.memory_space<vmem>> -> memref<1x88xi32, #tpu.memory_space<vmem>>
        %dma_wait3A_68 = tpu.memref_squeeze %dma_wait3A_67 : memref<1x88xi32, #tpu.memory_space<vmem>> -> memref<88xi32, #tpu.memory_space<vmem>>
        %dma_wait3A_69 = arith.constant 0 : i32
        %dma_wait3A_70 = arith.constant 0 : i32
        %dma_wait3A_71 = tpu.memref_slice %arg2[%dma_wait3A_69, %dma_wait3A_70] : memref<20000x128xf32, #tpu.memory_space<hbm>> -> memref<20000x128xf32, #tpu.memory_space<hbm>>
        tpu.wait_indirect_dma semaphore(%arg11 : memref<!tpu.dma_semaphore, #tpu.memory_space<semaphore_mem>>) src(%dma_wait3A_71 : memref<20000x128xf32, #tpu.memory_space<hbm>>) dst(%arg7 : memref<88x128xf32, #tpu.memory_space<vmem>>)
        %ge3A_72 = arith.constant 2 : i32
        %ge3A_73 = arith.cmpi sge, %add3A_46, %ge3A_72 : i32
        %convert_element_type3A_74 = arith.extui %ge3A_73 : i1 to i32
        %cond3A_75 = arith.constant 0 : i32
        %cond3A_76 = arith.cmpi ne, %convert_element_type3A_74, %cond3A_75 : i32
        scf.if %cond3A_76 {
          %sub3A = arith.constant 2 : i32
          %sub3A_259 = arith.subi %add3A_46, %sub3A : i32
          %mul3A_260 = arith.constant 5 : i32
          %mul3A_261 = arith.muli %sub3A_259, %mul3A_260 : i32
          %add3A_262 = arith.addi %mul3A_2, %mul3A_261 : i32
          %dma_wait3A_263 = arith.constant 0 : i32
          %dma_wait3A_264 = arith.constant 0 : i32
          %dma_wait3A_265 = tpu.memref_slice %arg4[%add3A_262, %dma_wait3A_263, %dma_wait3A_264] : memref<20000x16x256xf32, #tpu.memory_space<hbm>> -> memref<5x16x256xf32, #tpu.memory_space<hbm>>
          %dma_wait3A_266 = arith.constant 0 : i32
          %dma_wait3A_267 = arith.constant 0 : i32
          %dma_wait3A_268 = tpu.memref_slice %arg4[%add3A_262, %dma_wait3A_266, %dma_wait3A_267] : memref<20000x16x256xf32, #tpu.memory_space<hbm>> -> memref<5x16x256xf32, #tpu.memory_space<hbm>>
          tpu.wait_dma2 semaphore(%arg13 : memref<!tpu.dma_semaphore, #tpu.memory_space<semaphore_mem>>) src(%arg9 : memref<5x16x256xf32, #tpu.memory_space<vmem>>) dst(%dma_wait3A_268 : memref<5x16x256xf32, #tpu.memory_space<hbm>>)
        } else {
        }
        %get3A = arith.constant 80 : i32
        %get3A_77 = arith.index_cast %get3A : i32 to index
        %get3A_78 = arith.constant 0 : index
        %get3A_79 = tpu.vector_load %arg7[%get3A_77, %get3A_78] {strides = array<i32>} : memref<88x128xf32, #tpu.memory_space<vmem>>, vector<16xf32>,
        %get3A_80 = arith.constant 80 : i32
        %get3A_81 = arith.index_cast %get3A_80 : i32 to index
        %get3A_82 = arith.constant 16 : index
        %get3A_83 = tpu.vector_load %arg7[%get3A_81, %get3A_82] {strides = array<i32>} : memref<88x128xf32, #tpu.memory_space<vmem>>, vector<16xf32>,
        %get3A_84 = arith.constant 80 : i32
        %get3A_85 = arith.index_cast %get3A_84 : i32 to index
        %get3A_86 = arith.constant 32 : index
        %get3A_87 = tpu.vector_load %arg7[%get3A_85, %get3A_86] {strides = array<i32>} : memref<88x128xf32, #tpu.memory_space<vmem>>, vector<16xf32>,
        %get3A_88 = arith.constant 80 : i32
        %get3A_89 = arith.index_cast %get3A_88 : i32 to index
        %get3A_90 = arith.constant 48 : index
        %get3A_91 = tpu.vector_load %arg7[%get3A_89, %get3A_90] {strides = array<i32>} : memref<88x128xf32, #tpu.memory_space<vmem>>, vector<16xf32>,
        %get3A_92 = arith.constant 80 : i32
        %get3A_93 = arith.index_cast %get3A_92 : i32 to index
        %get3A_94 = arith.constant 64 : index
        %get3A_95 = tpu.vector_load %arg7[%get3A_93, %get3A_94] {strides = array<i32>} : memref<88x128xf32, #tpu.memory_space<vmem>>, vector<16xf32>,
        %get3A_96 = arith.constant 80 : i32
        %get3A_97 = arith.index_cast %get3A_96 : i32 to index
        %get3A_98 = arith.constant 80 : index
        %get3A_99 = tpu.vector_load %arg7[%get3A_97, %get3A_98] {strides = array<i32>} : memref<88x128xf32, #tpu.memory_space<vmem>>, vector<16xf32>,
        %get3A_100 = arith.constant 80 : i32
        %get3A_101 = arith.index_cast %get3A_100 : i32 to index
        %get3A_102 = arith.constant 96 : index
        %get3A_103 = tpu.vector_load %arg7[%get3A_101, %get3A_102] {strides = array<i32>} : memref<88x128xf32, #tpu.memory_space<vmem>>, vector<16xf32>,
        %get3A_104 = arith.constant 80 : i32
        %get3A_105 = arith.index_cast %get3A_104 : i32 to index
        %get3A_106 = arith.constant 112 : index
        %get3A_107 = tpu.vector_load %arg7[%get3A_105, %get3A_106] {strides = array<i32>} : memref<88x128xf32, #tpu.memory_space<vmem>>, vector<16xf32>,
        %parallel_loop3A = arith.constant 0 : i32
        %parallel_loop3A_108 = arith.constant 16 : i32
        %parallel_loop3A_109 = arith.constant 1 : i32
        scf.for %parallel_loop3A_259 = %parallel_loop3A to %parallel_loop3A_108 step %parallel_loop3A_109  : i32 {
          %parallel_loop3A_260 = arith.constant 0 : i32
          %parallel_loop3A_261 = arith.addi %parallel_loop3A_260, %parallel_loop3A_259 : i32
          %parallel_loop3A_262 = arith.index_cast %parallel_loop3A_261 : i32 to index
          %parallel_loop3A_263 = arith.constant 0 : index
          %parallel_loop3A_264 = tpu.vector_load %arg7[%parallel_loop3A_262, %parallel_loop3A_263] {strides = array<i32>} : memref<88x128xf32, #tpu.memory_space<vmem>>, vector<16xf32>,
          %parallel_loop3A_265 = arith.subf %parallel_loop3A_264, %get3A_79 : vector<16xf32>
          %parallel_loop3A_266 = arith.constant 0 : i32
          %parallel_loop3A_267 = arith.index_cast %parallel_loop3A_266 : i32 to index
          %parallel_loop3A_268 = arith.index_cast %parallel_loop3A_259 : i32 to index
          %parallel_loop3A_269 = arith.constant 0 : index
          %parallel_loop3A_270 = tpu.vector_load %arg9[%parallel_loop3A_267, %parallel_loop3A_268, %parallel_loop3A_269] {strides = array<i32>} : memref<5x16x256xf32, #tpu.memory_space<vmem>>, vector<16xf32>,
          tpu.vector_store %arg9[%parallel_loop3A_267, %parallel_loop3A_268, %parallel_loop3A_269], %parallel_loop3A_265 {strides = array<i32>} : memref<5x16x256xf32, #tpu.memory_space<vmem>>, vector<16xf32>,
          %parallel_loop3A_271 = arith.constant 0 : i32
          %parallel_loop3A_272 = arith.index_cast %parallel_loop3A_271 : i32 to index
          %parallel_loop3A_273 = arith.index_cast %parallel_loop3A_259 : i32 to index
          %parallel_loop3A_274 = arith.constant 128 : index
          %parallel_loop3A_275 = tpu.vector_load %arg9[%parallel_loop3A_272, %parallel_loop3A_273, %parallel_loop3A_274] {strides = array<i32>} : memref<5x16x256xf32, #tpu.memory_space<vmem>>, vector<16xf32>,
          tpu.vector_store %arg9[%parallel_loop3A_272, %parallel_loop3A_273, %parallel_loop3A_274], %get3A_79 {strides = array<i32>} : memref<5x16x256xf32, #tpu.memory_space<vmem>>, vector<16xf32>,
          %parallel_loop3A_276 = arith.index_cast %parallel_loop3A_261 : i32 to index
          %parallel_loop3A_277 = arith.constant 16 : index
          %parallel_loop3A_278 = tpu.vector_load %arg7[%parallel_loop3A_276, %parallel_loop3A_277] {strides = array<i32>} : memref<88x128xf32, #tpu.memory_space<vmem>>, vector<16xf32>,
          %parallel_loop3A_279 = arith.subf %parallel_loop3A_278, %get3A_83 : vector<16xf32>
          %parallel_loop3A_280 = arith.constant 0 : i32
          %parallel_loop3A_281 = arith.index_cast %parallel_loop3A_280 : i32 to index
          %parallel_loop3A_282 = arith.index_cast %parallel_loop3A_259 : i32 to index
          %parallel_loop3A_283 = arith.constant 16 : index
          %parallel_loop3A_284 = tpu.vector_load %arg9[%parallel_loop3A_281, %parallel_loop3A_282, %parallel_loop3A_283] {strides = array<i32>} : memref<5x16x256xf32, #tpu.memory_space<vmem>>, vector<16xf32>,
          tpu.vector_store %arg9[%parallel_loop3A_281, %parallel_loop3A_282, %parallel_loop3A_283], %parallel_loop3A_279 {strides = array<i32>} : memref<5x16x256xf32, #tpu.memory_space<vmem>>, vector<16xf32>,
          %parallel_loop3A_285 = arith.constant 0 : i32
          %parallel_loop3A_286 = arith.index_cast %parallel_loop3A_285 : i32 to index
          %parallel_loop3A_287 = arith.index_cast %parallel_loop3A_259 : i32 to index
          %parallel_loop3A_288 = arith.constant 144 : index
          %parallel_loop3A_289 = tpu.vector_load %arg9[%parallel_loop3A_286, %parallel_loop3A_287, %parallel_loop3A_288] {strides = array<i32>} : memref<5x16x256xf32, #tpu.memory_space<vmem>>, vector<16xf32>,
          tpu.vector_store %arg9[%parallel_loop3A_286, %parallel_loop3A_287, %parallel_loop3A_288], %get3A_83 {strides = array<i32>} : memref<5x16x256xf32, #tpu.memory_space<vmem>>, vector<16xf32>,
          %parallel_loop3A_290 = arith.index_cast %parallel_loop3A_261 : i32 to index
          %parallel_loop3A_291 = arith.constant 32 : index
          %parallel_loop3A_292 = tpu.vector_load %arg7[%parallel_loop3A_290, %parallel_loop3A_291] {strides = array<i32>} : memref<88x128xf32, #tpu.memory_space<vmem>>, vector<16xf32>,
          %parallel_loop3A_293 = arith.subf %parallel_loop3A_292, %get3A_87 : vector<16xf32>
          %parallel_loop3A_294 = arith.constant 0 : i32
          %parallel_loop3A_295 = arith.index_cast %parallel_loop3A_294 : i32 to index
          %parallel_loop3A_296 = arith.index_cast %parallel_loop3A_259 : i32 to index
          %parallel_loop3A_297 = arith.constant 32 : index
          %parallel_loop3A_298 = tpu.vector_load %arg9[%parallel_loop3A_295, %parallel_loop3A_296, %parallel_loop3A_297] {strides = array<i32>} : memref<5x16x256xf32, #tpu.memory_space<vmem>>, vector<16xf32>,
          tpu.vector_store %arg9[%parallel_loop3A_295, %parallel_loop3A_296, %parallel_loop3A_297], %parallel_loop3A_293 {strides = array<i32>} : memref<5x16x256xf32, #tpu.memory_space<vmem>>, vector<16xf32>,
          %parallel_loop3A_299 = arith.constant 0 : i32
          %parallel_loop3A_300 = arith.index_cast %parallel_loop3A_299 : i32 to index
          %parallel_loop3A_301 = arith.index_cast %parallel_loop3A_259 : i32 to index
          %parallel_loop3A_302 = arith.constant 160 : index
          %parallel_loop3A_303 = tpu.vector_load %arg9[%parallel_loop3A_300, %parallel_loop3A_301, %parallel_loop3A_302] {strides = array<i32>} : memref<5x16x256xf32, #tpu.memory_space<vmem>>, vector<16xf32>,
          tpu.vector_store %arg9[%parallel_loop3A_300, %parallel_loop3A_301, %parallel_loop3A_302], %get3A_87 {strides = array<i32>} : memref<5x16x256xf32, #tpu.memory_space<vmem>>, vector<16xf32>,
          %parallel_loop3A_304 = arith.index_cast %parallel_loop3A_261 : i32 to index
          %parallel_loop3A_305 = arith.constant 48 : index
          %parallel_loop3A_306 = tpu.vector_load %arg7[%parallel_loop3A_304, %parallel_loop3A_305] {strides = array<i32>} : memref<88x128xf32, #tpu.memory_space<vmem>>, vector<16xf32>,
          %parallel_loop3A_307 = arith.subf %parallel_loop3A_306, %get3A_91 : vector<16xf32>
          %parallel_loop3A_308 = arith.constant 0 : i32
          %parallel_loop3A_309 = arith.index_cast %parallel_loop3A_308 : i32 to index
          %parallel_loop3A_310 = arith.index_cast %parallel_loop3A_259 : i32 to index
          %parallel_loop3A_311 = arith.constant 48 : index
          %parallel_loop3A_312 = tpu.vector_load %arg9[%parallel_loop3A_309, %parallel_loop3A_310, %parallel_loop3A_311] {strides = array<i32>} : memref<5x16x256xf32, #tpu.memory_space<vmem>>, vector<16xf32>,
          tpu.vector_store %arg9[%parallel_loop3A_309, %parallel_loop3A_310, %parallel_loop3A_311], %parallel_loop3A_307 {strides = array<i32>} : memref<5x16x256xf32, #tpu.memory_space<vmem>>, vector<16xf32>,
          %parallel_loop3A_313 = arith.constant 0 : i32
          %parallel_loop3A_314 = arith.index_cast %parallel_loop3A_313 : i32 to index
          %parallel_loop3A_315 = arith.index_cast %parallel_loop3A_259 : i32 to index
          %parallel_loop3A_316 = arith.constant 176 : index
          %parallel_loop3A_317 = tpu.vector_load %arg9[%parallel_loop3A_314, %parallel_loop3A_315, %parallel_loop3A_316] {strides = array<i32>} : memref<5x16x256xf32, #tpu.memory_space<vmem>>, vector<16xf32>,
          tpu.vector_store %arg9[%parallel_loop3A_314, %parallel_loop3A_315, %parallel_loop3A_316], %get3A_91 {strides = array<i32>} : memref<5x16x256xf32, #tpu.memory_space<vmem>>, vector<16xf32>,
          %parallel_loop3A_318 = arith.index_cast %parallel_loop3A_261 : i32 to index
          %parallel_loop3A_319 = arith.constant 64 : index
          %parallel_loop3A_320 = tpu.vector_load %arg7[%parallel_loop3A_318, %parallel_loop3A_319] {strides = array<i32>} : memref<88x128xf32, #tpu.memory_space<vmem>>, vector<16xf32>,
          %parallel_loop3A_321 = arith.subf %parallel_loop3A_320, %get3A_95 : vector<16xf32>
          %parallel_loop3A_322 = arith.constant 0 : i32
          %parallel_loop3A_323 = arith.index_cast %parallel_loop3A_322 : i32 to index
          %parallel_loop3A_324 = arith.index_cast %parallel_loop3A_259 : i32 to index
          %parallel_loop3A_325 = arith.constant 64 : index
          %parallel_loop3A_326 = tpu.vector_load %arg9[%parallel_loop3A_323, %parallel_loop3A_324, %parallel_loop3A_325] {strides = array<i32>} : memref<5x16x256xf32, #tpu.memory_space<vmem>>, vector<16xf32>,
          tpu.vector_store %arg9[%parallel_loop3A_323, %parallel_loop3A_324, %parallel_loop3A_325], %parallel_loop3A_321 {strides = array<i32>} : memref<5x16x256xf32, #tpu.memory_space<vmem>>, vector<16xf32>,
          %parallel_loop3A_327 = arith.constant 0 : i32
          %parallel_loop3A_328 = arith.index_cast %parallel_loop3A_327 : i32 to index
          %parallel_loop3A_329 = arith.index_cast %parallel_loop3A_259 : i32 to index
          %parallel_loop3A_330 = arith.constant 192 : index
          %parallel_loop3A_331 = tpu.vector_load %arg9[%parallel_loop3A_328, %parallel_loop3A_329, %parallel_loop3A_330] {strides = array<i32>} : memref<5x16x256xf32, #tpu.memory_space<vmem>>, vector<16xf32>,
          tpu.vector_store %arg9[%parallel_loop3A_328, %parallel_loop3A_329, %parallel_loop3A_330], %get3A_95 {strides = array<i32>} : memref<5x16x256xf32, #tpu.memory_space<vmem>>, vector<16xf32>,
          %parallel_loop3A_332 = arith.index_cast %parallel_loop3A_261 : i32 to index
          %parallel_loop3A_333 = arith.constant 80 : index
          %parallel_loop3A_334 = tpu.vector_load %arg7[%parallel_loop3A_332, %parallel_loop3A_333] {strides = array<i32>} : memref<88x128xf32, #tpu.memory_space<vmem>>, vector<16xf32>,
          %parallel_loop3A_335 = arith.subf %parallel_loop3A_334, %get3A_99 : vector<16xf32>
          %parallel_loop3A_336 = arith.constant 0 : i32
          %parallel_loop3A_337 = arith.index_cast %parallel_loop3A_336 : i32 to index
          %parallel_loop3A_338 = arith.index_cast %parallel_loop3A_259 : i32 to index
          %parallel_loop3A_339 = arith.constant 80 : index
          %parallel_loop3A_340 = tpu.vector_load %arg9[%parallel_loop3A_337, %parallel_loop3A_338, %parallel_loop3A_339] {strides = array<i32>} : memref<5x16x256xf32, #tpu.memory_space<vmem>>, vector<16xf32>,
          tpu.vector_store %arg9[%parallel_loop3A_337, %parallel_loop3A_338, %parallel_loop3A_339], %parallel_loop3A_335 {strides = array<i32>} : memref<5x16x256xf32, #tpu.memory_space<vmem>>, vector<16xf32>,
          %parallel_loop3A_341 = arith.constant 0 : i32
          %parallel_loop3A_342 = arith.index_cast %parallel_loop3A_341 : i32 to index
          %parallel_loop3A_343 = arith.index_cast %parallel_loop3A_259 : i32 to index
          %parallel_loop3A_344 = arith.constant 208 : index
          %parallel_loop3A_345 = tpu.vector_load %arg9[%parallel_loop3A_342, %parallel_loop3A_343, %parallel_loop3A_344] {strides = array<i32>} : memref<5x16x256xf32, #tpu.memory_space<vmem>>, vector<16xf32>,
          tpu.vector_store %arg9[%parallel_loop3A_342, %parallel_loop3A_343, %parallel_loop3A_344], %get3A_99 {strides = array<i32>} : memref<5x16x256xf32, #tpu.memory_space<vmem>>, vector<16xf32>,
          %parallel_loop3A_346 = arith.index_cast %parallel_loop3A_261 : i32 to index
          %parallel_loop3A_347 = arith.constant 96 : index
          %parallel_loop3A_348 = tpu.vector_load %arg7[%parallel_loop3A_346, %parallel_loop3A_347] {strides = array<i32>} : memref<88x128xf32, #tpu.memory_space<vmem>>, vector<16xf32>,
          %parallel_loop3A_349 = arith.subf %parallel_loop3A_348, %get3A_103 : vector<16xf32>
          %parallel_loop3A_350 = arith.constant 0 : i32
          %parallel_loop3A_351 = arith.index_cast %parallel_loop3A_350 : i32 to index
          %parallel_loop3A_352 = arith.index_cast %parallel_loop3A_259 : i32 to index
          %parallel_loop3A_353 = arith.constant 96 : index
          %parallel_loop3A_354 = tpu.vector_load %arg9[%parallel_loop3A_351, %parallel_loop3A_352, %parallel_loop3A_353] {strides = array<i32>} : memref<5x16x256xf32, #tpu.memory_space<vmem>>, vector<16xf32>,
          tpu.vector_store %arg9[%parallel_loop3A_351, %parallel_loop3A_352, %parallel_loop3A_353], %parallel_loop3A_349 {strides = array<i32>} : memref<5x16x256xf32, #tpu.memory_space<vmem>>, vector<16xf32>,
          %parallel_loop3A_355 = arith.constant 0 : i32
          %parallel_loop3A_356 = arith.index_cast %parallel_loop3A_355 : i32 to index
          %parallel_loop3A_357 = arith.index_cast %parallel_loop3A_259 : i32 to index
          %parallel_loop3A_358 = arith.constant 224 : index
          %parallel_loop3A_359 = tpu.vector_load %arg9[%parallel_loop3A_356, %parallel_loop3A_357, %parallel_loop3A_358] {strides = array<i32>} : memref<5x16x256xf32, #tpu.memory_space<vmem>>, vector<16xf32>,
          tpu.vector_store %arg9[%parallel_loop3A_356, %parallel_loop3A_357, %parallel_loop3A_358], %get3A_103 {strides = array<i32>} : memref<5x16x256xf32, #tpu.memory_space<vmem>>, vector<16xf32>,
          %parallel_loop3A_360 = arith.index_cast %parallel_loop3A_261 : i32 to index
          %parallel_loop3A_361 = arith.constant 112 : index
          %parallel_loop3A_362 = tpu.vector_load %arg7[%parallel_loop3A_360, %parallel_loop3A_361] {strides = array<i32>} : memref<88x128xf32, #tpu.memory_space<vmem>>, vector<16xf32>,
          %parallel_loop3A_363 = arith.subf %parallel_loop3A_362, %get3A_107 : vector<16xf32>
          %parallel_loop3A_364 = arith.constant 0 : i32
          %parallel_loop3A_365 = arith.index_cast %parallel_loop3A_364 : i32 to index
          %parallel_loop3A_366 = arith.index_cast %parallel_loop3A_259 : i32 to index
          %parallel_loop3A_367 = arith.constant 112 : index
          %parallel_loop3A_368 = tpu.vector_load %arg9[%parallel_loop3A_365, %parallel_loop3A_366, %parallel_loop3A_367] {strides = array<i32>} : memref<5x16x256xf32, #tpu.memory_space<vmem>>, vector<16xf32>,
          tpu.vector_store %arg9[%parallel_loop3A_365, %parallel_loop3A_366, %parallel_loop3A_367], %parallel_loop3A_363 {strides = array<i32>} : memref<5x16x256xf32, #tpu.memory_space<vmem>>, vector<16xf32>,
          %parallel_loop3A_369 = arith.constant 0 : i32
          %parallel_loop3A_370 = arith.index_cast %parallel_loop3A_369 : i32 to index
          %parallel_loop3A_371 = arith.index_cast %parallel_loop3A_259 : i32 to index
          %parallel_loop3A_372 = arith.constant 240 : index
          %parallel_loop3A_373 = tpu.vector_load %arg9[%parallel_loop3A_370, %parallel_loop3A_371, %parallel_loop3A_372] {strides = array<i32>} : memref<5x16x256xf32, #tpu.memory_space<vmem>>, vector<16xf32>,
          tpu.vector_store %arg9[%parallel_loop3A_370, %parallel_loop3A_371, %parallel_loop3A_372], %get3A_107 {strides = array<i32>} : memref<5x16x256xf32, #tpu.memory_space<vmem>>, vector<16xf32>,
        } {sc.loop_unroll_factor = 8 : i64, sc.parallel_access}
        %get3A_110 = arith.constant 81 : i32
        %get3A_111 = arith.index_cast %get3A_110 : i32 to index
        %get3A_112 = arith.constant 0 : index
        %get3A_113 = tpu.vector_load %arg7[%get3A_111, %get3A_112] {strides = array<i32>} : memref<88x128xf32, #tpu.memory_space<vmem>>, vector<16xf32>,
        %get3A_114 = arith.constant 81 : i32
        %get3A_115 = arith.index_cast %get3A_114 : i32 to index
        %get3A_116 = arith.constant 16 : index
        %get3A_117 = tpu.vector_load %arg7[%get3A_115, %get3A_116] {strides = array<i32>} : memref<88x128xf32, #tpu.memory_space<vmem>>, vector<16xf32>,
        %get3A_118 = arith.constant 81 : i32
        %get3A_119 = arith.index_cast %get3A_118 : i32 to index
        %get3A_120 = arith.constant 32 : index
        %get3A_121 = tpu.vector_load %arg7[%get3A_119, %get3A_120] {strides = array<i32>} : memref<88x128xf32, #tpu.memory_space<vmem>>, vector<16xf32>,
        %get3A_122 = arith.constant 81 : i32
        %get3A_123 = arith.index_cast %get3A_122 : i32 to index
        %get3A_124 = arith.constant 48 : index
        %get3A_125 = tpu.vector_load %arg7[%get3A_123, %get3A_124] {strides = array<i32>} : memref<88x128xf32, #tpu.memory_space<vmem>>, vector<16xf32>,
        %get3A_126 = arith.constant 81 : i32
        %get3A_127 = arith.index_cast %get3A_126 : i32 to index
        %get3A_128 = arith.constant 64 : index
        %get3A_129 = tpu.vector_load %arg7[%get3A_127, %get3A_128] {strides = array<i32>} : memref<88x128xf32, #tpu.memory_space<vmem>>, vector<16xf32>,
        %get3A_130 = arith.constant 81 : i32
        %get3A_131 = arith.index_cast %get3A_130 : i32 to index
        %get3A_132 = arith.constant 80 : index
        %get3A_133 = tpu.vector_load %arg7[%get3A_131, %get3A_132] {strides = array<i32>} : memref<88x128xf32, #tpu.memory_space<vmem>>, vector<16xf32>,
        %get3A_134 = arith.constant 81 : i32
        %get3A_135 = arith.index_cast %get3A_134 : i32 to index
        %get3A_136 = arith.constant 96 : index
        %get3A_137 = tpu.vector_load %arg7[%get3A_135, %get3A_136] {strides = array<i32>} : memref<88x128xf32, #tpu.memory_space<vmem>>, vector<16xf32>,
        %get3A_138 = arith.constant 81 : i32
        %get3A_139 = arith.index_cast %get3A_138 : i32 to index
        %get3A_140 = arith.constant 112 : index
        %get3A_141 = tpu.vector_load %arg7[%get3A_139, %get3A_140] {strides = array<i32>} : memref<88x128xf32, #tpu.memory_space<vmem>>, vector<16xf32>,
        %parallel_loop3A_142 = arith.constant 0 : i32
        %parallel_loop3A_143 = arith.constant 16 : i32
        %parallel_loop3A_144 = arith.constant 1 : i32
        scf.for %parallel_loop3A_259 = %parallel_loop3A_142 to %parallel_loop3A_143 step %parallel_loop3A_144  : i32 {
          %parallel_loop3A_260 = arith.constant 16 : i32
          %parallel_loop3A_261 = arith.addi %parallel_loop3A_260, %parallel_loop3A_259 : i32
          %parallel_loop3A_262 = arith.index_cast %parallel_loop3A_261 : i32 to index
          %parallel_loop3A_263 = arith.constant 0 : index
          %parallel_loop3A_264 = tpu.vector_load %arg7[%parallel_loop3A_262, %parallel_loop3A_263] {strides = array<i32>} : memref<88x128xf32, #tpu.memory_space<vmem>>, vector<16xf32>,
          %parallel_loop3A_265 = arith.subf %parallel_loop3A_264, %get3A_113 : vector<16xf32>
          %parallel_loop3A_266 = arith.constant 1 : i32
          %parallel_loop3A_267 = arith.index_cast %parallel_loop3A_266 : i32 to index
          %parallel_loop3A_268 = arith.index_cast %parallel_loop3A_259 : i32 to index
          %parallel_loop3A_269 = arith.constant 0 : index
          %parallel_loop3A_270 = tpu.vector_load %arg9[%parallel_loop3A_267, %parallel_loop3A_268, %parallel_loop3A_269] {strides = array<i32>} : memref<5x16x256xf32, #tpu.memory_space<vmem>>, vector<16xf32>,
          tpu.vector_store %arg9[%parallel_loop3A_267, %parallel_loop3A_268, %parallel_loop3A_269], %parallel_loop3A_265 {strides = array<i32>} : memref<5x16x256xf32, #tpu.memory_space<vmem>>, vector<16xf32>,
          %parallel_loop3A_271 = arith.constant 1 : i32
          %parallel_loop3A_272 = arith.index_cast %parallel_loop3A_271 : i32 to index
          %parallel_loop3A_273 = arith.index_cast %parallel_loop3A_259 : i32 to index
          %parallel_loop3A_274 = arith.constant 128 : index
          %parallel_loop3A_275 = tpu.vector_load %arg9[%parallel_loop3A_272, %parallel_loop3A_273, %parallel_loop3A_274] {strides = array<i32>} : memref<5x16x256xf32, #tpu.memory_space<vmem>>, vector<16xf32>,
          tpu.vector_store %arg9[%parallel_loop3A_272, %parallel_loop3A_273, %parallel_loop3A_274], %get3A_113 {strides = array<i32>} : memref<5x16x256xf32, #tpu.memory_space<vmem>>, vector<16xf32>,
          %parallel_loop3A_276 = arith.index_cast %parallel_loop3A_261 : i32 to index
          %parallel_loop3A_277 = arith.constant 16 : index
          %parallel_loop3A_278 = tpu.vector_load %arg7[%parallel_loop3A_276, %parallel_loop3A_277] {strides = array<i32>} : memref<88x128xf32, #tpu.memory_space<vmem>>, vector<16xf32>,
          %parallel_loop3A_279 = arith.subf %parallel_loop3A_278, %get3A_117 : vector<16xf32>
          %parallel_loop3A_280 = arith.constant 1 : i32
          %parallel_loop3A_281 = arith.index_cast %parallel_loop3A_280 : i32 to index
          %parallel_loop3A_282 = arith.index_cast %parallel_loop3A_259 : i32 to index
          %parallel_loop3A_283 = arith.constant 16 : index
          %parallel_loop3A_284 = tpu.vector_load %arg9[%parallel_loop3A_281, %parallel_loop3A_282, %parallel_loop3A_283] {strides = array<i32>} : memref<5x16x256xf32, #tpu.memory_space<vmem>>, vector<16xf32>,
          tpu.vector_store %arg9[%parallel_loop3A_281, %parallel_loop3A_282, %parallel_loop3A_283], %parallel_loop3A_279 {strides = array<i32>} : memref<5x16x256xf32, #tpu.memory_space<vmem>>, vector<16xf32>,
          %parallel_loop3A_285 = arith.constant 1 : i32
          %parallel_loop3A_286 = arith.index_cast %parallel_loop3A_285 : i32 to index
          %parallel_loop3A_287 = arith.index_cast %parallel_loop3A_259 : i32 to index
          %parallel_loop3A_288 = arith.constant 144 : index
          %parallel_loop3A_289 = tpu.vector_load %arg9[%parallel_loop3A_286, %parallel_loop3A_287, %parallel_loop3A_288] {strides = array<i32>} : memref<5x16x256xf32, #tpu.memory_space<vmem>>, vector<16xf32>,
          tpu.vector_store %arg9[%parallel_loop3A_286, %parallel_loop3A_287, %parallel_loop3A_288], %get3A_117 {strides = array<i32>} : memref<5x16x256xf32, #tpu.memory_space<vmem>>, vector<16xf32>,
          %parallel_loop3A_290 = arith.index_cast %parallel_loop3A_261 : i32 to index
          %parallel_loop3A_291 = arith.constant 32 : index
          %parallel_loop3A_292 = tpu.vector_load %arg7[%parallel_loop3A_290, %parallel_loop3A_291] {strides = array<i32>} : memref<88x128xf32, #tpu.memory_space<vmem>>, vector<16xf32>,
          %parallel_loop3A_293 = arith.subf %parallel_loop3A_292, %get3A_121 : vector<16xf32>
          %parallel_loop3A_294 = arith.constant 1 : i32
          %parallel_loop3A_295 = arith.index_cast %parallel_loop3A_294 : i32 to index
          %parallel_loop3A_296 = arith.index_cast %parallel_loop3A_259 : i32 to index
          %parallel_loop3A_297 = arith.constant 32 : index
          %parallel_loop3A_298 = tpu.vector_load %arg9[%parallel_loop3A_295, %parallel_loop3A_296, %parallel_loop3A_297] {strides = array<i32>} : memref<5x16x256xf32, #tpu.memory_space<vmem>>, vector<16xf32>,
          tpu.vector_store %arg9[%parallel_loop3A_295, %parallel_loop3A_296, %parallel_loop3A_297], %parallel_loop3A_293 {strides = array<i32>} : memref<5x16x256xf32, #tpu.memory_space<vmem>>, vector<16xf32>,
          %parallel_loop3A_299 = arith.constant 1 : i32
          %parallel_loop3A_300 = arith.index_cast %parallel_loop3A_299 : i32 to index
          %parallel_loop3A_301 = arith.index_cast %parallel_loop3A_259 : i32 to index
          %parallel_loop3A_302 = arith.constant 160 : index
          %parallel_loop3A_303 = tpu.vector_load %arg9[%parallel_loop3A_300, %parallel_loop3A_301, %parallel_loop3A_302] {strides = array<i32>} : memref<5x16x256xf32, #tpu.memory_space<vmem>>, vector<16xf32>,
          tpu.vector_store %arg9[%parallel_loop3A_300, %parallel_loop3A_301, %parallel_loop3A_302], %get3A_121 {strides = array<i32>} : memref<5x16x256xf32, #tpu.memory_space<vmem>>, vector<16xf32>,
          %parallel_loop3A_304 = arith.index_cast %parallel_loop3A_261 : i32 to index
          %parallel_loop3A_305 = arith.constant 48 : index
          %parallel_loop3A_306 = tpu.vector_load %arg7[%parallel_loop3A_304, %parallel_loop3A_305] {strides = array<i32>} : memref<88x128xf32, #tpu.memory_space<vmem>>, vector<16xf32>,
          %parallel_loop3A_307 = arith.subf %parallel_loop3A_306, %get3A_125 : vector<16xf32>
          %parallel_loop3A_308 = arith.constant 1 : i32
          %parallel_loop3A_309 = arith.index_cast %parallel_loop3A_308 : i32 to index
          %parallel_loop3A_310 = arith.index_cast %parallel_loop3A_259 : i32 to index
          %parallel_loop3A_311 = arith.constant 48 : index
          %parallel_loop3A_312 = tpu.vector_load %arg9[%parallel_loop3A_309, %parallel_loop3A_310, %parallel_loop3A_311] {strides = array<i32>} : memref<5x16x256xf32, #tpu.memory_space<vmem>>, vector<16xf32>,
          tpu.vector_store %arg9[%parallel_loop3A_309, %parallel_loop3A_310, %parallel_loop3A_311], %parallel_loop3A_307 {strides = array<i32>} : memref<5x16x256xf32, #tpu.memory_space<vmem>>, vector<16xf32>,
          %parallel_loop3A_313 = arith.constant 1 : i32
          %parallel_loop3A_314 = arith.index_cast %parallel_loop3A_313 : i32 to index
          %parallel_loop3A_315 = arith.index_cast %parallel_loop3A_259 : i32 to index
          %parallel_loop3A_316 = arith.constant 176 : index
          %parallel_loop3A_317 = tpu.vector_load %arg9[%parallel_loop3A_314, %parallel_loop3A_315, %parallel_loop3A_316] {strides = array<i32>} : memref<5x16x256xf32, #tpu.memory_space<vmem>>, vector<16xf32>,
          tpu.vector_store %arg9[%parallel_loop3A_314, %parallel_loop3A_315, %parallel_loop3A_316], %get3A_125 {strides = array<i32>} : memref<5x16x256xf32, #tpu.memory_space<vmem>>, vector<16xf32>,
          %parallel_loop3A_318 = arith.index_cast %parallel_loop3A_261 : i32 to index
          %parallel_loop3A_319 = arith.constant 64 : index
          %parallel_loop3A_320 = tpu.vector_load %arg7[%parallel_loop3A_318, %parallel_loop3A_319] {strides = array<i32>} : memref<88x128xf32, #tpu.memory_space<vmem>>, vector<16xf32>,
          %parallel_loop3A_321 = arith.subf %parallel_loop3A_320, %get3A_129 : vector<16xf32>
          %parallel_loop3A_322 = arith.constant 1 : i32
          %parallel_loop3A_323 = arith.index_cast %parallel_loop3A_322 : i32 to index
          %parallel_loop3A_324 = arith.index_cast %parallel_loop3A_259 : i32 to index
          %parallel_loop3A_325 = arith.constant 64 : index
          %parallel_loop3A_326 = tpu.vector_load %arg9[%parallel_loop3A_323, %parallel_loop3A_324, %parallel_loop3A_325] {strides = array<i32>} : memref<5x16x256xf32, #tpu.memory_space<vmem>>, vector<16xf32>,
          tpu.vector_store %arg9[%parallel_loop3A_323, %parallel_loop3A_324, %parallel_loop3A_325], %parallel_loop3A_321 {strides = array<i32>} : memref<5x16x256xf32, #tpu.memory_space<vmem>>, vector<16xf32>,
          %parallel_loop3A_327 = arith.constant 1 : i32
          %parallel_loop3A_328 = arith.index_cast %parallel_loop3A_327 : i32 to index
          %parallel_loop3A_329 = arith.index_cast %parallel_loop3A_259 : i32 to index
          %parallel_loop3A_330 = arith.constant 192 : index
          %parallel_loop3A_331 = tpu.vector_load %arg9[%parallel_loop3A_328, %parallel_loop3A_329, %parallel_loop3A_330] {strides = array<i32>} : memref<5x16x256xf32, #tpu.memory_space<vmem>>, vector<16xf32>,
          tpu.vector_store %arg9[%parallel_loop3A_328, %parallel_loop3A_329, %parallel_loop3A_330], %get3A_129 {strides = array<i32>} : memref<5x16x256xf32, #tpu.memory_space<vmem>>, vector<16xf32>,
          %parallel_loop3A_332 = arith.index_cast %parallel_loop3A_261 : i32 to index
          %parallel_loop3A_333 = arith.constant 80 : index
          %parallel_loop3A_334 = tpu.vector_load %arg7[%parallel_loop3A_332, %parallel_loop3A_333] {strides = array<i32>} : memref<88x128xf32, #tpu.memory_space<vmem>>, vector<16xf32>,
          %parallel_loop3A_335 = arith.subf %parallel_loop3A_334, %get3A_133 : vector<16xf32>
          %parallel_loop3A_336 = arith.constant 1 : i32
          %parallel_loop3A_337 = arith.index_cast %parallel_loop3A_336 : i32 to index
          %parallel_loop3A_338 = arith.index_cast %parallel_loop3A_259 : i32 to index
          %parallel_loop3A_339 = arith.constant 80 : index
          %parallel_loop3A_340 = tpu.vector_load %arg9[%parallel_loop3A_337, %parallel_loop3A_338, %parallel_loop3A_339] {strides = array<i32>} : memref<5x16x256xf32, #tpu.memory_space<vmem>>, vector<16xf32>,
          tpu.vector_store %arg9[%parallel_loop3A_337, %parallel_loop3A_338, %parallel_loop3A_339], %parallel_loop3A_335 {strides = array<i32>} : memref<5x16x256xf32, #tpu.memory_space<vmem>>, vector<16xf32>,
          %parallel_loop3A_341 = arith.constant 1 : i32
          %parallel_loop3A_342 = arith.index_cast %parallel_loop3A_341 : i32 to index
          %parallel_loop3A_343 = arith.index_cast %parallel_loop3A_259 : i32 to index
          %parallel_loop3A_344 = arith.constant 208 : index
          %parallel_loop3A_345 = tpu.vector_load %arg9[%parallel_loop3A_342, %parallel_loop3A_343, %parallel_loop3A_344] {strides = array<i32>} : memref<5x16x256xf32, #tpu.memory_space<vmem>>, vector<16xf32>,
          tpu.vector_store %arg9[%parallel_loop3A_342, %parallel_loop3A_343, %parallel_loop3A_344], %get3A_133 {strides = array<i32>} : memref<5x16x256xf32, #tpu.memory_space<vmem>>, vector<16xf32>,
          %parallel_loop3A_346 = arith.index_cast %parallel_loop3A_261 : i32 to index
          %parallel_loop3A_347 = arith.constant 96 : index
          %parallel_loop3A_348 = tpu.vector_load %arg7[%parallel_loop3A_346, %parallel_loop3A_347] {strides = array<i32>} : memref<88x128xf32, #tpu.memory_space<vmem>>, vector<16xf32>,
          %parallel_loop3A_349 = arith.subf %parallel_loop3A_348, %get3A_137 : vector<16xf32>
          %parallel_loop3A_350 = arith.constant 1 : i32
          %parallel_loop3A_351 = arith.index_cast %parallel_loop3A_350 : i32 to index
          %parallel_loop3A_352 = arith.index_cast %parallel_loop3A_259 : i32 to index
          %parallel_loop3A_353 = arith.constant 96 : index
          %parallel_loop3A_354 = tpu.vector_load %arg9[%parallel_loop3A_351, %parallel_loop3A_352, %parallel_loop3A_353] {strides = array<i32>} : memref<5x16x256xf32, #tpu.memory_space<vmem>>, vector<16xf32>,
          tpu.vector_store %arg9[%parallel_loop3A_351, %parallel_loop3A_352, %parallel_loop3A_353], %parallel_loop3A_349 {strides = array<i32>} : memref<5x16x256xf32, #tpu.memory_space<vmem>>, vector<16xf32>,
          %parallel_loop3A_355 = arith.constant 1 : i32
          %parallel_loop3A_356 = arith.index_cast %parallel_loop3A_355 : i32 to index
          %parallel_loop3A_357 = arith.index_cast %parallel_loop3A_259 : i32 to index
          %parallel_loop3A_358 = arith.constant 224 : index
          %parallel_loop3A_359 = tpu.vector_load %arg9[%parallel_loop3A_356, %parallel_loop3A_357, %parallel_loop3A_358] {strides = array<i32>} : memref<5x16x256xf32, #tpu.memory_space<vmem>>, vector<16xf32>,
          tpu.vector_store %arg9[%parallel_loop3A_356, %parallel_loop3A_357, %parallel_loop3A_358], %get3A_137 {strides = array<i32>} : memref<5x16x256xf32, #tpu.memory_space<vmem>>, vector<16xf32>,
          %parallel_loop3A_360 = arith.index_cast %parallel_loop3A_261 : i32 to index
          %parallel_loop3A_361 = arith.constant 112 : index
          %parallel_loop3A_362 = tpu.vector_load %arg7[%parallel_loop3A_360, %parallel_loop3A_361] {strides = array<i32>} : memref<88x128xf32, #tpu.memory_space<vmem>>, vector<16xf32>,
          %parallel_loop3A_363 = arith.subf %parallel_loop3A_362, %get3A_141 : vector<16xf32>
          %parallel_loop3A_364 = arith.constant 1 : i32
          %parallel_loop3A_365 = arith.index_cast %parallel_loop3A_364 : i32 to index
          %parallel_loop3A_366 = arith.index_cast %parallel_loop3A_259 : i32 to index
          %parallel_loop3A_367 = arith.constant 112 : index
          %parallel_loop3A_368 = tpu.vector_load %arg9[%parallel_loop3A_365, %parallel_loop3A_366, %parallel_loop3A_367] {strides = array<i32>} : memref<5x16x256xf32, #tpu.memory_space<vmem>>, vector<16xf32>,
          tpu.vector_store %arg9[%parallel_loop3A_365, %parallel_loop3A_366, %parallel_loop3A_367], %parallel_loop3A_363 {strides = array<i32>} : memref<5x16x256xf32, #tpu.memory_space<vmem>>, vector<16xf32>,
          %parallel_loop3A_369 = arith.constant 1 : i32
          %parallel_loop3A_370 = arith.index_cast %parallel_loop3A_369 : i32 to index
          %parallel_loop3A_371 = arith.index_cast %parallel_loop3A_259 : i32 to index
          %parallel_loop3A_372 = arith.constant 240 : index
          %parallel_loop3A_373 = tpu.vector_load %arg9[%parallel_loop3A_370, %parallel_loop3A_371, %parallel_loop3A_372] {strides = array<i32>} : memref<5x16x256xf32, #tpu.memory_space<vmem>>, vector<16xf32>,
          tpu.vector_store %arg9[%parallel_loop3A_370, %parallel_loop3A_371, %parallel_loop3A_372], %get3A_141 {strides = array<i32>} : memref<5x16x256xf32, #tpu.memory_space<vmem>>, vector<16xf32>,
        } {sc.loop_unroll_factor = 8 : i64, sc.parallel_access}
        %get3A_145 = arith.constant 82 : i32
        %get3A_146 = arith.index_cast %get3A_145 : i32 to index
        %get3A_147 = arith.constant 0 : index
        %get3A_148 = tpu.vector_load %arg7[%get3A_146, %get3A_147] {strides = array<i32>} : memref<88x128xf32, #tpu.memory_space<vmem>>, vector<16xf32>,
        %get3A_149 = arith.constant 82 : i32
        %get3A_150 = arith.index_cast %get3A_149 : i32 to index
        %get3A_151 = arith.constant 16 : index
        %get3A_152 = tpu.vector_load %arg7[%get3A_150, %get3A_151] {strides = array<i32>} : memref<88x128xf32, #tpu.memory_space<vmem>>, vector<16xf32>,
        %get3A_153 = arith.constant 82 : i32
        %get3A_154 = arith.index_cast %get3A_153 : i32 to index
        %get3A_155 = arith.constant 32 : index
        %get3A_156 = tpu.vector_load %arg7[%get3A_154, %get3A_155] {strides = array<i32>} : memref<88x128xf32, #tpu.memory_space<vmem>>, vector<16xf32>,
        %get3A_157 = arith.constant 82 : i32
        %get3A_158 = arith.index_cast %get3A_157 : i32 to index
        %get3A_159 = arith.constant 48 : index
        %get3A_160 = tpu.vector_load %arg7[%get3A_158, %get3A_159] {strides = array<i32>} : memref<88x128xf32, #tpu.memory_space<vmem>>, vector<16xf32>,
        %get3A_161 = arith.constant 82 : i32
        %get3A_162 = arith.index_cast %get3A_161 : i32 to index
        %get3A_163 = arith.constant 64 : index
        %get3A_164 = tpu.vector_load %arg7[%get3A_162, %get3A_163] {strides = array<i32>} : memref<88x128xf32, #tpu.memory_space<vmem>>, vector<16xf32>,
        %get3A_165 = arith.constant 82 : i32
        %get3A_166 = arith.index_cast %get3A_165 : i32 to index
        %get3A_167 = arith.constant 80 : index
        %get3A_168 = tpu.vector_load %arg7[%get3A_166, %get3A_167] {strides = array<i32>} : memref<88x128xf32, #tpu.memory_space<vmem>>, vector<16xf32>,
        %get3A_169 = arith.constant 82 : i32
        %get3A_170 = arith.index_cast %get3A_169 : i32 to index
        %get3A_171 = arith.constant 96 : index
        %get3A_172 = tpu.vector_load %arg7[%get3A_170, %get3A_171] {strides = array<i32>} : memref<88x128xf32, #tpu.memory_space<vmem>>, vector<16xf32>,
        %get3A_173 = arith.constant 82 : i32
        %get3A_174 = arith.index_cast %get3A_173 : i32 to index
        %get3A_175 = arith.constant 112 : index
        %get3A_176 = tpu.vector_load %arg7[%get3A_174, %get3A_175] {strides = array<i32>} : memref<88x128xf32, #tpu.memory_space<vmem>>, vector<16xf32>,
        %parallel_loop3A_177 = arith.constant 0 : i32
        %parallel_loop3A_178 = arith.constant 16 : i32
        %parallel_loop3A_179 = arith.constant 1 : i32
        scf.for %parallel_loop3A_259 = %parallel_loop3A_177 to %parallel_loop3A_178 step %parallel_loop3A_179  : i32 {
          %parallel_loop3A_260 = arith.constant 32 : i32
          %parallel_loop3A_261 = arith.addi %parallel_loop3A_260, %parallel_loop3A_259 : i32
          %parallel_loop3A_262 = arith.index_cast %parallel_loop3A_261 : i32 to index
          %parallel_loop3A_263 = arith.constant 0 : index
          %parallel_loop3A_264 = tpu.vector_load %arg7[%parallel_loop3A_262, %parallel_loop3A_263] {strides = array<i32>} : memref<88x128xf32, #tpu.memory_space<vmem>>, vector<16xf32>,
          %parallel_loop3A_265 = arith.subf %parallel_loop3A_264, %get3A_148 : vector<16xf32>
          %parallel_loop3A_266 = arith.constant 2 : i32
          %parallel_loop3A_267 = arith.index_cast %parallel_loop3A_266 : i32 to index
          %parallel_loop3A_268 = arith.index_cast %parallel_loop3A_259 : i32 to index
          %parallel_loop3A_269 = arith.constant 0 : index
          %parallel_loop3A_270 = tpu.vector_load %arg9[%parallel_loop3A_267, %parallel_loop3A_268, %parallel_loop3A_269] {strides = array<i32>} : memref<5x16x256xf32, #tpu.memory_space<vmem>>, vector<16xf32>,
          tpu.vector_store %arg9[%parallel_loop3A_267, %parallel_loop3A_268, %parallel_loop3A_269], %parallel_loop3A_265 {strides = array<i32>} : memref<5x16x256xf32, #tpu.memory_space<vmem>>, vector<16xf32>,
          %parallel_loop3A_271 = arith.constant 2 : i32
          %parallel_loop3A_272 = arith.index_cast %parallel_loop3A_271 : i32 to index
          %parallel_loop3A_273 = arith.index_cast %parallel_loop3A_259 : i32 to index
          %parallel_loop3A_274 = arith.constant 128 : index
          %parallel_loop3A_275 = tpu.vector_load %arg9[%parallel_loop3A_272, %parallel_loop3A_273, %parallel_loop3A_274] {strides = array<i32>} : memref<5x16x256xf32, #tpu.memory_space<vmem>>, vector<16xf32>,
          tpu.vector_store %arg9[%parallel_loop3A_272, %parallel_loop3A_273, %parallel_loop3A_274], %get3A_148 {strides = array<i32>} : memref<5x16x256xf32, #tpu.memory_space<vmem>>, vector<16xf32>,
          %parallel_loop3A_276 = arith.index_cast %parallel_loop3A_261 : i32 to index
          %parallel_loop3A_277 = arith.constant 16 : index
          %parallel_loop3A_278 = tpu.vector_load %arg7[%parallel_loop3A_276, %parallel_loop3A_277] {strides = array<i32>} : memref<88x128xf32, #tpu.memory_space<vmem>>, vector<16xf32>,
          %parallel_loop3A_279 = arith.subf %parallel_loop3A_278, %get3A_152 : vector<16xf32>
          %parallel_loop3A_280 = arith.constant 2 : i32
          %parallel_loop3A_281 = arith.index_cast %parallel_loop3A_280 : i32 to index
          %parallel_loop3A_282 = arith.index_cast %parallel_loop3A_259 : i32 to index
          %parallel_loop3A_283 = arith.constant 16 : index
          %parallel_loop3A_284 = tpu.vector_load %arg9[%parallel_loop3A_281, %parallel_loop3A_282, %parallel_loop3A_283] {strides = array<i32>} : memref<5x16x256xf32, #tpu.memory_space<vmem>>, vector<16xf32>,
          tpu.vector_store %arg9[%parallel_loop3A_281, %parallel_loop3A_282, %parallel_loop3A_283], %parallel_loop3A_279 {strides = array<i32>} : memref<5x16x256xf32, #tpu.memory_space<vmem>>, vector<16xf32>,
          %parallel_loop3A_285 = arith.constant 2 : i32
          %parallel_loop3A_286 = arith.index_cast %parallel_loop3A_285 : i32 to index
          %parallel_loop3A_287 = arith.index_cast %parallel_loop3A_259 : i32 to index
          %parallel_loop3A_288 = arith.constant 144 : index
          %parallel_loop3A_289 = tpu.vector_load %arg9[%parallel_loop3A_286, %parallel_loop3A_287, %parallel_loop3A_288] {strides = array<i32>} : memref<5x16x256xf32, #tpu.memory_space<vmem>>, vector<16xf32>,
          tpu.vector_store %arg9[%parallel_loop3A_286, %parallel_loop3A_287, %parallel_loop3A_288], %get3A_152 {strides = array<i32>} : memref<5x16x256xf32, #tpu.memory_space<vmem>>, vector<16xf32>,
          %parallel_loop3A_290 = arith.index_cast %parallel_loop3A_261 : i32 to index
          %parallel_loop3A_291 = arith.constant 32 : index
          %parallel_loop3A_292 = tpu.vector_load %arg7[%parallel_loop3A_290, %parallel_loop3A_291] {strides = array<i32>} : memref<88x128xf32, #tpu.memory_space<vmem>>, vector<16xf32>,
          %parallel_loop3A_293 = arith.subf %parallel_loop3A_292, %get3A_156 : vector<16xf32>
          %parallel_loop3A_294 = arith.constant 2 : i32
          %parallel_loop3A_295 = arith.index_cast %parallel_loop3A_294 : i32 to index
          %parallel_loop3A_296 = arith.index_cast %parallel_loop3A_259 : i32 to index
          %parallel_loop3A_297 = arith.constant 32 : index
          %parallel_loop3A_298 = tpu.vector_load %arg9[%parallel_loop3A_295, %parallel_loop3A_296, %parallel_loop3A_297] {strides = array<i32>} : memref<5x16x256xf32, #tpu.memory_space<vmem>>, vector<16xf32>,
          tpu.vector_store %arg9[%parallel_loop3A_295, %parallel_loop3A_296, %parallel_loop3A_297], %parallel_loop3A_293 {strides = array<i32>} : memref<5x16x256xf32, #tpu.memory_space<vmem>>, vector<16xf32>,
          %parallel_loop3A_299 = arith.constant 2 : i32
          %parallel_loop3A_300 = arith.index_cast %parallel_loop3A_299 : i32 to index
          %parallel_loop3A_301 = arith.index_cast %parallel_loop3A_259 : i32 to index
          %parallel_loop3A_302 = arith.constant 160 : index
          %parallel_loop3A_303 = tpu.vector_load %arg9[%parallel_loop3A_300, %parallel_loop3A_301, %parallel_loop3A_302] {strides = array<i32>} : memref<5x16x256xf32, #tpu.memory_space<vmem>>, vector<16xf32>,
          tpu.vector_store %arg9[%parallel_loop3A_300, %parallel_loop3A_301, %parallel_loop3A_302], %get3A_156 {strides = array<i32>} : memref<5x16x256xf32, #tpu.memory_space<vmem>>, vector<16xf32>,
          %parallel_loop3A_304 = arith.index_cast %parallel_loop3A_261 : i32 to index
          %parallel_loop3A_305 = arith.constant 48 : index
          %parallel_loop3A_306 = tpu.vector_load %arg7[%parallel_loop3A_304, %parallel_loop3A_305] {strides = array<i32>} : memref<88x128xf32, #tpu.memory_space<vmem>>, vector<16xf32>,
          %parallel_loop3A_307 = arith.subf %parallel_loop3A_306, %get3A_160 : vector<16xf32>
          %parallel_loop3A_308 = arith.constant 2 : i32
          %parallel_loop3A_309 = arith.index_cast %parallel_loop3A_308 : i32 to index
          %parallel_loop3A_310 = arith.index_cast %parallel_loop3A_259 : i32 to index
          %parallel_loop3A_311 = arith.constant 48 : index
          %parallel_loop3A_312 = tpu.vector_load %arg9[%parallel_loop3A_309, %parallel_loop3A_310, %parallel_loop3A_311] {strides = array<i32>} : memref<5x16x256xf32, #tpu.memory_space<vmem>>, vector<16xf32>,
          tpu.vector_store %arg9[%parallel_loop3A_309, %parallel_loop3A_310, %parallel_loop3A_311], %parallel_loop3A_307 {strides = array<i32>} : memref<5x16x256xf32, #tpu.memory_space<vmem>>, vector<16xf32>,
          %parallel_loop3A_313 = arith.constant 2 : i32
          %parallel_loop3A_314 = arith.index_cast %parallel_loop3A_313 : i32 to index
          %parallel_loop3A_315 = arith.index_cast %parallel_loop3A_259 : i32 to index
          %parallel_loop3A_316 = arith.constant 176 : index
          %parallel_loop3A_317 = tpu.vector_load %arg9[%parallel_loop3A_314, %parallel_loop3A_315, %parallel_loop3A_316] {strides = array<i32>} : memref<5x16x256xf32, #tpu.memory_space<vmem>>, vector<16xf32>,
          tpu.vector_store %arg9[%parallel_loop3A_314, %parallel_loop3A_315, %parallel_loop3A_316], %get3A_160 {strides = array<i32>} : memref<5x16x256xf32, #tpu.memory_space<vmem>>, vector<16xf32>,
          %parallel_loop3A_318 = arith.index_cast %parallel_loop3A_261 : i32 to index
          %parallel_loop3A_319 = arith.constant 64 : index
          %parallel_loop3A_320 = tpu.vector_load %arg7[%parallel_loop3A_318, %parallel_loop3A_319] {strides = array<i32>} : memref<88x128xf32, #tpu.memory_space<vmem>>, vector<16xf32>,
          %parallel_loop3A_321 = arith.subf %parallel_loop3A_320, %get3A_164 : vector<16xf32>
          %parallel_loop3A_322 = arith.constant 2 : i32
          %parallel_loop3A_323 = arith.index_cast %parallel_loop3A_322 : i32 to index
          %parallel_loop3A_324 = arith.index_cast %parallel_loop3A_259 : i32 to index
          %parallel_loop3A_325 = arith.constant 64 : index
          %parallel_loop3A_326 = tpu.vector_load %arg9[%parallel_loop3A_323, %parallel_loop3A_324, %parallel_loop3A_325] {strides = array<i32>} : memref<5x16x256xf32, #tpu.memory_space<vmem>>, vector<16xf32>,
          tpu.vector_store %arg9[%parallel_loop3A_323, %parallel_loop3A_324, %parallel_loop3A_325], %parallel_loop3A_321 {strides = array<i32>} : memref<5x16x256xf32, #tpu.memory_space<vmem>>, vector<16xf32>,
          %parallel_loop3A_327 = arith.constant 2 : i32
          %parallel_loop3A_328 = arith.index_cast %parallel_loop3A_327 : i32 to index
          %parallel_loop3A_329 = arith.index_cast %parallel_loop3A_259 : i32 to index
          %parallel_loop3A_330 = arith.constant 192 : index
          %parallel_loop3A_331 = tpu.vector_load %arg9[%parallel_loop3A_328, %parallel_loop3A_329, %parallel_loop3A_330] {strides = array<i32>} : memref<5x16x256xf32, #tpu.memory_space<vmem>>, vector<16xf32>,
          tpu.vector_store %arg9[%parallel_loop3A_328, %parallel_loop3A_329, %parallel_loop3A_330], %get3A_164 {strides = array<i32>} : memref<5x16x256xf32, #tpu.memory_space<vmem>>, vector<16xf32>,
          %parallel_loop3A_332 = arith.index_cast %parallel_loop3A_261 : i32 to index
          %parallel_loop3A_333 = arith.constant 80 : index
          %parallel_loop3A_334 = tpu.vector_load %arg7[%parallel_loop3A_332, %parallel_loop3A_333] {strides = array<i32>} : memref<88x128xf32, #tpu.memory_space<vmem>>, vector<16xf32>,
          %parallel_loop3A_335 = arith.subf %parallel_loop3A_334, %get3A_168 : vector<16xf32>
          %parallel_loop3A_336 = arith.constant 2 : i32
          %parallel_loop3A_337 = arith.index_cast %parallel_loop3A_336 : i32 to index
          %parallel_loop3A_338 = arith.index_cast %parallel_loop3A_259 : i32 to index
          %parallel_loop3A_339 = arith.constant 80 : index
          %parallel_loop3A_340 = tpu.vector_load %arg9[%parallel_loop3A_337, %parallel_loop3A_338, %parallel_loop3A_339] {strides = array<i32>} : memref<5x16x256xf32, #tpu.memory_space<vmem>>, vector<16xf32>,
          tpu.vector_store %arg9[%parallel_loop3A_337, %parallel_loop3A_338, %parallel_loop3A_339], %parallel_loop3A_335 {strides = array<i32>} : memref<5x16x256xf32, #tpu.memory_space<vmem>>, vector<16xf32>,
          %parallel_loop3A_341 = arith.constant 2 : i32
          %parallel_loop3A_342 = arith.index_cast %parallel_loop3A_341 : i32 to index
          %parallel_loop3A_343 = arith.index_cast %parallel_loop3A_259 : i32 to index
          %parallel_loop3A_344 = arith.constant 208 : index
          %parallel_loop3A_345 = tpu.vector_load %arg9[%parallel_loop3A_342, %parallel_loop3A_343, %parallel_loop3A_344] {strides = array<i32>} : memref<5x16x256xf32, #tpu.memory_space<vmem>>, vector<16xf32>,
          tpu.vector_store %arg9[%parallel_loop3A_342, %parallel_loop3A_343, %parallel_loop3A_344], %get3A_168 {strides = array<i32>} : memref<5x16x256xf32, #tpu.memory_space<vmem>>, vector<16xf32>,
          %parallel_loop3A_346 = arith.index_cast %parallel_loop3A_261 : i32 to index
          %parallel_loop3A_347 = arith.constant 96 : index
          %parallel_loop3A_348 = tpu.vector_load %arg7[%parallel_loop3A_346, %parallel_loop3A_347] {strides = array<i32>} : memref<88x128xf32, #tpu.memory_space<vmem>>, vector<16xf32>,
          %parallel_loop3A_349 = arith.subf %parallel_loop3A_348, %get3A_172 : vector<16xf32>
          %parallel_loop3A_350 = arith.constant 2 : i32
          %parallel_loop3A_351 = arith.index_cast %parallel_loop3A_350 : i32 to index
          %parallel_loop3A_352 = arith.index_cast %parallel_loop3A_259 : i32 to index
          %parallel_loop3A_353 = arith.constant 96 : index
          %parallel_loop3A_354 = tpu.vector_load %arg9[%parallel_loop3A_351, %parallel_loop3A_352, %parallel_loop3A_353] {strides = array<i32>} : memref<5x16x256xf32, #tpu.memory_space<vmem>>, vector<16xf32>,
          tpu.vector_store %arg9[%parallel_loop3A_351, %parallel_loop3A_352, %parallel_loop3A_353], %parallel_loop3A_349 {strides = array<i32>} : memref<5x16x256xf32, #tpu.memory_space<vmem>>, vector<16xf32>,
          %parallel_loop3A_355 = arith.constant 2 : i32
          %parallel_loop3A_356 = arith.index_cast %parallel_loop3A_355 : i32 to index
          %parallel_loop3A_357 = arith.index_cast %parallel_loop3A_259 : i32 to index
          %parallel_loop3A_358 = arith.constant 224 : index
          %parallel_loop3A_359 = tpu.vector_load %arg9[%parallel_loop3A_356, %parallel_loop3A_357, %parallel_loop3A_358] {strides = array<i32>} : memref<5x16x256xf32, #tpu.memory_space<vmem>>, vector<16xf32>,
          tpu.vector_store %arg9[%parallel_loop3A_356, %parallel_loop3A_357, %parallel_loop3A_358], %get3A_172 {strides = array<i32>} : memref<5x16x256xf32, #tpu.memory_space<vmem>>, vector<16xf32>,
          %parallel_loop3A_360 = arith.index_cast %parallel_loop3A_261 : i32 to index
          %parallel_loop3A_361 = arith.constant 112 : index
          %parallel_loop3A_362 = tpu.vector_load %arg7[%parallel_loop3A_360, %parallel_loop3A_361] {strides = array<i32>} : memref<88x128xf32, #tpu.memory_space<vmem>>, vector<16xf32>,
          %parallel_loop3A_363 = arith.subf %parallel_loop3A_362, %get3A_176 : vector<16xf32>
          %parallel_loop3A_364 = arith.constant 2 : i32
          %parallel_loop3A_365 = arith.index_cast %parallel_loop3A_364 : i32 to index
          %parallel_loop3A_366 = arith.index_cast %parallel_loop3A_259 : i32 to index
          %parallel_loop3A_367 = arith.constant 112 : index
          %parallel_loop3A_368 = tpu.vector_load %arg9[%parallel_loop3A_365, %parallel_loop3A_366, %parallel_loop3A_367] {strides = array<i32>} : memref<5x16x256xf32, #tpu.memory_space<vmem>>, vector<16xf32>,
          tpu.vector_store %arg9[%parallel_loop3A_365, %parallel_loop3A_366, %parallel_loop3A_367], %parallel_loop3A_363 {strides = array<i32>} : memref<5x16x256xf32, #tpu.memory_space<vmem>>, vector<16xf32>,
          %parallel_loop3A_369 = arith.constant 2 : i32
          %parallel_loop3A_370 = arith.index_cast %parallel_loop3A_369 : i32 to index
          %parallel_loop3A_371 = arith.index_cast %parallel_loop3A_259 : i32 to index
          %parallel_loop3A_372 = arith.constant 240 : index
          %parallel_loop3A_373 = tpu.vector_load %arg9[%parallel_loop3A_370, %parallel_loop3A_371, %parallel_loop3A_372] {strides = array<i32>} : memref<5x16x256xf32, #tpu.memory_space<vmem>>, vector<16xf32>,
          tpu.vector_store %arg9[%parallel_loop3A_370, %parallel_loop3A_371, %parallel_loop3A_372], %get3A_176 {strides = array<i32>} : memref<5x16x256xf32, #tpu.memory_space<vmem>>, vector<16xf32>,
        } {sc.loop_unroll_factor = 8 : i64, sc.parallel_access}
        %get3A_180 = arith.constant 83 : i32
        %get3A_181 = arith.index_cast %get3A_180 : i32 to index
        %get3A_182 = arith.constant 0 : index
        %get3A_183 = tpu.vector_load %arg7[%get3A_181, %get3A_182] {strides = array<i32>} : memref<88x128xf32, #tpu.memory_space<vmem>>, vector<16xf32>,
        %get3A_184 = arith.constant 83 : i32
        %get3A_185 = arith.index_cast %get3A_184 : i32 to index
        %get3A_186 = arith.constant 16 : index
        %get3A_187 = tpu.vector_load %arg7[%get3A_185, %get3A_186] {strides = array<i32>} : memref<88x128xf32, #tpu.memory_space<vmem>>, vector<16xf32>,
        %get3A_188 = arith.constant 83 : i32
        %get3A_189 = arith.index_cast %get3A_188 : i32 to index
        %get3A_190 = arith.constant 32 : index
        %get3A_191 = tpu.vector_load %arg7[%get3A_189, %get3A_190] {strides = array<i32>} : memref<88x128xf32, #tpu.memory_space<vmem>>, vector<16xf32>,
        %get3A_192 = arith.constant 83 : i32
        %get3A_193 = arith.index_cast %get3A_192 : i32 to index
        %get3A_194 = arith.constant 48 : index
        %get3A_195 = tpu.vector_load %arg7[%get3A_193, %get3A_194] {strides = array<i32>} : memref<88x128xf32, #tpu.memory_space<vmem>>, vector<16xf32>,
        %get3A_196 = arith.constant 83 : i32
        %get3A_197 = arith.index_cast %get3A_196 : i32 to index
        %get3A_198 = arith.constant 64 : index
        %get3A_199 = tpu.vector_load %arg7[%get3A_197, %get3A_198] {strides = array<i32>} : memref<88x128xf32, #tpu.memory_space<vmem>>, vector<16xf32>,
        %get3A_200 = arith.constant 83 : i32
        %get3A_201 = arith.index_cast %get3A_200 : i32 to index
        %get3A_202 = arith.constant 80 : index
        %get3A_203 = tpu.vector_load %arg7[%get3A_201, %get3A_202] {strides = array<i32>} : memref<88x128xf32, #tpu.memory_space<vmem>>, vector<16xf32>,
        %get3A_204 = arith.constant 83 : i32
        %get3A_205 = arith.index_cast %get3A_204 : i32 to index
        %get3A_206 = arith.constant 96 : index
        %get3A_207 = tpu.vector_load %arg7[%get3A_205, %get3A_206] {strides = array<i32>} : memref<88x128xf32, #tpu.memory_space<vmem>>, vector<16xf32>,
        %get3A_208 = arith.constant 83 : i32
        %get3A_209 = arith.index_cast %get3A_208 : i32 to index
        %get3A_210 = arith.constant 112 : index
        %get3A_211 = tpu.vector_load %arg7[%get3A_209, %get3A_210] {strides = array<i32>} : memref<88x128xf32, #tpu.memory_space<vmem>>, vector<16xf32>,
        %parallel_loop3A_212 = arith.constant 0 : i32
        %parallel_loop3A_213 = arith.constant 16 : i32
        %parallel_loop3A_214 = arith.constant 1 : i32
        scf.for %parallel_loop3A_259 = %parallel_loop3A_212 to %parallel_loop3A_213 step %parallel_loop3A_214  : i32 {
          %parallel_loop3A_260 = arith.constant 48 : i32
          %parallel_loop3A_261 = arith.addi %parallel_loop3A_260, %parallel_loop3A_259 : i32
          %parallel_loop3A_262 = arith.index_cast %parallel_loop3A_261 : i32 to index
          %parallel_loop3A_263 = arith.constant 0 : index
          %parallel_loop3A_264 = tpu.vector_load %arg7[%parallel_loop3A_262, %parallel_loop3A_263] {strides = array<i32>} : memref<88x128xf32, #tpu.memory_space<vmem>>, vector<16xf32>,
          %parallel_loop3A_265 = arith.subf %parallel_loop3A_264, %get3A_183 : vector<16xf32>
          %parallel_loop3A_266 = arith.constant 3 : i32
          %parallel_loop3A_267 = arith.index_cast %parallel_loop3A_266 : i32 to index
          %parallel_loop3A_268 = arith.index_cast %parallel_loop3A_259 : i32 to index
          %parallel_loop3A_269 = arith.constant 0 : index
          %parallel_loop3A_270 = tpu.vector_load %arg9[%parallel_loop3A_267, %parallel_loop3A_268, %parallel_loop3A_269] {strides = array<i32>} : memref<5x16x256xf32, #tpu.memory_space<vmem>>, vector<16xf32>,
          tpu.vector_store %arg9[%parallel_loop3A_267, %parallel_loop3A_268, %parallel_loop3A_269], %parallel_loop3A_265 {strides = array<i32>} : memref<5x16x256xf32, #tpu.memory_space<vmem>>, vector<16xf32>,
          %parallel_loop3A_271 = arith.constant 3 : i32
          %parallel_loop3A_272 = arith.index_cast %parallel_loop3A_271 : i32 to index
          %parallel_loop3A_273 = arith.index_cast %parallel_loop3A_259 : i32 to index
          %parallel_loop3A_274 = arith.constant 128 : index
          %parallel_loop3A_275 = tpu.vector_load %arg9[%parallel_loop3A_272, %parallel_loop3A_273, %parallel_loop3A_274] {strides = array<i32>} : memref<5x16x256xf32, #tpu.memory_space<vmem>>, vector<16xf32>,
          tpu.vector_store %arg9[%parallel_loop3A_272, %parallel_loop3A_273, %parallel_loop3A_274], %get3A_183 {strides = array<i32>} : memref<5x16x256xf32, #tpu.memory_space<vmem>>, vector<16xf32>,
          %parallel_loop3A_276 = arith.index_cast %parallel_loop3A_261 : i32 to index
          %parallel_loop3A_277 = arith.constant 16 : index
          %parallel_loop3A_278 = tpu.vector_load %arg7[%parallel_loop3A_276, %parallel_loop3A_277] {strides = array<i32>} : memref<88x128xf32, #tpu.memory_space<vmem>>, vector<16xf32>,
          %parallel_loop3A_279 = arith.subf %parallel_loop3A_278, %get3A_187 : vector<16xf32>
          %parallel_loop3A_280 = arith.constant 3 : i32
          %parallel_loop3A_281 = arith.index_cast %parallel_loop3A_280 : i32 to index
          %parallel_loop3A_282 = arith.index_cast %parallel_loop3A_259 : i32 to index
          %parallel_loop3A_283 = arith.constant 16 : index
          %parallel_loop3A_284 = tpu.vector_load %arg9[%parallel_loop3A_281, %parallel_loop3A_282, %parallel_loop3A_283] {strides = array<i32>} : memref<5x16x256xf32, #tpu.memory_space<vmem>>, vector<16xf32>,
          tpu.vector_store %arg9[%parallel_loop3A_281, %parallel_loop3A_282, %parallel_loop3A_283], %parallel_loop3A_279 {strides = array<i32>} : memref<5x16x256xf32, #tpu.memory_space<vmem>>, vector<16xf32>,
          %parallel_loop3A_285 = arith.constant 3 : i32
          %parallel_loop3A_286 = arith.index_cast %parallel_loop3A_285 : i32 to index
          %parallel_loop3A_287 = arith.index_cast %parallel_loop3A_259 : i32 to index
          %parallel_loop3A_288 = arith.constant 144 : index
          %parallel_loop3A_289 = tpu.vector_load %arg9[%parallel_loop3A_286, %parallel_loop3A_287, %parallel_loop3A_288] {strides = array<i32>} : memref<5x16x256xf32, #tpu.memory_space<vmem>>, vector<16xf32>,
          tpu.vector_store %arg9[%parallel_loop3A_286, %parallel_loop3A_287, %parallel_loop3A_288], %get3A_187 {strides = array<i32>} : memref<5x16x256xf32, #tpu.memory_space<vmem>>, vector<16xf32>,
          %parallel_loop3A_290 = arith.index_cast %parallel_loop3A_261 : i32 to index
          %parallel_loop3A_291 = arith.constant 32 : index
          %parallel_loop3A_292 = tpu.vector_load %arg7[%parallel_loop3A_290, %parallel_loop3A_291] {strides = array<i32>} : memref<88x128xf32, #tpu.memory_space<vmem>>, vector<16xf32>,
          %parallel_loop3A_293 = arith.subf %parallel_loop3A_292, %get3A_191 : vector<16xf32>
          %parallel_loop3A_294 = arith.constant 3 : i32
          %parallel_loop3A_295 = arith.index_cast %parallel_loop3A_294 : i32 to index
          %parallel_loop3A_296 = arith.index_cast %parallel_loop3A_259 : i32 to index
          %parallel_loop3A_297 = arith.constant 32 : index
          %parallel_loop3A_298 = tpu.vector_load %arg9[%parallel_loop3A_295, %parallel_loop3A_296, %parallel_loop3A_297] {strides = array<i32>} : memref<5x16x256xf32, #tpu.memory_space<vmem>>, vector<16xf32>,
          tpu.vector_store %arg9[%parallel_loop3A_295, %parallel_loop3A_296, %parallel_loop3A_297], %parallel_loop3A_293 {strides = array<i32>} : memref<5x16x256xf32, #tpu.memory_space<vmem>>, vector<16xf32>,
          %parallel_loop3A_299 = arith.constant 3 : i32
          %parallel_loop3A_300 = arith.index_cast %parallel_loop3A_299 : i32 to index
          %parallel_loop3A_301 = arith.index_cast %parallel_loop3A_259 : i32 to index
          %parallel_loop3A_302 = arith.constant 160 : index
          %parallel_loop3A_303 = tpu.vector_load %arg9[%parallel_loop3A_300, %parallel_loop3A_301, %parallel_loop3A_302] {strides = array<i32>} : memref<5x16x256xf32, #tpu.memory_space<vmem>>, vector<16xf32>,
          tpu.vector_store %arg9[%parallel_loop3A_300, %parallel_loop3A_301, %parallel_loop3A_302], %get3A_191 {strides = array<i32>} : memref<5x16x256xf32, #tpu.memory_space<vmem>>, vector<16xf32>,
          %parallel_loop3A_304 = arith.index_cast %parallel_loop3A_261 : i32 to index
          %parallel_loop3A_305 = arith.constant 48 : index
          %parallel_loop3A_306 = tpu.vector_load %arg7[%parallel_loop3A_304, %parallel_loop3A_305] {strides = array<i32>} : memref<88x128xf32, #tpu.memory_space<vmem>>, vector<16xf32>,
          %parallel_loop3A_307 = arith.subf %parallel_loop3A_306, %get3A_195 : vector<16xf32>
          %parallel_loop3A_308 = arith.constant 3 : i32
          %parallel_loop3A_309 = arith.index_cast %parallel_loop3A_308 : i32 to index
          %parallel_loop3A_310 = arith.index_cast %parallel_loop3A_259 : i32 to index
          %parallel_loop3A_311 = arith.constant 48 : index
          %parallel_loop3A_312 = tpu.vector_load %arg9[%parallel_loop3A_309, %parallel_loop3A_310, %parallel_loop3A_311] {strides = array<i32>} : memref<5x16x256xf32, #tpu.memory_space<vmem>>, vector<16xf32>,
          tpu.vector_store %arg9[%parallel_loop3A_309, %parallel_loop3A_310, %parallel_loop3A_311], %parallel_loop3A_307 {strides = array<i32>} : memref<5x16x256xf32, #tpu.memory_space<vmem>>, vector<16xf32>,
          %parallel_loop3A_313 = arith.constant 3 : i32
          %parallel_loop3A_314 = arith.index_cast %parallel_loop3A_313 : i32 to index
          %parallel_loop3A_315 = arith.index_cast %parallel_loop3A_259 : i32 to index
          %parallel_loop3A_316 = arith.constant 176 : index
          %parallel_loop3A_317 = tpu.vector_load %arg9[%parallel_loop3A_314, %parallel_loop3A_315, %parallel_loop3A_316] {strides = array<i32>} : memref<5x16x256xf32, #tpu.memory_space<vmem>>, vector<16xf32>,
          tpu.vector_store %arg9[%parallel_loop3A_314, %parallel_loop3A_315, %parallel_loop3A_316], %get3A_195 {strides = array<i32>} : memref<5x16x256xf32, #tpu.memory_space<vmem>>, vector<16xf32>,
          %parallel_loop3A_318 = arith.index_cast %parallel_loop3A_261 : i32 to index
          %parallel_loop3A_319 = arith.constant 64 : index
          %parallel_loop3A_320 = tpu.vector_load %arg7[%parallel_loop3A_318, %parallel_loop3A_319] {strides = array<i32>} : memref<88x128xf32, #tpu.memory_space<vmem>>, vector<16xf32>,
          %parallel_loop3A_321 = arith.subf %parallel_loop3A_320, %get3A_199 : vector<16xf32>
          %parallel_loop3A_322 = arith.constant 3 : i32
          %parallel_loop3A_323 = arith.index_cast %parallel_loop3A_322 : i32 to index
          %parallel_loop3A_324 = arith.index_cast %parallel_loop3A_259 : i32 to index
          %parallel_loop3A_325 = arith.constant 64 : index
          %parallel_loop3A_326 = tpu.vector_load %arg9[%parallel_loop3A_323, %parallel_loop3A_324, %parallel_loop3A_325] {strides = array<i32>} : memref<5x16x256xf32, #tpu.memory_space<vmem>>, vector<16xf32>,
          tpu.vector_store %arg9[%parallel_loop3A_323, %parallel_loop3A_324, %parallel_loop3A_325], %parallel_loop3A_321 {strides = array<i32>} : memref<5x16x256xf32, #tpu.memory_space<vmem>>, vector<16xf32>,
          %parallel_loop3A_327 = arith.constant 3 : i32
          %parallel_loop3A_328 = arith.index_cast %parallel_loop3A_327 : i32 to index
          %parallel_loop3A_329 = arith.index_cast %parallel_loop3A_259 : i32 to index
          %parallel_loop3A_330 = arith.constant 192 : index
          %parallel_loop3A_331 = tpu.vector_load %arg9[%parallel_loop3A_328, %parallel_loop3A_329, %parallel_loop3A_330] {strides = array<i32>} : memref<5x16x256xf32, #tpu.memory_space<vmem>>, vector<16xf32>,
          tpu.vector_store %arg9[%parallel_loop3A_328, %parallel_loop3A_329, %parallel_loop3A_330], %get3A_199 {strides = array<i32>} : memref<5x16x256xf32, #tpu.memory_space<vmem>>, vector<16xf32>,
          %parallel_loop3A_332 = arith.index_cast %parallel_loop3A_261 : i32 to index
          %parallel_loop3A_333 = arith.constant 80 : index
          %parallel_loop3A_334 = tpu.vector_load %arg7[%parallel_loop3A_332, %parallel_loop3A_333] {strides = array<i32>} : memref<88x128xf32, #tpu.memory_space<vmem>>, vector<16xf32>,
          %parallel_loop3A_335 = arith.subf %parallel_loop3A_334, %get3A_203 : vector<16xf32>
          %parallel_loop3A_336 = arith.constant 3 : i32
          %parallel_loop3A_337 = arith.index_cast %parallel_loop3A_336 : i32 to index
          %parallel_loop3A_338 = arith.index_cast %parallel_loop3A_259 : i32 to index
          %parallel_loop3A_339 = arith.constant 80 : index
          %parallel_loop3A_340 = tpu.vector_load %arg9[%parallel_loop3A_337, %parallel_loop3A_338, %parallel_loop3A_339] {strides = array<i32>} : memref<5x16x256xf32, #tpu.memory_space<vmem>>, vector<16xf32>,
          tpu.vector_store %arg9[%parallel_loop3A_337, %parallel_loop3A_338, %parallel_loop3A_339], %parallel_loop3A_335 {strides = array<i32>} : memref<5x16x256xf32, #tpu.memory_space<vmem>>, vector<16xf32>,
          %parallel_loop3A_341 = arith.constant 3 : i32
          %parallel_loop3A_342 = arith.index_cast %parallel_loop3A_341 : i32 to index
          %parallel_loop3A_343 = arith.index_cast %parallel_loop3A_259 : i32 to index
          %parallel_loop3A_344 = arith.constant 208 : index
          %parallel_loop3A_345 = tpu.vector_load %arg9[%parallel_loop3A_342, %parallel_loop3A_343, %parallel_loop3A_344] {strides = array<i32>} : memref<5x16x256xf32, #tpu.memory_space<vmem>>, vector<16xf32>,
          tpu.vector_store %arg9[%parallel_loop3A_342, %parallel_loop3A_343, %parallel_loop3A_344], %get3A_203 {strides = array<i32>} : memref<5x16x256xf32, #tpu.memory_space<vmem>>, vector<16xf32>,
          %parallel_loop3A_346 = arith.index_cast %parallel_loop3A_261 : i32 to index
          %parallel_loop3A_347 = arith.constant 96 : index
          %parallel_loop3A_348 = tpu.vector_load %arg7[%parallel_loop3A_346, %parallel_loop3A_347] {strides = array<i32>} : memref<88x128xf32, #tpu.memory_space<vmem>>, vector<16xf32>,
          %parallel_loop3A_349 = arith.subf %parallel_loop3A_348, %get3A_207 : vector<16xf32>
          %parallel_loop3A_350 = arith.constant 3 : i32
          %parallel_loop3A_351 = arith.index_cast %parallel_loop3A_350 : i32 to index
          %parallel_loop3A_352 = arith.index_cast %parallel_loop3A_259 : i32 to index
          %parallel_loop3A_353 = arith.constant 96 : index
          %parallel_loop3A_354 = tpu.vector_load %arg9[%parallel_loop3A_351, %parallel_loop3A_352, %parallel_loop3A_353] {strides = array<i32>} : memref<5x16x256xf32, #tpu.memory_space<vmem>>, vector<16xf32>,
          tpu.vector_store %arg9[%parallel_loop3A_351, %parallel_loop3A_352, %parallel_loop3A_353], %parallel_loop3A_349 {strides = array<i32>} : memref<5x16x256xf32, #tpu.memory_space<vmem>>, vector<16xf32>,
          %parallel_loop3A_355 = arith.constant 3 : i32
          %parallel_loop3A_356 = arith.index_cast %parallel_loop3A_355 : i32 to index
          %parallel_loop3A_357 = arith.index_cast %parallel_loop3A_259 : i32 to index
          %parallel_loop3A_358 = arith.constant 224 : index
          %parallel_loop3A_359 = tpu.vector_load %arg9[%parallel_loop3A_356, %parallel_loop3A_357, %parallel_loop3A_358] {strides = array<i32>} : memref<5x16x256xf32, #tpu.memory_space<vmem>>, vector<16xf32>,
          tpu.vector_store %arg9[%parallel_loop3A_356, %parallel_loop3A_357, %parallel_loop3A_358], %get3A_207 {strides = array<i32>} : memref<5x16x256xf32, #tpu.memory_space<vmem>>, vector<16xf32>,
          %parallel_loop3A_360 = arith.index_cast %parallel_loop3A_261 : i32 to index
          %parallel_loop3A_361 = arith.constant 112 : index
          %parallel_loop3A_362 = tpu.vector_load %arg7[%parallel_loop3A_360, %parallel_loop3A_361] {strides = array<i32>} : memref<88x128xf32, #tpu.memory_space<vmem>>, vector<16xf32>,
          %parallel_loop3A_363 = arith.subf %parallel_loop3A_362, %get3A_211 : vector<16xf32>
          %parallel_loop3A_364 = arith.constant 3 : i32
          %parallel_loop3A_365 = arith.index_cast %parallel_loop3A_364 : i32 to index
          %parallel_loop3A_366 = arith.index_cast %parallel_loop3A_259 : i32 to index
          %parallel_loop3A_367 = arith.constant 112 : index
          %parallel_loop3A_368 = tpu.vector_load %arg9[%parallel_loop3A_365, %parallel_loop3A_366, %parallel_loop3A_367] {strides = array<i32>} : memref<5x16x256xf32, #tpu.memory_space<vmem>>, vector<16xf32>,
          tpu.vector_store %arg9[%parallel_loop3A_365, %parallel_loop3A_366, %parallel_loop3A_367], %parallel_loop3A_363 {strides = array<i32>} : memref<5x16x256xf32, #tpu.memory_space<vmem>>, vector<16xf32>,
          %parallel_loop3A_369 = arith.constant 3 : i32
          %parallel_loop3A_370 = arith.index_cast %parallel_loop3A_369 : i32 to index
          %parallel_loop3A_371 = arith.index_cast %parallel_loop3A_259 : i32 to index
          %parallel_loop3A_372 = arith.constant 240 : index
          %parallel_loop3A_373 = tpu.vector_load %arg9[%parallel_loop3A_370, %parallel_loop3A_371, %parallel_loop3A_372] {strides = array<i32>} : memref<5x16x256xf32, #tpu.memory_space<vmem>>, vector<16xf32>,
          tpu.vector_store %arg9[%parallel_loop3A_370, %parallel_loop3A_371, %parallel_loop3A_372], %get3A_211 {strides = array<i32>} : memref<5x16x256xf32, #tpu.memory_space<vmem>>, vector<16xf32>,
        } {sc.loop_unroll_factor = 8 : i64, sc.parallel_access}
        %get3A_215 = arith.constant 84 : i32
        %get3A_216 = arith.index_cast %get3A_215 : i32 to index
        %get3A_217 = arith.constant 0 : index
        %get3A_218 = tpu.vector_load %arg7[%get3A_216, %get3A_217] {strides = array<i32>} : memref<88x128xf32, #tpu.memory_space<vmem>>, vector<16xf32>,
        %get3A_219 = arith.constant 84 : i32
        %get3A_220 = arith.index_cast %get3A_219 : i32 to index
        %get3A_221 = arith.constant 16 : index
        %get3A_222 = tpu.vector_load %arg7[%get3A_220, %get3A_221] {strides = array<i32>} : memref<88x128xf32, #tpu.memory_space<vmem>>, vector<16xf32>,
        %get3A_223 = arith.constant 84 : i32
        %get3A_224 = arith.index_cast %get3A_223 : i32 to index
        %get3A_225 = arith.constant 32 : index
        %get3A_226 = tpu.vector_load %arg7[%get3A_224, %get3A_225] {strides = array<i32>} : memref<88x128xf32, #tpu.memory_space<vmem>>, vector<16xf32>,
        %get3A_227 = arith.constant 84 : i32
        %get3A_228 = arith.index_cast %get3A_227 : i32 to index
        %get3A_229 = arith.constant 48 : index
        %get3A_230 = tpu.vector_load %arg7[%get3A_228, %get3A_229] {strides = array<i32>} : memref<88x128xf32, #tpu.memory_space<vmem>>, vector<16xf32>,
        %get3A_231 = arith.constant 84 : i32
        %get3A_232 = arith.index_cast %get3A_231 : i32 to index
        %get3A_233 = arith.constant 64 : index
        %get3A_234 = tpu.vector_load %arg7[%get3A_232, %get3A_233] {strides = array<i32>} : memref<88x128xf32, #tpu.memory_space<vmem>>, vector<16xf32>,
        %get3A_235 = arith.constant 84 : i32
        %get3A_236 = arith.index_cast %get3A_235 : i32 to index
        %get3A_237 = arith.constant 80 : index
        %get3A_238 = tpu.vector_load %arg7[%get3A_236, %get3A_237] {strides = array<i32>} : memref<88x128xf32, #tpu.memory_space<vmem>>, vector<16xf32>,
        %get3A_239 = arith.constant 84 : i32
        %get3A_240 = arith.index_cast %get3A_239 : i32 to index
        %get3A_241 = arith.constant 96 : index
        %get3A_242 = tpu.vector_load %arg7[%get3A_240, %get3A_241] {strides = array<i32>} : memref<88x128xf32, #tpu.memory_space<vmem>>, vector<16xf32>,
        %get3A_243 = arith.constant 84 : i32
        %get3A_244 = arith.index_cast %get3A_243 : i32 to index
        %get3A_245 = arith.constant 112 : index
        %get3A_246 = tpu.vector_load %arg7[%get3A_244, %get3A_245] {strides = array<i32>} : memref<88x128xf32, #tpu.memory_space<vmem>>, vector<16xf32>,
        %parallel_loop3A_247 = arith.constant 0 : i32
        %parallel_loop3A_248 = arith.constant 16 : i32
        %parallel_loop3A_249 = arith.constant 1 : i32
        scf.for %parallel_loop3A_259 = %parallel_loop3A_247 to %parallel_loop3A_248 step %parallel_loop3A_249  : i32 {
          %parallel_loop3A_260 = arith.constant 64 : i32
          %parallel_loop3A_261 = arith.addi %parallel_loop3A_260, %parallel_loop3A_259 : i32
          %parallel_loop3A_262 = arith.index_cast %parallel_loop3A_261 : i32 to index
          %parallel_loop3A_263 = arith.constant 0 : index
          %parallel_loop3A_264 = tpu.vector_load %arg7[%parallel_loop3A_262, %parallel_loop3A_263] {strides = array<i32>} : memref<88x128xf32, #tpu.memory_space<vmem>>, vector<16xf32>,
          %parallel_loop3A_265 = arith.subf %parallel_loop3A_264, %get3A_218 : vector<16xf32>
          %parallel_loop3A_266 = arith.constant 4 : i32
          %parallel_loop3A_267 = arith.index_cast %parallel_loop3A_266 : i32 to index
          %parallel_loop3A_268 = arith.index_cast %parallel_loop3A_259 : i32 to index
          %parallel_loop3A_269 = arith.constant 0 : index
          %parallel_loop3A_270 = tpu.vector_load %arg9[%parallel_loop3A_267, %parallel_loop3A_268, %parallel_loop3A_269] {strides = array<i32>} : memref<5x16x256xf32, #tpu.memory_space<vmem>>, vector<16xf32>,
          tpu.vector_store %arg9[%parallel_loop3A_267, %parallel_loop3A_268, %parallel_loop3A_269], %parallel_loop3A_265 {strides = array<i32>} : memref<5x16x256xf32, #tpu.memory_space<vmem>>, vector<16xf32>,
          %parallel_loop3A_271 = arith.constant 4 : i32
          %parallel_loop3A_272 = arith.index_cast %parallel_loop3A_271 : i32 to index
          %parallel_loop3A_273 = arith.index_cast %parallel_loop3A_259 : i32 to index
          %parallel_loop3A_274 = arith.constant 128 : index
          %parallel_loop3A_275 = tpu.vector_load %arg9[%parallel_loop3A_272, %parallel_loop3A_273, %parallel_loop3A_274] {strides = array<i32>} : memref<5x16x256xf32, #tpu.memory_space<vmem>>, vector<16xf32>,
          tpu.vector_store %arg9[%parallel_loop3A_272, %parallel_loop3A_273, %parallel_loop3A_274], %get3A_218 {strides = array<i32>} : memref<5x16x256xf32, #tpu.memory_space<vmem>>, vector<16xf32>,
          %parallel_loop3A_276 = arith.index_cast %parallel_loop3A_261 : i32 to index
          %parallel_loop3A_277 = arith.constant 16 : index
          %parallel_loop3A_278 = tpu.vector_load %arg7[%parallel_loop3A_276, %parallel_loop3A_277] {strides = array<i32>} : memref<88x128xf32, #tpu.memory_space<vmem>>, vector<16xf32>,
          %parallel_loop3A_279 = arith.subf %parallel_loop3A_278, %get3A_222 : vector<16xf32>
          %parallel_loop3A_280 = arith.constant 4 : i32
          %parallel_loop3A_281 = arith.index_cast %parallel_loop3A_280 : i32 to index
          %parallel_loop3A_282 = arith.index_cast %parallel_loop3A_259 : i32 to index
          %parallel_loop3A_283 = arith.constant 16 : index
          %parallel_loop3A_284 = tpu.vector_load %arg9[%parallel_loop3A_281, %parallel_loop3A_282, %parallel_loop3A_283] {strides = array<i32>} : memref<5x16x256xf32, #tpu.memory_space<vmem>>, vector<16xf32>,
          tpu.vector_store %arg9[%parallel_loop3A_281, %parallel_loop3A_282, %parallel_loop3A_283], %parallel_loop3A_279 {strides = array<i32>} : memref<5x16x256xf32, #tpu.memory_space<vmem>>, vector<16xf32>,
          %parallel_loop3A_285 = arith.constant 4 : i32
          %parallel_loop3A_286 = arith.index_cast %parallel_loop3A_285 : i32 to index
          %parallel_loop3A_287 = arith.index_cast %parallel_loop3A_259 : i32 to index
          %parallel_loop3A_288 = arith.constant 144 : index
          %parallel_loop3A_289 = tpu.vector_load %arg9[%parallel_loop3A_286, %parallel_loop3A_287, %parallel_loop3A_288] {strides = array<i32>} : memref<5x16x256xf32, #tpu.memory_space<vmem>>, vector<16xf32>,
          tpu.vector_store %arg9[%parallel_loop3A_286, %parallel_loop3A_287, %parallel_loop3A_288], %get3A_222 {strides = array<i32>} : memref<5x16x256xf32, #tpu.memory_space<vmem>>, vector<16xf32>,
          %parallel_loop3A_290 = arith.index_cast %parallel_loop3A_261 : i32 to index
          %parallel_loop3A_291 = arith.constant 32 : index
          %parallel_loop3A_292 = tpu.vector_load %arg7[%parallel_loop3A_290, %parallel_loop3A_291] {strides = array<i32>} : memref<88x128xf32, #tpu.memory_space<vmem>>, vector<16xf32>,
          %parallel_loop3A_293 = arith.subf %parallel_loop3A_292, %get3A_226 : vector<16xf32>
          %parallel_loop3A_294 = arith.constant 4 : i32
          %parallel_loop3A_295 = arith.index_cast %parallel_loop3A_294 : i32 to index
          %parallel_loop3A_296 = arith.index_cast %parallel_loop3A_259 : i32 to index
          %parallel_loop3A_297 = arith.constant 32 : index
          %parallel_loop3A_298 = tpu.vector_load %arg9[%parallel_loop3A_295, %parallel_loop3A_296, %parallel_loop3A_297] {strides = array<i32>} : memref<5x16x256xf32, #tpu.memory_space<vmem>>, vector<16xf32>,
          tpu.vector_store %arg9[%parallel_loop3A_295, %parallel_loop3A_296, %parallel_loop3A_297], %parallel_loop3A_293 {strides = array<i32>} : memref<5x16x256xf32, #tpu.memory_space<vmem>>, vector<16xf32>,
          %parallel_loop3A_299 = arith.constant 4 : i32
          %parallel_loop3A_300 = arith.index_cast %parallel_loop3A_299 : i32 to index
          %parallel_loop3A_301 = arith.index_cast %parallel_loop3A_259 : i32 to index
          %parallel_loop3A_302 = arith.constant 160 : index
          %parallel_loop3A_303 = tpu.vector_load %arg9[%parallel_loop3A_300, %parallel_loop3A_301, %parallel_loop3A_302] {strides = array<i32>} : memref<5x16x256xf32, #tpu.memory_space<vmem>>, vector<16xf32>,
          tpu.vector_store %arg9[%parallel_loop3A_300, %parallel_loop3A_301, %parallel_loop3A_302], %get3A_226 {strides = array<i32>} : memref<5x16x256xf32, #tpu.memory_space<vmem>>, vector<16xf32>,
          %parallel_loop3A_304 = arith.index_cast %parallel_loop3A_261 : i32 to index
          %parallel_loop3A_305 = arith.constant 48 : index
          %parallel_loop3A_306 = tpu.vector_load %arg7[%parallel_loop3A_304, %parallel_loop3A_305] {strides = array<i32>} : memref<88x128xf32, #tpu.memory_space<vmem>>, vector<16xf32>,
          %parallel_loop3A_307 = arith.subf %parallel_loop3A_306, %get3A_230 : vector<16xf32>
          %parallel_loop3A_308 = arith.constant 4 : i32
          %parallel_loop3A_309 = arith.index_cast %parallel_loop3A_308 : i32 to index
          %parallel_loop3A_310 = arith.index_cast %parallel_loop3A_259 : i32 to index
          %parallel_loop3A_311 = arith.constant 48 : index
          %parallel_loop3A_312 = tpu.vector_load %arg9[%parallel_loop3A_309, %parallel_loop3A_310, %parallel_loop3A_311] {strides = array<i32>} : memref<5x16x256xf32, #tpu.memory_space<vmem>>, vector<16xf32>,
          tpu.vector_store %arg9[%parallel_loop3A_309, %parallel_loop3A_310, %parallel_loop3A_311], %parallel_loop3A_307 {strides = array<i32>} : memref<5x16x256xf32, #tpu.memory_space<vmem>>, vector<16xf32>,
          %parallel_loop3A_313 = arith.constant 4 : i32
          %parallel_loop3A_314 = arith.index_cast %parallel_loop3A_313 : i32 to index
          %parallel_loop3A_315 = arith.index_cast %parallel_loop3A_259 : i32 to index
          %parallel_loop3A_316 = arith.constant 176 : index
          %parallel_loop3A_317 = tpu.vector_load %arg9[%parallel_loop3A_314, %parallel_loop3A_315, %parallel_loop3A_316] {strides = array<i32>} : memref<5x16x256xf32, #tpu.memory_space<vmem>>, vector<16xf32>,
          tpu.vector_store %arg9[%parallel_loop3A_314, %parallel_loop3A_315, %parallel_loop3A_316], %get3A_230 {strides = array<i32>} : memref<5x16x256xf32, #tpu.memory_space<vmem>>, vector<16xf32>,
          %parallel_loop3A_318 = arith.index_cast %parallel_loop3A_261 : i32 to index
          %parallel_loop3A_319 = arith.constant 64 : index
          %parallel_loop3A_320 = tpu.vector_load %arg7[%parallel_loop3A_318, %parallel_loop3A_319] {strides = array<i32>} : memref<88x128xf32, #tpu.memory_space<vmem>>, vector<16xf32>,
          %parallel_loop3A_321 = arith.subf %parallel_loop3A_320, %get3A_234 : vector<16xf32>
          %parallel_loop3A_322 = arith.constant 4 : i32
          %parallel_loop3A_323 = arith.index_cast %parallel_loop3A_322 : i32 to index
          %parallel_loop3A_324 = arith.index_cast %parallel_loop3A_259 : i32 to index
          %parallel_loop3A_325 = arith.constant 64 : index
          %parallel_loop3A_326 = tpu.vector_load %arg9[%parallel_loop3A_323, %parallel_loop3A_324, %parallel_loop3A_325] {strides = array<i32>} : memref<5x16x256xf32, #tpu.memory_space<vmem>>, vector<16xf32>,
          tpu.vector_store %arg9[%parallel_loop3A_323, %parallel_loop3A_324, %parallel_loop3A_325], %parallel_loop3A_321 {strides = array<i32>} : memref<5x16x256xf32, #tpu.memory_space<vmem>>, vector<16xf32>,
          %parallel_loop3A_327 = arith.constant 4 : i32
          %parallel_loop3A_328 = arith.index_cast %parallel_loop3A_327 : i32 to index
          %parallel_loop3A_329 = arith.index_cast %parallel_loop3A_259 : i32 to index
          %parallel_loop3A_330 = arith.constant 192 : index
          %parallel_loop3A_331 = tpu.vector_load %arg9[%parallel_loop3A_328, %parallel_loop3A_329, %parallel_loop3A_330] {strides = array<i32>} : memref<5x16x256xf32, #tpu.memory_space<vmem>>, vector<16xf32>,
          tpu.vector_store %arg9[%parallel_loop3A_328, %parallel_loop3A_329, %parallel_loop3A_330], %get3A_234 {strides = array<i32>} : memref<5x16x256xf32, #tpu.memory_space<vmem>>, vector<16xf32>,
          %parallel_loop3A_332 = arith.index_cast %parallel_loop3A_261 : i32 to index
          %parallel_loop3A_333 = arith.constant 80 : index
          %parallel_loop3A_334 = tpu.vector_load %arg7[%parallel_loop3A_332, %parallel_loop3A_333] {strides = array<i32>} : memref<88x128xf32, #tpu.memory_space<vmem>>, vector<16xf32>,
          %parallel_loop3A_335 = arith.subf %parallel_loop3A_334, %get3A_238 : vector<16xf32>
          %parallel_loop3A_336 = arith.constant 4 : i32
          %parallel_loop3A_337 = arith.index_cast %parallel_loop3A_336 : i32 to index
          %parallel_loop3A_338 = arith.index_cast %parallel_loop3A_259 : i32 to index
          %parallel_loop3A_339 = arith.constant 80 : index
          %parallel_loop3A_340 = tpu.vector_load %arg9[%parallel_loop3A_337, %parallel_loop3A_338, %parallel_loop3A_339] {strides = array<i32>} : memref<5x16x256xf32, #tpu.memory_space<vmem>>, vector<16xf32>,
          tpu.vector_store %arg9[%parallel_loop3A_337, %parallel_loop3A_338, %parallel_loop3A_339], %parallel_loop3A_335 {strides = array<i32>} : memref<5x16x256xf32, #tpu.memory_space<vmem>>, vector<16xf32>,
          %parallel_loop3A_341 = arith.constant 4 : i32
          %parallel_loop3A_342 = arith.index_cast %parallel_loop3A_341 : i32 to index
          %parallel_loop3A_343 = arith.index_cast %parallel_loop3A_259 : i32 to index
          %parallel_loop3A_344 = arith.constant 208 : index
          %parallel_loop3A_345 = tpu.vector_load %arg9[%parallel_loop3A_342, %parallel_loop3A_343, %parallel_loop3A_344] {strides = array<i32>} : memref<5x16x256xf32, #tpu.memory_space<vmem>>, vector<16xf32>,
          tpu.vector_store %arg9[%parallel_loop3A_342, %parallel_loop3A_343, %parallel_loop3A_344], %get3A_238 {strides = array<i32>} : memref<5x16x256xf32, #tpu.memory_space<vmem>>, vector<16xf32>,
          %parallel_loop3A_346 = arith.index_cast %parallel_loop3A_261 : i32 to index
          %parallel_loop3A_347 = arith.constant 96 : index
          %parallel_loop3A_348 = tpu.vector_load %arg7[%parallel_loop3A_346, %parallel_loop3A_347] {strides = array<i32>} : memref<88x128xf32, #tpu.memory_space<vmem>>, vector<16xf32>,
          %parallel_loop3A_349 = arith.subf %parallel_loop3A_348, %get3A_242 : vector<16xf32>
          %parallel_loop3A_350 = arith.constant 4 : i32
          %parallel_loop3A_351 = arith.index_cast %parallel_loop3A_350 : i32 to index
          %parallel_loop3A_352 = arith.index_cast %parallel_loop3A_259 : i32 to index
          %parallel_loop3A_353 = arith.constant 96 : index
          %parallel_loop3A_354 = tpu.vector_load %arg9[%parallel_loop3A_351, %parallel_loop3A_352, %parallel_loop3A_353] {strides = array<i32>} : memref<5x16x256xf32, #tpu.memory_space<vmem>>, vector<16xf32>,
          tpu.vector_store %arg9[%parallel_loop3A_351, %parallel_loop3A_352, %parallel_loop3A_353], %parallel_loop3A_349 {strides = array<i32>} : memref<5x16x256xf32, #tpu.memory_space<vmem>>, vector<16xf32>,
          %parallel_loop3A_355 = arith.constant 4 : i32
          %parallel_loop3A_356 = arith.index_cast %parallel_loop3A_355 : i32 to index
          %parallel_loop3A_357 = arith.index_cast %parallel_loop3A_259 : i32 to index
          %parallel_loop3A_358 = arith.constant 224 : index
          %parallel_loop3A_359 = tpu.vector_load %arg9[%parallel_loop3A_356, %parallel_loop3A_357, %parallel_loop3A_358] {strides = array<i32>} : memref<5x16x256xf32, #tpu.memory_space<vmem>>, vector<16xf32>,
          tpu.vector_store %arg9[%parallel_loop3A_356, %parallel_loop3A_357, %parallel_loop3A_358], %get3A_242 {strides = array<i32>} : memref<5x16x256xf32, #tpu.memory_space<vmem>>, vector<16xf32>,
          %parallel_loop3A_360 = arith.index_cast %parallel_loop3A_261 : i32 to index
          %parallel_loop3A_361 = arith.constant 112 : index
          %parallel_loop3A_362 = tpu.vector_load %arg7[%parallel_loop3A_360, %parallel_loop3A_361] {strides = array<i32>} : memref<88x128xf32, #tpu.memory_space<vmem>>, vector<16xf32>,
          %parallel_loop3A_363 = arith.subf %parallel_loop3A_362, %get3A_246 : vector<16xf32>
          %parallel_loop3A_364 = arith.constant 4 : i32
          %parallel_loop3A_365 = arith.index_cast %parallel_loop3A_364 : i32 to index
          %parallel_loop3A_366 = arith.index_cast %parallel_loop3A_259 : i32 to index
          %parallel_loop3A_367 = arith.constant 112 : index
          %parallel_loop3A_368 = tpu.vector_load %arg9[%parallel_loop3A_365, %parallel_loop3A_366, %parallel_loop3A_367] {strides = array<i32>} : memref<5x16x256xf32, #tpu.memory_space<vmem>>, vector<16xf32>,
          tpu.vector_store %arg9[%parallel_loop3A_365, %parallel_loop3A_366, %parallel_loop3A_367], %parallel_loop3A_363 {strides = array<i32>} : memref<5x16x256xf32, #tpu.memory_space<vmem>>, vector<16xf32>,
          %parallel_loop3A_369 = arith.constant 4 : i32
          %parallel_loop3A_370 = arith.index_cast %parallel_loop3A_369 : i32 to index
          %parallel_loop3A_371 = arith.index_cast %parallel_loop3A_259 : i32 to index
          %parallel_loop3A_372 = arith.constant 240 : index
          %parallel_loop3A_373 = tpu.vector_load %arg9[%parallel_loop3A_370, %parallel_loop3A_371, %parallel_loop3A_372] {strides = array<i32>} : memref<5x16x256xf32, #tpu.memory_space<vmem>>, vector<16xf32>,
          tpu.vector_store %arg9[%parallel_loop3A_370, %parallel_loop3A_371, %parallel_loop3A_372], %get3A_246 {strides = array<i32>} : memref<5x16x256xf32, #tpu.memory_space<vmem>>, vector<16xf32>,
        } {sc.loop_unroll_factor = 8 : i64, sc.parallel_access}
        %mul3A_250 = arith.constant 5 : i32
        %mul3A_251 = arith.muli %add3A_46, %mul3A_250 : i32
        %add3A_252 = arith.addi %mul3A_2, %mul3A_251 : i32
        %dma_start3A_253 = arith.constant 0 : i32
        %dma_start3A_254 = arith.constant 0 : i32
        %dma_start3A_255 = tpu.memref_slice %arg4[%add3A_252, %dma_start3A_253, %dma_start3A_254] : memref<20000x16x256xf32, #tpu.memory_space<hbm>> -> memref<5x16x256xf32, #tpu.memory_space<hbm>>
        %dma_start3A_256 = arith.constant 0 : i32
        %dma_start3A_257 = arith.constant 0 : i32
        %dma_start3A_258 = tpu.memref_slice %arg4[%add3A_252, %dma_start3A_256, %dma_start3A_257] : memref<20000x16x256xf32, #tpu.memory_space<hbm>> -> memref<5x16x256xf32, #tpu.memory_space<hbm>>
        tpu.enqueue_dma source(%arg9 : memref<5x16x256xf32, #tpu.memory_space<vmem>>) target(%dma_start3A_258 : memref<5x16x256xf32, #tpu.memory_space<hbm>>) target_semaphore(%arg13 : memref<!tpu.dma_semaphore, #tpu.memory_space<semaphore_mem>>)
      } else {
      }
      %mul3A_49 = arith.constant 2 : i32
      %mul3A_50 = arith.muli %scan3A_41, %mul3A_49 : i32
      %add3A_51 = arith.constant 1 : i32
      %add3A_52 = arith.addi %mul3A_50, %add3A_51 : i32
      %lt3A_53 = arith.constant 125 : i32
      %lt3A_54 = arith.cmpi slt, %add3A_52, %lt3A_53 : i32
      %convert_element_type3A_55 = arith.extui %lt3A_54 : i1 to i32
      %cond3A_56 = arith.constant 0 : i32
      %cond3A_57 = arith.cmpi ne, %convert_element_type3A_55, %cond3A_56 : i32
      scf.if %cond3A_57 {
        %add3A_59 = arith.constant 1 : i32
        %add3A_60 = arith.addi %add3A_52, %add3A_59 : i32
        %lt3A_61 = arith.constant 125 : i32
        %lt3A_62 = arith.cmpi slt, %add3A_60, %lt3A_61 : i32
        %convert_element_type3A_63 = arith.extui %lt3A_62 : i1 to i32
        %cond3A_64 = arith.constant 0 : i32
        %cond3A_65 = arith.cmpi ne, %convert_element_type3A_63, %cond3A_64 : i32
        scf.if %cond3A_65 {
          %add3A_259 = arith.constant 1 : i32
          %add3A_260 = arith.addi %add3A_52, %add3A_259 : i32
          %dma_start3A_261 = arith.constant 0 : i32
          %dma_start3A_262 = tpu.memref_slice %arg6[%add3A_260, %dma_start3A_261] : memref<125x88xi32, #tpu.memory_space<vmem>> -> memref<1x88xi32, #tpu.memory_space<vmem>>
          %dma_start3A_263 = tpu.memref_squeeze %dma_start3A_262 : memref<1x88xi32, #tpu.memory_space<vmem>> -> memref<88xi32, #tpu.memory_space<vmem>>
          %dma_start3A_264 = arith.constant 0 : i32
          %dma_start3A_265 = arith.constant 0 : i32
          %dma_start3A_266 = tpu.memref_slice %arg2[%dma_start3A_264, %dma_start3A_265] : memref<20000x128xf32, #tpu.memory_space<hbm>> -> memref<20000x128xf32, #tpu.memory_space<hbm>>
          tpu.enqueue_indirect_dma source(%dma_start3A_266 : memref<20000x128xf32, #tpu.memory_space<hbm>>) target(%arg7 : memref<88x128xf32, #tpu.memory_space<vmem>>) offsets(%dma_start3A_263 : memref<88xi32, #tpu.memory_space<vmem>>) semaphore(%arg11 : memref<!tpu.dma_semaphore, #tpu.memory_space<semaphore_mem>>)
        } else {
        }
        %dma_wait3A_66 = arith.constant 0 : i32
        %dma_wait3A_67 = tpu.memref_slice %arg6[%add3A_52, %dma_wait3A_66] : memref<125x88xi32, #tpu.memory_space<vmem>> -> memref<1x88xi32, #tpu.memory_space<vmem>>
        %dma_wait3A_68 = tpu.memref_squeeze %dma_wait3A_67 : memref<1x88xi32, #tpu.memory_space<vmem>> -> memref<88xi32, #tpu.memory_space<vmem>>
        %dma_wait3A_69 = arith.constant 0 : i32
        %dma_wait3A_70 = arith.constant 0 : i32
        %dma_wait3A_71 = tpu.memref_slice %arg2[%dma_wait3A_69, %dma_wait3A_70] : memref<20000x128xf32, #tpu.memory_space<hbm>> -> memref<20000x128xf32, #tpu.memory_space<hbm>>
        tpu.wait_indirect_dma semaphore(%arg12 : memref<!tpu.dma_semaphore, #tpu.memory_space<semaphore_mem>>) src(%dma_wait3A_71 : memref<20000x128xf32, #tpu.memory_space<hbm>>) dst(%arg8 : memref<88x128xf32, #tpu.memory_space<vmem>>)
        %ge3A_72 = arith.constant 2 : i32
        %ge3A_73 = arith.cmpi sge, %add3A_52, %ge3A_72 : i32
        %convert_element_type3A_74 = arith.extui %ge3A_73 : i1 to i32
        %cond3A_75 = arith.constant 0 : i32
        %cond3A_76 = arith.cmpi ne, %convert_element_type3A_74, %cond3A_75 : i32
        scf.if %cond3A_76 {
          %sub3A = arith.constant 2 : i32
          %sub3A_259 = arith.subi %add3A_52, %sub3A : i32
          %mul3A_260 = arith.constant 5 : i32
          %mul3A_261 = arith.muli %sub3A_259, %mul3A_260 : i32
          %add3A_262 = arith.addi %mul3A_2, %mul3A_261 : i32
          %dma_wait3A_263 = arith.constant 0 : i32
          %dma_wait3A_264 = arith.constant 0 : i32
          %dma_wait3A_265 = tpu.memref_slice %arg4[%add3A_262, %dma_wait3A_263, %dma_wait3A_264] : memref<20000x16x256xf32, #tpu.memory_space<hbm>> -> memref<5x16x256xf32, #tpu.memory_space<hbm>>
          %dma_wait3A_266 = arith.constant 0 : i32
          %dma_wait3A_267 = arith.constant 0 : i32
          %dma_wait3A_268 = tpu.memref_slice %arg4[%add3A_262, %dma_wait3A_266, %dma_wait3A_267] : memref<20000x16x256xf32, #tpu.memory_space<hbm>> -> memref<5x16x256xf32, #tpu.memory_space<hbm>>
          tpu.wait_dma2 semaphore(%arg14 : memref<!tpu.dma_semaphore, #tpu.memory_space<semaphore_mem>>) src(%arg10 : memref<5x16x256xf32, #tpu.memory_space<vmem>>) dst(%dma_wait3A_268 : memref<5x16x256xf32, #tpu.memory_space<hbm>>)
        } else {
        }
        %get3A = arith.constant 80 : i32
        %get3A_77 = arith.index_cast %get3A : i32 to index
        %get3A_78 = arith.constant 0 : index
        %get3A_79 = tpu.vector_load %arg8[%get3A_77, %get3A_78] {strides = array<i32>} : memref<88x128xf32, #tpu.memory_space<vmem>>, vector<16xf32>,
        %get3A_80 = arith.constant 80 : i32
        %get3A_81 = arith.index_cast %get3A_80 : i32 to index
        %get3A_82 = arith.constant 16 : index
        %get3A_83 = tpu.vector_load %arg8[%get3A_81, %get3A_82] {strides = array<i32>} : memref<88x128xf32, #tpu.memory_space<vmem>>, vector<16xf32>,
        %get3A_84 = arith.constant 80 : i32
        %get3A_85 = arith.index_cast %get3A_84 : i32 to index
        %get3A_86 = arith.constant 32 : index
        %get3A_87 = tpu.vector_load %arg8[%get3A_85, %get3A_86] {strides = array<i32>} : memref<88x128xf32, #tpu.memory_space<vmem>>, vector<16xf32>,
        %get3A_88 = arith.constant 80 : i32
        %get3A_89 = arith.index_cast %get3A_88 : i32 to index
        %get3A_90 = arith.constant 48 : index
        %get3A_91 = tpu.vector_load %arg8[%get3A_89, %get3A_90] {strides = array<i32>} : memref<88x128xf32, #tpu.memory_space<vmem>>, vector<16xf32>,
        %get3A_92 = arith.constant 80 : i32
        %get3A_93 = arith.index_cast %get3A_92 : i32 to index
        %get3A_94 = arith.constant 64 : index
        %get3A_95 = tpu.vector_load %arg8[%get3A_93, %get3A_94] {strides = array<i32>} : memref<88x128xf32, #tpu.memory_space<vmem>>, vector<16xf32>,
        %get3A_96 = arith.constant 80 : i32
        %get3A_97 = arith.index_cast %get3A_96 : i32 to index
        %get3A_98 = arith.constant 80 : index
        %get3A_99 = tpu.vector_load %arg8[%get3A_97, %get3A_98] {strides = array<i32>} : memref<88x128xf32, #tpu.memory_space<vmem>>, vector<16xf32>,
        %get3A_100 = arith.constant 80 : i32
        %get3A_101 = arith.index_cast %get3A_100 : i32 to index
        %get3A_102 = arith.constant 96 : index
        %get3A_103 = tpu.vector_load %arg8[%get3A_101, %get3A_102] {strides = array<i32>} : memref<88x128xf32, #tpu.memory_space<vmem>>, vector<16xf32>,
        %get3A_104 = arith.constant 80 : i32
        %get3A_105 = arith.index_cast %get3A_104 : i32 to index
        %get3A_106 = arith.constant 112 : index
        %get3A_107 = tpu.vector_load %arg8[%get3A_105, %get3A_106] {strides = array<i32>} : memref<88x128xf32, #tpu.memory_space<vmem>>, vector<16xf32>,
        %parallel_loop3A = arith.constant 0 : i32
        %parallel_loop3A_108 = arith.constant 16 : i32
        %parallel_loop3A_109 = arith.constant 1 : i32
        scf.for %parallel_loop3A_259 = %parallel_loop3A to %parallel_loop3A_108 step %parallel_loop3A_109  : i32 {
          %parallel_loop3A_260 = arith.constant 0 : i32
          %parallel_loop3A_261 = arith.addi %parallel_loop3A_260, %parallel_loop3A_259 : i32
          %parallel_loop3A_262 = arith.index_cast %parallel_loop3A_261 : i32 to index
          %parallel_loop3A_263 = arith.constant 0 : index
          %parallel_loop3A_264 = tpu.vector_load %arg8[%parallel_loop3A_262, %parallel_loop3A_263] {strides = array<i32>} : memref<88x128xf32, #tpu.memory_space<vmem>>, vector<16xf32>,
          %parallel_loop3A_265 = arith.subf %parallel_loop3A_264, %get3A_79 : vector<16xf32>
          %parallel_loop3A_266 = arith.constant 0 : i32
          %parallel_loop3A_267 = arith.index_cast %parallel_loop3A_266 : i32 to index
          %parallel_loop3A_268 = arith.index_cast %parallel_loop3A_259 : i32 to index
          %parallel_loop3A_269 = arith.constant 0 : index
          %parallel_loop3A_270 = tpu.vector_load %arg10[%parallel_loop3A_267, %parallel_loop3A_268, %parallel_loop3A_269] {strides = array<i32>} : memref<5x16x256xf32, #tpu.memory_space<vmem>>, vector<16xf32>,
          tpu.vector_store %arg10[%parallel_loop3A_267, %parallel_loop3A_268, %parallel_loop3A_269], %parallel_loop3A_265 {strides = array<i32>} : memref<5x16x256xf32, #tpu.memory_space<vmem>>, vector<16xf32>,
          %parallel_loop3A_271 = arith.constant 0 : i32
          %parallel_loop3A_272 = arith.index_cast %parallel_loop3A_271 : i32 to index
          %parallel_loop3A_273 = arith.index_cast %parallel_loop3A_259 : i32 to index
          %parallel_loop3A_274 = arith.constant 128 : index
          %parallel_loop3A_275 = tpu.vector_load %arg10[%parallel_loop3A_272, %parallel_loop3A_273, %parallel_loop3A_274] {strides = array<i32>} : memref<5x16x256xf32, #tpu.memory_space<vmem>>, vector<16xf32>,
          tpu.vector_store %arg10[%parallel_loop3A_272, %parallel_loop3A_273, %parallel_loop3A_274], %get3A_79 {strides = array<i32>} : memref<5x16x256xf32, #tpu.memory_space<vmem>>, vector<16xf32>,
          %parallel_loop3A_276 = arith.index_cast %parallel_loop3A_261 : i32 to index
          %parallel_loop3A_277 = arith.constant 16 : index
          %parallel_loop3A_278 = tpu.vector_load %arg8[%parallel_loop3A_276, %parallel_loop3A_277] {strides = array<i32>} : memref<88x128xf32, #tpu.memory_space<vmem>>, vector<16xf32>,
          %parallel_loop3A_279 = arith.subf %parallel_loop3A_278, %get3A_83 : vector<16xf32>
          %parallel_loop3A_280 = arith.constant 0 : i32
          %parallel_loop3A_281 = arith.index_cast %parallel_loop3A_280 : i32 to index
          %parallel_loop3A_282 = arith.index_cast %parallel_loop3A_259 : i32 to index
          %parallel_loop3A_283 = arith.constant 16 : index
          %parallel_loop3A_284 = tpu.vector_load %arg10[%parallel_loop3A_281, %parallel_loop3A_282, %parallel_loop3A_283] {strides = array<i32>} : memref<5x16x256xf32, #tpu.memory_space<vmem>>, vector<16xf32>,
          tpu.vector_store %arg10[%parallel_loop3A_281, %parallel_loop3A_282, %parallel_loop3A_283], %parallel_loop3A_279 {strides = array<i32>} : memref<5x16x256xf32, #tpu.memory_space<vmem>>, vector<16xf32>,
          %parallel_loop3A_285 = arith.constant 0 : i32
          %parallel_loop3A_286 = arith.index_cast %parallel_loop3A_285 : i32 to index
          %parallel_loop3A_287 = arith.index_cast %parallel_loop3A_259 : i32 to index
          %parallel_loop3A_288 = arith.constant 144 : index
          %parallel_loop3A_289 = tpu.vector_load %arg10[%parallel_loop3A_286, %parallel_loop3A_287, %parallel_loop3A_288] {strides = array<i32>} : memref<5x16x256xf32, #tpu.memory_space<vmem>>, vector<16xf32>,
          tpu.vector_store %arg10[%parallel_loop3A_286, %parallel_loop3A_287, %parallel_loop3A_288], %get3A_83 {strides = array<i32>} : memref<5x16x256xf32, #tpu.memory_space<vmem>>, vector<16xf32>,
          %parallel_loop3A_290 = arith.index_cast %parallel_loop3A_261 : i32 to index
          %parallel_loop3A_291 = arith.constant 32 : index
          %parallel_loop3A_292 = tpu.vector_load %arg8[%parallel_loop3A_290, %parallel_loop3A_291] {strides = array<i32>} : memref<88x128xf32, #tpu.memory_space<vmem>>, vector<16xf32>,
          %parallel_loop3A_293 = arith.subf %parallel_loop3A_292, %get3A_87 : vector<16xf32>
          %parallel_loop3A_294 = arith.constant 0 : i32
          %parallel_loop3A_295 = arith.index_cast %parallel_loop3A_294 : i32 to index
          %parallel_loop3A_296 = arith.index_cast %parallel_loop3A_259 : i32 to index
          %parallel_loop3A_297 = arith.constant 32 : index
          %parallel_loop3A_298 = tpu.vector_load %arg10[%parallel_loop3A_295, %parallel_loop3A_296, %parallel_loop3A_297] {strides = array<i32>} : memref<5x16x256xf32, #tpu.memory_space<vmem>>, vector<16xf32>,
          tpu.vector_store %arg10[%parallel_loop3A_295, %parallel_loop3A_296, %parallel_loop3A_297], %parallel_loop3A_293 {strides = array<i32>} : memref<5x16x256xf32, #tpu.memory_space<vmem>>, vector<16xf32>,
          %parallel_loop3A_299 = arith.constant 0 : i32
          %parallel_loop3A_300 = arith.index_cast %parallel_loop3A_299 : i32 to index
          %parallel_loop3A_301 = arith.index_cast %parallel_loop3A_259 : i32 to index
          %parallel_loop3A_302 = arith.constant 160 : index
          %parallel_loop3A_303 = tpu.vector_load %arg10[%parallel_loop3A_300, %parallel_loop3A_301, %parallel_loop3A_302] {strides = array<i32>} : memref<5x16x256xf32, #tpu.memory_space<vmem>>, vector<16xf32>,
          tpu.vector_store %arg10[%parallel_loop3A_300, %parallel_loop3A_301, %parallel_loop3A_302], %get3A_87 {strides = array<i32>} : memref<5x16x256xf32, #tpu.memory_space<vmem>>, vector<16xf32>,
          %parallel_loop3A_304 = arith.index_cast %parallel_loop3A_261 : i32 to index
          %parallel_loop3A_305 = arith.constant 48 : index
          %parallel_loop3A_306 = tpu.vector_load %arg8[%parallel_loop3A_304, %parallel_loop3A_305] {strides = array<i32>} : memref<88x128xf32, #tpu.memory_space<vmem>>, vector<16xf32>,
          %parallel_loop3A_307 = arith.subf %parallel_loop3A_306, %get3A_91 : vector<16xf32>
          %parallel_loop3A_308 = arith.constant 0 : i32
          %parallel_loop3A_309 = arith.index_cast %parallel_loop3A_308 : i32 to index
          %parallel_loop3A_310 = arith.index_cast %parallel_loop3A_259 : i32 to index
          %parallel_loop3A_311 = arith.constant 48 : index
          %parallel_loop3A_312 = tpu.vector_load %arg10[%parallel_loop3A_309, %parallel_loop3A_310, %parallel_loop3A_311] {strides = array<i32>} : memref<5x16x256xf32, #tpu.memory_space<vmem>>, vector<16xf32>,
          tpu.vector_store %arg10[%parallel_loop3A_309, %parallel_loop3A_310, %parallel_loop3A_311], %parallel_loop3A_307 {strides = array<i32>} : memref<5x16x256xf32, #tpu.memory_space<vmem>>, vector<16xf32>,
          %parallel_loop3A_313 = arith.constant 0 : i32
          %parallel_loop3A_314 = arith.index_cast %parallel_loop3A_313 : i32 to index
          %parallel_loop3A_315 = arith.index_cast %parallel_loop3A_259 : i32 to index
          %parallel_loop3A_316 = arith.constant 176 : index
          %parallel_loop3A_317 = tpu.vector_load %arg10[%parallel_loop3A_314, %parallel_loop3A_315, %parallel_loop3A_316] {strides = array<i32>} : memref<5x16x256xf32, #tpu.memory_space<vmem>>, vector<16xf32>,
          tpu.vector_store %arg10[%parallel_loop3A_314, %parallel_loop3A_315, %parallel_loop3A_316], %get3A_91 {strides = array<i32>} : memref<5x16x256xf32, #tpu.memory_space<vmem>>, vector<16xf32>,
          %parallel_loop3A_318 = arith.index_cast %parallel_loop3A_261 : i32 to index
          %parallel_loop3A_319 = arith.constant 64 : index
          %parallel_loop3A_320 = tpu.vector_load %arg8[%parallel_loop3A_318, %parallel_loop3A_319] {strides = array<i32>} : memref<88x128xf32, #tpu.memory_space<vmem>>, vector<16xf32>,
          %parallel_loop3A_321 = arith.subf %parallel_loop3A_320, %get3A_95 : vector<16xf32>
          %parallel_loop3A_322 = arith.constant 0 : i32
          %parallel_loop3A_323 = arith.index_cast %parallel_loop3A_322 : i32 to index
          %parallel_loop3A_324 = arith.index_cast %parallel_loop3A_259 : i32 to index
          %parallel_loop3A_325 = arith.constant 64 : index
          %parallel_loop3A_326 = tpu.vector_load %arg10[%parallel_loop3A_323, %parallel_loop3A_324, %parallel_loop3A_325] {strides = array<i32>} : memref<5x16x256xf32, #tpu.memory_space<vmem>>, vector<16xf32>,
          tpu.vector_store %arg10[%parallel_loop3A_323, %parallel_loop3A_324, %parallel_loop3A_325], %parallel_loop3A_321 {strides = array<i32>} : memref<5x16x256xf32, #tpu.memory_space<vmem>>, vector<16xf32>,
          %parallel_loop3A_327 = arith.constant 0 : i32
          %parallel_loop3A_328 = arith.index_cast %parallel_loop3A_327 : i32 to index
          %parallel_loop3A_329 = arith.index_cast %parallel_loop3A_259 : i32 to index
          %parallel_loop3A_330 = arith.constant 192 : index
          %parallel_loop3A_331 = tpu.vector_load %arg10[%parallel_loop3A_328, %parallel_loop3A_329, %parallel_loop3A_330] {strides = array<i32>} : memref<5x16x256xf32, #tpu.memory_space<vmem>>, vector<16xf32>,
          tpu.vector_store %arg10[%parallel_loop3A_328, %parallel_loop3A_329, %parallel_loop3A_330], %get3A_95 {strides = array<i32>} : memref<5x16x256xf32, #tpu.memory_space<vmem>>, vector<16xf32>,
          %parallel_loop3A_332 = arith.index_cast %parallel_loop3A_261 : i32 to index
          %parallel_loop3A_333 = arith.constant 80 : index
          %parallel_loop3A_334 = tpu.vector_load %arg8[%parallel_loop3A_332, %parallel_loop3A_333] {strides = array<i32>} : memref<88x128xf32, #tpu.memory_space<vmem>>, vector<16xf32>,
          %parallel_loop3A_335 = arith.subf %parallel_loop3A_334, %get3A_99 : vector<16xf32>
          %parallel_loop3A_336 = arith.constant 0 : i32
          %parallel_loop3A_337 = arith.index_cast %parallel_loop3A_336 : i32 to index
          %parallel_loop3A_338 = arith.index_cast %parallel_loop3A_259 : i32 to index
          %parallel_loop3A_339 = arith.constant 80 : index
          %parallel_loop3A_340 = tpu.vector_load %arg10[%parallel_loop3A_337, %parallel_loop3A_338, %parallel_loop3A_339] {strides = array<i32>} : memref<5x16x256xf32, #tpu.memory_space<vmem>>, vector<16xf32>,
          tpu.vector_store %arg10[%parallel_loop3A_337, %parallel_loop3A_338, %parallel_loop3A_339], %parallel_loop3A_335 {strides = array<i32>} : memref<5x16x256xf32, #tpu.memory_space<vmem>>, vector<16xf32>,
          %parallel_loop3A_341 = arith.constant 0 : i32
          %parallel_loop3A_342 = arith.index_cast %parallel_loop3A_341 : i32 to index
          %parallel_loop3A_343 = arith.index_cast %parallel_loop3A_259 : i32 to index
          %parallel_loop3A_344 = arith.constant 208 : index
          %parallel_loop3A_345 = tpu.vector_load %arg10[%parallel_loop3A_342, %parallel_loop3A_343, %parallel_loop3A_344] {strides = array<i32>} : memref<5x16x256xf32, #tpu.memory_space<vmem>>, vector<16xf32>,
          tpu.vector_store %arg10[%parallel_loop3A_342, %parallel_loop3A_343, %parallel_loop3A_344], %get3A_99 {strides = array<i32>} : memref<5x16x256xf32, #tpu.memory_space<vmem>>, vector<16xf32>,
          %parallel_loop3A_346 = arith.index_cast %parallel_loop3A_261 : i32 to index
          %parallel_loop3A_347 = arith.constant 96 : index
          %parallel_loop3A_348 = tpu.vector_load %arg8[%parallel_loop3A_346, %parallel_loop3A_347] {strides = array<i32>} : memref<88x128xf32, #tpu.memory_space<vmem>>, vector<16xf32>,
          %parallel_loop3A_349 = arith.subf %parallel_loop3A_348, %get3A_103 : vector<16xf32>
          %parallel_loop3A_350 = arith.constant 0 : i32
          %parallel_loop3A_351 = arith.index_cast %parallel_loop3A_350 : i32 to index
          %parallel_loop3A_352 = arith.index_cast %parallel_loop3A_259 : i32 to index
          %parallel_loop3A_353 = arith.constant 96 : index
          %parallel_loop3A_354 = tpu.vector_load %arg10[%parallel_loop3A_351, %parallel_loop3A_352, %parallel_loop3A_353] {strides = array<i32>} : memref<5x16x256xf32, #tpu.memory_space<vmem>>, vector<16xf32>,
          tpu.vector_store %arg10[%parallel_loop3A_351, %parallel_loop3A_352, %parallel_loop3A_353], %parallel_loop3A_349 {strides = array<i32>} : memref<5x16x256xf32, #tpu.memory_space<vmem>>, vector<16xf32>,
          %parallel_loop3A_355 = arith.constant 0 : i32
          %parallel_loop3A_356 = arith.index_cast %parallel_loop3A_355 : i32 to index
          %parallel_loop3A_357 = arith.index_cast %parallel_loop3A_259 : i32 to index
          %parallel_loop3A_358 = arith.constant 224 : index
          %parallel_loop3A_359 = tpu.vector_load %arg10[%parallel_loop3A_356, %parallel_loop3A_357, %parallel_loop3A_358] {strides = array<i32>} : memref<5x16x256xf32, #tpu.memory_space<vmem>>, vector<16xf32>,
          tpu.vector_store %arg10[%parallel_loop3A_356, %parallel_loop3A_357, %parallel_loop3A_358], %get3A_103 {strides = array<i32>} : memref<5x16x256xf32, #tpu.memory_space<vmem>>, vector<16xf32>,
          %parallel_loop3A_360 = arith.index_cast %parallel_loop3A_261 : i32 to index
          %parallel_loop3A_361 = arith.constant 112 : index
          %parallel_loop3A_362 = tpu.vector_load %arg8[%parallel_loop3A_360, %parallel_loop3A_361] {strides = array<i32>} : memref<88x128xf32, #tpu.memory_space<vmem>>, vector<16xf32>,
          %parallel_loop3A_363 = arith.subf %parallel_loop3A_362, %get3A_107 : vector<16xf32>
          %parallel_loop3A_364 = arith.constant 0 : i32
          %parallel_loop3A_365 = arith.index_cast %parallel_loop3A_364 : i32 to index
          %parallel_loop3A_366 = arith.index_cast %parallel_loop3A_259 : i32 to index
          %parallel_loop3A_367 = arith.constant 112 : index
          %parallel_loop3A_368 = tpu.vector_load %arg10[%parallel_loop3A_365, %parallel_loop3A_366, %parallel_loop3A_367] {strides = array<i32>} : memref<5x16x256xf32, #tpu.memory_space<vmem>>, vector<16xf32>,
          tpu.vector_store %arg10[%parallel_loop3A_365, %parallel_loop3A_366, %parallel_loop3A_367], %parallel_loop3A_363 {strides = array<i32>} : memref<5x16x256xf32, #tpu.memory_space<vmem>>, vector<16xf32>,
          %parallel_loop3A_369 = arith.constant 0 : i32
          %parallel_loop3A_370 = arith.index_cast %parallel_loop3A_369 : i32 to index
          %parallel_loop3A_371 = arith.index_cast %parallel_loop3A_259 : i32 to index
          %parallel_loop3A_372 = arith.constant 240 : index
          %parallel_loop3A_373 = tpu.vector_load %arg10[%parallel_loop3A_370, %parallel_loop3A_371, %parallel_loop3A_372] {strides = array<i32>} : memref<5x16x256xf32, #tpu.memory_space<vmem>>, vector<16xf32>,
          tpu.vector_store %arg10[%parallel_loop3A_370, %parallel_loop3A_371, %parallel_loop3A_372], %get3A_107 {strides = array<i32>} : memref<5x16x256xf32, #tpu.memory_space<vmem>>, vector<16xf32>,
        } {sc.loop_unroll_factor = 8 : i64, sc.parallel_access}
        %get3A_110 = arith.constant 81 : i32
        %get3A_111 = arith.index_cast %get3A_110 : i32 to index
        %get3A_112 = arith.constant 0 : index
        %get3A_113 = tpu.vector_load %arg8[%get3A_111, %get3A_112] {strides = array<i32>} : memref<88x128xf32, #tpu.memory_space<vmem>>, vector<16xf32>,
        %get3A_114 = arith.constant 81 : i32
        %get3A_115 = arith.index_cast %get3A_114 : i32 to index
        %get3A_116 = arith.constant 16 : index
        %get3A_117 = tpu.vector_load %arg8[%get3A_115, %get3A_116] {strides = array<i32>} : memref<88x128xf32, #tpu.memory_space<vmem>>, vector<16xf32>,
        %get3A_118 = arith.constant 81 : i32
        %get3A_119 = arith.index_cast %get3A_118 : i32 to index
        %get3A_120 = arith.constant 32 : index
        %get3A_121 = tpu.vector_load %arg8[%get3A_119, %get3A_120] {strides = array<i32>} : memref<88x128xf32, #tpu.memory_space<vmem>>, vector<16xf32>,
        %get3A_122 = arith.constant 81 : i32
        %get3A_123 = arith.index_cast %get3A_122 : i32 to index
        %get3A_124 = arith.constant 48 : index
        %get3A_125 = tpu.vector_load %arg8[%get3A_123, %get3A_124] {strides = array<i32>} : memref<88x128xf32, #tpu.memory_space<vmem>>, vector<16xf32>,
        %get3A_126 = arith.constant 81 : i32
        %get3A_127 = arith.index_cast %get3A_126 : i32 to index
        %get3A_128 = arith.constant 64 : index
        %get3A_129 = tpu.vector_load %arg8[%get3A_127, %get3A_128] {strides = array<i32>} : memref<88x128xf32, #tpu.memory_space<vmem>>, vector<16xf32>,
        %get3A_130 = arith.constant 81 : i32
        %get3A_131 = arith.index_cast %get3A_130 : i32 to index
        %get3A_132 = arith.constant 80 : index
        %get3A_133 = tpu.vector_load %arg8[%get3A_131, %get3A_132] {strides = array<i32>} : memref<88x128xf32, #tpu.memory_space<vmem>>, vector<16xf32>,
        %get3A_134 = arith.constant 81 : i32
        %get3A_135 = arith.index_cast %get3A_134 : i32 to index
        %get3A_136 = arith.constant 96 : index
        %get3A_137 = tpu.vector_load %arg8[%get3A_135, %get3A_136] {strides = array<i32>} : memref<88x128xf32, #tpu.memory_space<vmem>>, vector<16xf32>,
        %get3A_138 = arith.constant 81 : i32
        %get3A_139 = arith.index_cast %get3A_138 : i32 to index
        %get3A_140 = arith.constant 112 : index
        %get3A_141 = tpu.vector_load %arg8[%get3A_139, %get3A_140] {strides = array<i32>} : memref<88x128xf32, #tpu.memory_space<vmem>>, vector<16xf32>,
        %parallel_loop3A_142 = arith.constant 0 : i32
        %parallel_loop3A_143 = arith.constant 16 : i32
        %parallel_loop3A_144 = arith.constant 1 : i32
        scf.for %parallel_loop3A_259 = %parallel_loop3A_142 to %parallel_loop3A_143 step %parallel_loop3A_144  : i32 {
          %parallel_loop3A_260 = arith.constant 16 : i32
          %parallel_loop3A_261 = arith.addi %parallel_loop3A_260, %parallel_loop3A_259 : i32
          %parallel_loop3A_262 = arith.index_cast %parallel_loop3A_261 : i32 to index
          %parallel_loop3A_263 = arith.constant 0 : index
          %parallel_loop3A_264 = tpu.vector_load %arg8[%parallel_loop3A_262, %parallel_loop3A_263] {strides = array<i32>} : memref<88x128xf32, #tpu.memory_space<vmem>>, vector<16xf32>,
          %parallel_loop3A_265 = arith.subf %parallel_loop3A_264, %get3A_113 : vector<16xf32>
          %parallel_loop3A_266 = arith.constant 1 : i32
          %parallel_loop3A_267 = arith.index_cast %parallel_loop3A_266 : i32 to index
          %parallel_loop3A_268 = arith.index_cast %parallel_loop3A_259 : i32 to index
          %parallel_loop3A_269 = arith.constant 0 : index
          %parallel_loop3A_270 = tpu.vector_load %arg10[%parallel_loop3A_267, %parallel_loop3A_268, %parallel_loop3A_269] {strides = array<i32>} : memref<5x16x256xf32, #tpu.memory_space<vmem>>, vector<16xf32>,
          tpu.vector_store %arg10[%parallel_loop3A_267, %parallel_loop3A_268, %parallel_loop3A_269], %parallel_loop3A_265 {strides = array<i32>} : memref<5x16x256xf32, #tpu.memory_space<vmem>>, vector<16xf32>,
          %parallel_loop3A_271 = arith.constant 1 : i32
          %parallel_loop3A_272 = arith.index_cast %parallel_loop3A_271 : i32 to index
          %parallel_loop3A_273 = arith.index_cast %parallel_loop3A_259 : i32 to index
          %parallel_loop3A_274 = arith.constant 128 : index
          %parallel_loop3A_275 = tpu.vector_load %arg10[%parallel_loop3A_272, %parallel_loop3A_273, %parallel_loop3A_274] {strides = array<i32>} : memref<5x16x256xf32, #tpu.memory_space<vmem>>, vector<16xf32>,
          tpu.vector_store %arg10[%parallel_loop3A_272, %parallel_loop3A_273, %parallel_loop3A_274], %get3A_113 {strides = array<i32>} : memref<5x16x256xf32, #tpu.memory_space<vmem>>, vector<16xf32>,
          %parallel_loop3A_276 = arith.index_cast %parallel_loop3A_261 : i32 to index
          %parallel_loop3A_277 = arith.constant 16 : index
          %parallel_loop3A_278 = tpu.vector_load %arg8[%parallel_loop3A_276, %parallel_loop3A_277] {strides = array<i32>} : memref<88x128xf32, #tpu.memory_space<vmem>>, vector<16xf32>,
          %parallel_loop3A_279 = arith.subf %parallel_loop3A_278, %get3A_117 : vector<16xf32>
          %parallel_loop3A_280 = arith.constant 1 : i32
          %parallel_loop3A_281 = arith.index_cast %parallel_loop3A_280 : i32 to index
          %parallel_loop3A_282 = arith.index_cast %parallel_loop3A_259 : i32 to index
          %parallel_loop3A_283 = arith.constant 16 : index
          %parallel_loop3A_284 = tpu.vector_load %arg10[%parallel_loop3A_281, %parallel_loop3A_282, %parallel_loop3A_283] {strides = array<i32>} : memref<5x16x256xf32, #tpu.memory_space<vmem>>, vector<16xf32>,
          tpu.vector_store %arg10[%parallel_loop3A_281, %parallel_loop3A_282, %parallel_loop3A_283], %parallel_loop3A_279 {strides = array<i32>} : memref<5x16x256xf32, #tpu.memory_space<vmem>>, vector<16xf32>,
          %parallel_loop3A_285 = arith.constant 1 : i32
          %parallel_loop3A_286 = arith.index_cast %parallel_loop3A_285 : i32 to index
          %parallel_loop3A_287 = arith.index_cast %parallel_loop3A_259 : i32 to index
          %parallel_loop3A_288 = arith.constant 144 : index
          %parallel_loop3A_289 = tpu.vector_load %arg10[%parallel_loop3A_286, %parallel_loop3A_287, %parallel_loop3A_288] {strides = array<i32>} : memref<5x16x256xf32, #tpu.memory_space<vmem>>, vector<16xf32>,
          tpu.vector_store %arg10[%parallel_loop3A_286, %parallel_loop3A_287, %parallel_loop3A_288], %get3A_117 {strides = array<i32>} : memref<5x16x256xf32, #tpu.memory_space<vmem>>, vector<16xf32>,
          %parallel_loop3A_290 = arith.index_cast %parallel_loop3A_261 : i32 to index
          %parallel_loop3A_291 = arith.constant 32 : index
          %parallel_loop3A_292 = tpu.vector_load %arg8[%parallel_loop3A_290, %parallel_loop3A_291] {strides = array<i32>} : memref<88x128xf32, #tpu.memory_space<vmem>>, vector<16xf32>,
          %parallel_loop3A_293 = arith.subf %parallel_loop3A_292, %get3A_121 : vector<16xf32>
          %parallel_loop3A_294 = arith.constant 1 : i32
          %parallel_loop3A_295 = arith.index_cast %parallel_loop3A_294 : i32 to index
          %parallel_loop3A_296 = arith.index_cast %parallel_loop3A_259 : i32 to index
          %parallel_loop3A_297 = arith.constant 32 : index
          %parallel_loop3A_298 = tpu.vector_load %arg10[%parallel_loop3A_295, %parallel_loop3A_296, %parallel_loop3A_297] {strides = array<i32>} : memref<5x16x256xf32, #tpu.memory_space<vmem>>, vector<16xf32>,
          tpu.vector_store %arg10[%parallel_loop3A_295, %parallel_loop3A_296, %parallel_loop3A_297], %parallel_loop3A_293 {strides = array<i32>} : memref<5x16x256xf32, #tpu.memory_space<vmem>>, vector<16xf32>,
          %parallel_loop3A_299 = arith.constant 1 : i32
          %parallel_loop3A_300 = arith.index_cast %parallel_loop3A_299 : i32 to index
          %parallel_loop3A_301 = arith.index_cast %parallel_loop3A_259 : i32 to index
          %parallel_loop3A_302 = arith.constant 160 : index
          %parallel_loop3A_303 = tpu.vector_load %arg10[%parallel_loop3A_300, %parallel_loop3A_301, %parallel_loop3A_302] {strides = array<i32>} : memref<5x16x256xf32, #tpu.memory_space<vmem>>, vector<16xf32>,
          tpu.vector_store %arg10[%parallel_loop3A_300, %parallel_loop3A_301, %parallel_loop3A_302], %get3A_121 {strides = array<i32>} : memref<5x16x256xf32, #tpu.memory_space<vmem>>, vector<16xf32>,
          %parallel_loop3A_304 = arith.index_cast %parallel_loop3A_261 : i32 to index
          %parallel_loop3A_305 = arith.constant 48 : index
          %parallel_loop3A_306 = tpu.vector_load %arg8[%parallel_loop3A_304, %parallel_loop3A_305] {strides = array<i32>} : memref<88x128xf32, #tpu.memory_space<vmem>>, vector<16xf32>,
          %parallel_loop3A_307 = arith.subf %parallel_loop3A_306, %get3A_125 : vector<16xf32>
          %parallel_loop3A_308 = arith.constant 1 : i32
          %parallel_loop3A_309 = arith.index_cast %parallel_loop3A_308 : i32 to index
          %parallel_loop3A_310 = arith.index_cast %parallel_loop3A_259 : i32 to index
          %parallel_loop3A_311 = arith.constant 48 : index
          %parallel_loop3A_312 = tpu.vector_load %arg10[%parallel_loop3A_309, %parallel_loop3A_310, %parallel_loop3A_311] {strides = array<i32>} : memref<5x16x256xf32, #tpu.memory_space<vmem>>, vector<16xf32>,
          tpu.vector_store %arg10[%parallel_loop3A_309, %parallel_loop3A_310, %parallel_loop3A_311], %parallel_loop3A_307 {strides = array<i32>} : memref<5x16x256xf32, #tpu.memory_space<vmem>>, vector<16xf32>,
          %parallel_loop3A_313 = arith.constant 1 : i32
          %parallel_loop3A_314 = arith.index_cast %parallel_loop3A_313 : i32 to index
          %parallel_loop3A_315 = arith.index_cast %parallel_loop3A_259 : i32 to index
          %parallel_loop3A_316 = arith.constant 176 : index
          %parallel_loop3A_317 = tpu.vector_load %arg10[%parallel_loop3A_314, %parallel_loop3A_315, %parallel_loop3A_316] {strides = array<i32>} : memref<5x16x256xf32, #tpu.memory_space<vmem>>, vector<16xf32>,
          tpu.vector_store %arg10[%parallel_loop3A_314, %parallel_loop3A_315, %parallel_loop3A_316], %get3A_125 {strides = array<i32>} : memref<5x16x256xf32, #tpu.memory_space<vmem>>, vector<16xf32>,
          %parallel_loop3A_318 = arith.index_cast %parallel_loop3A_261 : i32 to index
          %parallel_loop3A_319 = arith.constant 64 : index
          %parallel_loop3A_320 = tpu.vector_load %arg8[%parallel_loop3A_318, %parallel_loop3A_319] {strides = array<i32>} : memref<88x128xf32, #tpu.memory_space<vmem>>, vector<16xf32>,
          %parallel_loop3A_321 = arith.subf %parallel_loop3A_320, %get3A_129 : vector<16xf32>
          %parallel_loop3A_322 = arith.constant 1 : i32
          %parallel_loop3A_323 = arith.index_cast %parallel_loop3A_322 : i32 to index
          %parallel_loop3A_324 = arith.index_cast %parallel_loop3A_259 : i32 to index
          %parallel_loop3A_325 = arith.constant 64 : index
          %parallel_loop3A_326 = tpu.vector_load %arg10[%parallel_loop3A_323, %parallel_loop3A_324, %parallel_loop3A_325] {strides = array<i32>} : memref<5x16x256xf32, #tpu.memory_space<vmem>>, vector<16xf32>,
          tpu.vector_store %arg10[%parallel_loop3A_323, %parallel_loop3A_324, %parallel_loop3A_325], %parallel_loop3A_321 {strides = array<i32>} : memref<5x16x256xf32, #tpu.memory_space<vmem>>, vector<16xf32>,
          %parallel_loop3A_327 = arith.constant 1 : i32
          %parallel_loop3A_328 = arith.index_cast %parallel_loop3A_327 : i32 to index
          %parallel_loop3A_329 = arith.index_cast %parallel_loop3A_259 : i32 to index
          %parallel_loop3A_330 = arith.constant 192 : index
          %parallel_loop3A_331 = tpu.vector_load %arg10[%parallel_loop3A_328, %parallel_loop3A_329, %parallel_loop3A_330] {strides = array<i32>} : memref<5x16x256xf32, #tpu.memory_space<vmem>>, vector<16xf32>,
          tpu.vector_store %arg10[%parallel_loop3A_328, %parallel_loop3A_329, %parallel_loop3A_330], %get3A_129 {strides = array<i32>} : memref<5x16x256xf32, #tpu.memory_space<vmem>>, vector<16xf32>,
          %parallel_loop3A_332 = arith.index_cast %parallel_loop3A_261 : i32 to index
          %parallel_loop3A_333 = arith.constant 80 : index
          %parallel_loop3A_334 = tpu.vector_load %arg8[%parallel_loop3A_332, %parallel_loop3A_333] {strides = array<i32>} : memref<88x128xf32, #tpu.memory_space<vmem>>, vector<16xf32>,
          %parallel_loop3A_335 = arith.subf %parallel_loop3A_334, %get3A_133 : vector<16xf32>
          %parallel_loop3A_336 = arith.constant 1 : i32
          %parallel_loop3A_337 = arith.index_cast %parallel_loop3A_336 : i32 to index
          %parallel_loop3A_338 = arith.index_cast %parallel_loop3A_259 : i32 to index
          %parallel_loop3A_339 = arith.constant 80 : index
          %parallel_loop3A_340 = tpu.vector_load %arg10[%parallel_loop3A_337, %parallel_loop3A_338, %parallel_loop3A_339] {strides = array<i32>} : memref<5x16x256xf32, #tpu.memory_space<vmem>>, vector<16xf32>,
          tpu.vector_store %arg10[%parallel_loop3A_337, %parallel_loop3A_338, %parallel_loop3A_339], %parallel_loop3A_335 {strides = array<i32>} : memref<5x16x256xf32, #tpu.memory_space<vmem>>, vector<16xf32>,
          %parallel_loop3A_341 = arith.constant 1 : i32
          %parallel_loop3A_342 = arith.index_cast %parallel_loop3A_341 : i32 to index
          %parallel_loop3A_343 = arith.index_cast %parallel_loop3A_259 : i32 to index
          %parallel_loop3A_344 = arith.constant 208 : index
          %parallel_loop3A_345 = tpu.vector_load %arg10[%parallel_loop3A_342, %parallel_loop3A_343, %parallel_loop3A_344] {strides = array<i32>} : memref<5x16x256xf32, #tpu.memory_space<vmem>>, vector<16xf32>,
          tpu.vector_store %arg10[%parallel_loop3A_342, %parallel_loop3A_343, %parallel_loop3A_344], %get3A_133 {strides = array<i32>} : memref<5x16x256xf32, #tpu.memory_space<vmem>>, vector<16xf32>,
          %parallel_loop3A_346 = arith.index_cast %parallel_loop3A_261 : i32 to index
          %parallel_loop3A_347 = arith.constant 96 : index
          %parallel_loop3A_348 = tpu.vector_load %arg8[%parallel_loop3A_346, %parallel_loop3A_347] {strides = array<i32>} : memref<88x128xf32, #tpu.memory_space<vmem>>, vector<16xf32>,
          %parallel_loop3A_349 = arith.subf %parallel_loop3A_348, %get3A_137 : vector<16xf32>
          %parallel_loop3A_350 = arith.constant 1 : i32
          %parallel_loop3A_351 = arith.index_cast %parallel_loop3A_350 : i32 to index
          %parallel_loop3A_352 = arith.index_cast %parallel_loop3A_259 : i32 to index
          %parallel_loop3A_353 = arith.constant 96 : index
          %parallel_loop3A_354 = tpu.vector_load %arg10[%parallel_loop3A_351, %parallel_loop3A_352, %parallel_loop3A_353] {strides = array<i32>} : memref<5x16x256xf32, #tpu.memory_space<vmem>>, vector<16xf32>,
          tpu.vector_store %arg10[%parallel_loop3A_351, %parallel_loop3A_352, %parallel_loop3A_353], %parallel_loop3A_349 {strides = array<i32>} : memref<5x16x256xf32, #tpu.memory_space<vmem>>, vector<16xf32>,
          %parallel_loop3A_355 = arith.constant 1 : i32
          %parallel_loop3A_356 = arith.index_cast %parallel_loop3A_355 : i32 to index
          %parallel_loop3A_357 = arith.index_cast %parallel_loop3A_259 : i32 to index
          %parallel_loop3A_358 = arith.constant 224 : index
          %parallel_loop3A_359 = tpu.vector_load %arg10[%parallel_loop3A_356, %parallel_loop3A_357, %parallel_loop3A_358] {strides = array<i32>} : memref<5x16x256xf32, #tpu.memory_space<vmem>>, vector<16xf32>,
          tpu.vector_store %arg10[%parallel_loop3A_356, %parallel_loop3A_357, %parallel_loop3A_358], %get3A_137 {strides = array<i32>} : memref<5x16x256xf32, #tpu.memory_space<vmem>>, vector<16xf32>,
          %parallel_loop3A_360 = arith.index_cast %parallel_loop3A_261 : i32 to index
          %parallel_loop3A_361 = arith.constant 112 : index
          %parallel_loop3A_362 = tpu.vector_load %arg8[%parallel_loop3A_360, %parallel_loop3A_361] {strides = array<i32>} : memref<88x128xf32, #tpu.memory_space<vmem>>, vector<16xf32>,
          %parallel_loop3A_363 = arith.subf %parallel_loop3A_362, %get3A_141 : vector<16xf32>
          %parallel_loop3A_364 = arith.constant 1 : i32
          %parallel_loop3A_365 = arith.index_cast %parallel_loop3A_364 : i32 to index
          %parallel_loop3A_366 = arith.index_cast %parallel_loop3A_259 : i32 to index
          %parallel_loop3A_367 = arith.constant 112 : index
          %parallel_loop3A_368 = tpu.vector_load %arg10[%parallel_loop3A_365, %parallel_loop3A_366, %parallel_loop3A_367] {strides = array<i32>} : memref<5x16x256xf32, #tpu.memory_space<vmem>>, vector<16xf32>,
          tpu.vector_store %arg10[%parallel_loop3A_365, %parallel_loop3A_366, %parallel_loop3A_367], %parallel_loop3A_363 {strides = array<i32>} : memref<5x16x256xf32, #tpu.memory_space<vmem>>, vector<16xf32>,
          %parallel_loop3A_369 = arith.constant 1 : i32
          %parallel_loop3A_370 = arith.index_cast %parallel_loop3A_369 : i32 to index
          %parallel_loop3A_371 = arith.index_cast %parallel_loop3A_259 : i32 to index
          %parallel_loop3A_372 = arith.constant 240 : index
          %parallel_loop3A_373 = tpu.vector_load %arg10[%parallel_loop3A_370, %parallel_loop3A_371, %parallel_loop3A_372] {strides = array<i32>} : memref<5x16x256xf32, #tpu.memory_space<vmem>>, vector<16xf32>,
          tpu.vector_store %arg10[%parallel_loop3A_370, %parallel_loop3A_371, %parallel_loop3A_372], %get3A_141 {strides = array<i32>} : memref<5x16x256xf32, #tpu.memory_space<vmem>>, vector<16xf32>,
        } {sc.loop_unroll_factor = 8 : i64, sc.parallel_access}
        %get3A_145 = arith.constant 82 : i32
        %get3A_146 = arith.index_cast %get3A_145 : i32 to index
        %get3A_147 = arith.constant 0 : index
        %get3A_148 = tpu.vector_load %arg8[%get3A_146, %get3A_147] {strides = array<i32>} : memref<88x128xf32, #tpu.memory_space<vmem>>, vector<16xf32>,
        %get3A_149 = arith.constant 82 : i32
        %get3A_150 = arith.index_cast %get3A_149 : i32 to index
        %get3A_151 = arith.constant 16 : index
        %get3A_152 = tpu.vector_load %arg8[%get3A_150, %get3A_151] {strides = array<i32>} : memref<88x128xf32, #tpu.memory_space<vmem>>, vector<16xf32>,
        %get3A_153 = arith.constant 82 : i32
        %get3A_154 = arith.index_cast %get3A_153 : i32 to index
        %get3A_155 = arith.constant 32 : index
        %get3A_156 = tpu.vector_load %arg8[%get3A_154, %get3A_155] {strides = array<i32>} : memref<88x128xf32, #tpu.memory_space<vmem>>, vector<16xf32>,
        %get3A_157 = arith.constant 82 : i32
        %get3A_158 = arith.index_cast %get3A_157 : i32 to index
        %get3A_159 = arith.constant 48 : index
        %get3A_160 = tpu.vector_load %arg8[%get3A_158, %get3A_159] {strides = array<i32>} : memref<88x128xf32, #tpu.memory_space<vmem>>, vector<16xf32>,
        %get3A_161 = arith.constant 82 : i32
        %get3A_162 = arith.index_cast %get3A_161 : i32 to index
        %get3A_163 = arith.constant 64 : index
        %get3A_164 = tpu.vector_load %arg8[%get3A_162, %get3A_163] {strides = array<i32>} : memref<88x128xf32, #tpu.memory_space<vmem>>, vector<16xf32>,
        %get3A_165 = arith.constant 82 : i32
        %get3A_166 = arith.index_cast %get3A_165 : i32 to index
        %get3A_167 = arith.constant 80 : index
        %get3A_168 = tpu.vector_load %arg8[%get3A_166, %get3A_167] {strides = array<i32>} : memref<88x128xf32, #tpu.memory_space<vmem>>, vector<16xf32>,
        %get3A_169 = arith.constant 82 : i32
        %get3A_170 = arith.index_cast %get3A_169 : i32 to index
        %get3A_171 = arith.constant 96 : index
        %get3A_172 = tpu.vector_load %arg8[%get3A_170, %get3A_171] {strides = array<i32>} : memref<88x128xf32, #tpu.memory_space<vmem>>, vector<16xf32>,
        %get3A_173 = arith.constant 82 : i32
        %get3A_174 = arith.index_cast %get3A_173 : i32 to index
        %get3A_175 = arith.constant 112 : index
        %get3A_176 = tpu.vector_load %arg8[%get3A_174, %get3A_175] {strides = array<i32>} : memref<88x128xf32, #tpu.memory_space<vmem>>, vector<16xf32>,
        %parallel_loop3A_177 = arith.constant 0 : i32
        %parallel_loop3A_178 = arith.constant 16 : i32
        %parallel_loop3A_179 = arith.constant 1 : i32
        scf.for %parallel_loop3A_259 = %parallel_loop3A_177 to %parallel_loop3A_178 step %parallel_loop3A_179  : i32 {
          %parallel_loop3A_260 = arith.constant 32 : i32
          %parallel_loop3A_261 = arith.addi %parallel_loop3A_260, %parallel_loop3A_259 : i32
          %parallel_loop3A_262 = arith.index_cast %parallel_loop3A_261 : i32 to index
          %parallel_loop3A_263 = arith.constant 0 : index
          %parallel_loop3A_264 = tpu.vector_load %arg8[%parallel_loop3A_262, %parallel_loop3A_263] {strides = array<i32>} : memref<88x128xf32, #tpu.memory_space<vmem>>, vector<16xf32>,
          %parallel_loop3A_265 = arith.subf %parallel_loop3A_264, %get3A_148 : vector<16xf32>
          %parallel_loop3A_266 = arith.constant 2 : i32
          %parallel_loop3A_267 = arith.index_cast %parallel_loop3A_266 : i32 to index
          %parallel_loop3A_268 = arith.index_cast %parallel_loop3A_259 : i32 to index
          %parallel_loop3A_269 = arith.constant 0 : index
          %parallel_loop3A_270 = tpu.vector_load %arg10[%parallel_loop3A_267, %parallel_loop3A_268, %parallel_loop3A_269] {strides = array<i32>} : memref<5x16x256xf32, #tpu.memory_space<vmem>>, vector<16xf32>,
          tpu.vector_store %arg10[%parallel_loop3A_267, %parallel_loop3A_268, %parallel_loop3A_269], %parallel_loop3A_265 {strides = array<i32>} : memref<5x16x256xf32, #tpu.memory_space<vmem>>, vector<16xf32>,
          %parallel_loop3A_271 = arith.constant 2 : i32
          %parallel_loop3A_272 = arith.index_cast %parallel_loop3A_271 : i32 to index
          %parallel_loop3A_273 = arith.index_cast %parallel_loop3A_259 : i32 to index
          %parallel_loop3A_274 = arith.constant 128 : index
          %parallel_loop3A_275 = tpu.vector_load %arg10[%parallel_loop3A_272, %parallel_loop3A_273, %parallel_loop3A_274] {strides = array<i32>} : memref<5x16x256xf32, #tpu.memory_space<vmem>>, vector<16xf32>,
          tpu.vector_store %arg10[%parallel_loop3A_272, %parallel_loop3A_273, %parallel_loop3A_274], %get3A_148 {strides = array<i32>} : memref<5x16x256xf32, #tpu.memory_space<vmem>>, vector<16xf32>,
          %parallel_loop3A_276 = arith.index_cast %parallel_loop3A_261 : i32 to index
          %parallel_loop3A_277 = arith.constant 16 : index
          %parallel_loop3A_278 = tpu.vector_load %arg8[%parallel_loop3A_276, %parallel_loop3A_277] {strides = array<i32>} : memref<88x128xf32, #tpu.memory_space<vmem>>, vector<16xf32>,
          %parallel_loop3A_279 = arith.subf %parallel_loop3A_278, %get3A_152 : vector<16xf32>
          %parallel_loop3A_280 = arith.constant 2 : i32
          %parallel_loop3A_281 = arith.index_cast %parallel_loop3A_280 : i32 to index
          %parallel_loop3A_282 = arith.index_cast %parallel_loop3A_259 : i32 to index
          %parallel_loop3A_283 = arith.constant 16 : index
          %parallel_loop3A_284 = tpu.vector_load %arg10[%parallel_loop3A_281, %parallel_loop3A_282, %parallel_loop3A_283] {strides = array<i32>} : memref<5x16x256xf32, #tpu.memory_space<vmem>>, vector<16xf32>,
          tpu.vector_store %arg10[%parallel_loop3A_281, %parallel_loop3A_282, %parallel_loop3A_283], %parallel_loop3A_279 {strides = array<i32>} : memref<5x16x256xf32, #tpu.memory_space<vmem>>, vector<16xf32>,
          %parallel_loop3A_285 = arith.constant 2 : i32
          %parallel_loop3A_286 = arith.index_cast %parallel_loop3A_285 : i32 to index
          %parallel_loop3A_287 = arith.index_cast %parallel_loop3A_259 : i32 to index
          %parallel_loop3A_288 = arith.constant 144 : index
          %parallel_loop3A_289 = tpu.vector_load %arg10[%parallel_loop3A_286, %parallel_loop3A_287, %parallel_loop3A_288] {strides = array<i32>} : memref<5x16x256xf32, #tpu.memory_space<vmem>>, vector<16xf32>,
          tpu.vector_store %arg10[%parallel_loop3A_286, %parallel_loop3A_287, %parallel_loop3A_288], %get3A_152 {strides = array<i32>} : memref<5x16x256xf32, #tpu.memory_space<vmem>>, vector<16xf32>,
          %parallel_loop3A_290 = arith.index_cast %parallel_loop3A_261 : i32 to index
          %parallel_loop3A_291 = arith.constant 32 : index
          %parallel_loop3A_292 = tpu.vector_load %arg8[%parallel_loop3A_290, %parallel_loop3A_291] {strides = array<i32>} : memref<88x128xf32, #tpu.memory_space<vmem>>, vector<16xf32>,
          %parallel_loop3A_293 = arith.subf %parallel_loop3A_292, %get3A_156 : vector<16xf32>
          %parallel_loop3A_294 = arith.constant 2 : i32
          %parallel_loop3A_295 = arith.index_cast %parallel_loop3A_294 : i32 to index
          %parallel_loop3A_296 = arith.index_cast %parallel_loop3A_259 : i32 to index
          %parallel_loop3A_297 = arith.constant 32 : index
          %parallel_loop3A_298 = tpu.vector_load %arg10[%parallel_loop3A_295, %parallel_loop3A_296, %parallel_loop3A_297] {strides = array<i32>} : memref<5x16x256xf32, #tpu.memory_space<vmem>>, vector<16xf32>,
          tpu.vector_store %arg10[%parallel_loop3A_295, %parallel_loop3A_296, %parallel_loop3A_297], %parallel_loop3A_293 {strides = array<i32>} : memref<5x16x256xf32, #tpu.memory_space<vmem>>, vector<16xf32>,
          %parallel_loop3A_299 = arith.constant 2 : i32
          %parallel_loop3A_300 = arith.index_cast %parallel_loop3A_299 : i32 to index
          %parallel_loop3A_301 = arith.index_cast %parallel_loop3A_259 : i32 to index
          %parallel_loop3A_302 = arith.constant 160 : index
          %parallel_loop3A_303 = tpu.vector_load %arg10[%parallel_loop3A_300, %parallel_loop3A_301, %parallel_loop3A_302] {strides = array<i32>} : memref<5x16x256xf32, #tpu.memory_space<vmem>>, vector<16xf32>,
          tpu.vector_store %arg10[%parallel_loop3A_300, %parallel_loop3A_301, %parallel_loop3A_302], %get3A_156 {strides = array<i32>} : memref<5x16x256xf32, #tpu.memory_space<vmem>>, vector<16xf32>,
          %parallel_loop3A_304 = arith.index_cast %parallel_loop3A_261 : i32 to index
          %parallel_loop3A_305 = arith.constant 48 : index
          %parallel_loop3A_306 = tpu.vector_load %arg8[%parallel_loop3A_304, %parallel_loop3A_305] {strides = array<i32>} : memref<88x128xf32, #tpu.memory_space<vmem>>, vector<16xf32>,
          %parallel_loop3A_307 = arith.subf %parallel_loop3A_306, %get3A_160 : vector<16xf32>
          %parallel_loop3A_308 = arith.constant 2 : i32
          %parallel_loop3A_309 = arith.index_cast %parallel_loop3A_308 : i32 to index
          %parallel_loop3A_310 = arith.index_cast %parallel_loop3A_259 : i32 to index
          %parallel_loop3A_311 = arith.constant 48 : index
          %parallel_loop3A_312 = tpu.vector_load %arg10[%parallel_loop3A_309, %parallel_loop3A_310, %parallel_loop3A_311] {strides = array<i32>} : memref<5x16x256xf32, #tpu.memory_space<vmem>>, vector<16xf32>,
          tpu.vector_store %arg10[%parallel_loop3A_309, %parallel_loop3A_310, %parallel_loop3A_311], %parallel_loop3A_307 {strides = array<i32>} : memref<5x16x256xf32, #tpu.memory_space<vmem>>, vector<16xf32>,
          %parallel_loop3A_313 = arith.constant 2 : i32
          %parallel_loop3A_314 = arith.index_cast %parallel_loop3A_313 : i32 to index
          %parallel_loop3A_315 = arith.index_cast %parallel_loop3A_259 : i32 to index
          %parallel_loop3A_316 = arith.constant 176 : index
          %parallel_loop3A_317 = tpu.vector_load %arg10[%parallel_loop3A_314, %parallel_loop3A_315, %parallel_loop3A_316] {strides = array<i32>} : memref<5x16x256xf32, #tpu.memory_space<vmem>>, vector<16xf32>,
          tpu.vector_store %arg10[%parallel_loop3A_314, %parallel_loop3A_315, %parallel_loop3A_316], %get3A_160 {strides = array<i32>} : memref<5x16x256xf32, #tpu.memory_space<vmem>>, vector<16xf32>,
          %parallel_loop3A_318 = arith.index_cast %parallel_loop3A_261 : i32 to index
          %parallel_loop3A_319 = arith.constant 64 : index
          %parallel_loop3A_320 = tpu.vector_load %arg8[%parallel_loop3A_318, %parallel_loop3A_319] {strides = array<i32>} : memref<88x128xf32, #tpu.memory_space<vmem>>, vector<16xf32>,
          %parallel_loop3A_321 = arith.subf %parallel_loop3A_320, %get3A_164 : vector<16xf32>
          %parallel_loop3A_322 = arith.constant 2 : i32
          %parallel_loop3A_323 = arith.index_cast %parallel_loop3A_322 : i32 to index
          %parallel_loop3A_324 = arith.index_cast %parallel_loop3A_259 : i32 to index
          %parallel_loop3A_325 = arith.constant 64 : index
          %parallel_loop3A_326 = tpu.vector_load %arg10[%parallel_loop3A_323, %parallel_loop3A_324, %parallel_loop3A_325] {strides = array<i32>} : memref<5x16x256xf32, #tpu.memory_space<vmem>>, vector<16xf32>,
          tpu.vector_store %arg10[%parallel_loop3A_323, %parallel_loop3A_324, %parallel_loop3A_325], %parallel_loop3A_321 {strides = array<i32>} : memref<5x16x256xf32, #tpu.memory_space<vmem>>, vector<16xf32>,
          %parallel_loop3A_327 = arith.constant 2 : i32
          %parallel_loop3A_328 = arith.index_cast %parallel_loop3A_327 : i32 to index
          %parallel_loop3A_329 = arith.index_cast %parallel_loop3A_259 : i32 to index
          %parallel_loop3A_330 = arith.constant 192 : index
          %parallel_loop3A_331 = tpu.vector_load %arg10[%parallel_loop3A_328, %parallel_loop3A_329, %parallel_loop3A_330] {strides = array<i32>} : memref<5x16x256xf32, #tpu.memory_space<vmem>>, vector<16xf32>,
          tpu.vector_store %arg10[%parallel_loop3A_328, %parallel_loop3A_329, %parallel_loop3A_330], %get3A_164 {strides = array<i32>} : memref<5x16x256xf32, #tpu.memory_space<vmem>>, vector<16xf32>,
          %parallel_loop3A_332 = arith.index_cast %parallel_loop3A_261 : i32 to index
          %parallel_loop3A_333 = arith.constant 80 : index
          %parallel_loop3A_334 = tpu.vector_load %arg8[%parallel_loop3A_332, %parallel_loop3A_333] {strides = array<i32>} : memref<88x128xf32, #tpu.memory_space<vmem>>, vector<16xf32>,
          %parallel_loop3A_335 = arith.subf %parallel_loop3A_334, %get3A_168 : vector<16xf32>
          %parallel_loop3A_336 = arith.constant 2 : i32
          %parallel_loop3A_337 = arith.index_cast %parallel_loop3A_336 : i32 to index
          %parallel_loop3A_338 = arith.index_cast %parallel_loop3A_259 : i32 to index
          %parallel_loop3A_339 = arith.constant 80 : index
          %parallel_loop3A_340 = tpu.vector_load %arg10[%parallel_loop3A_337, %parallel_loop3A_338, %parallel_loop3A_339] {strides = array<i32>} : memref<5x16x256xf32, #tpu.memory_space<vmem>>, vector<16xf32>,
          tpu.vector_store %arg10[%parallel_loop3A_337, %parallel_loop3A_338, %parallel_loop3A_339], %parallel_loop3A_335 {strides = array<i32>} : memref<5x16x256xf32, #tpu.memory_space<vmem>>, vector<16xf32>,
          %parallel_loop3A_341 = arith.constant 2 : i32
          %parallel_loop3A_342 = arith.index_cast %parallel_loop3A_341 : i32 to index
          %parallel_loop3A_343 = arith.index_cast %parallel_loop3A_259 : i32 to index
          %parallel_loop3A_344 = arith.constant 208 : index
          %parallel_loop3A_345 = tpu.vector_load %arg10[%parallel_loop3A_342, %parallel_loop3A_343, %parallel_loop3A_344] {strides = array<i32>} : memref<5x16x256xf32, #tpu.memory_space<vmem>>, vector<16xf32>,
          tpu.vector_store %arg10[%parallel_loop3A_342, %parallel_loop3A_343, %parallel_loop3A_344], %get3A_168 {strides = array<i32>} : memref<5x16x256xf32, #tpu.memory_space<vmem>>, vector<16xf32>,
          %parallel_loop3A_346 = arith.index_cast %parallel_loop3A_261 : i32 to index
          %parallel_loop3A_347 = arith.constant 96 : index
          %parallel_loop3A_348 = tpu.vector_load %arg8[%parallel_loop3A_346, %parallel_loop3A_347] {strides = array<i32>} : memref<88x128xf32, #tpu.memory_space<vmem>>, vector<16xf32>,
          %parallel_loop3A_349 = arith.subf %parallel_loop3A_348, %get3A_172 : vector<16xf32>
          %parallel_loop3A_350 = arith.constant 2 : i32
          %parallel_loop3A_351 = arith.index_cast %parallel_loop3A_350 : i32 to index
          %parallel_loop3A_352 = arith.index_cast %parallel_loop3A_259 : i32 to index
          %parallel_loop3A_353 = arith.constant 96 : index
          %parallel_loop3A_354 = tpu.vector_load %arg10[%parallel_loop3A_351, %parallel_loop3A_352, %parallel_loop3A_353] {strides = array<i32>} : memref<5x16x256xf32, #tpu.memory_space<vmem>>, vector<16xf32>,
          tpu.vector_store %arg10[%parallel_loop3A_351, %parallel_loop3A_352, %parallel_loop3A_353], %parallel_loop3A_349 {strides = array<i32>} : memref<5x16x256xf32, #tpu.memory_space<vmem>>, vector<16xf32>,
          %parallel_loop3A_355 = arith.constant 2 : i32
          %parallel_loop3A_356 = arith.index_cast %parallel_loop3A_355 : i32 to index
          %parallel_loop3A_357 = arith.index_cast %parallel_loop3A_259 : i32 to index
          %parallel_loop3A_358 = arith.constant 224 : index
          %parallel_loop3A_359 = tpu.vector_load %arg10[%parallel_loop3A_356, %parallel_loop3A_357, %parallel_loop3A_358] {strides = array<i32>} : memref<5x16x256xf32, #tpu.memory_space<vmem>>, vector<16xf32>,
          tpu.vector_store %arg10[%parallel_loop3A_356, %parallel_loop3A_357, %parallel_loop3A_358], %get3A_172 {strides = array<i32>} : memref<5x16x256xf32, #tpu.memory_space<vmem>>, vector<16xf32>,
          %parallel_loop3A_360 = arith.index_cast %parallel_loop3A_261 : i32 to index
          %parallel_loop3A_361 = arith.constant 112 : index
          %parallel_loop3A_362 = tpu.vector_load %arg8[%parallel_loop3A_360, %parallel_loop3A_361] {strides = array<i32>} : memref<88x128xf32, #tpu.memory_space<vmem>>, vector<16xf32>,
          %parallel_loop3A_363 = arith.subf %parallel_loop3A_362, %get3A_176 : vector<16xf32>
          %parallel_loop3A_364 = arith.constant 2 : i32
          %parallel_loop3A_365 = arith.index_cast %parallel_loop3A_364 : i32 to index
          %parallel_loop3A_366 = arith.index_cast %parallel_loop3A_259 : i32 to index
          %parallel_loop3A_367 = arith.constant 112 : index
          %parallel_loop3A_368 = tpu.vector_load %arg10[%parallel_loop3A_365, %parallel_loop3A_366, %parallel_loop3A_367] {strides = array<i32>} : memref<5x16x256xf32, #tpu.memory_space<vmem>>, vector<16xf32>,
          tpu.vector_store %arg10[%parallel_loop3A_365, %parallel_loop3A_366, %parallel_loop3A_367], %parallel_loop3A_363 {strides = array<i32>} : memref<5x16x256xf32, #tpu.memory_space<vmem>>, vector<16xf32>,
          %parallel_loop3A_369 = arith.constant 2 : i32
          %parallel_loop3A_370 = arith.index_cast %parallel_loop3A_369 : i32 to index
          %parallel_loop3A_371 = arith.index_cast %parallel_loop3A_259 : i32 to index
          %parallel_loop3A_372 = arith.constant 240 : index
          %parallel_loop3A_373 = tpu.vector_load %arg10[%parallel_loop3A_370, %parallel_loop3A_371, %parallel_loop3A_372] {strides = array<i32>} : memref<5x16x256xf32, #tpu.memory_space<vmem>>, vector<16xf32>,
          tpu.vector_store %arg10[%parallel_loop3A_370, %parallel_loop3A_371, %parallel_loop3A_372], %get3A_176 {strides = array<i32>} : memref<5x16x256xf32, #tpu.memory_space<vmem>>, vector<16xf32>,
        } {sc.loop_unroll_factor = 8 : i64, sc.parallel_access}
        %get3A_180 = arith.constant 83 : i32
        %get3A_181 = arith.index_cast %get3A_180 : i32 to index
        %get3A_182 = arith.constant 0 : index
        %get3A_183 = tpu.vector_load %arg8[%get3A_181, %get3A_182] {strides = array<i32>} : memref<88x128xf32, #tpu.memory_space<vmem>>, vector<16xf32>,
        %get3A_184 = arith.constant 83 : i32
        %get3A_185 = arith.index_cast %get3A_184 : i32 to index
        %get3A_186 = arith.constant 16 : index
        %get3A_187 = tpu.vector_load %arg8[%get3A_185, %get3A_186] {strides = array<i32>} : memref<88x128xf32, #tpu.memory_space<vmem>>, vector<16xf32>,
        %get3A_188 = arith.constant 83 : i32
        %get3A_189 = arith.index_cast %get3A_188 : i32 to index
        %get3A_190 = arith.constant 32 : index
        %get3A_191 = tpu.vector_load %arg8[%get3A_189, %get3A_190] {strides = array<i32>} : memref<88x128xf32, #tpu.memory_space<vmem>>, vector<16xf32>,
        %get3A_192 = arith.constant 83 : i32
        %get3A_193 = arith.index_cast %get3A_192 : i32 to index
        %get3A_194 = arith.constant 48 : index
        %get3A_195 = tpu.vector_load %arg8[%get3A_193, %get3A_194] {strides = array<i32>} : memref<88x128xf32, #tpu.memory_space<vmem>>, vector<16xf32>,
        %get3A_196 = arith.constant 83 : i32
        %get3A_197 = arith.index_cast %get3A_196 : i32 to index
        %get3A_198 = arith.constant 64 : index
        %get3A_199 = tpu.vector_load %arg8[%get3A_197, %get3A_198] {strides = array<i32>} : memref<88x128xf32, #tpu.memory_space<vmem>>, vector<16xf32>,
        %get3A_200 = arith.constant 83 : i32
        %get3A_201 = arith.index_cast %get3A_200 : i32 to index
        %get3A_202 = arith.constant 80 : index
        %get3A_203 = tpu.vector_load %arg8[%get3A_201, %get3A_202] {strides = array<i32>} : memref<88x128xf32, #tpu.memory_space<vmem>>, vector<16xf32>,
        %get3A_204 = arith.constant 83 : i32
        %get3A_205 = arith.index_cast %get3A_204 : i32 to index
        %get3A_206 = arith.constant 96 : index
        %get3A_207 = tpu.vector_load %arg8[%get3A_205, %get3A_206] {strides = array<i32>} : memref<88x128xf32, #tpu.memory_space<vmem>>, vector<16xf32>,
        %get3A_208 = arith.constant 83 : i32
        %get3A_209 = arith.index_cast %get3A_208 : i32 to index
        %get3A_210 = arith.constant 112 : index
        %get3A_211 = tpu.vector_load %arg8[%get3A_209, %get3A_210] {strides = array<i32>} : memref<88x128xf32, #tpu.memory_space<vmem>>, vector<16xf32>,
        %parallel_loop3A_212 = arith.constant 0 : i32
        %parallel_loop3A_213 = arith.constant 16 : i32
        %parallel_loop3A_214 = arith.constant 1 : i32
        scf.for %parallel_loop3A_259 = %parallel_loop3A_212 to %parallel_loop3A_213 step %parallel_loop3A_214  : i32 {
          %parallel_loop3A_260 = arith.constant 48 : i32
          %parallel_loop3A_261 = arith.addi %parallel_loop3A_260, %parallel_loop3A_259 : i32
          %parallel_loop3A_262 = arith.index_cast %parallel_loop3A_261 : i32 to index
          %parallel_loop3A_263 = arith.constant 0 : index
          %parallel_loop3A_264 = tpu.vector_load %arg8[%parallel_loop3A_262, %parallel_loop3A_263] {strides = array<i32>} : memref<88x128xf32, #tpu.memory_space<vmem>>, vector<16xf32>,
          %parallel_loop3A_265 = arith.subf %parallel_loop3A_264, %get3A_183 : vector<16xf32>
          %parallel_loop3A_266 = arith.constant 3 : i32
          %parallel_loop3A_267 = arith.index_cast %parallel_loop3A_266 : i32 to index
          %parallel_loop3A_268 = arith.index_cast %parallel_loop3A_259 : i32 to index
          %parallel_loop3A_269 = arith.constant 0 : index
          %parallel_loop3A_270 = tpu.vector_load %arg10[%parallel_loop3A_267, %parallel_loop3A_268, %parallel_loop3A_269] {strides = array<i32>} : memref<5x16x256xf32, #tpu.memory_space<vmem>>, vector<16xf32>,
          tpu.vector_store %arg10[%parallel_loop3A_267, %parallel_loop3A_268, %parallel_loop3A_269], %parallel_loop3A_265 {strides = array<i32>} : memref<5x16x256xf32, #tpu.memory_space<vmem>>, vector<16xf32>,
          %parallel_loop3A_271 = arith.constant 3 : i32
          %parallel_loop3A_272 = arith.index_cast %parallel_loop3A_271 : i32 to index
          %parallel_loop3A_273 = arith.index_cast %parallel_loop3A_259 : i32 to index
          %parallel_loop3A_274 = arith.constant 128 : index
          %parallel_loop3A_275 = tpu.vector_load %arg10[%parallel_loop3A_272, %parallel_loop3A_273, %parallel_loop3A_274] {strides = array<i32>} : memref<5x16x256xf32, #tpu.memory_space<vmem>>, vector<16xf32>,
          tpu.vector_store %arg10[%parallel_loop3A_272, %parallel_loop3A_273, %parallel_loop3A_274], %get3A_183 {strides = array<i32>} : memref<5x16x256xf32, #tpu.memory_space<vmem>>, vector<16xf32>,
          %parallel_loop3A_276 = arith.index_cast %parallel_loop3A_261 : i32 to index
          %parallel_loop3A_277 = arith.constant 16 : index
          %parallel_loop3A_278 = tpu.vector_load %arg8[%parallel_loop3A_276, %parallel_loop3A_277] {strides = array<i32>} : memref<88x128xf32, #tpu.memory_space<vmem>>, vector<16xf32>,
          %parallel_loop3A_279 = arith.subf %parallel_loop3A_278, %get3A_187 : vector<16xf32>
          %parallel_loop3A_280 = arith.constant 3 : i32
          %parallel_loop3A_281 = arith.index_cast %parallel_loop3A_280 : i32 to index
          %parallel_loop3A_282 = arith.index_cast %parallel_loop3A_259 : i32 to index
          %parallel_loop3A_283 = arith.constant 16 : index
          %parallel_loop3A_284 = tpu.vector_load %arg10[%parallel_loop3A_281, %parallel_loop3A_282, %parallel_loop3A_283] {strides = array<i32>} : memref<5x16x256xf32, #tpu.memory_space<vmem>>, vector<16xf32>,
          tpu.vector_store %arg10[%parallel_loop3A_281, %parallel_loop3A_282, %parallel_loop3A_283], %parallel_loop3A_279 {strides = array<i32>} : memref<5x16x256xf32, #tpu.memory_space<vmem>>, vector<16xf32>,
          %parallel_loop3A_285 = arith.constant 3 : i32
          %parallel_loop3A_286 = arith.index_cast %parallel_loop3A_285 : i32 to index
          %parallel_loop3A_287 = arith.index_cast %parallel_loop3A_259 : i32 to index
          %parallel_loop3A_288 = arith.constant 144 : index
          %parallel_loop3A_289 = tpu.vector_load %arg10[%parallel_loop3A_286, %parallel_loop3A_287, %parallel_loop3A_288] {strides = array<i32>} : memref<5x16x256xf32, #tpu.memory_space<vmem>>, vector<16xf32>,
          tpu.vector_store %arg10[%parallel_loop3A_286, %parallel_loop3A_287, %parallel_loop3A_288], %get3A_187 {strides = array<i32>} : memref<5x16x256xf32, #tpu.memory_space<vmem>>, vector<16xf32>,
          %parallel_loop3A_290 = arith.index_cast %parallel_loop3A_261 : i32 to index
          %parallel_loop3A_291 = arith.constant 32 : index
          %parallel_loop3A_292 = tpu.vector_load %arg8[%parallel_loop3A_290, %parallel_loop3A_291] {strides = array<i32>} : memref<88x128xf32, #tpu.memory_space<vmem>>, vector<16xf32>,
          %parallel_loop3A_293 = arith.subf %parallel_loop3A_292, %get3A_191 : vector<16xf32>
          %parallel_loop3A_294 = arith.constant 3 : i32
          %parallel_loop3A_295 = arith.index_cast %parallel_loop3A_294 : i32 to index
          %parallel_loop3A_296 = arith.index_cast %parallel_loop3A_259 : i32 to index
          %parallel_loop3A_297 = arith.constant 32 : index
          %parallel_loop3A_298 = tpu.vector_load %arg10[%parallel_loop3A_295, %parallel_loop3A_296, %parallel_loop3A_297] {strides = array<i32>} : memref<5x16x256xf32, #tpu.memory_space<vmem>>, vector<16xf32>,
          tpu.vector_store %arg10[%parallel_loop3A_295, %parallel_loop3A_296, %parallel_loop3A_297], %parallel_loop3A_293 {strides = array<i32>} : memref<5x16x256xf32, #tpu.memory_space<vmem>>, vector<16xf32>,
          %parallel_loop3A_299 = arith.constant 3 : i32
          %parallel_loop3A_300 = arith.index_cast %parallel_loop3A_299 : i32 to index
          %parallel_loop3A_301 = arith.index_cast %parallel_loop3A_259 : i32 to index
          %parallel_loop3A_302 = arith.constant 160 : index
          %parallel_loop3A_303 = tpu.vector_load %arg10[%parallel_loop3A_300, %parallel_loop3A_301, %parallel_loop3A_302] {strides = array<i32>} : memref<5x16x256xf32, #tpu.memory_space<vmem>>, vector<16xf32>,
          tpu.vector_store %arg10[%parallel_loop3A_300, %parallel_loop3A_301, %parallel_loop3A_302], %get3A_191 {strides = array<i32>} : memref<5x16x256xf32, #tpu.memory_space<vmem>>, vector<16xf32>,
          %parallel_loop3A_304 = arith.index_cast %parallel_loop3A_261 : i32 to index
          %parallel_loop3A_305 = arith.constant 48 : index
          %parallel_loop3A_306 = tpu.vector_load %arg8[%parallel_loop3A_304, %parallel_loop3A_305] {strides = array<i32>} : memref<88x128xf32, #tpu.memory_space<vmem>>, vector<16xf32>,
          %parallel_loop3A_307 = arith.subf %parallel_loop3A_306, %get3A_195 : vector<16xf32>
          %parallel_loop3A_308 = arith.constant 3 : i32
          %parallel_loop3A_309 = arith.index_cast %parallel_loop3A_308 : i32 to index
          %parallel_loop3A_310 = arith.index_cast %parallel_loop3A_259 : i32 to index
          %parallel_loop3A_311 = arith.constant 48 : index
          %parallel_loop3A_312 = tpu.vector_load %arg10[%parallel_loop3A_309, %parallel_loop3A_310, %parallel_loop3A_311] {strides = array<i32>} : memref<5x16x256xf32, #tpu.memory_space<vmem>>, vector<16xf32>,
          tpu.vector_store %arg10[%parallel_loop3A_309, %parallel_loop3A_310, %parallel_loop3A_311], %parallel_loop3A_307 {strides = array<i32>} : memref<5x16x256xf32, #tpu.memory_space<vmem>>, vector<16xf32>,
          %parallel_loop3A_313 = arith.constant 3 : i32
          %parallel_loop3A_314 = arith.index_cast %parallel_loop3A_313 : i32 to index
          %parallel_loop3A_315 = arith.index_cast %parallel_loop3A_259 : i32 to index
          %parallel_loop3A_316 = arith.constant 176 : index
          %parallel_loop3A_317 = tpu.vector_load %arg10[%parallel_loop3A_314, %parallel_loop3A_315, %parallel_loop3A_316] {strides = array<i32>} : memref<5x16x256xf32, #tpu.memory_space<vmem>>, vector<16xf32>,
          tpu.vector_store %arg10[%parallel_loop3A_314, %parallel_loop3A_315, %parallel_loop3A_316], %get3A_195 {strides = array<i32>} : memref<5x16x256xf32, #tpu.memory_space<vmem>>, vector<16xf32>,
          %parallel_loop3A_318 = arith.index_cast %parallel_loop3A_261 : i32 to index
          %parallel_loop3A_319 = arith.constant 64 : index
          %parallel_loop3A_320 = tpu.vector_load %arg8[%parallel_loop3A_318, %parallel_loop3A_319] {strides = array<i32>} : memref<88x128xf32, #tpu.memory_space<vmem>>, vector<16xf32>,
          %parallel_loop3A_321 = arith.subf %parallel_loop3A_320, %get3A_199 : vector<16xf32>
          %parallel_loop3A_322 = arith.constant 3 : i32
          %parallel_loop3A_323 = arith.index_cast %parallel_loop3A_322 : i32 to index
          %parallel_loop3A_324 = arith.index_cast %parallel_loop3A_259 : i32 to index
          %parallel_loop3A_325 = arith.constant 64 : index
          %parallel_loop3A_326 = tpu.vector_load %arg10[%parallel_loop3A_323, %parallel_loop3A_324, %parallel_loop3A_325] {strides = array<i32>} : memref<5x16x256xf32, #tpu.memory_space<vmem>>, vector<16xf32>,
          tpu.vector_store %arg10[%parallel_loop3A_323, %parallel_loop3A_324, %parallel_loop3A_325], %parallel_loop3A_321 {strides = array<i32>} : memref<5x16x256xf32, #tpu.memory_space<vmem>>, vector<16xf32>,
          %parallel_loop3A_327 = arith.constant 3 : i32
          %parallel_loop3A_328 = arith.index_cast %parallel_loop3A_327 : i32 to index
          %parallel_loop3A_329 = arith.index_cast %parallel_loop3A_259 : i32 to index
          %parallel_loop3A_330 = arith.constant 192 : index
          %parallel_loop3A_331 = tpu.vector_load %arg10[%parallel_loop3A_328, %parallel_loop3A_329, %parallel_loop3A_330] {strides = array<i32>} : memref<5x16x256xf32, #tpu.memory_space<vmem>>, vector<16xf32>,
          tpu.vector_store %arg10[%parallel_loop3A_328, %parallel_loop3A_329, %parallel_loop3A_330], %get3A_199 {strides = array<i32>} : memref<5x16x256xf32, #tpu.memory_space<vmem>>, vector<16xf32>,
          %parallel_loop3A_332 = arith.index_cast %parallel_loop3A_261 : i32 to index
          %parallel_loop3A_333 = arith.constant 80 : index
          %parallel_loop3A_334 = tpu.vector_load %arg8[%parallel_loop3A_332, %parallel_loop3A_333] {strides = array<i32>} : memref<88x128xf32, #tpu.memory_space<vmem>>, vector<16xf32>,
          %parallel_loop3A_335 = arith.subf %parallel_loop3A_334, %get3A_203 : vector<16xf32>
          %parallel_loop3A_336 = arith.constant 3 : i32
          %parallel_loop3A_337 = arith.index_cast %parallel_loop3A_336 : i32 to index
          %parallel_loop3A_338 = arith.index_cast %parallel_loop3A_259 : i32 to index
          %parallel_loop3A_339 = arith.constant 80 : index
          %parallel_loop3A_340 = tpu.vector_load %arg10[%parallel_loop3A_337, %parallel_loop3A_338, %parallel_loop3A_339] {strides = array<i32>} : memref<5x16x256xf32, #tpu.memory_space<vmem>>, vector<16xf32>,
          tpu.vector_store %arg10[%parallel_loop3A_337, %parallel_loop3A_338, %parallel_loop3A_339], %parallel_loop3A_335 {strides = array<i32>} : memref<5x16x256xf32, #tpu.memory_space<vmem>>, vector<16xf32>,
          %parallel_loop3A_341 = arith.constant 3 : i32
          %parallel_loop3A_342 = arith.index_cast %parallel_loop3A_341 : i32 to index
          %parallel_loop3A_343 = arith.index_cast %parallel_loop3A_259 : i32 to index
          %parallel_loop3A_344 = arith.constant 208 : index
          %parallel_loop3A_345 = tpu.vector_load %arg10[%parallel_loop3A_342, %parallel_loop3A_343, %parallel_loop3A_344] {strides = array<i32>} : memref<5x16x256xf32, #tpu.memory_space<vmem>>, vector<16xf32>,
          tpu.vector_store %arg10[%parallel_loop3A_342, %parallel_loop3A_343, %parallel_loop3A_344], %get3A_203 {strides = array<i32>} : memref<5x16x256xf32, #tpu.memory_space<vmem>>, vector<16xf32>,
          %parallel_loop3A_346 = arith.index_cast %parallel_loop3A_261 : i32 to index
          %parallel_loop3A_347 = arith.constant 96 : index
          %parallel_loop3A_348 = tpu.vector_load %arg8[%parallel_loop3A_346, %parallel_loop3A_347] {strides = array<i32>} : memref<88x128xf32, #tpu.memory_space<vmem>>, vector<16xf32>,
          %parallel_loop3A_349 = arith.subf %parallel_loop3A_348, %get3A_207 : vector<16xf32>
          %parallel_loop3A_350 = arith.constant 3 : i32
          %parallel_loop3A_351 = arith.index_cast %parallel_loop3A_350 : i32 to index
          %parallel_loop3A_352 = arith.index_cast %parallel_loop3A_259 : i32 to index
          %parallel_loop3A_353 = arith.constant 96 : index
          %parallel_loop3A_354 = tpu.vector_load %arg10[%parallel_loop3A_351, %parallel_loop3A_352, %parallel_loop3A_353] {strides = array<i32>} : memref<5x16x256xf32, #tpu.memory_space<vmem>>, vector<16xf32>,
          tpu.vector_store %arg10[%parallel_loop3A_351, %parallel_loop3A_352, %parallel_loop3A_353], %parallel_loop3A_349 {strides = array<i32>} : memref<5x16x256xf32, #tpu.memory_space<vmem>>, vector<16xf32>,
          %parallel_loop3A_355 = arith.constant 3 : i32
          %parallel_loop3A_356 = arith.index_cast %parallel_loop3A_355 : i32 to index
          %parallel_loop3A_357 = arith.index_cast %parallel_loop3A_259 : i32 to index
          %parallel_loop3A_358 = arith.constant 224 : index
          %parallel_loop3A_359 = tpu.vector_load %arg10[%parallel_loop3A_356, %parallel_loop3A_357, %parallel_loop3A_358] {strides = array<i32>} : memref<5x16x256xf32, #tpu.memory_space<vmem>>, vector<16xf32>,
          tpu.vector_store %arg10[%parallel_loop3A_356, %parallel_loop3A_357, %parallel_loop3A_358], %get3A_207 {strides = array<i32>} : memref<5x16x256xf32, #tpu.memory_space<vmem>>, vector<16xf32>,
          %parallel_loop3A_360 = arith.index_cast %parallel_loop3A_261 : i32 to index
          %parallel_loop3A_361 = arith.constant 112 : index
          %parallel_loop3A_362 = tpu.vector_load %arg8[%parallel_loop3A_360, %parallel_loop3A_361] {strides = array<i32>} : memref<88x128xf32, #tpu.memory_space<vmem>>, vector<16xf32>,
          %parallel_loop3A_363 = arith.subf %parallel_loop3A_362, %get3A_211 : vector<16xf32>
          %parallel_loop3A_364 = arith.constant 3 : i32
          %parallel_loop3A_365 = arith.index_cast %parallel_loop3A_364 : i32 to index
          %parallel_loop3A_366 = arith.index_cast %parallel_loop3A_259 : i32 to index
          %parallel_loop3A_367 = arith.constant 112 : index
          %parallel_loop3A_368 = tpu.vector_load %arg10[%parallel_loop3A_365, %parallel_loop3A_366, %parallel_loop3A_367] {strides = array<i32>} : memref<5x16x256xf32, #tpu.memory_space<vmem>>, vector<16xf32>,
          tpu.vector_store %arg10[%parallel_loop3A_365, %parallel_loop3A_366, %parallel_loop3A_367], %parallel_loop3A_363 {strides = array<i32>} : memref<5x16x256xf32, #tpu.memory_space<vmem>>, vector<16xf32>,
          %parallel_loop3A_369 = arith.constant 3 : i32
          %parallel_loop3A_370 = arith.index_cast %parallel_loop3A_369 : i32 to index
          %parallel_loop3A_371 = arith.index_cast %parallel_loop3A_259 : i32 to index
          %parallel_loop3A_372 = arith.constant 240 : index
          %parallel_loop3A_373 = tpu.vector_load %arg10[%parallel_loop3A_370, %parallel_loop3A_371, %parallel_loop3A_372] {strides = array<i32>} : memref<5x16x256xf32, #tpu.memory_space<vmem>>, vector<16xf32>,
          tpu.vector_store %arg10[%parallel_loop3A_370, %parallel_loop3A_371, %parallel_loop3A_372], %get3A_211 {strides = array<i32>} : memref<5x16x256xf32, #tpu.memory_space<vmem>>, vector<16xf32>,
        } {sc.loop_unroll_factor = 8 : i64, sc.parallel_access}
        %get3A_215 = arith.constant 84 : i32
        %get3A_216 = arith.index_cast %get3A_215 : i32 to index
        %get3A_217 = arith.constant 0 : index
        %get3A_218 = tpu.vector_load %arg8[%get3A_216, %get3A_217] {strides = array<i32>} : memref<88x128xf32, #tpu.memory_space<vmem>>, vector<16xf32>,
        %get3A_219 = arith.constant 84 : i32
        %get3A_220 = arith.index_cast %get3A_219 : i32 to index
        %get3A_221 = arith.constant 16 : index
        %get3A_222 = tpu.vector_load %arg8[%get3A_220, %get3A_221] {strides = array<i32>} : memref<88x128xf32, #tpu.memory_space<vmem>>, vector<16xf32>,
        %get3A_223 = arith.constant 84 : i32
        %get3A_224 = arith.index_cast %get3A_223 : i32 to index
        %get3A_225 = arith.constant 32 : index
        %get3A_226 = tpu.vector_load %arg8[%get3A_224, %get3A_225] {strides = array<i32>} : memref<88x128xf32, #tpu.memory_space<vmem>>, vector<16xf32>,
        %get3A_227 = arith.constant 84 : i32
        %get3A_228 = arith.index_cast %get3A_227 : i32 to index
        %get3A_229 = arith.constant 48 : index
        %get3A_230 = tpu.vector_load %arg8[%get3A_228, %get3A_229] {strides = array<i32>} : memref<88x128xf32, #tpu.memory_space<vmem>>, vector<16xf32>,
        %get3A_231 = arith.constant 84 : i32
        %get3A_232 = arith.index_cast %get3A_231 : i32 to index
        %get3A_233 = arith.constant 64 : index
        %get3A_234 = tpu.vector_load %arg8[%get3A_232, %get3A_233] {strides = array<i32>} : memref<88x128xf32, #tpu.memory_space<vmem>>, vector<16xf32>,
        %get3A_235 = arith.constant 84 : i32
        %get3A_236 = arith.index_cast %get3A_235 : i32 to index
        %get3A_237 = arith.constant 80 : index
        %get3A_238 = tpu.vector_load %arg8[%get3A_236, %get3A_237] {strides = array<i32>} : memref<88x128xf32, #tpu.memory_space<vmem>>, vector<16xf32>,
        %get3A_239 = arith.constant 84 : i32
        %get3A_240 = arith.index_cast %get3A_239 : i32 to index
        %get3A_241 = arith.constant 96 : index
        %get3A_242 = tpu.vector_load %arg8[%get3A_240, %get3A_241] {strides = array<i32>} : memref<88x128xf32, #tpu.memory_space<vmem>>, vector<16xf32>,
        %get3A_243 = arith.constant 84 : i32
        %get3A_244 = arith.index_cast %get3A_243 : i32 to index
        %get3A_245 = arith.constant 112 : index
        %get3A_246 = tpu.vector_load %arg8[%get3A_244, %get3A_245] {strides = array<i32>} : memref<88x128xf32, #tpu.memory_space<vmem>>, vector<16xf32>,
        %parallel_loop3A_247 = arith.constant 0 : i32
        %parallel_loop3A_248 = arith.constant 16 : i32
        %parallel_loop3A_249 = arith.constant 1 : i32
        scf.for %parallel_loop3A_259 = %parallel_loop3A_247 to %parallel_loop3A_248 step %parallel_loop3A_249  : i32 {
          %parallel_loop3A_260 = arith.constant 64 : i32
          %parallel_loop3A_261 = arith.addi %parallel_loop3A_260, %parallel_loop3A_259 : i32
          %parallel_loop3A_262 = arith.index_cast %parallel_loop3A_261 : i32 to index
          %parallel_loop3A_263 = arith.constant 0 : index
          %parallel_loop3A_264 = tpu.vector_load %arg8[%parallel_loop3A_262, %parallel_loop3A_263] {strides = array<i32>} : memref<88x128xf32, #tpu.memory_space<vmem>>, vector<16xf32>,
          %parallel_loop3A_265 = arith.subf %parallel_loop3A_264, %get3A_218 : vector<16xf32>
          %parallel_loop3A_266 = arith.constant 4 : i32
          %parallel_loop3A_267 = arith.index_cast %parallel_loop3A_266 : i32 to index
          %parallel_loop3A_268 = arith.index_cast %parallel_loop3A_259 : i32 to index
          %parallel_loop3A_269 = arith.constant 0 : index
          %parallel_loop3A_270 = tpu.vector_load %arg10[%parallel_loop3A_267, %parallel_loop3A_268, %parallel_loop3A_269] {strides = array<i32>} : memref<5x16x256xf32, #tpu.memory_space<vmem>>, vector<16xf32>,
          tpu.vector_store %arg10[%parallel_loop3A_267, %parallel_loop3A_268, %parallel_loop3A_269], %parallel_loop3A_265 {strides = array<i32>} : memref<5x16x256xf32, #tpu.memory_space<vmem>>, vector<16xf32>,
          %parallel_loop3A_271 = arith.constant 4 : i32
          %parallel_loop3A_272 = arith.index_cast %parallel_loop3A_271 : i32 to index
          %parallel_loop3A_273 = arith.index_cast %parallel_loop3A_259 : i32 to index
          %parallel_loop3A_274 = arith.constant 128 : index
          %parallel_loop3A_275 = tpu.vector_load %arg10[%parallel_loop3A_272, %parallel_loop3A_273, %parallel_loop3A_274] {strides = array<i32>} : memref<5x16x256xf32, #tpu.memory_space<vmem>>, vector<16xf32>,
          tpu.vector_store %arg10[%parallel_loop3A_272, %parallel_loop3A_273, %parallel_loop3A_274], %get3A_218 {strides = array<i32>} : memref<5x16x256xf32, #tpu.memory_space<vmem>>, vector<16xf32>,
          %parallel_loop3A_276 = arith.index_cast %parallel_loop3A_261 : i32 to index
          %parallel_loop3A_277 = arith.constant 16 : index
          %parallel_loop3A_278 = tpu.vector_load %arg8[%parallel_loop3A_276, %parallel_loop3A_277] {strides = array<i32>} : memref<88x128xf32, #tpu.memory_space<vmem>>, vector<16xf32>,
          %parallel_loop3A_279 = arith.subf %parallel_loop3A_278, %get3A_222 : vector<16xf32>
          %parallel_loop3A_280 = arith.constant 4 : i32
          %parallel_loop3A_281 = arith.index_cast %parallel_loop3A_280 : i32 to index
          %parallel_loop3A_282 = arith.index_cast %parallel_loop3A_259 : i32 to index
          %parallel_loop3A_283 = arith.constant 16 : index
          %parallel_loop3A_284 = tpu.vector_load %arg10[%parallel_loop3A_281, %parallel_loop3A_282, %parallel_loop3A_283] {strides = array<i32>} : memref<5x16x256xf32, #tpu.memory_space<vmem>>, vector<16xf32>,
          tpu.vector_store %arg10[%parallel_loop3A_281, %parallel_loop3A_282, %parallel_loop3A_283], %parallel_loop3A_279 {strides = array<i32>} : memref<5x16x256xf32, #tpu.memory_space<vmem>>, vector<16xf32>,
          %parallel_loop3A_285 = arith.constant 4 : i32
          %parallel_loop3A_286 = arith.index_cast %parallel_loop3A_285 : i32 to index
          %parallel_loop3A_287 = arith.index_cast %parallel_loop3A_259 : i32 to index
          %parallel_loop3A_288 = arith.constant 144 : index
          %parallel_loop3A_289 = tpu.vector_load %arg10[%parallel_loop3A_286, %parallel_loop3A_287, %parallel_loop3A_288] {strides = array<i32>} : memref<5x16x256xf32, #tpu.memory_space<vmem>>, vector<16xf32>,
          tpu.vector_store %arg10[%parallel_loop3A_286, %parallel_loop3A_287, %parallel_loop3A_288], %get3A_222 {strides = array<i32>} : memref<5x16x256xf32, #tpu.memory_space<vmem>>, vector<16xf32>,
          %parallel_loop3A_290 = arith.index_cast %parallel_loop3A_261 : i32 to index
          %parallel_loop3A_291 = arith.constant 32 : index
          %parallel_loop3A_292 = tpu.vector_load %arg8[%parallel_loop3A_290, %parallel_loop3A_291] {strides = array<i32>} : memref<88x128xf32, #tpu.memory_space<vmem>>, vector<16xf32>,
          %parallel_loop3A_293 = arith.subf %parallel_loop3A_292, %get3A_226 : vector<16xf32>
          %parallel_loop3A_294 = arith.constant 4 : i32
          %parallel_loop3A_295 = arith.index_cast %parallel_loop3A_294 : i32 to index
          %parallel_loop3A_296 = arith.index_cast %parallel_loop3A_259 : i32 to index
          %parallel_loop3A_297 = arith.constant 32 : index
          %parallel_loop3A_298 = tpu.vector_load %arg10[%parallel_loop3A_295, %parallel_loop3A_296, %parallel_loop3A_297] {strides = array<i32>} : memref<5x16x256xf32, #tpu.memory_space<vmem>>, vector<16xf32>,
          tpu.vector_store %arg10[%parallel_loop3A_295, %parallel_loop3A_296, %parallel_loop3A_297], %parallel_loop3A_293 {strides = array<i32>} : memref<5x16x256xf32, #tpu.memory_space<vmem>>, vector<16xf32>,
          %parallel_loop3A_299 = arith.constant 4 : i32
          %parallel_loop3A_300 = arith.index_cast %parallel_loop3A_299 : i32 to index
          %parallel_loop3A_301 = arith.index_cast %parallel_loop3A_259 : i32 to index
          %parallel_loop3A_302 = arith.constant 160 : index
          %parallel_loop3A_303 = tpu.vector_load %arg10[%parallel_loop3A_300, %parallel_loop3A_301, %parallel_loop3A_302] {strides = array<i32>} : memref<5x16x256xf32, #tpu.memory_space<vmem>>, vector<16xf32>,
          tpu.vector_store %arg10[%parallel_loop3A_300, %parallel_loop3A_301, %parallel_loop3A_302], %get3A_226 {strides = array<i32>} : memref<5x16x256xf32, #tpu.memory_space<vmem>>, vector<16xf32>,
          %parallel_loop3A_304 = arith.index_cast %parallel_loop3A_261 : i32 to index
          %parallel_loop3A_305 = arith.constant 48 : index
          %parallel_loop3A_306 = tpu.vector_load %arg8[%parallel_loop3A_304, %parallel_loop3A_305] {strides = array<i32>} : memref<88x128xf32, #tpu.memory_space<vmem>>, vector<16xf32>,
          %parallel_loop3A_307 = arith.subf %parallel_loop3A_306, %get3A_230 : vector<16xf32>
          %parallel_loop3A_308 = arith.constant 4 : i32
          %parallel_loop3A_309 = arith.index_cast %parallel_loop3A_308 : i32 to index
          %parallel_loop3A_310 = arith.index_cast %parallel_loop3A_259 : i32 to index
          %parallel_loop3A_311 = arith.constant 48 : index
          %parallel_loop3A_312 = tpu.vector_load %arg10[%parallel_loop3A_309, %parallel_loop3A_310, %parallel_loop3A_311] {strides = array<i32>} : memref<5x16x256xf32, #tpu.memory_space<vmem>>, vector<16xf32>,
          tpu.vector_store %arg10[%parallel_loop3A_309, %parallel_loop3A_310, %parallel_loop3A_311], %parallel_loop3A_307 {strides = array<i32>} : memref<5x16x256xf32, #tpu.memory_space<vmem>>, vector<16xf32>,
          %parallel_loop3A_313 = arith.constant 4 : i32
          %parallel_loop3A_314 = arith.index_cast %parallel_loop3A_313 : i32 to index
          %parallel_loop3A_315 = arith.index_cast %parallel_loop3A_259 : i32 to index
          %parallel_loop3A_316 = arith.constant 176 : index
          %parallel_loop3A_317 = tpu.vector_load %arg10[%parallel_loop3A_314, %parallel_loop3A_315, %parallel_loop3A_316] {strides = array<i32>} : memref<5x16x256xf32, #tpu.memory_space<vmem>>, vector<16xf32>,
          tpu.vector_store %arg10[%parallel_loop3A_314, %parallel_loop3A_315, %parallel_loop3A_316], %get3A_230 {strides = array<i32>} : memref<5x16x256xf32, #tpu.memory_space<vmem>>, vector<16xf32>,
          %parallel_loop3A_318 = arith.index_cast %parallel_loop3A_261 : i32 to index
          %parallel_loop3A_319 = arith.constant 64 : index
          %parallel_loop3A_320 = tpu.vector_load %arg8[%parallel_loop3A_318, %parallel_loop3A_319] {strides = array<i32>} : memref<88x128xf32, #tpu.memory_space<vmem>>, vector<16xf32>,
          %parallel_loop3A_321 = arith.subf %parallel_loop3A_320, %get3A_234 : vector<16xf32>
          %parallel_loop3A_322 = arith.constant 4 : i32
          %parallel_loop3A_323 = arith.index_cast %parallel_loop3A_322 : i32 to index
          %parallel_loop3A_324 = arith.index_cast %parallel_loop3A_259 : i32 to index
          %parallel_loop3A_325 = arith.constant 64 : index
          %parallel_loop3A_326 = tpu.vector_load %arg10[%parallel_loop3A_323, %parallel_loop3A_324, %parallel_loop3A_325] {strides = array<i32>} : memref<5x16x256xf32, #tpu.memory_space<vmem>>, vector<16xf32>,
          tpu.vector_store %arg10[%parallel_loop3A_323, %parallel_loop3A_324, %parallel_loop3A_325], %parallel_loop3A_321 {strides = array<i32>} : memref<5x16x256xf32, #tpu.memory_space<vmem>>, vector<16xf32>,
          %parallel_loop3A_327 = arith.constant 4 : i32
          %parallel_loop3A_328 = arith.index_cast %parallel_loop3A_327 : i32 to index
          %parallel_loop3A_329 = arith.index_cast %parallel_loop3A_259 : i32 to index
          %parallel_loop3A_330 = arith.constant 192 : index
          %parallel_loop3A_331 = tpu.vector_load %arg10[%parallel_loop3A_328, %parallel_loop3A_329, %parallel_loop3A_330] {strides = array<i32>} : memref<5x16x256xf32, #tpu.memory_space<vmem>>, vector<16xf32>,
          tpu.vector_store %arg10[%parallel_loop3A_328, %parallel_loop3A_329, %parallel_loop3A_330], %get3A_234 {strides = array<i32>} : memref<5x16x256xf32, #tpu.memory_space<vmem>>, vector<16xf32>,
          %parallel_loop3A_332 = arith.index_cast %parallel_loop3A_261 : i32 to index
          %parallel_loop3A_333 = arith.constant 80 : index
          %parallel_loop3A_334 = tpu.vector_load %arg8[%parallel_loop3A_332, %parallel_loop3A_333] {strides = array<i32>} : memref<88x128xf32, #tpu.memory_space<vmem>>, vector<16xf32>,
          %parallel_loop3A_335 = arith.subf %parallel_loop3A_334, %get3A_238 : vector<16xf32>
          %parallel_loop3A_336 = arith.constant 4 : i32
          %parallel_loop3A_337 = arith.index_cast %parallel_loop3A_336 : i32 to index
          %parallel_loop3A_338 = arith.index_cast %parallel_loop3A_259 : i32 to index
          %parallel_loop3A_339 = arith.constant 80 : index
          %parallel_loop3A_340 = tpu.vector_load %arg10[%parallel_loop3A_337, %parallel_loop3A_338, %parallel_loop3A_339] {strides = array<i32>} : memref<5x16x256xf32, #tpu.memory_space<vmem>>, vector<16xf32>,
          tpu.vector_store %arg10[%parallel_loop3A_337, %parallel_loop3A_338, %parallel_loop3A_339], %parallel_loop3A_335 {strides = array<i32>} : memref<5x16x256xf32, #tpu.memory_space<vmem>>, vector<16xf32>,
          %parallel_loop3A_341 = arith.constant 4 : i32
          %parallel_loop3A_342 = arith.index_cast %parallel_loop3A_341 : i32 to index
          %parallel_loop3A_343 = arith.index_cast %parallel_loop3A_259 : i32 to index
          %parallel_loop3A_344 = arith.constant 208 : index
          %parallel_loop3A_345 = tpu.vector_load %arg10[%parallel_loop3A_342, %parallel_loop3A_343, %parallel_loop3A_344] {strides = array<i32>} : memref<5x16x256xf32, #tpu.memory_space<vmem>>, vector<16xf32>,
          tpu.vector_store %arg10[%parallel_loop3A_342, %parallel_loop3A_343, %parallel_loop3A_344], %get3A_238 {strides = array<i32>} : memref<5x16x256xf32, #tpu.memory_space<vmem>>, vector<16xf32>,
          %parallel_loop3A_346 = arith.index_cast %parallel_loop3A_261 : i32 to index
          %parallel_loop3A_347 = arith.constant 96 : index
          %parallel_loop3A_348 = tpu.vector_load %arg8[%parallel_loop3A_346, %parallel_loop3A_347] {strides = array<i32>} : memref<88x128xf32, #tpu.memory_space<vmem>>, vector<16xf32>,
          %parallel_loop3A_349 = arith.subf %parallel_loop3A_348, %get3A_242 : vector<16xf32>
          %parallel_loop3A_350 = arith.constant 4 : i32
          %parallel_loop3A_351 = arith.index_cast %parallel_loop3A_350 : i32 to index
          %parallel_loop3A_352 = arith.index_cast %parallel_loop3A_259 : i32 to index
          %parallel_loop3A_353 = arith.constant 96 : index
          %parallel_loop3A_354 = tpu.vector_load %arg10[%parallel_loop3A_351, %parallel_loop3A_352, %parallel_loop3A_353] {strides = array<i32>} : memref<5x16x256xf32, #tpu.memory_space<vmem>>, vector<16xf32>,
          tpu.vector_store %arg10[%parallel_loop3A_351, %parallel_loop3A_352, %parallel_loop3A_353], %parallel_loop3A_349 {strides = array<i32>} : memref<5x16x256xf32, #tpu.memory_space<vmem>>, vector<16xf32>,
          %parallel_loop3A_355 = arith.constant 4 : i32
          %parallel_loop3A_356 = arith.index_cast %parallel_loop3A_355 : i32 to index
          %parallel_loop3A_357 = arith.index_cast %parallel_loop3A_259 : i32 to index
          %parallel_loop3A_358 = arith.constant 224 : index
          %parallel_loop3A_359 = tpu.vector_load %arg10[%parallel_loop3A_356, %parallel_loop3A_357, %parallel_loop3A_358] {strides = array<i32>} : memref<5x16x256xf32, #tpu.memory_space<vmem>>, vector<16xf32>,
          tpu.vector_store %arg10[%parallel_loop3A_356, %parallel_loop3A_357, %parallel_loop3A_358], %get3A_242 {strides = array<i32>} : memref<5x16x256xf32, #tpu.memory_space<vmem>>, vector<16xf32>,
          %parallel_loop3A_360 = arith.index_cast %parallel_loop3A_261 : i32 to index
          %parallel_loop3A_361 = arith.constant 112 : index
          %parallel_loop3A_362 = tpu.vector_load %arg8[%parallel_loop3A_360, %parallel_loop3A_361] {strides = array<i32>} : memref<88x128xf32, #tpu.memory_space<vmem>>, vector<16xf32>,
          %parallel_loop3A_363 = arith.subf %parallel_loop3A_362, %get3A_246 : vector<16xf32>
          %parallel_loop3A_364 = arith.constant 4 : i32
          %parallel_loop3A_365 = arith.index_cast %parallel_loop3A_364 : i32 to index
          %parallel_loop3A_366 = arith.index_cast %parallel_loop3A_259 : i32 to index
          %parallel_loop3A_367 = arith.constant 112 : index
          %parallel_loop3A_368 = tpu.vector_load %arg10[%parallel_loop3A_365, %parallel_loop3A_366, %parallel_loop3A_367] {strides = array<i32>} : memref<5x16x256xf32, #tpu.memory_space<vmem>>, vector<16xf32>,
          tpu.vector_store %arg10[%parallel_loop3A_365, %parallel_loop3A_366, %parallel_loop3A_367], %parallel_loop3A_363 {strides = array<i32>} : memref<5x16x256xf32, #tpu.memory_space<vmem>>, vector<16xf32>,
          %parallel_loop3A_369 = arith.constant 4 : i32
          %parallel_loop3A_370 = arith.index_cast %parallel_loop3A_369 : i32 to index
          %parallel_loop3A_371 = arith.index_cast %parallel_loop3A_259 : i32 to index
          %parallel_loop3A_372 = arith.constant 240 : index
          %parallel_loop3A_373 = tpu.vector_load %arg10[%parallel_loop3A_370, %parallel_loop3A_371, %parallel_loop3A_372] {strides = array<i32>} : memref<5x16x256xf32, #tpu.memory_space<vmem>>, vector<16xf32>,
          tpu.vector_store %arg10[%parallel_loop3A_370, %parallel_loop3A_371, %parallel_loop3A_372], %get3A_246 {strides = array<i32>} : memref<5x16x256xf32, #tpu.memory_space<vmem>>, vector<16xf32>,
        } {sc.loop_unroll_factor = 8 : i64, sc.parallel_access}
        %mul3A_250 = arith.constant 5 : i32
        %mul3A_251 = arith.muli %add3A_52, %mul3A_250 : i32
        %add3A_252 = arith.addi %mul3A_2, %mul3A_251 : i32
        %dma_start3A_253 = arith.constant 0 : i32
        %dma_start3A_254 = arith.constant 0 : i32
        %dma_start3A_255 = tpu.memref_slice %arg4[%add3A_252, %dma_start3A_253, %dma_start3A_254] : memref<20000x16x256xf32, #tpu.memory_space<hbm>> -> memref<5x16x256xf32, #tpu.memory_space<hbm>>
        %dma_start3A_256 = arith.constant 0 : i32
        %dma_start3A_257 = arith.constant 0 : i32
        %dma_start3A_258 = tpu.memref_slice %arg4[%add3A_252, %dma_start3A_256, %dma_start3A_257] : memref<20000x16x256xf32, #tpu.memory_space<hbm>> -> memref<5x16x256xf32, #tpu.memory_space<hbm>>
        tpu.enqueue_dma source(%arg10 : memref<5x16x256xf32, #tpu.memory_space<vmem>>) target(%dma_start3A_258 : memref<5x16x256xf32, #tpu.memory_space<hbm>>) target_semaphore(%arg14 : memref<!tpu.dma_semaphore, #tpu.memory_space<semaphore_mem>>)
      } else {
      }
      %scan3A_58 = arith.constant 0 : i32
      scf.yield %scan3A_58 : i32
    }
    %scan3A_25 = arith.constant 63 : i32
    %add3A_26 = arith.constant 615 : i32
    %add3A_27 = arith.addi %mul3A_2, %add3A_26 : i32
    %dma_wait3A = arith.constant 0 : i32
    %dma_wait3A_28 = arith.constant 0 : i32
    %dma_wait3A_29 = tpu.memref_slice %arg4[%add3A_27, %dma_wait3A, %dma_wait3A_28] : memref<20000x16x256xf32, #tpu.memory_space<hbm>> -> memref<5x16x256xf32, #tpu.memory_space<hbm>>
    %dma_wait3A_30 = arith.constant 0 : i32
    %dma_wait3A_31 = arith.constant 0 : i32
    %dma_wait3A_32 = tpu.memref_slice %arg4[%add3A_27, %dma_wait3A_30, %dma_wait3A_31] : memref<20000x16x256xf32, #tpu.memory_space<hbm>> -> memref<5x16x256xf32, #tpu.memory_space<hbm>>
    tpu.wait_dma2 semaphore(%arg14 : memref<!tpu.dma_semaphore, #tpu.memory_space<semaphore_mem>>) src(%arg10 : memref<5x16x256xf32, #tpu.memory_space<vmem>>) dst(%dma_wait3A_32 : memref<5x16x256xf32, #tpu.memory_space<hbm>>)
    %add3A_33 = arith.constant 620 : i32
    %add3A_34 = arith.addi %mul3A_2, %add3A_33 : i32
    %dma_wait3A_35 = arith.constant 0 : i32
    %dma_wait3A_36 = arith.constant 0 : i32
    %dma_wait3A_37 = tpu.memref_slice %arg4[%add3A_34, %dma_wait3A_35, %dma_wait3A_36] : memref<20000x16x256xf32, #tpu.memory_space<hbm>> -> memref<5x16x256xf32, #tpu.memory_space<hbm>>
    %dma_wait3A_38 = arith.constant 0 : i32
    %dma_wait3A_39 = arith.constant 0 : i32
    %dma_wait3A_40 = tpu.memref_slice %arg4[%add3A_34, %dma_wait3A_38, %dma_wait3A_39] : memref<20000x16x256xf32, #tpu.memory_space<hbm>> -> memref<5x16x256xf32, #tpu.memory_space<hbm>>
    tpu.wait_dma2 semaphore(%arg13 : memref<!tpu.dma_semaphore, #tpu.memory_space<semaphore_mem>>) src(%arg9 : memref<5x16x256xf32, #tpu.memory_space<vmem>>) dst(%dma_wait3A_40 : memref<5x16x256xf32, #tpu.memory_space<hbm>>)
    return
  }
}

</mosaic_0001>

<sc_bundles>
// kernel: kernel.3.cloned.1.call-start
scs
__scs_entry_jumppad:
0x0: {  	(pc) =	sbr.rel $0x88, $3  }
0x1: {  	(tag) =	ssettag $0x0;
	lr =	simm.s32 $0x1  }
0x2: {  	[smem:$0x3F9F] =	sst lr;
	_ =	strace $0xD0000000  }
0x3: {  	_ = 	snop  }
0x4: {  	_ = 	snop  }
0x5: {  	_ = 	snop  }
0x6: {  	_ = 	snop  }
0x7: {  	_ = 	snop  }
__scs_overlays_trampoline_lowered:
0x8: {  	[smem:$0x3FAE] =	sst s0  }
0x9: {  	[smem:$0x3FAF] =	sst s1  }
0xa: {  	[smem:$0x3FB0] =	sst s2  }
0xb: {  	[smem:$0x3FB1] =	sst s3  }
0xc: {  	[smem:$0x3FB2] =	sst s4  }
0xd: {  	[smem:$0x3FB3] =	sst s5  }
0xe: {  	[smem:$0x3FB4] =	sst s6  }
0xf: {  	[smem:$0x3FB5] =	sst s7  }
0x10: {  	[smem:$0x3FB6] =	sst s8  }
0x11: {  	[smem:$0x3FB7] =	sst s9;
	s0 =	simm.s32 @!p0 $0x0  }
0x12: {  	s1 =	sld [smem:$0x3F9D];
	s0 =	simm.s32 @p0 $0x1  }
0x13: {  	[smem:$0x3FB8] =	sst s0;
	s0 =	simm.s32 @!p1 $0x0  }
0x14: {  	s2 =	sld [smem:$0x3F9C];
	s0 =	simm.s32 @p1 $0x1  }
0x15: {  	[smem:$0x3FB9] =	sst s0;
	s0 =	simm.s32 @!p2 $0x0  }
0x16: {  	s3 =	sld [smem:$0x3FDB];
	s0 =	simm.s32 @p2 $0x1  }
0x17: {  	s4 =	simm.s32 $0x1BF5;
	[smem:$0x3FBB] =	sst s0  }
0x18: {  	s0 =	sld [smem:$0x3F9E];
	_ =	swait.ge [sflag:s4], $0x0  }
0x19: {  	s7 =	sld [smem:$0x3F9F]  }
0x1a: {  	s8 =	sadd.s32 $0xFFFFE003, lr  }
0x1b: {  	s9 =	sadd.s32 $0xFFFFFEF7, lr;
	s5 =	simm.s32 $0xFFFFFFFF;
	p2 =	slt.u32 s8, $0xFFFFF086  }
0x1c: {  	p1 =	slt.u32 s9, $0xF7A;
	s5 =	simm.s32 @!p2 $0x0  }
0x1d: {  	s5 =	simm.s32 @p1 $0x1;
	p0 =	seq.s32 s7, s2  }
0x1e: {  	s7 =	smul.u32 @!p0 $0xF7A, s2;
	p2 =	seq.s32 @!p0 s5, $0x0  }
0x1f: {  	s9 =	smul.u32 $0xF7A, s1;
	s8 =	simm.s32 @!p0 $0x1BF5;
	p2 =	por !p2, p0  }
0x20: {  	[sflag:s8] =	ssyncset.s32 @!p0 $0xFFFFF086;
	s6 =	sadd.s32 @!p0 s3, s7;
	s7 =	simm.s32 @!p0 $0x108  }
0x21: {  	s3 =	sadd.s32 s3, s9;
	s6 =	sadd.s32 @!p0 $0x88, s6;
	s7 =	simm.s32 @p2 $0x1082  }
0x22: {  	[simem:s7], [sflag:s8] =	dma.local @!p0 [hbm:s6], $0xF7A  }
0x23: {  	s9 =	sor.u32 $0xD0000000, s2;
	s6 =	simm.s32 $0x108;
	_ =	swait.ge @!p0 [sflag:s8], $0x0  }
0x24: {  	s3 =	sadd.s32 $0x88, s3;
	s6 =	simm.s32 @!p1 $0x1082;
	[sflag:s4] =	ssyncset.s32 $0xFFFFF086  }
0x25: {  	[simem:s6], [sflag:s4] =	dma.local [hbm:s3], $0xF7A  }
0x26: {  	[smem:$0x3F9F] =	sst s1;
	(tag) =	ssettag s2;
	_ =	strace s9  }
0x27: {  	s1 =	sld [smem:$0x3FAF]  }
0x28: {  	s2 =	sld [smem:$0x3FB0]  }
0x29: {  	s4 =	sld [smem:$0x3FB2]  }
0x2a: {  	p0 =	seq.s32 s5, $0x0;
	s5 =	sld [smem:$0x3FB3]  }
0x2b: {  	s6 =	sld [smem:$0x3FB4]  }
0x2c: {  	s7 =	sld [smem:$0x3FB5]  }
0x2d: {  	s3 =	simm.s32 $0x108;
	s8 =	sld [smem:$0x3FB6]  }
0x2e: {  	s3 =	simm.s32 @!p0 $0x1082;
	s9 =	sld [smem:$0x3FB7]  }
0x2f: {  	lr =	sadd.s32 s0, s3;
	s0 =	sld [smem:$0x3FAE]  }
0x30: {  	s3 =	sld [smem:$0x3FB1]  }
0x31: {  	[smem:$0x3FBA] =	sst s10  }
0x32: {  	s10 =	sld [smem:$0x3FB8];
	_ =	sdelay $0x3  }
0x33: {  	p0 =	seq.s32 s10, $0x1;
	s10 =	sld [smem:$0x3FBA];
	_ =	sdelay $0x3  }
0x34: {  	[smem:$0x3FBA] =	sst s10  }
0x35: {  	s10 =	sld [smem:$0x3FB9];
	_ =	sdelay $0x3  }
0x36: {  	p1 =	seq.s32 s10, $0x1;
	s10 =	sld [smem:$0x3FBA];
	_ =	sdelay $0x3  }
0x37: {  	[smem:$0x3FBA] =	sst s10  }
0x38: {  	s10 =	sld [smem:$0x3FBB]  }
0x39: {  	_ = 	snop;
	(pc) =	sbr.ind lr, $3  }
0x3a: {  	_ = 	snop  }
0x3b: {  	_ = 	snop  }
0x3c: {  	p2 =	seq.s32 s10, $0x1;
	s10 =	sld [smem:$0x3FBA]  }
0x3d: {  	_ =	shalt  }
0x3e: {  	_ =	shalt  }
0x3f: {  	_ =	shalt  }
0x40: {  	_ =	shalt  }
0x41: {  	_ =	shalt  }
0x42: {  	_ =	shalt  }
0x43: {  	_ =	shalt  }
0x44: {  	_ =	shalt  }
0x45: {  	_ =	shalt  }
0x46: {  	_ =	shalt  }
0x47: {  	_ =	shalt  }
0x48: {  	_ =	shalt  }
0x49: {  	_ =	shalt  }
0x4a: {  	_ =	shalt  }
0x4b: {  	_ =	shalt  }
0x4c: {  	_ =	shalt  }
0x4d: {  	_ =	shalt  }
0x4e: {  	_ =	shalt  }
0x4f: {  	_ =	shalt  }
0x50: {  	_ =	shalt  }
0x51: {  	_ =	shalt  }
0x52: {  	_ =	shalt  }
0x53: {  	_ =	shalt  }
0x54: {  	_ =	shalt  }
0x55: {  	_ =	shalt  }
0x56: {  	_ =	shalt  }
0x57: {  	_ =	shalt  }
0x58: {  	_ =	shalt  }
0x59: {  	_ =	shalt  }
0x5a: {  	_ =	shalt  }
0x5b: {  	_ =	shalt  }
0x5c: {  	_ =	shalt  }
0x5d: {  	_ =	shalt  }
0x5e: {  	_ =	shalt  }
0x5f: {  	_ =	shalt  }
0x60: {  	_ =	shalt  }
0x61: {  	_ =	shalt  }
0x62: {  	_ =	shalt  }
0x63: {  	_ =	shalt  }
0x64: {  	_ =	shalt  }
0x65: {  	_ =	shalt  }
0x66: {  	_ =	shalt  }
0x67: {  	_ =	shalt  }
0x68: {  	_ =	shalt  }
0x69: {  	_ =	shalt  }
0x6a: {  	_ =	shalt  }
0x6b: {  	_ =	shalt  }
0x6c: {  	_ =	shalt  }
0x6d: {  	_ =	shalt  }
0x6e: {  	_ =	shalt  }
0x6f: {  	_ =	shalt  }
0x70: {  	_ =	shalt  }
0x71: {  	_ =	shalt  }
0x72: {  	_ =	shalt  }
0x73: {  	_ =	shalt  }
0x74: {  	_ =	shalt  }
0x75: {  	_ =	shalt  }
0x76: {  	_ =	shalt  }
0x77: {  	_ =	shalt  }
0x78: {  	_ =	shalt  }
0x79: {  	_ =	shalt  }
0x7a: {  	_ =	shalt  }
0x7b: {  	_ =	shalt  }
0x7c: {  	_ =	shalt  }
0x7d: {  	_ =	shalt  }
0x7e: {  	_ =	shalt  }
0x7f: {  	_ =	shalt  }
0x80: {  	_ =	shalt  }
0x81: {  	_ =	shalt  }
0x82: {  	_ =	shalt  }
0x83: {  	_ =	shalt  }
0x84: {  	_ =	shalt  }
0x85: {  	_ =	shalt  }
0x86: {  	_ =	shalt  }
0x87: {  	_ =	shalt  }
.Lfunc_end0:
.L_simem_size_0:
called_computation_lowered:
.L_overlay_start_0:
0x88: {  	s2 =	sld [smem:$0x3FD9]  }
0x89: {  	s3 =	sld [smem:$0x3FFE];
	_ =	sdelay $0x1  }
0x8a: {  	s1 =	srdreg.scid  }
0x8b: {  	s0 =	sand.u32 $0x1, s1  }
0x8c: {  	s17 =	sshll.u32 s0, $0xA;
	s2 =	sadd.s32 s3, s2  }
0x8d: {  	s2 =	sadd.s32 s2, s17  }
0x8e: {  	[smem:$0x3FC6] =	sst s2  }
0x8f: {  	_ = 	snop  }
0x90: {  	s2 =	sld [smem:$0x3FC9]  }
0x91: {  	s18 =	sld [smem:$0x3FD0];
	(tm) =	ssettm $0x1  }
0x92: {  	s4 =	sld [smem:$0x3FFB];
	_ =	sdelay $0x3  }
0x93: {  	_ =	strace s4  }
0x94: {  	s4 =	sld [smem:$0x3FFC];
	_ =	sdelay $0x3  }
0x95: {  	_ =	strace s4  }
0x96: {  	s4 =	sld [smem:$0x3FFD];
	_ =	sdelay $0x3  }
0x97: {  	_ =	strace s4  }
0x98: {  	_ =	strace $0x8FFFFFFF  }
0x99: {  	s19 =	sld [smem:$0x3FDB];
	_ =	sdelay $0x1  }
0x9a: {  	s5 =	simm.s32 $_scs_section_size  }
0x9b: {  	s6 =	simm.s32 $_size__tile_overlayer_lowered;
	s7 =	simm.s32 $_tile_overlayer_lowered  }
0x9c: {  	s22 =	simm.s32 $0x1BFF;
	s21 =	sshll.u32 s7, $0x1;
	s4 =	sadd.s32 s5, s19  }
0x9d: {  	s8 =	simm.s32 $0x0;
	s20 =	sshll.u32 s6, $0x1;
	s6 =	sadd.s32 s21, s4  }
0x9e: {  	[timem:s8], [sflag:s22] =	dma.local [hbm:s6], s20  }
0x9f: {  	_ =	swait.ge [sflag:s22], s20  }
0xa0: {  	s5 =	ssub.s32 $0x0, s20;
	[sflag:s22] =	ssyncset.done $0x0  }
0xa1: {  	[sflag:s22] =	ssyncadd.s32 s5;
	_ =	sdelay $0x1  }
0xa2: {  	s23 =	simm.s32 $0x1B8B  }
0xa3: {  	_ =	swait.ge [sflag:s23], $0x1  }
0xa4: {  	[sflag:s23] =	ssyncset.done $0x0  }
0xa5: {  	s25 =	simm.s32 $0x1B8E;
	s24 =	sld [smem:$0x3FFE];
	[sflag:s23] =	ssyncadd.s32 $0xFFFFFFFF  }
0xa6: {  	s26 =	simm.s32 $execute0_lowered;
	[smem:$0x3FD2] =	sst s25  }
0xa7: {  	s6 =	sshll.u32 s26, $0x1;
	_ =	strace $0x80000046;
	[dreg:$0x1] =	wrdreg $0xFFFFFFFF  }
0xa8: {  	s28 =	simm.s32 $_size_execute0_lowered;
	s4 =	sadd.s32 s4, s6;
	[dreg:$0x0] =	wrdreg $0x0  }
0xa9: {  	s6 =	sshll.u32 s28, $0x1;
	[dreg:$0x2] =	wrdreg s4  }
0xaa: {  	[dreg:$0x3] =	wrdreg s6  }
0xab: {  	[dreg:$0x4] =	wrdreg $0xC0  }
0xac: {  	_ =	task [dreg:s8], $0x5FFFF  }
0xad: {  	[dreg:$0x1] =	wrdreg $0xFFFFFFFF  }
0xae: {  	[dreg:$0x0] =	wrdreg $0x60  }
0xaf: {  	[dreg:$0x2] =	wrdreg s2  }
0xb0: {  	[dreg:$0x3] =	wrdreg s24  }
0xb1: {  	[dreg:$0x4] =	wrdreg s18  }
0xb2: {  	[dreg:$0x5] =	wrdreg $0x9  }
0xb3: {  	_ =	task.clear_ibuf [dreg:s8], $0x6FFFF;
	_ =	strace $0x90000046  }
0xb4: {  	s29 =	simm.s32 $0x9;
	_ =	strace $0x80000048  }
0xb5: {  	_ =	swait.ge [sflag:s29], $0x1  }
0xb6: {  	[sflag:s29] =	ssyncadd.s32 $0xFFFFFFFF  }
0xb7: {  	_ =	strace $0x90000048  }
0xb8: {  	_ =	sfence  }
0xb9: {  	s30 =	sld [smem:$0x0];
	_ =	sdelay $0x2  }
0xba: {  	s31 =	sshll.u32 s1, $0xD;
	s1 =	sshrl.u32 s1, $0x2  }
0xbb: {  	s3 =	sand.u32 $0x4000, s31;
	s1 =	sadd.s32 s1, s30  }
0xbc: {  	s0 =	sor.u32 s3, s0;
	s1 =	sshll.u32 s1, $0x11  }
0xbd: {  	s0 =	sor.u32 s1, s0  }
0xbe: {  	s0 =	sadd.s32 $0x8F2B, s0  }
0xbf: {  	[sflag:s0] =	ssyncadd.remote.s32 $0x1  }
0xc0: {  	_ =	sfence.sel $0xFFFF  }
0xc1: {  	[dreg:$0x0] =	wrdreg $0xFFFFFFFF;
	(pc) =	sbr.abs _section_cstart, $3  }
0xc2: {  	[dreg:$0x1] =	wrdreg $0xFFFFFFFF  }
0xc3: {  	_ =	task.clear_ibuf [dreg:s8], $0x2FFFF;
	_ =	strace $0x9FFFFFFF  }
0xc4: {  	(tm) =	ssettm $0x7FFFFFFF  }
0xc5: {  	_ =	shalt  }
tec
execute0_lowered:
.L_overlay_start_1:
0x0: {  	(tag) =	ssettag $0x1  }
0x1: {  	s1 =	rddreg [dreg:$0x0]  }
0x2: {  	s6 =	rddreg [dreg:$0x1];
	s2 =	srdreg.scid  }
0x3: {  	s0 =	stileid.u32;
	s3 =	rddreg [dreg:$0x2]  }
0x4: {  	s4 =	simm.s32 $0x0;
	s17 =	simm.s32 $0x0;
	s11 =	simm.s32 $0x58  }
0x5: {  	s12 =	simm.s32 $0x6780;
	s13 =	simm.s32 $0x1;
	s14 =	simm.s32 $0xBF80  }
0x6: {  	s15 =	simm.s32 $0x2;
	s16 =	simm.s32 $0x10F80;
	s18 =	simm.s32 $0x3  }
0x7: {  	s19 =	simm.s32 $0x0;
	s7 =	sand.u32 $0x1, s2;
	s2 =	rddreg [dreg:$0x3]  }
0x8: {  	s5 =	sshll.u32 s0, $0x1;
	[smem:$0x7FF] =	sst s4;
	s30 =	smul.u32 $0x4E2, s0  }
0x9: {  	v0 =	vimm.s32 $0x53525150;
	p0 =	slt.u32 s0, $0x8;
	s5 =	sor.u32 s7, s5;
	s31 =	smul.u32 $0x271, s7  }
.Ltmp0:
0xa: {  	v0 =	vunpack.c.0.s8.s32 v0;
	s9 =	ssub.s32 $0x2, s7;
	_ =	strace $0x80000047;
	(pc) =	sbr.rel .LBB2_1-.Ltmp0, $4  }
0xb: {  	v1 =	vimm.s32 $0x57565554;
	vm0 =	vcmask $0xF00;
	s17 =	simm.s32 @!p0 $0x2710;
	s8 =	smul.u32 $0x4E2, s5;
	s10 =	sshrl.u32 s9, $0x1  }
0xc: {  	v2 =	vunpack.c.0.s8.s32 v1;
	s5 =	smul.u32 $0x271, s5;
	v3 =	vnsel vm0, $0x57, v0;
	v0 =	vmov s17;
	s17 =	simm.s32 $0x4;
	s29 =	ssub.s32 s9, s10  }
0xd: {  	vm15 =	vcmask $0x1F10;
	s9 =	simm.s32 $0x5;
	s10 =	simm.s32 $0x2780;
	s6 =	sadd.s32 s8, s6  }
0xe: {  	v1 =	vlaneseq.u32;
	v2 =	vsel vm15, v2, v3;
	s7 =	smax.u32 s29, $0x1;
	s8 =	sadd.s32 s31, s30;
	s6 =	sadd.s32 $0x400, s6  }
.LBB2_27:
0xf: {  	s19 =	sadd.s32 $0x1, s19  }
0x10: {  	_ =	swait.ge [sflag:s17], $0x5000;
	p0 =	sne.s32 s19, s7  }
.Ltmp1:
0x11: {  	[sflag:s17] =	ssyncset.done $0x0;
	(pc) =	sbr.rel @!p0 .LBB2_28-.Ltmp1, $4  }
0x12: {  	[sflag:s17] =	ssyncadd.s32 $0xFFFFB000  }
0x13: {  	_ =	swait.ge [sflag:s18], $0x5000  }
0x14: {  	[sflag:s18] =	ssyncset.done $0x0  }
0x15: {  	[sflag:s18] =	ssyncadd.s32 $0xFFFFB000  }
.LBB2_1:
0x16: {  	[tilespmem:s4], [sflag:$0x5] =	stream.linear.gather [hbm4b:s6+s4], $0x2710, $0x38;
	[tilespmem:$0x15F80] =	vst v63  }
0x17: {  	_ =	swait.ge [sflag:s9], $0x2710  }
0x18: {  	[sflag:s9] =	ssyncset.done $0x0  }
0x19: {  	s20 =	simm.s32 $0x20;
	[sflag:s9] =	ssyncadd.s32 $0xFFFFD8F0  }
0x1a: {  	v3 =	vld [tilespmem:s20+$0xFFFFFFE0];
	_ =	sdelay $0x4  }
0x1b: {  	s21 =	simm.s32 $0x27A0;
	v3 =	vadd.s32 v0, v3  }
0x1c: {  	[tilespmem:s21+$0xFFFFFFE0] =	vst v3  }
0x1d: {  	v3 =	vld [tilespmem:s20+$0xFFFFFFF0];
	_ =	sdelay $0x4  }
0x1e: {  	v3 =	vadd.s32 v0, v3  }
0x1f: {  	[tilespmem:s21+$0xFFFFFFF0] =	vst v3  }
0x20: {  	v3 =	vld [tilespmem:s20+$0x0];
	_ =	sdelay $0x4  }
0x21: {  	v3 =	vadd.s32 v0, v3  }
0x22: {  	[tilespmem:s21+$0x0] =	vst v3  }
0x23: {  	v3 =	vld [tilespmem:s20+$0x10];
	_ =	sdelay $0x4  }
0x24: {  	v3 =	vadd.s32 v0, v3  }
0x25: {  	[tilespmem:s21+$0x10] =	vst v3  }
0x26: {  	v3 =	vld [tilespmem:s20+$0x20];
	_ =	sdelay $0x3  }
0x27: {  	s23 =	simm.s32 $0x0  }
0x28: {  	v5 =	vadd.s32 v0, v3;
	v3 =	vor.u32 s23, v2;
	_ =	sdelay $0x1  }
0x29: {  	v4 =	vadd.s32 s8, v1  }
0x2a: {  	vm0 =	vlt.s32 v4, $0x4E1F  }
0x2b: {  	s22 =	simm.s32 $0x1;
	v4 =	vnsel vm0, $0x4E1F, v4;
	s23 =	smov.u32 s8;
	[tilespmem:s21+$0x20] =	vst v5  }
.LBB2_2:
0x2c: {  	[tilespmem:v3+s10+$0x0] =	vst.idx.msk $0xffff, v4;
	s23 =	sadd.s32 $0x5, s23;
	s21 =	sadd.s32 $0x80, s21;
	s20 =	sadd.s32 $0x50, s20  }
0x2d: {  	p0 =	sne.s32 s22, $0x7C;
	s24 =	smov.u32 s22;
	s22 =	sadd.s32 $0x1, s22;
	v3 =	vld [tilespmem:s20+$0xFFFFFFE0]  }
0x2e: {  	_ =	sdelay $0x3  }
0x2f: {  	v3 =	vadd.s32 v0, v3  }
0x30: {  	[tilespmem:s21+$0xFFFFFFE0] =	vst v3  }
0x31: {  	v3 =	vld [tilespmem:s20+$0xFFFFFFF0];
	_ =	sdelay $0x4  }
0x32: {  	v3 =	vadd.s32 v0, v3  }
0x33: {  	[tilespmem:s21+$0xFFFFFFF0] =	vst v3  }
0x34: {  	v3 =	vld [tilespmem:s20+$0x0];
	_ =	sdelay $0x4  }
0x35: {  	v3 =	vadd.s32 v0, v3  }
0x36: {  	[tilespmem:s21+$0x0] =	vst v3  }
0x37: {  	v3 =	vld [tilespmem:s20+$0x10];
	_ =	sdelay $0x4  }
0x38: {  	v3 =	vadd.s32 v0, v3  }
0x39: {  	[tilespmem:s21+$0x10] =	vst v3  }
0x3a: {  	v4 =	vld [tilespmem:s20+$0x20]  }
0x3b: {  	s24 =	sshll.u32 s24, $0x7  }
.Ltmp2:
0x3c: {  	v3 =	vor.u32 s24, v2;
	(pc) =	sbr.rel @p0 .LBB2_2-.Ltmp2, $4  }
0x3d: {  	_ = 	snop  }
0x3e: {  	v5 =	vadd.s32 s23, v1  }
0x3f: {  	vm0 =	vlt.s32 v5, $0x4E1F;
	v4 =	vadd.s32 v0, v4  }
0x40: {  	[tilespmem:s21+$0x20] =	vst v4;
	v4 =	vnsel vm0, $0x4E1F, v5  }
0x41: {  	_ = 	snop  }
.Ltmp3:
0x42: {  	_ = 	snop;
	(pc) =	sbr.rel .LBB2_4-.Ltmp3, $3  }
0x43: {  	_ =	sdelay $0x1  }
0x44: {  	[tilespmem:v3+s10+$0x0] =	vst.idx.msk $0xffff, v4;
	s20 =	simm.s32 $0x0  }
0x45: {  	[tilespmem:s12], [sflag:$0x1] =	stream.indirect.gather [hbm4b:s1+s11], $0x80, s10, s11, $0xb8;
	[tilespmem:$0x15F80] =	vst v63  }
.LBB2_26:
0x46: {  	s20 =	sadd.s32 $0x1, s20  }
0x47: {  	p0 =	sne.s32 s20, $0x3F  }
.Ltmp4:
0x48: {  	_ = 	snop;
	(pc) =	sbr.rel @!p0 .LBB2_27-.Ltmp4, $1  }
0x49: {  	_ =	sdelay $0x3  }
.LBB2_4:
0x4a: {  	s21 =	sshllo.u32 s20, $0x1  }
0x4b: {  	p1 =	sgt.u32 s21, $0x7C  }
0x4c: {  	s22 =	sshll.u32 @!p1 s21, $0x7  }
0x4d: {  	s22 =	sand.u32 @!p1 $0x3FFFFF80, s22  }
0x4e: {  	s23 =	simm.s32 @!p1 $0x58;
	s24 =	simm.s32 @!p1 $0x9380;
	s22 =	sadd.s32 @!p1 $0x2780, s22  }
0x4f: {  	[tilespmem:s24], [sflag:$0x2] =	stream.indirect.gather @!p1 [hbm4b:s1+s23], $0x80, s22, s23, $0xb8;
	[tilespmem:$0x15F80] =	vst v63  }
0x50: {  	_ =	swait.ge [sflag:s13], $0x2C00  }
0x51: {  	p0 =	seq.s32 s20, $0x0;
	[sflag:s13] =	ssyncset.done $0x0  }
0x52: {  	s22 =	simm.s32 @!p0 $0x3;
	[sflag:s13] =	ssyncadd.s32 $0xFFFFD400  }
0x53: {  	_ =	swait.ge @!p0 [sflag:s22], $0x5000  }
0x54: {  	[sflag:s22] =	ssyncset.done @!p0 $0x0  }
0x55: {  	[sflag:s22] =	ssyncadd.s32 @!p0 $0xFFFFB000  }
0x56: {  	v3 =	vld [tilespmem:$0x8F80]  }
0x57: {  	v4 =	vld [tilespmem:$0x8F90]  }
0x58: {  	v5 =	vld [tilespmem:$0x8FA0]  }
0x59: {  	v6 =	vld [tilespmem:$0x8FB0]  }
0x5a: {  	v7 =	vld [tilespmem:$0x8FC0]  }
0x5b: {  	v8 =	vld [tilespmem:$0x8FD0]  }
0x5c: {  	v9 =	vld [tilespmem:$0x8FE0]  }
0x5d: {  	p2 =	por $0x1, $0x1;
	s22 =	simm.s32 $0x0;
	v10 =	vld [tilespmem:$0x8FF0]  }
.LBB2_5:
0x5e: {  	s23 =	sshll.u32 s22, $0x7  }
0x5f: {  	s23 =	sand.u32 $0x3FFFFF80, s23  }
0x60: {  	v11 =	vld [tilespmem:s23+$0x6780];
	_ =	sdelay $0x3  }
0x61: {  	s31 =	sshll.u32 s22, $0x8  }
0x62: {  	s22 =	sand.u32 $0x3FFFFF00, s31;
	v11 =	vsub.f32 v11, v3  }
0x63: {  	[tilespmem:s22+$0xC380] =	vst v3  }
0x64: {  	[tilespmem:s22+$0xBF80] =	vst v11  }
0x65: {  	v11 =	vld [tilespmem:s23+$0x6790];
	_ =	sdelay $0x1  }
0x66: {  	v12 =	vld [tilespmem:s23+$0x6800];
	_ =	sdelay $0x2  }
0x67: {  	v11 =	vsub.f32 v11, v4  }
0x68: {  	[tilespmem:s22+$0xC390] =	vst v4  }
0x69: {  	[tilespmem:s22+$0xBF90] =	vst v11;
	v11 =	vsub.f32 v12, v3  }
0x6a: {  	[tilespmem:s22+$0xC400] =	vst v3;
	v63 =	vld [tilespmem:s23+$0x67A0]  }
0x6b: {  	[tilespmem:s22+$0xC000] =	vst v11  }
0x6c: {  	v11 =	vld [tilespmem:s23+$0x6810];
	_ =	sdelay $0x1  }
0x6d: {  	v13 =	vld [tilespmem:s23+$0x6880]  }
0x6e: {  	v12 =	vsub.f32 v63, v5  }
0x6f: {  	[tilespmem:s22+$0xC3A0] =	vst v5  }
0x70: {  	[tilespmem:s22+$0xBFA0] =	vst v12;
	v11 =	vsub.f32 v11, v4  }
0x71: {  	[tilespmem:s22+$0xC410] =	vst v4;
	v12 =	vld [tilespmem:s23+$0x67B0]  }
0x72: {  	[tilespmem:s22+$0xC010] =	vst v11;
	v11 =	vsub.f32 v13, v3  }
0x73: {  	[tilespmem:s22+$0xC480] =	vst v3;
	v16 =	vld [tilespmem:s23+$0x6820]  }
0x74: {  	v14 =	vld [tilespmem:s23+$0x6900];
	[tilespmem:s22+$0xC080] =	vst v11  }
0x75: {  	[tilespmem:s22+$0xC500] =	vst v3;
	v11 =	vld [tilespmem:s23+$0x6890]  }
0x76: {  	v29 =	vld [tilespmem:s23+$0x6980];
	[tilespmem:s22+$0xC580] =	vst v3;
	v12 =	vsub.f32 v12, v6  }
0x77: {  	[tilespmem:s22+$0xC3B0] =	vst v6  }
0x78: {  	[tilespmem:s22+$0xBFB0] =	vst v12;
	v17 =	vsub.f32 v16, v5  }
0x79: {  	[tilespmem:s22+$0xC420] =	vst v5;
	v18 =	vld [tilespmem:s23+$0x67C0]  }
0x7a: {  	[tilespmem:s22+$0xC020] =	vst v17;
	v11 =	vsub.f32 v11, v4  }
0x7b: {  	[tilespmem:s22+$0xC490] =	vst v4;
	v12 =	vld [tilespmem:s23+$0x6830]  }
0x7c: {  	v30 =	vld [tilespmem:s23+$0x6A00];
	[tilespmem:s22+$0xC090] =	vst v11  }
0x7d: {  	[tilespmem:s22+$0xC600] =	vst v3;
	v11 =	vld [tilespmem:s23+$0x68A0]  }
0x7e: {  	v32 =	vld [tilespmem:s23+$0x6A80];
	[tilespmem:s22+$0xC680] =	vst v3;
	v13 =	vsub.f32 v18, v7  }
0x7f: {  	[tilespmem:s22+$0xC3C0] =	vst v7  }
0x80: {  	[tilespmem:s22+$0xBFC0] =	vst v13;
	v12 =	vsub.f32 v12, v6  }
0x81: {  	[tilespmem:s22+$0xC430] =	vst v6;
	v13 =	vld [tilespmem:s23+$0x67D0]  }
0x82: {  	[tilespmem:s22+$0xC030] =	vst v12;
	v11 =	vsub.f32 v11, v5  }
0x83: {  	[tilespmem:s22+$0xC4A0] =	vst v5;
	v12 =	vld [tilespmem:s23+$0x6840]  }
0x84: {  	[tilespmem:s22+$0xC0A0] =	vst v11;
	v11 =	vsub.f32 v14, v3  }
0x85: {  	[tilespmem:s22+$0xC3D0] =	vst v8;
	v19 =	vld [tilespmem:s23+$0x68B0]  }
0x86: {  	[tilespmem:s22+$0xC100] =	vst v11;
	v11 =	vsub.f32 v13, v8  }
0x87: {  	[tilespmem:s22+$0xC440] =	vst v7;
	v20 =	vld [tilespmem:s23+$0x6910]  }
0x88: {  	[tilespmem:s22+$0xBFD0] =	vst v11;
	v11 =	vsub.f32 v12, v7  }
0x89: {  	[tilespmem:s22+$0xC4B0] =	vst v6;
	v21 =	vld [tilespmem:s23+$0x67E0]  }
0x8a: {  	[tilespmem:s22+$0xC040] =	vst v11;
	v11 =	vsub.f32 v19, v6  }
0x8b: {  	[tilespmem:s22+$0xC510] =	vst v4;
	v22 =	vld [tilespmem:s23+$0x6850]  }
0x8c: {  	[tilespmem:s22+$0xC0B0] =	vst v11;
	v11 =	vsub.f32 v20, v4  }
0x8d: {  	[tilespmem:s22+$0xC3E0] =	vst v9;
	v23 =	vld [tilespmem:s23+$0x68C0]  }
0x8e: {  	[tilespmem:s22+$0xC110] =	vst v11;
	v11 =	vsub.f32 v21, v9  }
0x8f: {  	[tilespmem:s22+$0xC450] =	vst v8  }
0x90: {  	[tilespmem:s22+$0xBFE0] =	vst v11;
	v11 =	vsub.f32 v22, v8  }
0x91: {  	[tilespmem:s22+$0xC4C0] =	vst v7;
	v24 =	vld [tilespmem:s23+$0x6920]  }
0x92: {  	[tilespmem:s22+$0xC050] =	vst v11;
	v11 =	vsub.f32 v23, v7  }
0x93: {  	[tilespmem:s22+$0xC520] =	vst v5;
	v25 =	vld [tilespmem:s23+$0x67F0]  }
0x94: {  	v26 =	vld [tilespmem:s23+$0x6860];
	[tilespmem:s22+$0xC0C0] =	vst v11  }
0x95: {  	[tilespmem:s22+$0xC3F0] =	vst v10;
	v27 =	vld [tilespmem:s23+$0x68D0]  }
0x96: {  	[tilespmem:s22+$0xC460] =	vst v9;
	v11 =	vsub.f32 v24, v5  }
0x97: {  	[tilespmem:s22+$0xC4D0] =	vst v8  }
0x98: {  	[tilespmem:s22+$0xC120] =	vst v11;
	v13 =	vsub.f32 v25, v10  }
0x99: {  	v11 =	vld [tilespmem:s23+$0x6930];
	[tilespmem:s22+$0xC530] =	vst v6;
	v12 =	vsub.f32 v26, v9  }
0x9a: {  	[tilespmem:s22+$0xBFF0] =	vst v13;
	v28 =	vsub.f32 v27, v8  }
0x9b: {  	[tilespmem:s22+$0xC060] =	vst v12;
	v12 =	vsub.f32 v32, v3  }
0x9c: {  	[tilespmem:s22+$0xC0D0] =	vst v28  }
0x9d: {  	[tilespmem:s22+$0xC280] =	vst v12  }
0x9e: {  	v11 =	vsub.f32 v11, v6;
	v13 =	vld [tilespmem:s23+$0x68E0];
	[tilespmem:s22+$0xC4E0] =	vst v9  }
0x9f: {  	v36 =	vld [tilespmem:s23+$0x6A90];
	[tilespmem:s22+$0xC690] =	vst v4  }
0xa0: {  	[tilespmem:s22+$0xC130] =	vst v11;
	v11 =	vsub.f32 v29, v3  }
0xa1: {  	v31 =	vld [tilespmem:s23+$0x6940];
	[tilespmem:s22+$0xC540] =	vst v7  }
0xa2: {  	[tilespmem:s22+$0xC180] =	vst v11;
	v11 =	vsub.f32 v30, v3  }
0xa3: {  	v15 =	vld [tilespmem:s23+$0x6990];
	[tilespmem:s22+$0xC590] =	vst v4  }
0xa4: {  	v13 =	vsub.f32 v13, v9;
	[tilespmem:s22+$0xC200] =	vst v11  }
0xa5: {  	v33 =	vld [tilespmem:s23+$0x6A10];
	[tilespmem:s22+$0xC610] =	vst v4  }
0xa6: {  	[tilespmem:s22+$0xC0E0] =	vst v13;
	v11 =	vsub.f32 v31, v7  }
0xa7: {  	v57 =	vld [tilespmem:s23+$0x68F0];
	[tilespmem:s22+$0xC4F0] =	vst v10  }
0xa8: {  	[tilespmem:s22+$0xC140] =	vst v11;
	v11 =	vld [tilespmem:s23+$0x6B00];
	v34 =	vsub.f32 v15, v4  }
0xa9: {  	[tilespmem:s22+$0xC700] =	vst v3  }
0xaa: {  	[tilespmem:s22+$0xC190] =	vst v34;
	v35 =	vsub.f32 v33, v4  }
0xab: {  	v14 =	vld [tilespmem:s23+$0x69A0];
	[tilespmem:s22+$0xC5A0] =	vst v5  }
0xac: {  	[tilespmem:s22+$0xC210] =	vst v35;
	v61 =	vsub.f32 v57, v10  }
0xad: {  	v11 =	vsub.f32 v11, v3;
	v12 =	vld [tilespmem:s23+$0x6A20];
	[tilespmem:s22+$0xC620] =	vst v5  }
0xae: {  	[tilespmem:s22+$0xC0F0] =	vst v61  }
0xaf: {  	[tilespmem:s22+$0xC300] =	vst v11;
	v11 =	vsub.f32 v36, v4  }
0xb0: {  	v37 =	vld [tilespmem:s23+$0x6B10];
	[tilespmem:s22+$0xC710] =	vst v4  }
0xb1: {  	v14 =	vsub.f32 v14, v5;
	[tilespmem:s22+$0xC290] =	vst v11;
	v11 =	vld [tilespmem:s23+$0x6950]  }
0xb2: {  	[tilespmem:s22+$0xC550] =	vst v8;
	v38 =	vld [tilespmem:s23+$0x6AA0]  }
0xb3: {  	[tilespmem:s22+$0xC1A0] =	vst v14  }
0xb4: {  	v12 =	vsub.f32 v12, v5;
	[tilespmem:s22+$0xC6A0] =	vst v5  }
0xb5: {  	v39 =	vld [tilespmem:s23+$0x69B0];
	[tilespmem:s22+$0xC5B0] =	vst v6;
	v40 =	vsub.f32 v37, v4  }
0xb6: {  	[tilespmem:s22+$0xC220] =	vst v12;
	v11 =	vsub.f32 v11, v8  }
0xb7: {  	v41 =	vld [tilespmem:s23+$0x6A30];
	[tilespmem:s22+$0xC310] =	vst v40;
	v42 =	vsub.f32 v38, v5  }
0xb8: {  	[tilespmem:s22+$0xC150] =	vst v11;
	v11 =	vld [tilespmem:s23+$0x6B20]  }
0xb9: {  	[tilespmem:s22+$0xC2A0] =	vst v42  }
0xba: {  	[tilespmem:s22+$0xC630] =	vst v6;
	v43 =	vsub.f32 v39, v6;
	v45 =	vld [tilespmem:s23+$0x6AB0]  }
0xbb: {  	[tilespmem:s22+$0xC720] =	vst v5  }
0xbc: {  	[tilespmem:s22+$0xC1B0] =	vst v43;
	v44 =	vsub.f32 v41, v6  }
0xbd: {  	[tilespmem:s22+$0xC6B0] =	vst v6;
	v11 =	vsub.f32 v11, v5  }
0xbe: {  	v14 =	vld [tilespmem:s23+$0x69C0];
	[tilespmem:s22+$0xC230] =	vst v44  }
0xbf: {  	v12 =	vld [tilespmem:s23+$0x6A40];
	[tilespmem:s22+$0xC320] =	vst v11;
	v11 =	vsub.f32 v45, v6  }
0xc0: {  	[tilespmem:s22+$0xC5C0] =	vst v7;
	v46 =	vld [tilespmem:s23+$0x6B30]  }
0xc1: {  	[tilespmem:s22+$0xC2B0] =	vst v11;
	v11 =	vld [tilespmem:s23+$0x6960]  }
0xc2: {  	[tilespmem:s22+$0xC640] =	vst v7;
	v47 =	vld [tilespmem:s23+$0x6AC0]  }
0xc3: {  	v14 =	vsub.f32 v14, v7;
	[tilespmem:s22+$0xC730] =	vst v6  }
0xc4: {  	[tilespmem:s22+$0xC560] =	vst v9  }
0xc5: {  	[tilespmem:s22+$0xC1C0] =	vst v14;
	v49 =	vsub.f32 v46, v6  }
0xc6: {  	[tilespmem:s22+$0xC6C0] =	vst v7;
	v48 =	vld [tilespmem:s23+$0x69D0];
	v11 =	vsub.f32 v11, v9  }
0xc7: {  	[tilespmem:s22+$0xC330] =	vst v49;
	v51 =	vsub.f32 v47, v7  }
0xc8: {  	[tilespmem:s22+$0xC160] =	vst v11;
	v11 =	vld [tilespmem:s23+$0x6B40]  }
0xc9: {  	v12 =	vsub.f32 v12, v7;
	[tilespmem:s22+$0xC2C0] =	vst v51  }
0xca: {  	[tilespmem:s22+$0xC5D0] =	vst v8;
	v54 =	vld [tilespmem:s23+$0x6AD0]  }
0xcb: {  	[tilespmem:s22+$0xC240] =	vst v12;
	v52 =	vsub.f32 v48, v8  }
0xcc: {  	v50 =	vld [tilespmem:s23+$0x6A50];
	[tilespmem:s22+$0xC650] =	vst v8  }
0xcd: {  	[tilespmem:s22+$0xC1D0] =	vst v52;
	v11 =	vsub.f32 v11, v7  }
0xce: {  	[tilespmem:s22+$0xC740] =	vst v7;
	v14 =	vld [tilespmem:s23+$0x69E0]  }
0xcf: {  	v59 =	vld [tilespmem:s23+$0x6970];
	[tilespmem:s22+$0xC340] =	vst v11;
	v11 =	vsub.f32 v54, v8  }
0xd0: {  	[tilespmem:s22+$0xC6D0] =	vst v8;
	v55 =	vld [tilespmem:s23+$0x6B50]  }
0xd1: {  	v53 =	vsub.f32 v50, v8;
	[tilespmem:s22+$0xC2D0] =	vst v11;
	v11 =	vld [tilespmem:s23+$0x6870]  }
0xd2: {  	[tilespmem:s22+$0xC570] =	vst v10;
	v56 =	vld [tilespmem:s23+$0x6AE0]  }
0xd3: {  	[tilespmem:s22+$0xC250] =	vst v53;
	v14 =	vsub.f32 v14, v9  }
0xd4: {  	[tilespmem:s22+$0xC750] =	vst v8  }
0xd5: {  	[tilespmem:s22+$0xC1E0] =	vst v14;
	v58 =	vsub.f32 v55, v8  }
0xd6: {  	[tilespmem:s22+$0xC6E0] =	vst v9;
	v11 =	vsub.f32 v11, v10  }
0xd7: {  	v12 =	vld [tilespmem:s23+$0x6A60];
	[tilespmem:s22+$0xC350] =	vst v58;
	v14 =	vsub.f32 v56, v9  }
0xd8: {  	[tilespmem:s22+$0xC070] =	vst v11;
	v11 =	vld [tilespmem:s23+$0x6B60]  }
0xd9: {  	[tilespmem:s22+$0xC2E0] =	vst v14  }
0xda: {  	[tilespmem:s22+$0xC5E0] =	vst v9;
	v13 =	vsub.f32 v59, v10;
	v63 =	vld [tilespmem:s23+$0x6AF0]  }
0xdb: {  	[tilespmem:s22+$0xC660] =	vst v9  }
0xdc: {  	[tilespmem:s22+$0xC170] =	vst v13;
	v12 =	vsub.f32 v12, v9  }
0xdd: {  	[tilespmem:s22+$0xC470] =	vst v10;
	v16 =	vld [tilespmem:s23+$0x69F0];
	v11 =	vsub.f32 v11, v9  }
0xde: {  	[tilespmem:s22+$0xC260] =	vst v12  }
0xdf: {  	v60 =	vld [tilespmem:s23+$0x6A70];
	[tilespmem:s22+$0xC360] =	vst v11;
	v11 =	vsub.f32 v63, v10  }
0xe0: {  	[tilespmem:s22+$0xC760] =	vst v9  }
0xe1: {  	[tilespmem:s22+$0xC2F0] =	vst v11;
	v11 =	vld [tilespmem:s23+$0x6B70]  }
0xe2: {  	[tilespmem:s22+$0xC5F0] =	vst v10;
	v62 =	vsub.f32 v16, v10  }
0xe3: {  	p3 =	por p2, p2;
	[tilespmem:s22+$0xC670] =	vst v10  }
.Ltmp5:
0xe4: {  	v12 =	vsub.f32 v60, v10;
	[tilespmem:s22+$0xC1F0] =	vst v62;
	(pc) =	sbr.rel @p3 .LBB2_5-.Ltmp5, $4  }
0xe5: {  	[tilespmem:s22+$0xC6F0] =	vst v10  }
0xe6: {  	[tilespmem:s22+$0xC270] =	vst v12;
	v11 =	vsub.f32 v11, v10  }
0xe7: {  	[tilespmem:s22+$0xC770] =	vst v10  }
0xe8: {  	p2 =	por $0x0, $0x0;
	[tilespmem:s22+$0xC370] =	vst v11;
	s22 =	simm.s32 $0x8  }
0xe9: {  	v3 =	vld [tilespmem:$0x9000]  }
0xea: {  	v4 =	vld [tilespmem:$0x9010]  }
0xeb: {  	v5 =	vld [tilespmem:$0x9020]  }
0xec: {  	v6 =	vld [tilespmem:$0x9030]  }
0xed: {  	v7 =	vld [tilespmem:$0x9040]  }
0xee: {  	v8 =	vld [tilespmem:$0x9050]  }
0xef: {  	v9 =	vld [tilespmem:$0x9060]  }
0xf0: {  	s22 =	simm.s32 $0x0;
	p2 =	por $0x1, $0x1;
	v10 =	vld [tilespmem:$0x9070]  }
.LBB2_7:
0xf1: {  	s23 =	sshll.u32 s22, $0x7  }
0xf2: {  	s23 =	sand.u32 $0x3FFFFF80, s23  }
0xf3: {  	v11 =	vld [tilespmem:s23+$0x6F80];
	_ =	sdelay $0x3  }
0xf4: {  	s31 =	sshll.u32 s22, $0x8  }
0xf5: {  	s22 =	sand.u32 $0x3FFFFF00, s31;
	v11 =	vsub.f32 v11, v3  }
0xf6: {  	[tilespmem:s22+$0xD380] =	vst v3  }
0xf7: {  	[tilespmem:s22+$0xCF80] =	vst v11  }
0xf8: {  	v11 =	vld [tilespmem:s23+$0x6F90];
	_ =	sdelay $0x1  }
0xf9: {  	v12 =	vld [tilespmem:s23+$0x7000];
	_ =	sdelay $0x2  }
0xfa: {  	v11 =	vsub.f32 v11, v4  }
0xfb: {  	[tilespmem:s22+$0xD390] =	vst v4  }
0xfc: {  	[tilespmem:s22+$0xCF90] =	vst v11;
	v11 =	vsub.f32 v12, v3  }
0xfd: {  	[tilespmem:s22+$0xD400] =	vst v3;
	v63 =	vld [tilespmem:s23+$0x6FA0]  }
0xfe: {  	[tilespmem:s22+$0xD000] =	vst v11  }
0xff: {  	v11 =	vld [tilespmem:s23+$0x7010];
	_ =	sdelay $0x1  }
0x100: {  	v13 =	vld [tilespmem:s23+$0x7080]  }
0x101: {  	v12 =	vsub.f32 v63, v5  }
0x102: {  	[tilespmem:s22+$0xD3A0] =	vst v5  }
0x103: {  	[tilespmem:s22+$0xCFA0] =	vst v12;
	v11 =	vsub.f32 v11, v4  }
0x104: {  	[tilespmem:s22+$0xD410] =	vst v4;
	v12 =	vld [tilespmem:s23+$0x6FB0]  }
0x105: {  	[tilespmem:s22+$0xD010] =	vst v11;
	v11 =	vsub.f32 v13, v3  }
0x106: {  	[tilespmem:s22+$0xD480] =	vst v3;
	v16 =	vld [tilespmem:s23+$0x7020]  }
0x107: {  	v14 =	vld [tilespmem:s23+$0x7100];
	[tilespmem:s22+$0xD080] =	vst v11  }
0x108: {  	[tilespmem:s22+$0xD500] =	vst v3;
	v11 =	vld [tilespmem:s23+$0x7090]  }
0x109: {  	v29 =	vld [tilespmem:s23+$0x7180];
	[tilespmem:s22+$0xD580] =	vst v3;
	v12 =	vsub.f32 v12, v6  }
0x10a: {  	[tilespmem:s22+$0xD3B0] =	vst v6  }
0x10b: {  	[tilespmem:s22+$0xCFB0] =	vst v12;
	v17 =	vsub.f32 v16, v5  }
0x10c: {  	[tilespmem:s22+$0xD420] =	vst v5;
	v18 =	vld [tilespmem:s23+$0x6FC0]  }
0x10d: {  	[tilespmem:s22+$0xD020] =	vst v17;
	v11 =	vsub.f32 v11, v4  }
0x10e: {  	[tilespmem:s22+$0xD490] =	vst v4;
	v12 =	vld [tilespmem:s23+$0x7030]  }
0x10f: {  	v30 =	vld [tilespmem:s23+$0x7200];
	[tilespmem:s22+$0xD090] =	vst v11  }
0x110: {  	[tilespmem:s22+$0xD600] =	vst v3;
	v11 =	vld [tilespmem:s23+$0x70A0]  }
0x111: {  	v32 =	vld [tilespmem:s23+$0x7280];
	[tilespmem:s22+$0xD680] =	vst v3;
	v13 =	vsub.f32 v18, v7  }
0x112: {  	[tilespmem:s22+$0xD3C0] =	vst v7  }
0x113: {  	[tilespmem:s22+$0xCFC0] =	vst v13;
	v12 =	vsub.f32 v12, v6  }
0x114: {  	[tilespmem:s22+$0xD430] =	vst v6;
	v13 =	vld [tilespmem:s23+$0x6FD0]  }
0x115: {  	[tilespmem:s22+$0xD030] =	vst v12;
	v11 =	vsub.f32 v11, v5  }
0x116: {  	[tilespmem:s22+$0xD4A0] =	vst v5;
	v12 =	vld [tilespmem:s23+$0x7040]  }
0x117: {  	[tilespmem:s22+$0xD0A0] =	vst v11;
	v11 =	vsub.f32 v14, v3  }
0x118: {  	[tilespmem:s22+$0xD3D0] =	vst v8;
	v19 =	vld [tilespmem:s23+$0x70B0]  }
0x119: {  	[tilespmem:s22+$0xD100] =	vst v11;
	v11 =	vsub.f32 v13, v8  }
0x11a: {  	[tilespmem:s22+$0xD440] =	vst v7;
	v20 =	vld [tilespmem:s23+$0x7110]  }
0x11b: {  	[tilespmem:s22+$0xCFD0] =	vst v11;
	v11 =	vsub.f32 v12, v7  }
0x11c: {  	[tilespmem:s22+$0xD4B0] =	vst v6;
	v21 =	vld [tilespmem:s23+$0x6FE0]  }
0x11d: {  	[tilespmem:s22+$0xD040] =	vst v11;
	v11 =	vsub.f32 v19, v6  }
0x11e: {  	[tilespmem:s22+$0xD510] =	vst v4;
	v22 =	vld [tilespmem:s23+$0x7050]  }
0x11f: {  	[tilespmem:s22+$0xD0B0] =	vst v11;
	v11 =	vsub.f32 v20, v4  }
0x120: {  	[tilespmem:s22+$0xD3E0] =	vst v9;
	v23 =	vld [tilespmem:s23+$0x70C0]  }
0x121: {  	[tilespmem:s22+$0xD110] =	vst v11;
	v11 =	vsub.f32 v21, v9  }
0x122: {  	[tilespmem:s22+$0xD450] =	vst v8  }
0x123: {  	[tilespmem:s22+$0xCFE0] =	vst v11;
	v11 =	vsub.f32 v22, v8  }
0x124: {  	[tilespmem:s22+$0xD4C0] =	vst v7;
	v24 =	vld [tilespmem:s23+$0x7120]  }
0x125: {  	[tilespmem:s22+$0xD050] =	vst v11;
	v11 =	vsub.f32 v23, v7  }
0x126: {  	[tilespmem:s22+$0xD520] =	vst v5;
	v25 =	vld [tilespmem:s23+$0x6FF0]  }
0x127: {  	v26 =	vld [tilespmem:s23+$0x7060];
	[tilespmem:s22+$0xD0C0] =	vst v11  }
0x128: {  	[tilespmem:s22+$0xD3F0] =	vst v10;
	v27 =	vld [tilespmem:s23+$0x70D0]  }
0x129: {  	[tilespmem:s22+$0xD460] =	vst v9;
	v11 =	vsub.f32 v24, v5  }
0x12a: {  	[tilespmem:s22+$0xD4D0] =	vst v8  }
0x12b: {  	[tilespmem:s22+$0xD120] =	vst v11;
	v13 =	vsub.f32 v25, v10  }
0x12c: {  	v11 =	vld [tilespmem:s23+$0x7130];
	[tilespmem:s22+$0xD530] =	vst v6;
	v12 =	vsub.f32 v26, v9  }
0x12d: {  	[tilespmem:s22+$0xCFF0] =	vst v13;
	v28 =	vsub.f32 v27, v8  }
0x12e: {  	[tilespmem:s22+$0xD060] =	vst v12;
	v12 =	vsub.f32 v32, v3  }
0x12f: {  	[tilespmem:s22+$0xD0D0] =	vst v28  }
0x130: {  	[tilespmem:s22+$0xD280] =	vst v12  }
0x131: {  	v11 =	vsub.f32 v11, v6;
	v13 =	vld [tilespmem:s23+$0x70E0];
	[tilespmem:s22+$0xD4E0] =	vst v9  }
0x132: {  	v36 =	vld [tilespmem:s23+$0x7290];
	[tilespmem:s22+$0xD690] =	vst v4  }
0x133: {  	[tilespmem:s22+$0xD130] =	vst v11;
	v11 =	vsub.f32 v29, v3  }
0x134: {  	v31 =	vld [tilespmem:s23+$0x7140];
	[tilespmem:s22+$0xD540] =	vst v7  }
0x135: {  	[tilespmem:s22+$0xD180] =	vst v11;
	v11 =	vsub.f32 v30, v3  }
0x136: {  	v15 =	vld [tilespmem:s23+$0x7190];
	[tilespmem:s22+$0xD590] =	vst v4  }
0x137: {  	v13 =	vsub.f32 v13, v9;
	[tilespmem:s22+$0xD200] =	vst v11  }
0x138: {  	v33 =	vld [tilespmem:s23+$0x7210];
	[tilespmem:s22+$0xD610] =	vst v4  }
0x139: {  	[tilespmem:s22+$0xD0E0] =	vst v13;
	v11 =	vsub.f32 v31, v7  }
0x13a: {  	v57 =	vld [tilespmem:s23+$0x70F0];
	[tilespmem:s22+$0xD4F0] =	vst v10  }
0x13b: {  	[tilespmem:s22+$0xD140] =	vst v11;
	v11 =	vld [tilespmem:s23+$0x7300];
	v34 =	vsub.f32 v15, v4  }
0x13c: {  	[tilespmem:s22+$0xD700] =	vst v3  }
0x13d: {  	[tilespmem:s22+$0xD190] =	vst v34;
	v35 =	vsub.f32 v33, v4  }
0x13e: {  	v14 =	vld [tilespmem:s23+$0x71A0];
	[tilespmem:s22+$0xD5A0] =	vst v5  }
0x13f: {  	[tilespmem:s22+$0xD210] =	vst v35;
	v61 =	vsub.f32 v57, v10  }
0x140: {  	v11 =	vsub.f32 v11, v3;
	v12 =	vld [tilespmem:s23+$0x7220];
	[tilespmem:s22+$0xD620] =	vst v5  }
0x141: {  	[tilespmem:s22+$0xD0F0] =	vst v61  }
0x142: {  	[tilespmem:s22+$0xD300] =	vst v11;
	v11 =	vsub.f32 v36, v4  }
0x143: {  	v37 =	vld [tilespmem:s23+$0x7310];
	[tilespmem:s22+$0xD710] =	vst v4  }
0x144: {  	v14 =	vsub.f32 v14, v5;
	[tilespmem:s22+$0xD290] =	vst v11;
	v11 =	vld [tilespmem:s23+$0x7150]  }
0x145: {  	[tilespmem:s22+$0xD550] =	vst v8;
	v38 =	vld [tilespmem:s23+$0x72A0]  }
0x146: {  	[tilespmem:s22+$0xD1A0] =	vst v14  }
0x147: {  	v12 =	vsub.f32 v12, v5;
	[tilespmem:s22+$0xD6A0] =	vst v5  }
0x148: {  	v39 =	vld [tilespmem:s23+$0x71B0];
	[tilespmem:s22+$0xD5B0] =	vst v6;
	v40 =	vsub.f32 v37, v4  }
0x149: {  	[tilespmem:s22+$0xD220] =	vst v12;
	v11 =	vsub.f32 v11, v8  }
0x14a: {  	v41 =	vld [tilespmem:s23+$0x7230];
	[tilespmem:s22+$0xD310] =	vst v40;
	v42 =	vsub.f32 v38, v5  }
0x14b: {  	[tilespmem:s22+$0xD150] =	vst v11;
	v11 =	vld [tilespmem:s23+$0x7320]  }
0x14c: {  	[tilespmem:s22+$0xD2A0] =	vst v42  }
0x14d: {  	[tilespmem:s22+$0xD630] =	vst v6;
	v43 =	vsub.f32 v39, v6;
	v45 =	vld [tilespmem:s23+$0x72B0]  }
0x14e: {  	[tilespmem:s22+$0xD720] =	vst v5  }
0x14f: {  	[tilespmem:s22+$0xD1B0] =	vst v43;
	v44 =	vsub.f32 v41, v6  }
0x150: {  	[tilespmem:s22+$0xD6B0] =	vst v6;
	v11 =	vsub.f32 v11, v5  }
0x151: {  	v14 =	vld [tilespmem:s23+$0x71C0];
	[tilespmem:s22+$0xD230] =	vst v44  }
0x152: {  	v12 =	vld [tilespmem:s23+$0x7240];
	[tilespmem:s22+$0xD320] =	vst v11;
	v11 =	vsub.f32 v45, v6  }
0x153: {  	[tilespmem:s22+$0xD5C0] =	vst v7;
	v46 =	vld [tilespmem:s23+$0x7330]  }
0x154: {  	[tilespmem:s22+$0xD2B0] =	vst v11;
	v11 =	vld [tilespmem:s23+$0x7160]  }
0x155: {  	[tilespmem:s22+$0xD640] =	vst v7;
	v47 =	vld [tilespmem:s23+$0x72C0]  }
0x156: {  	v14 =	vsub.f32 v14, v7;
	[tilespmem:s22+$0xD730] =	vst v6  }
0x157: {  	[tilespmem:s22+$0xD560] =	vst v9  }
0x158: {  	[tilespmem:s22+$0xD1C0] =	vst v14;
	v49 =	vsub.f32 v46, v6  }
0x159: {  	[tilespmem:s22+$0xD6C0] =	vst v7;
	v48 =	vld [tilespmem:s23+$0x71D0];
	v11 =	vsub.f32 v11, v9  }
0x15a: {  	[tilespmem:s22+$0xD330] =	vst v49;
	v51 =	vsub.f32 v47, v7  }
0x15b: {  	[tilespmem:s22+$0xD160] =	vst v11;
	v11 =	vld [tilespmem:s23+$0x7340]  }
0x15c: {  	v12 =	vsub.f32 v12, v7;
	[tilespmem:s22+$0xD2C0] =	vst v51  }
0x15d: {  	[tilespmem:s22+$0xD5D0] =	vst v8;
	v54 =	vld [tilespmem:s23+$0x72D0]  }
0x15e: {  	[tilespmem:s22+$0xD240] =	vst v12;
	v52 =	vsub.f32 v48, v8  }
0x15f: {  	v50 =	vld [tilespmem:s23+$0x7250];
	[tilespmem:s22+$0xD650] =	vst v8  }
0x160: {  	[tilespmem:s22+$0xD1D0] =	vst v52;
	v11 =	vsub.f32 v11, v7  }
0x161: {  	[tilespmem:s22+$0xD740] =	vst v7;
	v14 =	vld [tilespmem:s23+$0x71E0]  }
0x162: {  	v59 =	vld [tilespmem:s23+$0x7170];
	[tilespmem:s22+$0xD340] =	vst v11;
	v11 =	vsub.f32 v54, v8  }
0x163: {  	[tilespmem:s22+$0xD6D0] =	vst v8;
	v55 =	vld [tilespmem:s23+$0x7350]  }
0x164: {  	v53 =	vsub.f32 v50, v8;
	[tilespmem:s22+$0xD2D0] =	vst v11;
	v11 =	vld [tilespmem:s23+$0x7070]  }
0x165: {  	[tilespmem:s22+$0xD570] =	vst v10;
	v56 =	vld [tilespmem:s23+$0x72E0]  }
0x166: {  	[tilespmem:s22+$0xD250] =	vst v53;
	v14 =	vsub.f32 v14, v9  }
0x167: {  	[tilespmem:s22+$0xD750] =	vst v8  }
0x168: {  	[tilespmem:s22+$0xD1E0] =	vst v14;
	v58 =	vsub.f32 v55, v8  }
0x169: {  	[tilespmem:s22+$0xD6E0] =	vst v9;
	v11 =	vsub.f32 v11, v10  }
0x16a: {  	v12 =	vld [tilespmem:s23+$0x7260];
	[tilespmem:s22+$0xD350] =	vst v58;
	v14 =	vsub.f32 v56, v9  }
0x16b: {  	[tilespmem:s22+$0xD070] =	vst v11;
	v11 =	vld [tilespmem:s23+$0x7360]  }
0x16c: {  	[tilespmem:s22+$0xD2E0] =	vst v14  }
0x16d: {  	[tilespmem:s22+$0xD5E0] =	vst v9;
	v13 =	vsub.f32 v59, v10;
	v63 =	vld [tilespmem:s23+$0x72F0]  }
0x16e: {  	[tilespmem:s22+$0xD660] =	vst v9  }
0x16f: {  	[tilespmem:s22+$0xD170] =	vst v13;
	v12 =	vsub.f32 v12, v9  }
0x170: {  	[tilespmem:s22+$0xD470] =	vst v10;
	v16 =	vld [tilespmem:s23+$0x71F0];
	v11 =	vsub.f32 v11, v9  }
0x171: {  	[tilespmem:s22+$0xD260] =	vst v12  }
0x172: {  	v60 =	vld [tilespmem:s23+$0x7270];
	[tilespmem:s22+$0xD360] =	vst v11;
	v11 =	vsub.f32 v63, v10  }
0x173: {  	[tilespmem:s22+$0xD760] =	vst v9  }
0x174: {  	[tilespmem:s22+$0xD2F0] =	vst v11;
	v11 =	vld [tilespmem:s23+$0x7370]  }
0x175: {  	[tilespmem:s22+$0xD5F0] =	vst v10;
	v62 =	vsub.f32 v16, v10  }
0x176: {  	p3 =	por p2, p2;
	[tilespmem:s22+$0xD670] =	vst v10  }
.Ltmp6:
0x177: {  	v12 =	vsub.f32 v60, v10;
	[tilespmem:s22+$0xD1F0] =	vst v62;
	(pc) =	sbr.rel @p3 .LBB2_7-.Ltmp6, $4  }
0x178: {  	[tilespmem:s22+$0xD6F0] =	vst v10  }
0x179: {  	[tilespmem:s22+$0xD270] =	vst v12;
	v11 =	vsub.f32 v11, v10  }
0x17a: {  	[tilespmem:s22+$0xD770] =	vst v10  }
0x17b: {  	p2 =	por $0x0, $0x0;
	[tilespmem:s22+$0xD370] =	vst v11;
	s22 =	simm.s32 $0x8  }
0x17c: {  	v3 =	vld [tilespmem:$0x9080]  }
0x17d: {  	v4 =	vld [tilespmem:$0x9090]  }
0x17e: {  	v5 =	vld [tilespmem:$0x90A0]  }
0x17f: {  	v6 =	vld [tilespmem:$0x90B0]  }
0x180: {  	v7 =	vld [tilespmem:$0x90C0]  }
0x181: {  	v8 =	vld [tilespmem:$0x90D0]  }
0x182: {  	v9 =	vld [tilespmem:$0x90E0]  }
0x183: {  	s22 =	simm.s32 $0x0;
	p2 =	por $0x1, $0x1;
	v10 =	vld [tilespmem:$0x90F0]  }
.LBB2_9:
0x184: {  	s23 =	sshll.u32 s22, $0x7  }
0x185: {  	s23 =	sand.u32 $0x3FFFFF80, s23  }
0x186: {  	v11 =	vld [tilespmem:s23+$0x7780];
	_ =	sdelay $0x3  }
0x187: {  	s31 =	sshll.u32 s22, $0x8  }
0x188: {  	s22 =	sand.u32 $0x3FFFFF00, s31;
	v11 =	vsub.f32 v11, v3  }
0x189: {  	[tilespmem:s22+$0xE380] =	vst v3  }
0x18a: {  	[tilespmem:s22+$0xDF80] =	vst v11  }
0x18b: {  	v11 =	vld [tilespmem:s23+$0x7790];
	_ =	sdelay $0x1  }
0x18c: {  	v12 =	vld [tilespmem:s23+$0x7800];
	_ =	sdelay $0x2  }
0x18d: {  	v11 =	vsub.f32 v11, v4  }
0x18e: {  	[tilespmem:s22+$0xE390] =	vst v4  }
0x18f: {  	[tilespmem:s22+$0xDF90] =	vst v11;
	v11 =	vsub.f32 v12, v3  }
0x190: {  	[tilespmem:s22+$0xE400] =	vst v3;
	v63 =	vld [tilespmem:s23+$0x77A0]  }
0x191: {  	[tilespmem:s22+$0xE000] =	vst v11  }
0x192: {  	v11 =	vld [tilespmem:s23+$0x7810];
	_ =	sdelay $0x1  }
0x193: {  	v13 =	vld [tilespmem:s23+$0x7880]  }
0x194: {  	v12 =	vsub.f32 v63, v5  }
0x195: {  	[tilespmem:s22+$0xE3A0] =	vst v5  }
0x196: {  	[tilespmem:s22+$0xDFA0] =	vst v12;
	v11 =	vsub.f32 v11, v4  }
0x197: {  	[tilespmem:s22+$0xE410] =	vst v4;
	v12 =	vld [tilespmem:s23+$0x77B0]  }
0x198: {  	[tilespmem:s22+$0xE010] =	vst v11;
	v11 =	vsub.f32 v13, v3  }
0x199: {  	[tilespmem:s22+$0xE480] =	vst v3;
	v16 =	vld [tilespmem:s23+$0x7820]  }
0x19a: {  	v14 =	vld [tilespmem:s23+$0x7900];
	[tilespmem:s22+$0xE080] =	vst v11  }
0x19b: {  	[tilespmem:s22+$0xE500] =	vst v3;
	v11 =	vld [tilespmem:s23+$0x7890]  }
0x19c: {  	v29 =	vld [tilespmem:s23+$0x7980];
	[tilespmem:s22+$0xE580] =	vst v3;
	v12 =	vsub.f32 v12, v6  }
0x19d: {  	[tilespmem:s22+$0xE3B0] =	vst v6  }
0x19e: {  	[tilespmem:s22+$0xDFB0] =	vst v12;
	v17 =	vsub.f32 v16, v5  }
0x19f: {  	[tilespmem:s22+$0xE420] =	vst v5;
	v18 =	vld [tilespmem:s23+$0x77C0]  }
0x1a0: {  	[tilespmem:s22+$0xE020] =	vst v17;
	v11 =	vsub.f32 v11, v4  }
0x1a1: {  	[tilespmem:s22+$0xE490] =	vst v4;
	v12 =	vld [tilespmem:s23+$0x7830]  }
0x1a2: {  	v30 =	vld [tilespmem:s23+$0x7A00];
	[tilespmem:s22+$0xE090] =	vst v11  }
0x1a3: {  	[tilespmem:s22+$0xE600] =	vst v3;
	v11 =	vld [tilespmem:s23+$0x78A0]  }
0x1a4: {  	v32 =	vld [tilespmem:s23+$0x7A80];
	[tilespmem:s22+$0xE680] =	vst v3;
	v13 =	vsub.f32 v18, v7  }
0x1a5: {  	[tilespmem:s22+$0xE3C0] =	vst v7  }
0x1a6: {  	[tilespmem:s22+$0xDFC0] =	vst v13;
	v12 =	vsub.f32 v12, v6  }
0x1a7: {  	[tilespmem:s22+$0xE430] =	vst v6;
	v13 =	vld [tilespmem:s23+$0x77D0]  }
0x1a8: {  	[tilespmem:s22+$0xE030] =	vst v12;
	v11 =	vsub.f32 v11, v5  }
0x1a9: {  	[tilespmem:s22+$0xE4A0] =	vst v5;
	v12 =	vld [tilespmem:s23+$0x7840]  }
0x1aa: {  	[tilespmem:s22+$0xE0A0] =	vst v11;
	v11 =	vsub.f32 v14, v3  }
0x1ab: {  	[tilespmem:s22+$0xE3D0] =	vst v8;
	v19 =	vld [tilespmem:s23+$0x78B0]  }
0x1ac: {  	[tilespmem:s22+$0xE100] =	vst v11;
	v11 =	vsub.f32 v13, v8  }
0x1ad: {  	[tilespmem:s22+$0xE440] =	vst v7;
	v20 =	vld [tilespmem:s23+$0x7910]  }
0x1ae: {  	[tilespmem:s22+$0xDFD0] =	vst v11;
	v11 =	vsub.f32 v12, v7  }
0x1af: {  	[tilespmem:s22+$0xE4B0] =	vst v6;
	v21 =	vld [tilespmem:s23+$0x77E0]  }
0x1b0: {  	[tilespmem:s22+$0xE040] =	vst v11;
	v11 =	vsub.f32 v19, v6  }
0x1b1: {  	[tilespmem:s22+$0xE510] =	vst v4;
	v22 =	vld [tilespmem:s23+$0x7850]  }
0x1b2: {  	[tilespmem:s22+$0xE0B0] =	vst v11;
	v11 =	vsub.f32 v20, v4  }
0x1b3: {  	[tilespmem:s22+$0xE3E0] =	vst v9;
	v23 =	vld [tilespmem:s23+$0x78C0]  }
0x1b4: {  	[tilespmem:s22+$0xE110] =	vst v11;
	v11 =	vsub.f32 v21, v9  }
0x1b5: {  	[tilespmem:s22+$0xE450] =	vst v8  }
0x1b6: {  	[tilespmem:s22+$0xDFE0] =	vst v11;
	v11 =	vsub.f32 v22, v8  }
0x1b7: {  	[tilespmem:s22+$0xE4C0] =	vst v7;
	v24 =	vld [tilespmem:s23+$0x7920]  }
0x1b8: {  	[tilespmem:s22+$0xE050] =	vst v11;
	v11 =	vsub.f32 v23, v7  }
0x1b9: {  	[tilespmem:s22+$0xE520] =	vst v5;
	v25 =	vld [tilespmem:s23+$0x77F0]  }
0x1ba: {  	v26 =	vld [tilespmem:s23+$0x7860];
	[tilespmem:s22+$0xE0C0] =	vst v11  }
0x1bb: {  	[tilespmem:s22+$0xE3F0] =	vst v10;
	v27 =	vld [tilespmem:s23+$0x78D0]  }
0x1bc: {  	[tilespmem:s22+$0xE460] =	vst v9;
	v11 =	vsub.f32 v24, v5  }
0x1bd: {  	[tilespmem:s22+$0xE4D0] =	vst v8  }
0x1be: {  	[tilespmem:s22+$0xE120] =	vst v11;
	v13 =	vsub.f32 v25, v10  }
0x1bf: {  	v11 =	vld [tilespmem:s23+$0x7930];
	[tilespmem:s22+$0xE530] =	vst v6;
	v12 =	vsub.f32 v26, v9  }
0x1c0: {  	[tilespmem:s22+$0xDFF0] =	vst v13;
	v28 =	vsub.f32 v27, v8  }
0x1c1: {  	[tilespmem:s22+$0xE060] =	vst v12;
	v12 =	vsub.f32 v32, v3  }
0x1c2: {  	[tilespmem:s22+$0xE0D0] =	vst v28  }
0x1c3: {  	[tilespmem:s22+$0xE280] =	vst v12  }
0x1c4: {  	v11 =	vsub.f32 v11, v6;
	v13 =	vld [tilespmem:s23+$0x78E0];
	[tilespmem:s22+$0xE4E0] =	vst v9  }
0x1c5: {  	v36 =	vld [tilespmem:s23+$0x7A90];
	[tilespmem:s22+$0xE690] =	vst v4  }
0x1c6: {  	[tilespmem:s22+$0xE130] =	vst v11;
	v11 =	vsub.f32 v29, v3  }
0x1c7: {  	v31 =	vld [tilespmem:s23+$0x7940];
	[tilespmem:s22+$0xE540] =	vst v7  }
0x1c8: {  	[tilespmem:s22+$0xE180] =	vst v11;
	v11 =	vsub.f32 v30, v3  }
0x1c9: {  	v15 =	vld [tilespmem:s23+$0x7990];
	[tilespmem:s22+$0xE590] =	vst v4  }
0x1ca: {  	v13 =	vsub.f32 v13, v9;
	[tilespmem:s22+$0xE200] =	vst v11  }
0x1cb: {  	v33 =	vld [tilespmem:s23+$0x7A10];
	[tilespmem:s22+$0xE610] =	vst v4  }
0x1cc: {  	[tilespmem:s22+$0xE0E0] =	vst v13;
	v11 =	vsub.f32 v31, v7  }
0x1cd: {  	v57 =	vld [tilespmem:s23+$0x78F0];
	[tilespmem:s22+$0xE4F0] =	vst v10  }
0x1ce: {  	[tilespmem:s22+$0xE140] =	vst v11;
	v11 =	vld [tilespmem:s23+$0x7B00];
	v34 =	vsub.f32 v15, v4  }
0x1cf: {  	[tilespmem:s22+$0xE700] =	vst v3  }
0x1d0: {  	[tilespmem:s22+$0xE190] =	vst v34;
	v35 =	vsub.f32 v33, v4  }
0x1d1: {  	v14 =	vld [tilespmem:s23+$0x79A0];
	[tilespmem:s22+$0xE5A0] =	vst v5  }
0x1d2: {  	[tilespmem:s22+$0xE210] =	vst v35;
	v61 =	vsub.f32 v57, v10  }
0x1d3: {  	v11 =	vsub.f32 v11, v3;
	v12 =	vld [tilespmem:s23+$0x7A20];
	[tilespmem:s22+$0xE620] =	vst v5  }
0x1d4: {  	[tilespmem:s22+$0xE0F0] =	vst v61  }
0x1d5: {  	[tilespmem:s22+$0xE300] =	vst v11;
	v11 =	vsub.f32 v36, v4  }
0x1d6: {  	v37 =	vld [tilespmem:s23+$0x7B10];
	[tilespmem:s22+$0xE710] =	vst v4  }
0x1d7: {  	v14 =	vsub.f32 v14, v5;
	[tilespmem:s22+$0xE290] =	vst v11;
	v11 =	vld [tilespmem:s23+$0x7950]  }
0x1d8: {  	[tilespmem:s22+$0xE550] =	vst v8;
	v38 =	vld [tilespmem:s23+$0x7AA0]  }
0x1d9: {  	[tilespmem:s22+$0xE1A0] =	vst v14  }
0x1da: {  	v12 =	vsub.f32 v12, v5;
	[tilespmem:s22+$0xE6A0] =	vst v5  }
0x1db: {  	v39 =	vld [tilespmem:s23+$0x79B0];
	[tilespmem:s22+$0xE5B0] =	vst v6;
	v40 =	vsub.f32 v37, v4  }
0x1dc: {  	[tilespmem:s22+$0xE220] =	vst v12;
	v11 =	vsub.f32 v11, v8  }
0x1dd: {  	v41 =	vld [tilespmem:s23+$0x7A30];
	[tilespmem:s22+$0xE310] =	vst v40;
	v42 =	vsub.f32 v38, v5  }
0x1de: {  	[tilespmem:s22+$0xE150] =	vst v11;
	v11 =	vld [tilespmem:s23+$0x7B20]  }
0x1df: {  	[tilespmem:s22+$0xE2A0] =	vst v42  }
0x1e0: {  	[tilespmem:s22+$0xE630] =	vst v6;
	v43 =	vsub.f32 v39, v6;
	v45 =	vld [tilespmem:s23+$0x7AB0]  }
0x1e1: {  	[tilespmem:s22+$0xE720] =	vst v5  }
0x1e2: {  	[tilespmem:s22+$0xE1B0] =	vst v43;
	v44 =	vsub.f32 v41, v6  }
0x1e3: {  	[tilespmem:s22+$0xE6B0] =	vst v6;
	v11 =	vsub.f32 v11, v5  }
0x1e4: {  	v14 =	vld [tilespmem:s23+$0x79C0];
	[tilespmem:s22+$0xE230] =	vst v44  }
0x1e5: {  	v12 =	vld [tilespmem:s23+$0x7A40];
	[tilespmem:s22+$0xE320] =	vst v11;
	v11 =	vsub.f32 v45, v6  }
0x1e6: {  	[tilespmem:s22+$0xE5C0] =	vst v7;
	v46 =	vld [tilespmem:s23+$0x7B30]  }
0x1e7: {  	[tilespmem:s22+$0xE2B0] =	vst v11;
	v11 =	vld [tilespmem:s23+$0x7960]  }
0x1e8: {  	[tilespmem:s22+$0xE640] =	vst v7;
	v47 =	vld [tilespmem:s23+$0x7AC0]  }
0x1e9: {  	v14 =	vsub.f32 v14, v7;
	[tilespmem:s22+$0xE730] =	vst v6  }
0x1ea: {  	[tilespmem:s22+$0xE560] =	vst v9  }
0x1eb: {  	[tilespmem:s22+$0xE1C0] =	vst v14;
	v49 =	vsub.f32 v46, v6  }
0x1ec: {  	[tilespmem:s22+$0xE6C0] =	vst v7;
	v48 =	vld [tilespmem:s23+$0x79D0];
	v11 =	vsub.f32 v11, v9  }
0x1ed: {  	[tilespmem:s22+$0xE330] =	vst v49;
	v51 =	vsub.f32 v47, v7  }
0x1ee: {  	[tilespmem:s22+$0xE160] =	vst v11;
	v11 =	vld [tilespmem:s23+$0x7B40]  }
0x1ef: {  	v12 =	vsub.f32 v12, v7;
	[tilespmem:s22+$0xE2C0] =	vst v51  }
0x1f0: {  	[tilespmem:s22+$0xE5D0] =	vst v8;
	v54 =	vld [tilespmem:s23+$0x7AD0]  }
0x1f1: {  	[tilespmem:s22+$0xE240] =	vst v12;
	v52 =	vsub.f32 v48, v8  }
0x1f2: {  	v50 =	vld [tilespmem:s23+$0x7A50];
	[tilespmem:s22+$0xE650] =	vst v8  }
0x1f3: {  	[tilespmem:s22+$0xE1D0] =	vst v52;
	v11 =	vsub.f32 v11, v7  }
0x1f4: {  	[tilespmem:s22+$0xE740] =	vst v7;
	v14 =	vld [tilespmem:s23+$0x79E0]  }
0x1f5: {  	v59 =	vld [tilespmem:s23+$0x7970];
	[tilespmem:s22+$0xE340] =	vst v11;
	v11 =	vsub.f32 v54, v8  }
0x1f6: {  	[tilespmem:s22+$0xE6D0] =	vst v8;
	v55 =	vld [tilespmem:s23+$0x7B50]  }
0x1f7: {  	v53 =	vsub.f32 v50, v8;
	[tilespmem:s22+$0xE2D0] =	vst v11;
	v11 =	vld [tilespmem:s23+$0x7870]  }
0x1f8: {  	[tilespmem:s22+$0xE570] =	vst v10;
	v56 =	vld [tilespmem:s23+$0x7AE0]  }
0x1f9: {  	[tilespmem:s22+$0xE250] =	vst v53;
	v14 =	vsub.f32 v14, v9  }
0x1fa: {  	[tilespmem:s22+$0xE750] =	vst v8  }
0x1fb: {  	[tilespmem:s22+$0xE1E0] =	vst v14;
	v58 =	vsub.f32 v55, v8  }
0x1fc: {  	[tilespmem:s22+$0xE6E0] =	vst v9;
	v11 =	vsub.f32 v11, v10  }
0x1fd: {  	v12 =	vld [tilespmem:s23+$0x7A60];
	[tilespmem:s22+$0xE350] =	vst v58;
	v14 =	vsub.f32 v56, v9  }
0x1fe: {  	[tilespmem:s22+$0xE070] =	vst v11;
	v11 =	vld [tilespmem:s23+$0x7B60]  }
0x1ff: {  	[tilespmem:s22+$0xE2E0] =	vst v14  }
0x200: {  	[tilespmem:s22+$0xE5E0] =	vst v9;
	v13 =	vsub.f32 v59, v10;
	v63 =	vld [tilespmem:s23+$0x7AF0]  }
0x201: {  	[tilespmem:s22+$0xE660] =	vst v9  }
0x202: {  	[tilespmem:s22+$0xE170] =	vst v13;
	v12 =	vsub.f32 v12, v9  }
0x203: {  	[tilespmem:s22+$0xE470] =	vst v10;
	v16 =	vld [tilespmem:s23+$0x79F0];
	v11 =	vsub.f32 v11, v9  }
0x204: {  	[tilespmem:s22+$0xE260] =	vst v12  }
0x205: {  	v60 =	vld [tilespmem:s23+$0x7A70];
	[tilespmem:s22+$0xE360] =	vst v11;
	v11 =	vsub.f32 v63, v10  }
0x206: {  	[tilespmem:s22+$0xE760] =	vst v9  }
0x207: {  	[tilespmem:s22+$0xE2F0] =	vst v11;
	v11 =	vld [tilespmem:s23+$0x7B70]  }
0x208: {  	[tilespmem:s22+$0xE5F0] =	vst v10;
	v62 =	vsub.f32 v16, v10  }
0x209: {  	p3 =	por p2, p2;
	[tilespmem:s22+$0xE670] =	vst v10  }
.Ltmp7:
0x20a: {  	v12 =	vsub.f32 v60, v10;
	[tilespmem:s22+$0xE1F0] =	vst v62;
	(pc) =	sbr.rel @p3 .LBB2_9-.Ltmp7, $4  }
0x20b: {  	[tilespmem:s22+$0xE6F0] =	vst v10  }
0x20c: {  	[tilespmem:s22+$0xE270] =	vst v12;
	v11 =	vsub.f32 v11, v10  }
0x20d: {  	[tilespmem:s22+$0xE770] =	vst v10  }
0x20e: {  	p2 =	por $0x0, $0x0;
	[tilespmem:s22+$0xE370] =	vst v11;
	s22 =	simm.s32 $0x8  }
0x20f: {  	v3 =	vld [tilespmem:$0x9100]  }
0x210: {  	v4 =	vld [tilespmem:$0x9110]  }
0x211: {  	v5 =	vld [tilespmem:$0x9120]  }
0x212: {  	v6 =	vld [tilespmem:$0x9130]  }
0x213: {  	v7 =	vld [tilespmem:$0x9140]  }
0x214: {  	v8 =	vld [tilespmem:$0x9150]  }
0x215: {  	v9 =	vld [tilespmem:$0x9160]  }
0x216: {  	s22 =	simm.s32 $0x0;
	p2 =	por $0x1, $0x1;
	v10 =	vld [tilespmem:$0x9170]  }
.LBB2_11:
0x217: {  	s23 =	sshll.u32 s22, $0x7  }
0x218: {  	s23 =	sand.u32 $0x3FFFFF80, s23  }
0x219: {  	v11 =	vld [tilespmem:s23+$0x7F80];
	_ =	sdelay $0x3  }
0x21a: {  	s31 =	sshll.u32 s22, $0x8  }
0x21b: {  	s22 =	sand.u32 $0x3FFFFF00, s31;
	v11 =	vsub.f32 v11, v3  }
0x21c: {  	[tilespmem:s22+$0xF380] =	vst v3  }
0x21d: {  	[tilespmem:s22+$0xEF80] =	vst v11  }
0x21e: {  	v11 =	vld [tilespmem:s23+$0x7F90];
	_ =	sdelay $0x1  }
0x21f: {  	v12 =	vld [tilespmem:s23+$0x8000];
	_ =	sdelay $0x2  }
0x220: {  	v11 =	vsub.f32 v11, v4  }
0x221: {  	[tilespmem:s22+$0xF390] =	vst v4  }
0x222: {  	[tilespmem:s22+$0xEF90] =	vst v11;
	v11 =	vsub.f32 v12, v3  }
0x223: {  	[tilespmem:s22+$0xF400] =	vst v3;
	v63 =	vld [tilespmem:s23+$0x7FA0]  }
0x224: {  	[tilespmem:s22+$0xF000] =	vst v11  }
0x225: {  	v11 =	vld [tilespmem:s23+$0x8010];
	_ =	sdelay $0x1  }
0x226: {  	v13 =	vld [tilespmem:s23+$0x8080]  }
0x227: {  	v12 =	vsub.f32 v63, v5  }
0x228: {  	[tilespmem:s22+$0xF3A0] =	vst v5  }
0x229: {  	[tilespmem:s22+$0xEFA0] =	vst v12;
	v11 =	vsub.f32 v11, v4  }
0x22a: {  	[tilespmem:s22+$0xF410] =	vst v4;
	v12 =	vld [tilespmem:s23+$0x7FB0]  }
0x22b: {  	[tilespmem:s22+$0xF010] =	vst v11;
	v11 =	vsub.f32 v13, v3  }
0x22c: {  	[tilespmem:s22+$0xF480] =	vst v3;
	v16 =	vld [tilespmem:s23+$0x8020]  }
0x22d: {  	v14 =	vld [tilespmem:s23+$0x8100];
	[tilespmem:s22+$0xF080] =	vst v11  }
0x22e: {  	[tilespmem:s22+$0xF500] =	vst v3;
	v11 =	vld [tilespmem:s23+$0x8090]  }
0x22f: {  	v29 =	vld [tilespmem:s23+$0x8180];
	[tilespmem:s22+$0xF580] =	vst v3;
	v12 =	vsub.f32 v12, v6  }
0x230: {  	[tilespmem:s22+$0xF3B0] =	vst v6  }
0x231: {  	[tilespmem:s22+$0xEFB0] =	vst v12;
	v17 =	vsub.f32 v16, v5  }
0x232: {  	[tilespmem:s22+$0xF420] =	vst v5;
	v18 =	vld [tilespmem:s23+$0x7FC0]  }
0x233: {  	[tilespmem:s22+$0xF020] =	vst v17;
	v11 =	vsub.f32 v11, v4  }
0x234: {  	[tilespmem:s22+$0xF490] =	vst v4;
	v12 =	vld [tilespmem:s23+$0x8030]  }
0x235: {  	v30 =	vld [tilespmem:s23+$0x8200];
	[tilespmem:s22+$0xF090] =	vst v11  }
0x236: {  	[tilespmem:s22+$0xF600] =	vst v3;
	v11 =	vld [tilespmem:s23+$0x80A0]  }
0x237: {  	v32 =	vld [tilespmem:s23+$0x8280];
	[tilespmem:s22+$0xF680] =	vst v3;
	v13 =	vsub.f32 v18, v7  }
0x238: {  	[tilespmem:s22+$0xF3C0] =	vst v7  }
0x239: {  	[tilespmem:s22+$0xEFC0] =	vst v13;
	v12 =	vsub.f32 v12, v6  }
0x23a: {  	[tilespmem:s22+$0xF430] =	vst v6;
	v13 =	vld [tilespmem:s23+$0x7FD0]  }
0x23b: {  	[tilespmem:s22+$0xF030] =	vst v12;
	v11 =	vsub.f32 v11, v5  }
0x23c: {  	[tilespmem:s22+$0xF4A0] =	vst v5;
	v12 =	vld [tilespmem:s23+$0x8040]  }
0x23d: {  	[tilespmem:s22+$0xF0A0] =	vst v11;
	v11 =	vsub.f32 v14, v3  }
0x23e: {  	[tilespmem:s22+$0xF3D0] =	vst v8;
	v19 =	vld [tilespmem:s23+$0x80B0]  }
0x23f: {  	[tilespmem:s22+$0xF100] =	vst v11;
	v11 =	vsub.f32 v13, v8  }
0x240: {  	[tilespmem:s22+$0xF440] =	vst v7;
	v20 =	vld [tilespmem:s23+$0x8110]  }
0x241: {  	[tilespmem:s22+$0xEFD0] =	vst v11;
	v11 =	vsub.f32 v12, v7  }
0x242: {  	[tilespmem:s22+$0xF4B0] =	vst v6;
	v21 =	vld [tilespmem:s23+$0x7FE0]  }
0x243: {  	[tilespmem:s22+$0xF040] =	vst v11;
	v11 =	vsub.f32 v19, v6  }
0x244: {  	[tilespmem:s22+$0xF510] =	vst v4;
	v22 =	vld [tilespmem:s23+$0x8050]  }
0x245: {  	[tilespmem:s22+$0xF0B0] =	vst v11;
	v11 =	vsub.f32 v20, v4  }
0x246: {  	[tilespmem:s22+$0xF3E0] =	vst v9;
	v23 =	vld [tilespmem:s23+$0x80C0]  }
0x247: {  	[tilespmem:s22+$0xF110] =	vst v11;
	v11 =	vsub.f32 v21, v9  }
0x248: {  	[tilespmem:s22+$0xF450] =	vst v8  }
0x249: {  	[tilespmem:s22+$0xEFE0] =	vst v11;
	v11 =	vsub.f32 v22, v8  }
0x24a: {  	[tilespmem:s22+$0xF4C0] =	vst v7;
	v24 =	vld [tilespmem:s23+$0x8120]  }
0x24b: {  	[tilespmem:s22+$0xF050] =	vst v11;
	v11 =	vsub.f32 v23, v7  }
0x24c: {  	[tilespmem:s22+$0xF520] =	vst v5;
	v25 =	vld [tilespmem:s23+$0x7FF0]  }
0x24d: {  	v26 =	vld [tilespmem:s23+$0x8060];
	[tilespmem:s22+$0xF0C0] =	vst v11  }
0x24e: {  	[tilespmem:s22+$0xF3F0] =	vst v10;
	v27 =	vld [tilespmem:s23+$0x80D0]  }
0x24f: {  	[tilespmem:s22+$0xF460] =	vst v9;
	v11 =	vsub.f32 v24, v5  }
0x250: {  	[tilespmem:s22+$0xF4D0] =	vst v8  }
0x251: {  	[tilespmem:s22+$0xF120] =	vst v11;
	v13 =	vsub.f32 v25, v10  }
0x252: {  	v11 =	vld [tilespmem:s23+$0x8130];
	[tilespmem:s22+$0xF530] =	vst v6;
	v12 =	vsub.f32 v26, v9  }
0x253: {  	[tilespmem:s22+$0xEFF0] =	vst v13;
	v28 =	vsub.f32 v27, v8  }
0x254: {  	[tilespmem:s22+$0xF060] =	vst v12;
	v12 =	vsub.f32 v32, v3  }
0x255: {  	[tilespmem:s22+$0xF0D0] =	vst v28  }
0x256: {  	[tilespmem:s22+$0xF280] =	vst v12  }
0x257: {  	v11 =	vsub.f32 v11, v6;
	v13 =	vld [tilespmem:s23+$0x80E0];
	[tilespmem:s22+$0xF4E0] =	vst v9  }
0x258: {  	v36 =	vld [tilespmem:s23+$0x8290];
	[tilespmem:s22+$0xF690] =	vst v4  }
0x259: {  	[tilespmem:s22+$0xF130] =	vst v11;
	v11 =	vsub.f32 v29, v3  }
0x25a: {  	v31 =	vld [tilespmem:s23+$0x8140];
	[tilespmem:s22+$0xF540] =	vst v7  }
0x25b: {  	[tilespmem:s22+$0xF180] =	vst v11;
	v11 =	vsub.f32 v30, v3  }
0x25c: {  	v15 =	vld [tilespmem:s23+$0x8190];
	[tilespmem:s22+$0xF590] =	vst v4  }
0x25d: {  	v13 =	vsub.f32 v13, v9;
	[tilespmem:s22+$0xF200] =	vst v11  }
0x25e: {  	v33 =	vld [tilespmem:s23+$0x8210];
	[tilespmem:s22+$0xF610] =	vst v4  }
0x25f: {  	[tilespmem:s22+$0xF0E0] =	vst v13;
	v11 =	vsub.f32 v31, v7  }
0x260: {  	v57 =	vld [tilespmem:s23+$0x80F0];
	[tilespmem:s22+$0xF4F0] =	vst v10  }
0x261: {  	[tilespmem:s22+$0xF140] =	vst v11;
	v11 =	vld [tilespmem:s23+$0x8300];
	v34 =	vsub.f32 v15, v4  }
0x262: {  	[tilespmem:s22+$0xF700] =	vst v3  }
0x263: {  	[tilespmem:s22+$0xF190] =	vst v34;
	v35 =	vsub.f32 v33, v4  }
0x264: {  	v14 =	vld [tilespmem:s23+$0x81A0];
	[tilespmem:s22+$0xF5A0] =	vst v5  }
0x265: {  	[tilespmem:s22+$0xF210] =	vst v35;
	v61 =	vsub.f32 v57, v10  }
0x266: {  	v11 =	vsub.f32 v11, v3;
	v12 =	vld [tilespmem:s23+$0x8220];
	[tilespmem:s22+$0xF620] =	vst v5  }
0x267: {  	[tilespmem:s22+$0xF0F0] =	vst v61  }
0x268: {  	[tilespmem:s22+$0xF300] =	vst v11;
	v11 =	vsub.f32 v36, v4  }
0x269: {  	v37 =	vld [tilespmem:s23+$0x8310];
	[tilespmem:s22+$0xF710] =	vst v4  }
0x26a: {  	v14 =	vsub.f32 v14, v5;
	[tilespmem:s22+$0xF290] =	vst v11;
	v11 =	vld [tilespmem:s23+$0x8150]  }
0x26b: {  	[tilespmem:s22+$0xF550] =	vst v8;
	v38 =	vld [tilespmem:s23+$0x82A0]  }
0x26c: {  	[tilespmem:s22+$0xF1A0] =	vst v14  }
0x26d: {  	v12 =	vsub.f32 v12, v5;
	[tilespmem:s22+$0xF6A0] =	vst v5  }
0x26e: {  	v39 =	vld [tilespmem:s23+$0x81B0];
	[tilespmem:s22+$0xF5B0] =	vst v6;
	v40 =	vsub.f32 v37, v4  }
0x26f: {  	[tilespmem:s22+$0xF220] =	vst v12;
	v11 =	vsub.f32 v11, v8  }
0x270: {  	v41 =	vld [tilespmem:s23+$0x8230];
	[tilespmem:s22+$0xF310] =	vst v40;
	v42 =	vsub.f32 v38, v5  }
0x271: {  	[tilespmem:s22+$0xF150] =	vst v11;
	v11 =	vld [tilespmem:s23+$0x8320]  }
0x272: {  	[tilespmem:s22+$0xF2A0] =	vst v42  }
0x273: {  	[tilespmem:s22+$0xF630] =	vst v6;
	v43 =	vsub.f32 v39, v6;
	v45 =	vld [tilespmem:s23+$0x82B0]  }
0x274: {  	[tilespmem:s22+$0xF720] =	vst v5  }
0x275: {  	[tilespmem:s22+$0xF1B0] =	vst v43;
	v44 =	vsub.f32 v41, v6  }
0x276: {  	[tilespmem:s22+$0xF6B0] =	vst v6;
	v11 =	vsub.f32 v11, v5  }
0x277: {  	v14 =	vld [tilespmem:s23+$0x81C0];
	[tilespmem:s22+$0xF230] =	vst v44  }
0x278: {  	v12 =	vld [tilespmem:s23+$0x8240];
	[tilespmem:s22+$0xF320] =	vst v11;
	v11 =	vsub.f32 v45, v6  }
0x279: {  	[tilespmem:s22+$0xF5C0] =	vst v7;
	v46 =	vld [tilespmem:s23+$0x8330]  }
0x27a: {  	[tilespmem:s22+$0xF2B0] =	vst v11;
	v11 =	vld [tilespmem:s23+$0x8160]  }
0x27b: {  	[tilespmem:s22+$0xF640] =	vst v7;
	v47 =	vld [tilespmem:s23+$0x82C0]  }
0x27c: {  	v14 =	vsub.f32 v14, v7;
	[tilespmem:s22+$0xF730] =	vst v6  }
0x27d: {  	[tilespmem:s22+$0xF560] =	vst v9  }
0x27e: {  	[tilespmem:s22+$0xF1C0] =	vst v14;
	v49 =	vsub.f32 v46, v6  }
0x27f: {  	[tilespmem:s22+$0xF6C0] =	vst v7;
	v48 =	vld [tilespmem:s23+$0x81D0];
	v11 =	vsub.f32 v11, v9  }
0x280: {  	[tilespmem:s22+$0xF330] =	vst v49;
	v51 =	vsub.f32 v47, v7  }
0x281: {  	[tilespmem:s22+$0xF160] =	vst v11;
	v11 =	vld [tilespmem:s23+$0x8340]  }
0x282: {  	v12 =	vsub.f32 v12, v7;
	[tilespmem:s22+$0xF2C0] =	vst v51  }
0x283: {  	[tilespmem:s22+$0xF5D0] =	vst v8;
	v54 =	vld [tilespmem:s23+$0x82D0]  }
0x284: {  	[tilespmem:s22+$0xF240] =	vst v12;
	v52 =	vsub.f32 v48, v8  }
0x285: {  	v50 =	vld [tilespmem:s23+$0x8250];
	[tilespmem:s22+$0xF650] =	vst v8  }
0x286: {  	[tilespmem:s22+$0xF1D0] =	vst v52;
	v11 =	vsub.f32 v11, v7  }
0x287: {  	[tilespmem:s22+$0xF740] =	vst v7;
	v14 =	vld [tilespmem:s23+$0x81E0]  }
0x288: {  	v59 =	vld [tilespmem:s23+$0x8170];
	[tilespmem:s22+$0xF340] =	vst v11;
	v11 =	vsub.f32 v54, v8  }
0x289: {  	[tilespmem:s22+$0xF6D0] =	vst v8;
	v55 =	vld [tilespmem:s23+$0x8350]  }
0x28a: {  	v53 =	vsub.f32 v50, v8;
	[tilespmem:s22+$0xF2D0] =	vst v11;
	v11 =	vld [tilespmem:s23+$0x8070]  }
0x28b: {  	[tilespmem:s22+$0xF570] =	vst v10;
	v56 =	vld [tilespmem:s23+$0x82E0]  }
0x28c: {  	[tilespmem:s22+$0xF250] =	vst v53;
	v14 =	vsub.f32 v14, v9  }
0x28d: {  	[tilespmem:s22+$0xF750] =	vst v8  }
0x28e: {  	[tilespmem:s22+$0xF1E0] =	vst v14;
	v58 =	vsub.f32 v55, v8  }
0x28f: {  	[tilespmem:s22+$0xF6E0] =	vst v9;
	v11 =	vsub.f32 v11, v10  }
0x290: {  	v12 =	vld [tilespmem:s23+$0x8260];
	[tilespmem:s22+$0xF350] =	vst v58;
	v14 =	vsub.f32 v56, v9  }
0x291: {  	[tilespmem:s22+$0xF070] =	vst v11;
	v11 =	vld [tilespmem:s23+$0x8360]  }
0x292: {  	[tilespmem:s22+$0xF2E0] =	vst v14  }
0x293: {  	[tilespmem:s22+$0xF5E0] =	vst v9;
	v13 =	vsub.f32 v59, v10;
	v63 =	vld [tilespmem:s23+$0x82F0]  }
0x294: {  	[tilespmem:s22+$0xF660] =	vst v9  }
0x295: {  	[tilespmem:s22+$0xF170] =	vst v13;
	v12 =	vsub.f32 v12, v9  }
0x296: {  	[tilespmem:s22+$0xF470] =	vst v10;
	v16 =	vld [tilespmem:s23+$0x81F0];
	v11 =	vsub.f32 v11, v9  }
0x297: {  	[tilespmem:s22+$0xF260] =	vst v12  }
0x298: {  	v60 =	vld [tilespmem:s23+$0x8270];
	[tilespmem:s22+$0xF360] =	vst v11;
	v11 =	vsub.f32 v63, v10  }
0x299: {  	[tilespmem:s22+$0xF760] =	vst v9  }
0x29a: {  	[tilespmem:s22+$0xF2F0] =	vst v11;
	v11 =	vld [tilespmem:s23+$0x8370]  }
0x29b: {  	[tilespmem:s22+$0xF5F0] =	vst v10;
	v62 =	vsub.f32 v16, v10  }
0x29c: {  	p3 =	por p2, p2;
	[tilespmem:s22+$0xF670] =	vst v10  }
.Ltmp8:
0x29d: {  	v12 =	vsub.f32 v60, v10;
	[tilespmem:s22+$0xF1F0] =	vst v62;
	(pc) =	sbr.rel @p3 .LBB2_11-.Ltmp8, $4  }
0x29e: {  	[tilespmem:s22+$0xF6F0] =	vst v10  }
0x29f: {  	[tilespmem:s22+$0xF270] =	vst v12;
	v11 =	vsub.f32 v11, v10  }
0x2a0: {  	[tilespmem:s22+$0xF770] =	vst v10  }
0x2a1: {  	p2 =	por $0x0, $0x0;
	[tilespmem:s22+$0xF370] =	vst v11;
	s22 =	simm.s32 $0x8  }
0x2a2: {  	v3 =	vld [tilespmem:$0x9180]  }
0x2a3: {  	v4 =	vld [tilespmem:$0x9190]  }
0x2a4: {  	v5 =	vld [tilespmem:$0x91A0]  }
0x2a5: {  	v6 =	vld [tilespmem:$0x91B0]  }
0x2a6: {  	v7 =	vld [tilespmem:$0x91C0]  }
0x2a7: {  	v8 =	vld [tilespmem:$0x91D0]  }
0x2a8: {  	v9 =	vld [tilespmem:$0x91E0]  }
0x2a9: {  	s22 =	simm.s32 $0x0;
	p2 =	por $0x1, $0x1;
	v10 =	vld [tilespmem:$0x91F0]  }
.LBB2_13:
0x2aa: {  	s23 =	sshll.u32 s22, $0x7  }
0x2ab: {  	s23 =	sand.u32 $0x3FFFFF80, s23  }
0x2ac: {  	v11 =	vld [tilespmem:s23+$0x8780];
	_ =	sdelay $0x3  }
0x2ad: {  	s31 =	sshll.u32 s22, $0x8  }
0x2ae: {  	s22 =	sand.u32 $0x3FFFFF00, s31;
	v11 =	vsub.f32 v11, v3  }
0x2af: {  	[tilespmem:s22+$0x10380] =	vst v3  }
0x2b0: {  	[tilespmem:s22+$0xFF80] =	vst v11  }
0x2b1: {  	v11 =	vld [tilespmem:s23+$0x8790];
	_ =	sdelay $0x1  }
0x2b2: {  	v12 =	vld [tilespmem:s23+$0x8800];
	_ =	sdelay $0x2  }
0x2b3: {  	v11 =	vsub.f32 v11, v4  }
0x2b4: {  	[tilespmem:s22+$0x10390] =	vst v4  }
0x2b5: {  	[tilespmem:s22+$0xFF90] =	vst v11;
	v11 =	vsub.f32 v12, v3  }
0x2b6: {  	[tilespmem:s22+$0x10400] =	vst v3;
	v63 =	vld [tilespmem:s23+$0x87A0]  }
0x2b7: {  	[tilespmem:s22+$0x10000] =	vst v11  }
0x2b8: {  	v11 =	vld [tilespmem:s23+$0x8810];
	_ =	sdelay $0x1  }
0x2b9: {  	v13 =	vld [tilespmem:s23+$0x8880]  }
0x2ba: {  	v12 =	vsub.f32 v63, v5  }
0x2bb: {  	[tilespmem:s22+$0x103A0] =	vst v5  }
0x2bc: {  	[tilespmem:s22+$0xFFA0] =	vst v12;
	v11 =	vsub.f32 v11, v4  }
0x2bd: {  	[tilespmem:s22+$0x10410] =	vst v4;
	v12 =	vld [tilespmem:s23+$0x87B0]  }
0x2be: {  	[tilespmem:s22+$0x10010] =	vst v11;
	v11 =	vsub.f32 v13, v3  }
0x2bf: {  	[tilespmem:s22+$0x10480] =	vst v3;
	v16 =	vld [tilespmem:s23+$0x8820]  }
0x2c0: {  	v14 =	vld [tilespmem:s23+$0x8900];
	[tilespmem:s22+$0x10080] =	vst v11  }
0x2c1: {  	[tilespmem:s22+$0x10500] =	vst v3;
	v11 =	vld [tilespmem:s23+$0x8890]  }
0x2c2: {  	v29 =	vld [tilespmem:s23+$0x8980];
	[tilespmem:s22+$0x10580] =	vst v3;
	v12 =	vsub.f32 v12, v6  }
0x2c3: {  	[tilespmem:s22+$0x103B0] =	vst v6  }
0x2c4: {  	[tilespmem:s22+$0xFFB0] =	vst v12;
	v17 =	vsub.f32 v16, v5  }
0x2c5: {  	[tilespmem:s22+$0x10420] =	vst v5;
	v18 =	vld [tilespmem:s23+$0x87C0]  }
0x2c6: {  	[tilespmem:s22+$0x10020] =	vst v17;
	v11 =	vsub.f32 v11, v4  }
0x2c7: {  	[tilespmem:s22+$0x10490] =	vst v4;
	v12 =	vld [tilespmem:s23+$0x8830]  }
0x2c8: {  	v30 =	vld [tilespmem:s23+$0x8A00];
	[tilespmem:s22+$0x10090] =	vst v11  }
0x2c9: {  	[tilespmem:s22+$0x10600] =	vst v3;
	v11 =	vld [tilespmem:s23+$0x88A0]  }
0x2ca: {  	v32 =	vld [tilespmem:s23+$0x8A80];
	[tilespmem:s22+$0x10680] =	vst v3;
	v13 =	vsub.f32 v18, v7  }
0x2cb: {  	[tilespmem:s22+$0x103C0] =	vst v7  }
0x2cc: {  	[tilespmem:s22+$0xFFC0] =	vst v13;
	v12 =	vsub.f32 v12, v6  }
0x2cd: {  	[tilespmem:s22+$0x10430] =	vst v6;
	v13 =	vld [tilespmem:s23+$0x87D0]  }
0x2ce: {  	[tilespmem:s22+$0x10030] =	vst v12;
	v11 =	vsub.f32 v11, v5  }
0x2cf: {  	[tilespmem:s22+$0x104A0] =	vst v5;
	v12 =	vld [tilespmem:s23+$0x8840]  }
0x2d0: {  	[tilespmem:s22+$0x100A0] =	vst v11;
	v11 =	vsub.f32 v14, v3  }
0x2d1: {  	[tilespmem:s22+$0x103D0] =	vst v8;
	v19 =	vld [tilespmem:s23+$0x88B0]  }
0x2d2: {  	[tilespmem:s22+$0x10100] =	vst v11;
	v11 =	vsub.f32 v13, v8  }
0x2d3: {  	[tilespmem:s22+$0x10440] =	vst v7;
	v20 =	vld [tilespmem:s23+$0x8910]  }
0x2d4: {  	[tilespmem:s22+$0xFFD0] =	vst v11;
	v11 =	vsub.f32 v12, v7  }
0x2d5: {  	[tilespmem:s22+$0x104B0] =	vst v6;
	v21 =	vld [tilespmem:s23+$0x87E0]  }
0x2d6: {  	[tilespmem:s22+$0x10040] =	vst v11;
	v11 =	vsub.f32 v19, v6  }
0x2d7: {  	[tilespmem:s22+$0x10510] =	vst v4;
	v22 =	vld [tilespmem:s23+$0x8850]  }
0x2d8: {  	[tilespmem:s22+$0x100B0] =	vst v11;
	v11 =	vsub.f32 v20, v4  }
0x2d9: {  	[tilespmem:s22+$0x103E0] =	vst v9;
	v23 =	vld [tilespmem:s23+$0x88C0]  }
0x2da: {  	[tilespmem:s22+$0x10110] =	vst v11;
	v11 =	vsub.f32 v21, v9  }
0x2db: {  	[tilespmem:s22+$0x10450] =	vst v8  }
0x2dc: {  	[tilespmem:s22+$0xFFE0] =	vst v11;
	v11 =	vsub.f32 v22, v8  }
0x2dd: {  	[tilespmem:s22+$0x104C0] =	vst v7;
	v24 =	vld [tilespmem:s23+$0x8920]  }
0x2de: {  	[tilespmem:s22+$0x10050] =	vst v11;
	v11 =	vsub.f32 v23, v7  }
0x2df: {  	[tilespmem:s22+$0x10520] =	vst v5;
	v25 =	vld [tilespmem:s23+$0x87F0]  }
0x2e0: {  	v26 =	vld [tilespmem:s23+$0x8860];
	[tilespmem:s22+$0x100C0] =	vst v11  }
0x2e1: {  	[tilespmem:s22+$0x103F0] =	vst v10;
	v27 =	vld [tilespmem:s23+$0x88D0]  }
0x2e2: {  	[tilespmem:s22+$0x10460] =	vst v9;
	v11 =	vsub.f32 v24, v5  }
0x2e3: {  	[tilespmem:s22+$0x104D0] =	vst v8  }
0x2e4: {  	[tilespmem:s22+$0x10120] =	vst v11;
	v13 =	vsub.f32 v25, v10  }
0x2e5: {  	v11 =	vld [tilespmem:s23+$0x8930];
	[tilespmem:s22+$0x10530] =	vst v6;
	v12 =	vsub.f32 v26, v9  }
0x2e6: {  	[tilespmem:s22+$0xFFF0] =	vst v13;
	v28 =	vsub.f32 v27, v8  }
0x2e7: {  	[tilespmem:s22+$0x10060] =	vst v12;
	v12 =	vsub.f32 v32, v3  }
0x2e8: {  	[tilespmem:s22+$0x100D0] =	vst v28  }
0x2e9: {  	[tilespmem:s22+$0x10280] =	vst v12  }
0x2ea: {  	v11 =	vsub.f32 v11, v6;
	v13 =	vld [tilespmem:s23+$0x88E0];
	[tilespmem:s22+$0x104E0] =	vst v9  }
0x2eb: {  	v36 =	vld [tilespmem:s23+$0x8A90];
	[tilespmem:s22+$0x10690] =	vst v4  }
0x2ec: {  	[tilespmem:s22+$0x10130] =	vst v11;
	v11 =	vsub.f32 v29, v3  }
0x2ed: {  	v31 =	vld [tilespmem:s23+$0x8940];
	[tilespmem:s22+$0x10540] =	vst v7  }
0x2ee: {  	[tilespmem:s22+$0x10180] =	vst v11;
	v11 =	vsub.f32 v30, v3  }
0x2ef: {  	v15 =	vld [tilespmem:s23+$0x8990];
	[tilespmem:s22+$0x10590] =	vst v4  }
0x2f0: {  	v13 =	vsub.f32 v13, v9;
	[tilespmem:s22+$0x10200] =	vst v11  }
0x2f1: {  	v33 =	vld [tilespmem:s23+$0x8A10];
	[tilespmem:s22+$0x10610] =	vst v4  }
0x2f2: {  	[tilespmem:s22+$0x100E0] =	vst v13;
	v11 =	vsub.f32 v31, v7  }
0x2f3: {  	v57 =	vld [tilespmem:s23+$0x88F0];
	[tilespmem:s22+$0x104F0] =	vst v10  }
0x2f4: {  	[tilespmem:s22+$0x10140] =	vst v11;
	v11 =	vld [tilespmem:s23+$0x8B00];
	v34 =	vsub.f32 v15, v4  }
0x2f5: {  	[tilespmem:s22+$0x10700] =	vst v3  }
0x2f6: {  	[tilespmem:s22+$0x10190] =	vst v34;
	v35 =	vsub.f32 v33, v4  }
0x2f7: {  	v14 =	vld [tilespmem:s23+$0x89A0];
	[tilespmem:s22+$0x105A0] =	vst v5  }
0x2f8: {  	[tilespmem:s22+$0x10210] =	vst v35;
	v61 =	vsub.f32 v57, v10  }
0x2f9: {  	v11 =	vsub.f32 v11, v3;
	v12 =	vld [tilespmem:s23+$0x8A20];
	[tilespmem:s22+$0x10620] =	vst v5  }
0x2fa: {  	[tilespmem:s22+$0x100F0] =	vst v61  }
0x2fb: {  	[tilespmem:s22+$0x10300] =	vst v11;
	v11 =	vsub.f32 v36, v4  }
0x2fc: {  	v37 =	vld [tilespmem:s23+$0x8B10];
	[tilespmem:s22+$0x10710] =	vst v4  }
0x2fd: {  	v14 =	vsub.f32 v14, v5;
	[tilespmem:s22+$0x10290] =	vst v11;
	v11 =	vld [tilespmem:s23+$0x8950]  }
0x2fe: {  	[tilespmem:s22+$0x10550] =	vst v8;
	v38 =	vld [tilespmem:s23+$0x8AA0]  }
0x2ff: {  	[tilespmem:s22+$0x101A0] =	vst v14  }
0x300: {  	v12 =	vsub.f32 v12, v5;
	[tilespmem:s22+$0x106A0] =	vst v5  }
0x301: {  	v39 =	vld [tilespmem:s23+$0x89B0];
	[tilespmem:s22+$0x105B0] =	vst v6;
	v40 =	vsub.f32 v37, v4  }
0x302: {  	[tilespmem:s22+$0x10220] =	vst v12;
	v11 =	vsub.f32 v11, v8  }
0x303: {  	v41 =	vld [tilespmem:s23+$0x8A30];
	[tilespmem:s22+$0x10310] =	vst v40;
	v42 =	vsub.f32 v38, v5  }
0x304: {  	[tilespmem:s22+$0x10150] =	vst v11;
	v11 =	vld [tilespmem:s23+$0x8B20]  }
0x305: {  	[tilespmem:s22+$0x102A0] =	vst v42  }
0x306: {  	[tilespmem:s22+$0x10630] =	vst v6;
	v43 =	vsub.f32 v39, v6;
	v45 =	vld [tilespmem:s23+$0x8AB0]  }
0x307: {  	[tilespmem:s22+$0x10720] =	vst v5  }
0x308: {  	[tilespmem:s22+$0x101B0] =	vst v43;
	v44 =	vsub.f32 v41, v6  }
0x309: {  	[tilespmem:s22+$0x106B0] =	vst v6;
	v11 =	vsub.f32 v11, v5  }
0x30a: {  	v14 =	vld [tilespmem:s23+$0x89C0];
	[tilespmem:s22+$0x10230] =	vst v44  }
0x30b: {  	v12 =	vld [tilespmem:s23+$0x8A40];
	[tilespmem:s22+$0x10320] =	vst v11;
	v11 =	vsub.f32 v45, v6  }
0x30c: {  	[tilespmem:s22+$0x105C0] =	vst v7;
	v46 =	vld [tilespmem:s23+$0x8B30]  }
0x30d: {  	[tilespmem:s22+$0x102B0] =	vst v11;
	v11 =	vld [tilespmem:s23+$0x8960]  }
0x30e: {  	[tilespmem:s22+$0x10640] =	vst v7;
	v47 =	vld [tilespmem:s23+$0x8AC0]  }
0x30f: {  	v14 =	vsub.f32 v14, v7;
	[tilespmem:s22+$0x10730] =	vst v6  }
0x310: {  	[tilespmem:s22+$0x10560] =	vst v9  }
0x311: {  	[tilespmem:s22+$0x101C0] =	vst v14;
	v49 =	vsub.f32 v46, v6  }
0x312: {  	[tilespmem:s22+$0x106C0] =	vst v7;
	v48 =	vld [tilespmem:s23+$0x89D0];
	v11 =	vsub.f32 v11, v9  }
0x313: {  	[tilespmem:s22+$0x10330] =	vst v49;
	v51 =	vsub.f32 v47, v7  }
0x314: {  	[tilespmem:s22+$0x10160] =	vst v11;
	v11 =	vld [tilespmem:s23+$0x8B40]  }
0x315: {  	v12 =	vsub.f32 v12, v7;
	[tilespmem:s22+$0x102C0] =	vst v51  }
0x316: {  	[tilespmem:s22+$0x105D0] =	vst v8;
	v54 =	vld [tilespmem:s23+$0x8AD0]  }
0x317: {  	[tilespmem:s22+$0x10240] =	vst v12;
	v52 =	vsub.f32 v48, v8  }
0x318: {  	v50 =	vld [tilespmem:s23+$0x8A50];
	[tilespmem:s22+$0x10650] =	vst v8  }
0x319: {  	[tilespmem:s22+$0x101D0] =	vst v52;
	v11 =	vsub.f32 v11, v7  }
0x31a: {  	[tilespmem:s22+$0x10740] =	vst v7;
	v14 =	vld [tilespmem:s23+$0x89E0]  }
0x31b: {  	v59 =	vld [tilespmem:s23+$0x8970];
	[tilespmem:s22+$0x10340] =	vst v11;
	v11 =	vsub.f32 v54, v8  }
0x31c: {  	[tilespmem:s22+$0x106D0] =	vst v8;
	v55 =	vld [tilespmem:s23+$0x8B50]  }
0x31d: {  	v53 =	vsub.f32 v50, v8;
	[tilespmem:s22+$0x102D0] =	vst v11;
	v11 =	vld [tilespmem:s23+$0x8870]  }
0x31e: {  	[tilespmem:s22+$0x10570] =	vst v10;
	v56 =	vld [tilespmem:s23+$0x8AE0]  }
0x31f: {  	[tilespmem:s22+$0x10250] =	vst v53;
	v14 =	vsub.f32 v14, v9  }
0x320: {  	[tilespmem:s22+$0x10750] =	vst v8  }
0x321: {  	[tilespmem:s22+$0x101E0] =	vst v14;
	v58 =	vsub.f32 v55, v8  }
0x322: {  	[tilespmem:s22+$0x106E0] =	vst v9;
	v11 =	vsub.f32 v11, v10  }
0x323: {  	v12 =	vld [tilespmem:s23+$0x8A60];
	[tilespmem:s22+$0x10350] =	vst v58;
	v14 =	vsub.f32 v56, v9  }
0x324: {  	[tilespmem:s22+$0x10070] =	vst v11;
	v11 =	vld [tilespmem:s23+$0x8B60]  }
0x325: {  	[tilespmem:s22+$0x102E0] =	vst v14  }
0x326: {  	[tilespmem:s22+$0x105E0] =	vst v9;
	v13 =	vsub.f32 v59, v10;
	v63 =	vld [tilespmem:s23+$0x8AF0]  }
0x327: {  	[tilespmem:s22+$0x10660] =	vst v9  }
0x328: {  	[tilespmem:s22+$0x10170] =	vst v13;
	v12 =	vsub.f32 v12, v9  }
0x329: {  	[tilespmem:s22+$0x10470] =	vst v10;
	v16 =	vld [tilespmem:s23+$0x89F0];
	v11 =	vsub.f32 v11, v9  }
0x32a: {  	[tilespmem:s22+$0x10260] =	vst v12  }
0x32b: {  	v60 =	vld [tilespmem:s23+$0x8A70];
	[tilespmem:s22+$0x10360] =	vst v11;
	v11 =	vsub.f32 v63, v10  }
0x32c: {  	[tilespmem:s22+$0x10760] =	vst v9  }
0x32d: {  	[tilespmem:s22+$0x102F0] =	vst v11;
	v11 =	vld [tilespmem:s23+$0x8B70]  }
0x32e: {  	[tilespmem:s22+$0x105F0] =	vst v10;
	v62 =	vsub.f32 v16, v10  }
0x32f: {  	p3 =	por p2, p2;
	[tilespmem:s22+$0x10670] =	vst v10  }
.Ltmp9:
0x330: {  	v12 =	vsub.f32 v60, v10;
	[tilespmem:s22+$0x101F0] =	vst v62;
	(pc) =	sbr.rel @p3 .LBB2_13-.Ltmp9, $4  }
0x331: {  	[tilespmem:s22+$0x106F0] =	vst v10  }
0x332: {  	[tilespmem:s22+$0x10270] =	vst v12;
	v11 =	vsub.f32 v11, v10  }
0x333: {  	[tilespmem:s22+$0x10770] =	vst v10  }
0x334: {  	p2 =	por $0x0, $0x0;
	[tilespmem:s22+$0x10370] =	vst v11;
	s22 =	simm.s32 $0x8  }
0x335: {  	s22 =	smul.u32 $0xA, s20  }
.Ltmp10:
0x336: {  	_ = 	snop;
	(pc) =	sbr.rel @p1 .LBB2_26-.Ltmp10, $4  }
0x337: {  	s22 =	sadd.s32 s5, s22  }
0x338: {  	s22 =	sshll.u32 s22, $0x9  }
0x339: {  	s22 =	sadd.s32 s3, s22  }
0x33a: {  	[hbm4b:s22+s4] =	stream.linear.scatter [tilespmem:s14], [sflag:$0x3], $0x5000, $0x38;
	[tilespmem:$0x15F80] =	vst v63  }
0x33b: {  	s22 =	sshll.u32 s20, $0x8  }
0x33c: {  	s22 =	sand.u32 $0x3FFFFF00, s22  }
0x33d: {  	s22 =	sadd.s32 $0x2880, s22  }
0x33e: {  	[tilespmem:s12], [sflag:$0x1] =	stream.indirect.gather [hbm4b:s1+s11], $0x80, s22, s11, $0xb8;
	[tilespmem:$0x15F80] =	vst v63  }
0x33f: {  	_ =	swait.ge [sflag:s15], $0x2C00  }
0x340: {  	[sflag:s15] =	ssyncset.done $0x0  }
0x341: {  	s22 =	simm.s32 @!p0 $0x4;
	[sflag:s15] =	ssyncadd.s32 $0xFFFFD400  }
0x342: {  	_ =	swait.ge @!p0 [sflag:s22], $0x5000  }
0x343: {  	[sflag:s22] =	ssyncset.done @!p0 $0x0  }
0x344: {  	[sflag:s22] =	ssyncadd.s32 @!p0 $0xFFFFB000  }
0x345: {  	v3 =	vld [tilespmem:$0xBB80]  }
0x346: {  	v4 =	vld [tilespmem:$0xBB90]  }
0x347: {  	v5 =	vld [tilespmem:$0xBBA0]  }
0x348: {  	v6 =	vld [tilespmem:$0xBBB0]  }
0x349: {  	v7 =	vld [tilespmem:$0xBBC0]  }
0x34a: {  	v8 =	vld [tilespmem:$0xBBD0]  }
0x34b: {  	v9 =	vld [tilespmem:$0xBBE0]  }
0x34c: {  	s22 =	simm.s32 $0x0;
	p0 =	por $0x1, $0x1;
	v10 =	vld [tilespmem:$0xBBF0]  }
.LBB2_16:
0x34d: {  	s23 =	sshll.u32 s22, $0x7  }
0x34e: {  	s23 =	sand.u32 $0x3FFFFF80, s23  }
0x34f: {  	v11 =	vld [tilespmem:s23+$0x9380];
	_ =	sdelay $0x3  }
0x350: {  	s31 =	sshll.u32 s22, $0x8  }
0x351: {  	s22 =	sand.u32 $0x3FFFFF00, s31;
	v11 =	vsub.f32 v11, v3  }
0x352: {  	[tilespmem:s22+$0x11380] =	vst v3  }
0x353: {  	[tilespmem:s22+$0x10F80] =	vst v11  }
0x354: {  	v11 =	vld [tilespmem:s23+$0x9390];
	_ =	sdelay $0x1  }
0x355: {  	v12 =	vld [tilespmem:s23+$0x9400];
	_ =	sdelay $0x2  }
0x356: {  	v11 =	vsub.f32 v11, v4  }
0x357: {  	[tilespmem:s22+$0x11390] =	vst v4  }
0x358: {  	[tilespmem:s22+$0x10F90] =	vst v11;
	v11 =	vsub.f32 v12, v3  }
0x359: {  	[tilespmem:s22+$0x11400] =	vst v3;
	v63 =	vld [tilespmem:s23+$0x93A0]  }
0x35a: {  	[tilespmem:s22+$0x11000] =	vst v11  }
0x35b: {  	v11 =	vld [tilespmem:s23+$0x9410];
	_ =	sdelay $0x1  }
0x35c: {  	v13 =	vld [tilespmem:s23+$0x9480]  }
0x35d: {  	v12 =	vsub.f32 v63, v5  }
0x35e: {  	[tilespmem:s22+$0x113A0] =	vst v5  }
0x35f: {  	[tilespmem:s22+$0x10FA0] =	vst v12;
	v11 =	vsub.f32 v11, v4  }
0x360: {  	[tilespmem:s22+$0x11410] =	vst v4;
	v12 =	vld [tilespmem:s23+$0x93B0]  }
0x361: {  	[tilespmem:s22+$0x11010] =	vst v11;
	v11 =	vsub.f32 v13, v3  }
0x362: {  	[tilespmem:s22+$0x11480] =	vst v3;
	v16 =	vld [tilespmem:s23+$0x9420]  }
0x363: {  	v14 =	vld [tilespmem:s23+$0x9500];
	[tilespmem:s22+$0x11080] =	vst v11  }
0x364: {  	[tilespmem:s22+$0x11500] =	vst v3;
	v11 =	vld [tilespmem:s23+$0x9490]  }
0x365: {  	v29 =	vld [tilespmem:s23+$0x9580];
	[tilespmem:s22+$0x11580] =	vst v3;
	v12 =	vsub.f32 v12, v6  }
0x366: {  	[tilespmem:s22+$0x113B0] =	vst v6  }
0x367: {  	[tilespmem:s22+$0x10FB0] =	vst v12;
	v17 =	vsub.f32 v16, v5  }
0x368: {  	[tilespmem:s22+$0x11420] =	vst v5;
	v18 =	vld [tilespmem:s23+$0x93C0]  }
0x369: {  	[tilespmem:s22+$0x11020] =	vst v17;
	v11 =	vsub.f32 v11, v4  }
0x36a: {  	[tilespmem:s22+$0x11490] =	vst v4;
	v12 =	vld [tilespmem:s23+$0x9430]  }
0x36b: {  	v30 =	vld [tilespmem:s23+$0x9600];
	[tilespmem:s22+$0x11090] =	vst v11  }
0x36c: {  	[tilespmem:s22+$0x11600] =	vst v3;
	v11 =	vld [tilespmem:s23+$0x94A0]  }
0x36d: {  	v32 =	vld [tilespmem:s23+$0x9680];
	[tilespmem:s22+$0x11680] =	vst v3;
	v13 =	vsub.f32 v18, v7  }
0x36e: {  	[tilespmem:s22+$0x113C0] =	vst v7  }
0x36f: {  	[tilespmem:s22+$0x10FC0] =	vst v13;
	v12 =	vsub.f32 v12, v6  }
0x370: {  	[tilespmem:s22+$0x11430] =	vst v6;
	v13 =	vld [tilespmem:s23+$0x93D0]  }
0x371: {  	[tilespmem:s22+$0x11030] =	vst v12;
	v11 =	vsub.f32 v11, v5  }
0x372: {  	[tilespmem:s22+$0x114A0] =	vst v5;
	v12 =	vld [tilespmem:s23+$0x9440]  }
0x373: {  	[tilespmem:s22+$0x110A0] =	vst v11;
	v11 =	vsub.f32 v14, v3  }
0x374: {  	[tilespmem:s22+$0x113D0] =	vst v8;
	v19 =	vld [tilespmem:s23+$0x94B0]  }
0x375: {  	[tilespmem:s22+$0x11100] =	vst v11;
	v11 =	vsub.f32 v13, v8  }
0x376: {  	[tilespmem:s22+$0x11440] =	vst v7;
	v20 =	vld [tilespmem:s23+$0x9510]  }
0x377: {  	[tilespmem:s22+$0x10FD0] =	vst v11;
	v11 =	vsub.f32 v12, v7  }
0x378: {  	[tilespmem:s22+$0x114B0] =	vst v6;
	v21 =	vld [tilespmem:s23+$0x93E0]  }
0x379: {  	[tilespmem:s22+$0x11040] =	vst v11;
	v11 =	vsub.f32 v19, v6  }
0x37a: {  	[tilespmem:s22+$0x11510] =	vst v4;
	v22 =	vld [tilespmem:s23+$0x9450]  }
0x37b: {  	[tilespmem:s22+$0x110B0] =	vst v11;
	v11 =	vsub.f32 v20, v4  }
0x37c: {  	[tilespmem:s22+$0x113E0] =	vst v9;
	v23 =	vld [tilespmem:s23+$0x94C0]  }
0x37d: {  	[tilespmem:s22+$0x11110] =	vst v11;
	v11 =	vsub.f32 v21, v9  }
0x37e: {  	[tilespmem:s22+$0x11450] =	vst v8  }
0x37f: {  	[tilespmem:s22+$0x10FE0] =	vst v11;
	v11 =	vsub.f32 v22, v8  }
0x380: {  	[tilespmem:s22+$0x114C0] =	vst v7;
	v24 =	vld [tilespmem:s23+$0x9520]  }
0x381: {  	[tilespmem:s22+$0x11050] =	vst v11;
	v11 =	vsub.f32 v23, v7  }
0x382: {  	[tilespmem:s22+$0x11520] =	vst v5;
	v25 =	vld [tilespmem:s23+$0x93F0]  }
0x383: {  	v26 =	vld [tilespmem:s23+$0x9460];
	[tilespmem:s22+$0x110C0] =	vst v11  }
0x384: {  	[tilespmem:s22+$0x113F0] =	vst v10;
	v27 =	vld [tilespmem:s23+$0x94D0]  }
0x385: {  	[tilespmem:s22+$0x11460] =	vst v9;
	v11 =	vsub.f32 v24, v5  }
0x386: {  	[tilespmem:s22+$0x114D0] =	vst v8  }
0x387: {  	[tilespmem:s22+$0x11120] =	vst v11;
	v13 =	vsub.f32 v25, v10  }
0x388: {  	v11 =	vld [tilespmem:s23+$0x9530];
	[tilespmem:s22+$0x11530] =	vst v6;
	v12 =	vsub.f32 v26, v9  }
0x389: {  	[tilespmem:s22+$0x10FF0] =	vst v13;
	v28 =	vsub.f32 v27, v8  }
0x38a: {  	[tilespmem:s22+$0x11060] =	vst v12;
	v12 =	vsub.f32 v32, v3  }
0x38b: {  	[tilespmem:s22+$0x110D0] =	vst v28  }
0x38c: {  	[tilespmem:s22+$0x11280] =	vst v12  }
0x38d: {  	v11 =	vsub.f32 v11, v6;
	v13 =	vld [tilespmem:s23+$0x94E0];
	[tilespmem:s22+$0x114E0] =	vst v9  }
0x38e: {  	v36 =	vld [tilespmem:s23+$0x9690];
	[tilespmem:s22+$0x11690] =	vst v4  }
0x38f: {  	[tilespmem:s22+$0x11130] =	vst v11;
	v11 =	vsub.f32 v29, v3  }
0x390: {  	v31 =	vld [tilespmem:s23+$0x9540];
	[tilespmem:s22+$0x11540] =	vst v7  }
0x391: {  	[tilespmem:s22+$0x11180] =	vst v11;
	v11 =	vsub.f32 v30, v3  }
0x392: {  	v15 =	vld [tilespmem:s23+$0x9590];
	[tilespmem:s22+$0x11590] =	vst v4  }
0x393: {  	v13 =	vsub.f32 v13, v9;
	[tilespmem:s22+$0x11200] =	vst v11  }
0x394: {  	v33 =	vld [tilespmem:s23+$0x9610];
	[tilespmem:s22+$0x11610] =	vst v4  }
0x395: {  	[tilespmem:s22+$0x110E0] =	vst v13;
	v11 =	vsub.f32 v31, v7  }
0x396: {  	v57 =	vld [tilespmem:s23+$0x94F0];
	[tilespmem:s22+$0x114F0] =	vst v10  }
0x397: {  	[tilespmem:s22+$0x11140] =	vst v11;
	v11 =	vld [tilespmem:s23+$0x9700];
	v34 =	vsub.f32 v15, v4  }
0x398: {  	[tilespmem:s22+$0x11700] =	vst v3  }
0x399: {  	[tilespmem:s22+$0x11190] =	vst v34;
	v35 =	vsub.f32 v33, v4  }
0x39a: {  	v14 =	vld [tilespmem:s23+$0x95A0];
	[tilespmem:s22+$0x115A0] =	vst v5  }
0x39b: {  	[tilespmem:s22+$0x11210] =	vst v35;
	v61 =	vsub.f32 v57, v10  }
0x39c: {  	v11 =	vsub.f32 v11, v3;
	v12 =	vld [tilespmem:s23+$0x9620];
	[tilespmem:s22+$0x11620] =	vst v5  }
0x39d: {  	[tilespmem:s22+$0x110F0] =	vst v61  }
0x39e: {  	[tilespmem:s22+$0x11300] =	vst v11;
	v11 =	vsub.f32 v36, v4  }
0x39f: {  	v37 =	vld [tilespmem:s23+$0x9710];
	[tilespmem:s22+$0x11710] =	vst v4  }
0x3a0: {  	v14 =	vsub.f32 v14, v5;
	[tilespmem:s22+$0x11290] =	vst v11;
	v11 =	vld [tilespmem:s23+$0x9550]  }
0x3a1: {  	[tilespmem:s22+$0x11550] =	vst v8;
	v38 =	vld [tilespmem:s23+$0x96A0]  }
0x3a2: {  	[tilespmem:s22+$0x111A0] =	vst v14  }
0x3a3: {  	v12 =	vsub.f32 v12, v5;
	[tilespmem:s22+$0x116A0] =	vst v5  }
0x3a4: {  	v39 =	vld [tilespmem:s23+$0x95B0];
	[tilespmem:s22+$0x115B0] =	vst v6;
	v40 =	vsub.f32 v37, v4  }
0x3a5: {  	[tilespmem:s22+$0x11220] =	vst v12;
	v11 =	vsub.f32 v11, v8  }
0x3a6: {  	v41 =	vld [tilespmem:s23+$0x9630];
	[tilespmem:s22+$0x11310] =	vst v40;
	v42 =	vsub.f32 v38, v5  }
0x3a7: {  	[tilespmem:s22+$0x11150] =	vst v11;
	v11 =	vld [tilespmem:s23+$0x9720]  }
0x3a8: {  	[tilespmem:s22+$0x112A0] =	vst v42  }
0x3a9: {  	[tilespmem:s22+$0x11630] =	vst v6;
	v43 =	vsub.f32 v39, v6;
	v45 =	vld [tilespmem:s23+$0x96B0]  }
0x3aa: {  	[tilespmem:s22+$0x11720] =	vst v5  }
0x3ab: {  	[tilespmem:s22+$0x111B0] =	vst v43;
	v44 =	vsub.f32 v41, v6  }
0x3ac: {  	[tilespmem:s22+$0x116B0] =	vst v6;
	v11 =	vsub.f32 v11, v5  }
0x3ad: {  	v14 =	vld [tilespmem:s23+$0x95C0];
	[tilespmem:s22+$0x11230] =	vst v44  }
0x3ae: {  	v12 =	vld [tilespmem:s23+$0x9640];
	[tilespmem:s22+$0x11320] =	vst v11;
	v11 =	vsub.f32 v45, v6  }
0x3af: {  	[tilespmem:s22+$0x115C0] =	vst v7;
	v46 =	vld [tilespmem:s23+$0x9730]  }
0x3b0: {  	[tilespmem:s22+$0x112B0] =	vst v11;
	v11 =	vld [tilespmem:s23+$0x9560]  }
0x3b1: {  	[tilespmem:s22+$0x11640] =	vst v7;
	v47 =	vld [tilespmem:s23+$0x96C0]  }
0x3b2: {  	v14 =	vsub.f32 v14, v7;
	[tilespmem:s22+$0x11730] =	vst v6  }
0x3b3: {  	[tilespmem:s22+$0x11560] =	vst v9  }
0x3b4: {  	[tilespmem:s22+$0x111C0] =	vst v14;
	v49 =	vsub.f32 v46, v6  }
0x3b5: {  	[tilespmem:s22+$0x116C0] =	vst v7;
	v48 =	vld [tilespmem:s23+$0x95D0];
	v11 =	vsub.f32 v11, v9  }
0x3b6: {  	[tilespmem:s22+$0x11330] =	vst v49;
	v51 =	vsub.f32 v47, v7  }
0x3b7: {  	[tilespmem:s22+$0x11160] =	vst v11;
	v11 =	vld [tilespmem:s23+$0x9740]  }
0x3b8: {  	v12 =	vsub.f32 v12, v7;
	[tilespmem:s22+$0x112C0] =	vst v51  }
0x3b9: {  	[tilespmem:s22+$0x115D0] =	vst v8;
	v54 =	vld [tilespmem:s23+$0x96D0]  }
0x3ba: {  	[tilespmem:s22+$0x11240] =	vst v12;
	v52 =	vsub.f32 v48, v8  }
0x3bb: {  	v50 =	vld [tilespmem:s23+$0x9650];
	[tilespmem:s22+$0x11650] =	vst v8  }
0x3bc: {  	[tilespmem:s22+$0x111D0] =	vst v52;
	v11 =	vsub.f32 v11, v7  }
0x3bd: {  	[tilespmem:s22+$0x11740] =	vst v7;
	v14 =	vld [tilespmem:s23+$0x95E0]  }
0x3be: {  	v59 =	vld [tilespmem:s23+$0x9570];
	[tilespmem:s22+$0x11340] =	vst v11;
	v11 =	vsub.f32 v54, v8  }
0x3bf: {  	[tilespmem:s22+$0x116D0] =	vst v8;
	v55 =	vld [tilespmem:s23+$0x9750]  }
0x3c0: {  	v53 =	vsub.f32 v50, v8;
	[tilespmem:s22+$0x112D0] =	vst v11;
	v11 =	vld [tilespmem:s23+$0x9470]  }
0x3c1: {  	[tilespmem:s22+$0x11570] =	vst v10;
	v56 =	vld [tilespmem:s23+$0x96E0]  }
0x3c2: {  	[tilespmem:s22+$0x11250] =	vst v53;
	v14 =	vsub.f32 v14, v9  }
0x3c3: {  	[tilespmem:s22+$0x11750] =	vst v8  }
0x3c4: {  	[tilespmem:s22+$0x111E0] =	vst v14;
	v58 =	vsub.f32 v55, v8  }
0x3c5: {  	[tilespmem:s22+$0x116E0] =	vst v9;
	v11 =	vsub.f32 v11, v10  }
0x3c6: {  	v12 =	vld [tilespmem:s23+$0x9660];
	[tilespmem:s22+$0x11350] =	vst v58;
	v14 =	vsub.f32 v56, v9  }
0x3c7: {  	[tilespmem:s22+$0x11070] =	vst v11;
	v11 =	vld [tilespmem:s23+$0x9760]  }
0x3c8: {  	[tilespmem:s22+$0x112E0] =	vst v14  }
0x3c9: {  	[tilespmem:s22+$0x115E0] =	vst v9;
	v13 =	vsub.f32 v59, v10;
	v63 =	vld [tilespmem:s23+$0x96F0]  }
0x3ca: {  	[tilespmem:s22+$0x11660] =	vst v9  }
0x3cb: {  	[tilespmem:s22+$0x11170] =	vst v13;
	v12 =	vsub.f32 v12, v9  }
0x3cc: {  	[tilespmem:s22+$0x11470] =	vst v10;
	v16 =	vld [tilespmem:s23+$0x95F0];
	v11 =	vsub.f32 v11, v9  }
0x3cd: {  	[tilespmem:s22+$0x11260] =	vst v12  }
0x3ce: {  	v60 =	vld [tilespmem:s23+$0x9670];
	[tilespmem:s22+$0x11360] =	vst v11;
	v11 =	vsub.f32 v63, v10  }
0x3cf: {  	[tilespmem:s22+$0x11760] =	vst v9  }
0x3d0: {  	[tilespmem:s22+$0x112F0] =	vst v11;
	v11 =	vld [tilespmem:s23+$0x9770]  }
0x3d1: {  	[tilespmem:s22+$0x115F0] =	vst v10;
	v62 =	vsub.f32 v16, v10  }
0x3d2: {  	p1 =	por p0, p0;
	[tilespmem:s22+$0x11670] =	vst v10  }
.Ltmp11:
0x3d3: {  	v12 =	vsub.f32 v60, v10;
	[tilespmem:s22+$0x111F0] =	vst v62;
	(pc) =	sbr.rel @p1 .LBB2_16-.Ltmp11, $4  }
0x3d4: {  	[tilespmem:s22+$0x116F0] =	vst v10  }
0x3d5: {  	[tilespmem:s22+$0x11270] =	vst v12;
	v11 =	vsub.f32 v11, v10  }
0x3d6: {  	[tilespmem:s22+$0x11770] =	vst v10  }
0x3d7: {  	p0 =	por $0x0, $0x0;
	[tilespmem:s22+$0x11370] =	vst v11;
	s22 =	simm.s32 $0x8  }
0x3d8: {  	v3 =	vld [tilespmem:$0xBC00]  }
0x3d9: {  	v4 =	vld [tilespmem:$0xBC10]  }
0x3da: {  	v5 =	vld [tilespmem:$0xBC20]  }
0x3db: {  	v6 =	vld [tilespmem:$0xBC30]  }
0x3dc: {  	v7 =	vld [tilespmem:$0xBC40]  }
0x3dd: {  	v8 =	vld [tilespmem:$0xBC50]  }
0x3de: {  	v9 =	vld [tilespmem:$0xBC60]  }
0x3df: {  	s22 =	simm.s32 $0x0;
	p0 =	por $0x1, $0x1;
	v10 =	vld [tilespmem:$0xBC70]  }
.LBB2_18:
0x3e0: {  	s23 =	sshll.u32 s22, $0x7  }
0x3e1: {  	s23 =	sand.u32 $0x3FFFFF80, s23  }
0x3e2: {  	v11 =	vld [tilespmem:s23+$0x9B80];
	_ =	sdelay $0x3  }
0x3e3: {  	s31 =	sshll.u32 s22, $0x8  }
0x3e4: {  	s22 =	sand.u32 $0x3FFFFF00, s31;
	v11 =	vsub.f32 v11, v3  }
0x3e5: {  	[tilespmem:s22+$0x12380] =	vst v3  }
0x3e6: {  	[tilespmem:s22+$0x11F80] =	vst v11  }
0x3e7: {  	v11 =	vld [tilespmem:s23+$0x9B90];
	_ =	sdelay $0x1  }
0x3e8: {  	v12 =	vld [tilespmem:s23+$0x9C00];
	_ =	sdelay $0x2  }
0x3e9: {  	v11 =	vsub.f32 v11, v4  }
0x3ea: {  	[tilespmem:s22+$0x12390] =	vst v4  }
0x3eb: {  	[tilespmem:s22+$0x11F90] =	vst v11;
	v11 =	vsub.f32 v12, v3  }
0x3ec: {  	[tilespmem:s22+$0x12400] =	vst v3;
	v63 =	vld [tilespmem:s23+$0x9BA0]  }
0x3ed: {  	[tilespmem:s22+$0x12000] =	vst v11  }
0x3ee: {  	v11 =	vld [tilespmem:s23+$0x9C10];
	_ =	sdelay $0x1  }
0x3ef: {  	v13 =	vld [tilespmem:s23+$0x9C80]  }
0x3f0: {  	v12 =	vsub.f32 v63, v5  }
0x3f1: {  	[tilespmem:s22+$0x123A0] =	vst v5  }
0x3f2: {  	[tilespmem:s22+$0x11FA0] =	vst v12;
	v11 =	vsub.f32 v11, v4  }
0x3f3: {  	[tilespmem:s22+$0x12410] =	vst v4;
	v12 =	vld [tilespmem:s23+$0x9BB0]  }
0x3f4: {  	[tilespmem:s22+$0x12010] =	vst v11;
	v11 =	vsub.f32 v13, v3  }
0x3f5: {  	[tilespmem:s22+$0x12480] =	vst v3;
	v16 =	vld [tilespmem:s23+$0x9C20]  }
0x3f6: {  	v14 =	vld [tilespmem:s23+$0x9D00];
	[tilespmem:s22+$0x12080] =	vst v11  }
0x3f7: {  	[tilespmem:s22+$0x12500] =	vst v3;
	v11 =	vld [tilespmem:s23+$0x9C90]  }
0x3f8: {  	v29 =	vld [tilespmem:s23+$0x9D80];
	[tilespmem:s22+$0x12580] =	vst v3;
	v12 =	vsub.f32 v12, v6  }
0x3f9: {  	[tilespmem:s22+$0x123B0] =	vst v6  }
0x3fa: {  	[tilespmem:s22+$0x11FB0] =	vst v12;
	v17 =	vsub.f32 v16, v5  }
0x3fb: {  	[tilespmem:s22+$0x12420] =	vst v5;
	v18 =	vld [tilespmem:s23+$0x9BC0]  }
0x3fc: {  	[tilespmem:s22+$0x12020] =	vst v17;
	v11 =	vsub.f32 v11, v4  }
0x3fd: {  	[tilespmem:s22+$0x12490] =	vst v4;
	v12 =	vld [tilespmem:s23+$0x9C30]  }
0x3fe: {  	v30 =	vld [tilespmem:s23+$0x9E00];
	[tilespmem:s22+$0x12090] =	vst v11  }
0x3ff: {  	[tilespmem:s22+$0x12600] =	vst v3;
	v11 =	vld [tilespmem:s23+$0x9CA0]  }
0x400: {  	v32 =	vld [tilespmem:s23+$0x9E80];
	[tilespmem:s22+$0x12680] =	vst v3;
	v13 =	vsub.f32 v18, v7  }
0x401: {  	[tilespmem:s22+$0x123C0] =	vst v7  }
0x402: {  	[tilespmem:s22+$0x11FC0] =	vst v13;
	v12 =	vsub.f32 v12, v6  }
0x403: {  	[tilespmem:s22+$0x12430] =	vst v6;
	v13 =	vld [tilespmem:s23+$0x9BD0]  }
0x404: {  	[tilespmem:s22+$0x12030] =	vst v12;
	v11 =	vsub.f32 v11, v5  }
0x405: {  	[tilespmem:s22+$0x124A0] =	vst v5;
	v12 =	vld [tilespmem:s23+$0x9C40]  }
0x406: {  	[tilespmem:s22+$0x120A0] =	vst v11;
	v11 =	vsub.f32 v14, v3  }
0x407: {  	[tilespmem:s22+$0x123D0] =	vst v8;
	v19 =	vld [tilespmem:s23+$0x9CB0]  }
0x408: {  	[tilespmem:s22+$0x12100] =	vst v11;
	v11 =	vsub.f32 v13, v8  }
0x409: {  	[tilespmem:s22+$0x12440] =	vst v7;
	v20 =	vld [tilespmem:s23+$0x9D10]  }
0x40a: {  	[tilespmem:s22+$0x11FD0] =	vst v11;
	v11 =	vsub.f32 v12, v7  }
0x40b: {  	[tilespmem:s22+$0x124B0] =	vst v6;
	v21 =	vld [tilespmem:s23+$0x9BE0]  }
0x40c: {  	[tilespmem:s22+$0x12040] =	vst v11;
	v11 =	vsub.f32 v19, v6  }
0x40d: {  	[tilespmem:s22+$0x12510] =	vst v4;
	v22 =	vld [tilespmem:s23+$0x9C50]  }
0x40e: {  	[tilespmem:s22+$0x120B0] =	vst v11;
	v11 =	vsub.f32 v20, v4  }
0x40f: {  	[tilespmem:s22+$0x123E0] =	vst v9;
	v23 =	vld [tilespmem:s23+$0x9CC0]  }
0x410: {  	[tilespmem:s22+$0x12110] =	vst v11;
	v11 =	vsub.f32 v21, v9  }
0x411: {  	[tilespmem:s22+$0x12450] =	vst v8  }
0x412: {  	[tilespmem:s22+$0x11FE0] =	vst v11;
	v11 =	vsub.f32 v22, v8  }
0x413: {  	[tilespmem:s22+$0x124C0] =	vst v7;
	v24 =	vld [tilespmem:s23+$0x9D20]  }
0x414: {  	[tilespmem:s22+$0x12050] =	vst v11;
	v11 =	vsub.f32 v23, v7  }
0x415: {  	[tilespmem:s22+$0x12520] =	vst v5;
	v25 =	vld [tilespmem:s23+$0x9BF0]  }
0x416: {  	v26 =	vld [tilespmem:s23+$0x9C60];
	[tilespmem:s22+$0x120C0] =	vst v11  }
0x417: {  	[tilespmem:s22+$0x123F0] =	vst v10;
	v27 =	vld [tilespmem:s23+$0x9CD0]  }
0x418: {  	[tilespmem:s22+$0x12460] =	vst v9;
	v11 =	vsub.f32 v24, v5  }
0x419: {  	[tilespmem:s22+$0x124D0] =	vst v8  }
0x41a: {  	[tilespmem:s22+$0x12120] =	vst v11;
	v13 =	vsub.f32 v25, v10  }
0x41b: {  	v11 =	vld [tilespmem:s23+$0x9D30];
	[tilespmem:s22+$0x12530] =	vst v6;
	v12 =	vsub.f32 v26, v9  }
0x41c: {  	[tilespmem:s22+$0x11FF0] =	vst v13;
	v28 =	vsub.f32 v27, v8  }
0x41d: {  	[tilespmem:s22+$0x12060] =	vst v12;
	v12 =	vsub.f32 v32, v3  }
0x41e: {  	[tilespmem:s22+$0x120D0] =	vst v28  }
0x41f: {  	[tilespmem:s22+$0x12280] =	vst v12  }
0x420: {  	v11 =	vsub.f32 v11, v6;
	v13 =	vld [tilespmem:s23+$0x9CE0];
	[tilespmem:s22+$0x124E0] =	vst v9  }
0x421: {  	v36 =	vld [tilespmem:s23+$0x9E90];
	[tilespmem:s22+$0x12690] =	vst v4  }
0x422: {  	[tilespmem:s22+$0x12130] =	vst v11;
	v11 =	vsub.f32 v29, v3  }
0x423: {  	v31 =	vld [tilespmem:s23+$0x9D40];
	[tilespmem:s22+$0x12540] =	vst v7  }
0x424: {  	[tilespmem:s22+$0x12180] =	vst v11;
	v11 =	vsub.f32 v30, v3  }
0x425: {  	v15 =	vld [tilespmem:s23+$0x9D90];
	[tilespmem:s22+$0x12590] =	vst v4  }
0x426: {  	v13 =	vsub.f32 v13, v9;
	[tilespmem:s22+$0x12200] =	vst v11  }
0x427: {  	v33 =	vld [tilespmem:s23+$0x9E10];
	[tilespmem:s22+$0x12610] =	vst v4  }
0x428: {  	[tilespmem:s22+$0x120E0] =	vst v13;
	v11 =	vsub.f32 v31, v7  }
0x429: {  	v57 =	vld [tilespmem:s23+$0x9CF0];
	[tilespmem:s22+$0x124F0] =	vst v10  }
0x42a: {  	[tilespmem:s22+$0x12140] =	vst v11;
	v11 =	vld [tilespmem:s23+$0x9F00];
	v34 =	vsub.f32 v15, v4  }
0x42b: {  	[tilespmem:s22+$0x12700] =	vst v3  }
0x42c: {  	[tilespmem:s22+$0x12190] =	vst v34;
	v35 =	vsub.f32 v33, v4  }
0x42d: {  	v14 =	vld [tilespmem:s23+$0x9DA0];
	[tilespmem:s22+$0x125A0] =	vst v5  }
0x42e: {  	[tilespmem:s22+$0x12210] =	vst v35;
	v61 =	vsub.f32 v57, v10  }
0x42f: {  	v11 =	vsub.f32 v11, v3;
	v12 =	vld [tilespmem:s23+$0x9E20];
	[tilespmem:s22+$0x12620] =	vst v5  }
0x430: {  	[tilespmem:s22+$0x120F0] =	vst v61  }
0x431: {  	[tilespmem:s22+$0x12300] =	vst v11;
	v11 =	vsub.f32 v36, v4  }
0x432: {  	v37 =	vld [tilespmem:s23+$0x9F10];
	[tilespmem:s22+$0x12710] =	vst v4  }
0x433: {  	v14 =	vsub.f32 v14, v5;
	[tilespmem:s22+$0x12290] =	vst v11;
	v11 =	vld [tilespmem:s23+$0x9D50]  }
0x434: {  	[tilespmem:s22+$0x12550] =	vst v8;
	v38 =	vld [tilespmem:s23+$0x9EA0]  }
0x435: {  	[tilespmem:s22+$0x121A0] =	vst v14  }
0x436: {  	v12 =	vsub.f32 v12, v5;
	[tilespmem:s22+$0x126A0] =	vst v5  }
0x437: {  	v39 =	vld [tilespmem:s23+$0x9DB0];
	[tilespmem:s22+$0x125B0] =	vst v6;
	v40 =	vsub.f32 v37, v4  }
0x438: {  	[tilespmem:s22+$0x12220] =	vst v12;
	v11 =	vsub.f32 v11, v8  }
0x439: {  	v41 =	vld [tilespmem:s23+$0x9E30];
	[tilespmem:s22+$0x12310] =	vst v40;
	v42 =	vsub.f32 v38, v5  }
0x43a: {  	[tilespmem:s22+$0x12150] =	vst v11;
	v11 =	vld [tilespmem:s23+$0x9F20]  }
0x43b: {  	[tilespmem:s22+$0x122A0] =	vst v42  }
0x43c: {  	[tilespmem:s22+$0x12630] =	vst v6;
	v43 =	vsub.f32 v39, v6;
	v45 =	vld [tilespmem:s23+$0x9EB0]  }
0x43d: {  	[tilespmem:s22+$0x12720] =	vst v5  }
0x43e: {  	[tilespmem:s22+$0x121B0] =	vst v43;
	v44 =	vsub.f32 v41, v6  }
0x43f: {  	[tilespmem:s22+$0x126B0] =	vst v6;
	v11 =	vsub.f32 v11, v5  }
0x440: {  	v14 =	vld [tilespmem:s23+$0x9DC0];
	[tilespmem:s22+$0x12230] =	vst v44  }
0x441: {  	v12 =	vld [tilespmem:s23+$0x9E40];
	[tilespmem:s22+$0x12320] =	vst v11;
	v11 =	vsub.f32 v45, v6  }
0x442: {  	[tilespmem:s22+$0x125C0] =	vst v7;
	v46 =	vld [tilespmem:s23+$0x9F30]  }
0x443: {  	[tilespmem:s22+$0x122B0] =	vst v11;
	v11 =	vld [tilespmem:s23+$0x9D60]  }
0x444: {  	[tilespmem:s22+$0x12640] =	vst v7;
	v47 =	vld [tilespmem:s23+$0x9EC0]  }
0x445: {  	v14 =	vsub.f32 v14, v7;
	[tilespmem:s22+$0x12730] =	vst v6  }
0x446: {  	[tilespmem:s22+$0x12560] =	vst v9  }
0x447: {  	[tilespmem:s22+$0x121C0] =	vst v14;
	v49 =	vsub.f32 v46, v6  }
0x448: {  	[tilespmem:s22+$0x126C0] =	vst v7;
	v48 =	vld [tilespmem:s23+$0x9DD0];
	v11 =	vsub.f32 v11, v9  }
0x449: {  	[tilespmem:s22+$0x12330] =	vst v49;
	v51 =	vsub.f32 v47, v7  }
0x44a: {  	[tilespmem:s22+$0x12160] =	vst v11;
	v11 =	vld [tilespmem:s23+$0x9F40]  }
0x44b: {  	v12 =	vsub.f32 v12, v7;
	[tilespmem:s22+$0x122C0] =	vst v51  }
0x44c: {  	[tilespmem:s22+$0x125D0] =	vst v8;
	v54 =	vld [tilespmem:s23+$0x9ED0]  }
0x44d: {  	[tilespmem:s22+$0x12240] =	vst v12;
	v52 =	vsub.f32 v48, v8  }
0x44e: {  	v50 =	vld [tilespmem:s23+$0x9E50];
	[tilespmem:s22+$0x12650] =	vst v8  }
0x44f: {  	[tilespmem:s22+$0x121D0] =	vst v52;
	v11 =	vsub.f32 v11, v7  }
0x450: {  	[tilespmem:s22+$0x12740] =	vst v7;
	v14 =	vld [tilespmem:s23+$0x9DE0]  }
0x451: {  	v59 =	vld [tilespmem:s23+$0x9D70];
	[tilespmem:s22+$0x12340] =	vst v11;
	v11 =	vsub.f32 v54, v8  }
0x452: {  	[tilespmem:s22+$0x126D0] =	vst v8;
	v55 =	vld [tilespmem:s23+$0x9F50]  }
0x453: {  	v53 =	vsub.f32 v50, v8;
	[tilespmem:s22+$0x122D0] =	vst v11;
	v11 =	vld [tilespmem:s23+$0x9C70]  }
0x454: {  	[tilespmem:s22+$0x12570] =	vst v10;
	v56 =	vld [tilespmem:s23+$0x9EE0]  }
0x455: {  	[tilespmem:s22+$0x12250] =	vst v53;
	v14 =	vsub.f32 v14, v9  }
0x456: {  	[tilespmem:s22+$0x12750] =	vst v8  }
0x457: {  	[tilespmem:s22+$0x121E0] =	vst v14;
	v58 =	vsub.f32 v55, v8  }
0x458: {  	[tilespmem:s22+$0x126E0] =	vst v9;
	v11 =	vsub.f32 v11, v10  }
0x459: {  	v12 =	vld [tilespmem:s23+$0x9E60];
	[tilespmem:s22+$0x12350] =	vst v58;
	v14 =	vsub.f32 v56, v9  }
0x45a: {  	[tilespmem:s22+$0x12070] =	vst v11;
	v11 =	vld [tilespmem:s23+$0x9F60]  }
0x45b: {  	[tilespmem:s22+$0x122E0] =	vst v14  }
0x45c: {  	[tilespmem:s22+$0x125E0] =	vst v9;
	v13 =	vsub.f32 v59, v10;
	v63 =	vld [tilespmem:s23+$0x9EF0]  }
0x45d: {  	[tilespmem:s22+$0x12660] =	vst v9  }
0x45e: {  	[tilespmem:s22+$0x12170] =	vst v13;
	v12 =	vsub.f32 v12, v9  }
0x45f: {  	[tilespmem:s22+$0x12470] =	vst v10;
	v16 =	vld [tilespmem:s23+$0x9DF0];
	v11 =	vsub.f32 v11, v9  }
0x460: {  	[tilespmem:s22+$0x12260] =	vst v12  }
0x461: {  	v60 =	vld [tilespmem:s23+$0x9E70];
	[tilespmem:s22+$0x12360] =	vst v11;
	v11 =	vsub.f32 v63, v10  }
0x462: {  	[tilespmem:s22+$0x12760] =	vst v9  }
0x463: {  	[tilespmem:s22+$0x122F0] =	vst v11;
	v11 =	vld [tilespmem:s23+$0x9F70]  }
0x464: {  	[tilespmem:s22+$0x125F0] =	vst v10;
	v62 =	vsub.f32 v16, v10  }
0x465: {  	p1 =	por p0, p0;
	[tilespmem:s22+$0x12670] =	vst v10  }
.Ltmp12:
0x466: {  	v12 =	vsub.f32 v60, v10;
	[tilespmem:s22+$0x121F0] =	vst v62;
	(pc) =	sbr.rel @p1 .LBB2_18-.Ltmp12, $4  }
0x467: {  	[tilespmem:s22+$0x126F0] =	vst v10  }
0x468: {  	[tilespmem:s22+$0x12270] =	vst v12;
	v11 =	vsub.f32 v11, v10  }
0x469: {  	[tilespmem:s22+$0x12770] =	vst v10  }
0x46a: {  	p0 =	por $0x0, $0x0;
	[tilespmem:s22+$0x12370] =	vst v11;
	s22 =	simm.s32 $0x8  }
0x46b: {  	v3 =	vld [tilespmem:$0xBC80]  }
0x46c: {  	v4 =	vld [tilespmem:$0xBC90]  }
0x46d: {  	v5 =	vld [tilespmem:$0xBCA0]  }
0x46e: {  	v6 =	vld [tilespmem:$0xBCB0]  }
0x46f: {  	v7 =	vld [tilespmem:$0xBCC0]  }
0x470: {  	v8 =	vld [tilespmem:$0xBCD0]  }
0x471: {  	v9 =	vld [tilespmem:$0xBCE0]  }
0x472: {  	s22 =	simm.s32 $0x0;
	p0 =	por $0x1, $0x1;
	v10 =	vld [tilespmem:$0xBCF0]  }
.LBB2_20:
0x473: {  	s23 =	sshll.u32 s22, $0x7  }
0x474: {  	s23 =	sand.u32 $0x3FFFFF80, s23  }
0x475: {  	v11 =	vld [tilespmem:s23+$0xA380];
	_ =	sdelay $0x3  }
0x476: {  	s31 =	sshll.u32 s22, $0x8  }
0x477: {  	s22 =	sand.u32 $0x3FFFFF00, s31;
	v11 =	vsub.f32 v11, v3  }
0x478: {  	[tilespmem:s22+$0x13380] =	vst v3  }
0x479: {  	[tilespmem:s22+$0x12F80] =	vst v11  }
0x47a: {  	v11 =	vld [tilespmem:s23+$0xA390];
	_ =	sdelay $0x1  }
0x47b: {  	v12 =	vld [tilespmem:s23+$0xA400];
	_ =	sdelay $0x2  }
0x47c: {  	v11 =	vsub.f32 v11, v4  }
0x47d: {  	[tilespmem:s22+$0x13390] =	vst v4  }
0x47e: {  	[tilespmem:s22+$0x12F90] =	vst v11;
	v11 =	vsub.f32 v12, v3  }
0x47f: {  	[tilespmem:s22+$0x13400] =	vst v3;
	v63 =	vld [tilespmem:s23+$0xA3A0]  }
0x480: {  	[tilespmem:s22+$0x13000] =	vst v11  }
0x481: {  	v11 =	vld [tilespmem:s23+$0xA410];
	_ =	sdelay $0x1  }
0x482: {  	v13 =	vld [tilespmem:s23+$0xA480]  }
0x483: {  	v12 =	vsub.f32 v63, v5  }
0x484: {  	[tilespmem:s22+$0x133A0] =	vst v5  }
0x485: {  	[tilespmem:s22+$0x12FA0] =	vst v12;
	v11 =	vsub.f32 v11, v4  }
0x486: {  	[tilespmem:s22+$0x13410] =	vst v4;
	v12 =	vld [tilespmem:s23+$0xA3B0]  }
0x487: {  	[tilespmem:s22+$0x13010] =	vst v11;
	v11 =	vsub.f32 v13, v3  }
0x488: {  	[tilespmem:s22+$0x13480] =	vst v3;
	v16 =	vld [tilespmem:s23+$0xA420]  }
0x489: {  	v14 =	vld [tilespmem:s23+$0xA500];
	[tilespmem:s22+$0x13080] =	vst v11  }
0x48a: {  	[tilespmem:s22+$0x13500] =	vst v3;
	v11 =	vld [tilespmem:s23+$0xA490]  }
0x48b: {  	v29 =	vld [tilespmem:s23+$0xA580];
	[tilespmem:s22+$0x13580] =	vst v3;
	v12 =	vsub.f32 v12, v6  }
0x48c: {  	[tilespmem:s22+$0x133B0] =	vst v6  }
0x48d: {  	[tilespmem:s22+$0x12FB0] =	vst v12;
	v17 =	vsub.f32 v16, v5  }
0x48e: {  	[tilespmem:s22+$0x13420] =	vst v5;
	v18 =	vld [tilespmem:s23+$0xA3C0]  }
0x48f: {  	[tilespmem:s22+$0x13020] =	vst v17;
	v11 =	vsub.f32 v11, v4  }
0x490: {  	[tilespmem:s22+$0x13490] =	vst v4;
	v12 =	vld [tilespmem:s23+$0xA430]  }
0x491: {  	v30 =	vld [tilespmem:s23+$0xA600];
	[tilespmem:s22+$0x13090] =	vst v11  }
0x492: {  	[tilespmem:s22+$0x13600] =	vst v3;
	v11 =	vld [tilespmem:s23+$0xA4A0]  }
0x493: {  	v32 =	vld [tilespmem:s23+$0xA680];
	[tilespmem:s22+$0x13680] =	vst v3;
	v13 =	vsub.f32 v18, v7  }
0x494: {  	[tilespmem:s22+$0x133C0] =	vst v7  }
0x495: {  	[tilespmem:s22+$0x12FC0] =	vst v13;
	v12 =	vsub.f32 v12, v6  }
0x496: {  	[tilespmem:s22+$0x13430] =	vst v6;
	v13 =	vld [tilespmem:s23+$0xA3D0]  }
0x497: {  	[tilespmem:s22+$0x13030] =	vst v12;
	v11 =	vsub.f32 v11, v5  }
0x498: {  	[tilespmem:s22+$0x134A0] =	vst v5;
	v12 =	vld [tilespmem:s23+$0xA440]  }
0x499: {  	[tilespmem:s22+$0x130A0] =	vst v11;
	v11 =	vsub.f32 v14, v3  }
0x49a: {  	[tilespmem:s22+$0x133D0] =	vst v8;
	v19 =	vld [tilespmem:s23+$0xA4B0]  }
0x49b: {  	[tilespmem:s22+$0x13100] =	vst v11;
	v11 =	vsub.f32 v13, v8  }
0x49c: {  	[tilespmem:s22+$0x13440] =	vst v7;
	v20 =	vld [tilespmem:s23+$0xA510]  }
0x49d: {  	[tilespmem:s22+$0x12FD0] =	vst v11;
	v11 =	vsub.f32 v12, v7  }
0x49e: {  	[tilespmem:s22+$0x134B0] =	vst v6;
	v21 =	vld [tilespmem:s23+$0xA3E0]  }
0x49f: {  	[tilespmem:s22+$0x13040] =	vst v11;
	v11 =	vsub.f32 v19, v6  }
0x4a0: {  	[tilespmem:s22+$0x13510] =	vst v4;
	v22 =	vld [tilespmem:s23+$0xA450]  }
0x4a1: {  	[tilespmem:s22+$0x130B0] =	vst v11;
	v11 =	vsub.f32 v20, v4  }
0x4a2: {  	[tilespmem:s22+$0x133E0] =	vst v9;
	v23 =	vld [tilespmem:s23+$0xA4C0]  }
0x4a3: {  	[tilespmem:s22+$0x13110] =	vst v11;
	v11 =	vsub.f32 v21, v9  }
0x4a4: {  	[tilespmem:s22+$0x13450] =	vst v8  }
0x4a5: {  	[tilespmem:s22+$0x12FE0] =	vst v11;
	v11 =	vsub.f32 v22, v8  }
0x4a6: {  	[tilespmem:s22+$0x134C0] =	vst v7;
	v24 =	vld [tilespmem:s23+$0xA520]  }
0x4a7: {  	[tilespmem:s22+$0x13050] =	vst v11;
	v11 =	vsub.f32 v23, v7  }
0x4a8: {  	[tilespmem:s22+$0x13520] =	vst v5;
	v25 =	vld [tilespmem:s23+$0xA3F0]  }
0x4a9: {  	v26 =	vld [tilespmem:s23+$0xA460];
	[tilespmem:s22+$0x130C0] =	vst v11  }
0x4aa: {  	[tilespmem:s22+$0x133F0] =	vst v10;
	v27 =	vld [tilespmem:s23+$0xA4D0]  }
0x4ab: {  	[tilespmem:s22+$0x13460] =	vst v9;
	v11 =	vsub.f32 v24, v5  }
0x4ac: {  	[tilespmem:s22+$0x134D0] =	vst v8  }
0x4ad: {  	[tilespmem:s22+$0x13120] =	vst v11;
	v13 =	vsub.f32 v25, v10  }
0x4ae: {  	v11 =	vld [tilespmem:s23+$0xA530];
	[tilespmem:s22+$0x13530] =	vst v6;
	v12 =	vsub.f32 v26, v9  }
0x4af: {  	[tilespmem:s22+$0x12FF0] =	vst v13;
	v28 =	vsub.f32 v27, v8  }
0x4b0: {  	[tilespmem:s22+$0x13060] =	vst v12;
	v12 =	vsub.f32 v32, v3  }
0x4b1: {  	[tilespmem:s22+$0x130D0] =	vst v28  }
0x4b2: {  	[tilespmem:s22+$0x13280] =	vst v12  }
0x4b3: {  	v11 =	vsub.f32 v11, v6;
	v13 =	vld [tilespmem:s23+$0xA4E0];
	[tilespmem:s22+$0x134E0] =	vst v9  }
0x4b4: {  	v36 =	vld [tilespmem:s23+$0xA690];
	[tilespmem:s22+$0x13690] =	vst v4  }
0x4b5: {  	[tilespmem:s22+$0x13130] =	vst v11;
	v11 =	vsub.f32 v29, v3  }
0x4b6: {  	v31 =	vld [tilespmem:s23+$0xA540];
	[tilespmem:s22+$0x13540] =	vst v7  }
0x4b7: {  	[tilespmem:s22+$0x13180] =	vst v11;
	v11 =	vsub.f32 v30, v3  }
0x4b8: {  	v15 =	vld [tilespmem:s23+$0xA590];
	[tilespmem:s22+$0x13590] =	vst v4  }
0x4b9: {  	v13 =	vsub.f32 v13, v9;
	[tilespmem:s22+$0x13200] =	vst v11  }
0x4ba: {  	v33 =	vld [tilespmem:s23+$0xA610];
	[tilespmem:s22+$0x13610] =	vst v4  }
0x4bb: {  	[tilespmem:s22+$0x130E0] =	vst v13;
	v11 =	vsub.f32 v31, v7  }
0x4bc: {  	v57 =	vld [tilespmem:s23+$0xA4F0];
	[tilespmem:s22+$0x134F0] =	vst v10  }
0x4bd: {  	[tilespmem:s22+$0x13140] =	vst v11;
	v11 =	vld [tilespmem:s23+$0xA700];
	v34 =	vsub.f32 v15, v4  }
0x4be: {  	[tilespmem:s22+$0x13700] =	vst v3  }
0x4bf: {  	[tilespmem:s22+$0x13190] =	vst v34;
	v35 =	vsub.f32 v33, v4  }
0x4c0: {  	v14 =	vld [tilespmem:s23+$0xA5A0];
	[tilespmem:s22+$0x135A0] =	vst v5  }
0x4c1: {  	[tilespmem:s22+$0x13210] =	vst v35;
	v61 =	vsub.f32 v57, v10  }
0x4c2: {  	v11 =	vsub.f32 v11, v3;
	v12 =	vld [tilespmem:s23+$0xA620];
	[tilespmem:s22+$0x13620] =	vst v5  }
0x4c3: {  	[tilespmem:s22+$0x130F0] =	vst v61  }
0x4c4: {  	[tilespmem:s22+$0x13300] =	vst v11;
	v11 =	vsub.f32 v36, v4  }
0x4c5: {  	v37 =	vld [tilespmem:s23+$0xA710];
	[tilespmem:s22+$0x13710] =	vst v4  }
0x4c6: {  	v14 =	vsub.f32 v14, v5;
	[tilespmem:s22+$0x13290] =	vst v11;
	v11 =	vld [tilespmem:s23+$0xA550]  }
0x4c7: {  	[tilespmem:s22+$0x13550] =	vst v8;
	v38 =	vld [tilespmem:s23+$0xA6A0]  }
0x4c8: {  	[tilespmem:s22+$0x131A0] =	vst v14  }
0x4c9: {  	v12 =	vsub.f32 v12, v5;
	[tilespmem:s22+$0x136A0] =	vst v5  }
0x4ca: {  	v39 =	vld [tilespmem:s23+$0xA5B0];
	[tilespmem:s22+$0x135B0] =	vst v6;
	v40 =	vsub.f32 v37, v4  }
0x4cb: {  	[tilespmem:s22+$0x13220] =	vst v12;
	v11 =	vsub.f32 v11, v8  }
0x4cc: {  	v41 =	vld [tilespmem:s23+$0xA630];
	[tilespmem:s22+$0x13310] =	vst v40;
	v42 =	vsub.f32 v38, v5  }
0x4cd: {  	[tilespmem:s22+$0x13150] =	vst v11;
	v11 =	vld [tilespmem:s23+$0xA720]  }
0x4ce: {  	[tilespmem:s22+$0x132A0] =	vst v42  }
0x4cf: {  	[tilespmem:s22+$0x13630] =	vst v6;
	v43 =	vsub.f32 v39, v6;
	v45 =	vld [tilespmem:s23+$0xA6B0]  }
0x4d0: {  	[tilespmem:s22+$0x13720] =	vst v5  }
0x4d1: {  	[tilespmem:s22+$0x131B0] =	vst v43;
	v44 =	vsub.f32 v41, v6  }
0x4d2: {  	[tilespmem:s22+$0x136B0] =	vst v6;
	v11 =	vsub.f32 v11, v5  }
0x4d3: {  	v14 =	vld [tilespmem:s23+$0xA5C0];
	[tilespmem:s22+$0x13230] =	vst v44  }
0x4d4: {  	v12 =	vld [tilespmem:s23+$0xA640];
	[tilespmem:s22+$0x13320] =	vst v11;
	v11 =	vsub.f32 v45, v6  }
0x4d5: {  	[tilespmem:s22+$0x135C0] =	vst v7;
	v46 =	vld [tilespmem:s23+$0xA730]  }
0x4d6: {  	[tilespmem:s22+$0x132B0] =	vst v11;
	v11 =	vld [tilespmem:s23+$0xA560]  }
0x4d7: {  	[tilespmem:s22+$0x13640] =	vst v7;
	v47 =	vld [tilespmem:s23+$0xA6C0]  }
0x4d8: {  	v14 =	vsub.f32 v14, v7;
	[tilespmem:s22+$0x13730] =	vst v6  }
0x4d9: {  	[tilespmem:s22+$0x13560] =	vst v9  }
0x4da: {  	[tilespmem:s22+$0x131C0] =	vst v14;
	v49 =	vsub.f32 v46, v6  }
0x4db: {  	[tilespmem:s22+$0x136C0] =	vst v7;
	v48 =	vld [tilespmem:s23+$0xA5D0];
	v11 =	vsub.f32 v11, v9  }
0x4dc: {  	[tilespmem:s22+$0x13330] =	vst v49;
	v51 =	vsub.f32 v47, v7  }
0x4dd: {  	[tilespmem:s22+$0x13160] =	vst v11;
	v11 =	vld [tilespmem:s23+$0xA740]  }
0x4de: {  	v12 =	vsub.f32 v12, v7;
	[tilespmem:s22+$0x132C0] =	vst v51  }
0x4df: {  	[tilespmem:s22+$0x135D0] =	vst v8;
	v54 =	vld [tilespmem:s23+$0xA6D0]  }
0x4e0: {  	[tilespmem:s22+$0x13240] =	vst v12;
	v52 =	vsub.f32 v48, v8  }
0x4e1: {  	v50 =	vld [tilespmem:s23+$0xA650];
	[tilespmem:s22+$0x13650] =	vst v8  }
0x4e2: {  	[tilespmem:s22+$0x131D0] =	vst v52;
	v11 =	vsub.f32 v11, v7  }
0x4e3: {  	[tilespmem:s22+$0x13740] =	vst v7;
	v14 =	vld [tilespmem:s23+$0xA5E0]  }
0x4e4: {  	v59 =	vld [tilespmem:s23+$0xA570];
	[tilespmem:s22+$0x13340] =	vst v11;
	v11 =	vsub.f32 v54, v8  }
0x4e5: {  	[tilespmem:s22+$0x136D0] =	vst v8;
	v55 =	vld [tilespmem:s23+$0xA750]  }
0x4e6: {  	v53 =	vsub.f32 v50, v8;
	[tilespmem:s22+$0x132D0] =	vst v11;
	v11 =	vld [tilespmem:s23+$0xA470]  }
0x4e7: {  	[tilespmem:s22+$0x13570] =	vst v10;
	v56 =	vld [tilespmem:s23+$0xA6E0]  }
0x4e8: {  	[tilespmem:s22+$0x13250] =	vst v53;
	v14 =	vsub.f32 v14, v9  }
0x4e9: {  	[tilespmem:s22+$0x13750] =	vst v8  }
0x4ea: {  	[tilespmem:s22+$0x131E0] =	vst v14;
	v58 =	vsub.f32 v55, v8  }
0x4eb: {  	[tilespmem:s22+$0x136E0] =	vst v9;
	v11 =	vsub.f32 v11, v10  }
0x4ec: {  	v12 =	vld [tilespmem:s23+$0xA660];
	[tilespmem:s22+$0x13350] =	vst v58;
	v14 =	vsub.f32 v56, v9  }
0x4ed: {  	[tilespmem:s22+$0x13070] =	vst v11;
	v11 =	vld [tilespmem:s23+$0xA760]  }
0x4ee: {  	[tilespmem:s22+$0x132E0] =	vst v14  }
0x4ef: {  	[tilespmem:s22+$0x135E0] =	vst v9;
	v13 =	vsub.f32 v59, v10;
	v63 =	vld [tilespmem:s23+$0xA6F0]  }
0x4f0: {  	[tilespmem:s22+$0x13660] =	vst v9  }
0x4f1: {  	[tilespmem:s22+$0x13170] =	vst v13;
	v12 =	vsub.f32 v12, v9  }
0x4f2: {  	[tilespmem:s22+$0x13470] =	vst v10;
	v16 =	vld [tilespmem:s23+$0xA5F0];
	v11 =	vsub.f32 v11, v9  }
0x4f3: {  	[tilespmem:s22+$0x13260] =	vst v12  }
0x4f4: {  	v60 =	vld [tilespmem:s23+$0xA670];
	[tilespmem:s22+$0x13360] =	vst v11;
	v11 =	vsub.f32 v63, v10  }
0x4f5: {  	[tilespmem:s22+$0x13760] =	vst v9  }
0x4f6: {  	[tilespmem:s22+$0x132F0] =	vst v11;
	v11 =	vld [tilespmem:s23+$0xA770]  }
0x4f7: {  	[tilespmem:s22+$0x135F0] =	vst v10;
	v62 =	vsub.f32 v16, v10  }
0x4f8: {  	p1 =	por p0, p0;
	[tilespmem:s22+$0x13670] =	vst v10  }
.Ltmp13:
0x4f9: {  	v12 =	vsub.f32 v60, v10;
	[tilespmem:s22+$0x131F0] =	vst v62;
	(pc) =	sbr.rel @p1 .LBB2_20-.Ltmp13, $4  }
0x4fa: {  	[tilespmem:s22+$0x136F0] =	vst v10  }
0x4fb: {  	[tilespmem:s22+$0x13270] =	vst v12;
	v11 =	vsub.f32 v11, v10  }
0x4fc: {  	[tilespmem:s22+$0x13770] =	vst v10  }
0x4fd: {  	p0 =	por $0x0, $0x0;
	[tilespmem:s22+$0x13370] =	vst v11;
	s22 =	simm.s32 $0x8  }
0x4fe: {  	v3 =	vld [tilespmem:$0xBD00]  }
0x4ff: {  	v4 =	vld [tilespmem:$0xBD10]  }
0x500: {  	v5 =	vld [tilespmem:$0xBD20]  }
0x501: {  	v6 =	vld [tilespmem:$0xBD30]  }
0x502: {  	v7 =	vld [tilespmem:$0xBD40]  }
0x503: {  	v8 =	vld [tilespmem:$0xBD50]  }
0x504: {  	v9 =	vld [tilespmem:$0xBD60]  }
0x505: {  	s22 =	simm.s32 $0x0;
	p0 =	por $0x1, $0x1;
	v10 =	vld [tilespmem:$0xBD70]  }
.LBB2_22:
0x506: {  	s23 =	sshll.u32 s22, $0x7  }
0x507: {  	s23 =	sand.u32 $0x3FFFFF80, s23  }
0x508: {  	v11 =	vld [tilespmem:s23+$0xAB80];
	_ =	sdelay $0x3  }
0x509: {  	s31 =	sshll.u32 s22, $0x8  }
0x50a: {  	s22 =	sand.u32 $0x3FFFFF00, s31;
	v11 =	vsub.f32 v11, v3  }
0x50b: {  	[tilespmem:s22+$0x14380] =	vst v3  }
0x50c: {  	[tilespmem:s22+$0x13F80] =	vst v11  }
0x50d: {  	v11 =	vld [tilespmem:s23+$0xAB90];
	_ =	sdelay $0x1  }
0x50e: {  	v12 =	vld [tilespmem:s23+$0xAC00];
	_ =	sdelay $0x2  }
0x50f: {  	v11 =	vsub.f32 v11, v4  }
0x510: {  	[tilespmem:s22+$0x14390] =	vst v4  }
0x511: {  	[tilespmem:s22+$0x13F90] =	vst v11;
	v11 =	vsub.f32 v12, v3  }
0x512: {  	[tilespmem:s22+$0x14400] =	vst v3;
	v63 =	vld [tilespmem:s23+$0xABA0]  }
0x513: {  	[tilespmem:s22+$0x14000] =	vst v11  }
0x514: {  	v11 =	vld [tilespmem:s23+$0xAC10];
	_ =	sdelay $0x1  }
0x515: {  	v13 =	vld [tilespmem:s23+$0xAC80]  }
0x516: {  	v12 =	vsub.f32 v63, v5  }
0x517: {  	[tilespmem:s22+$0x143A0] =	vst v5  }
0x518: {  	[tilespmem:s22+$0x13FA0] =	vst v12;
	v11 =	vsub.f32 v11, v4  }
0x519: {  	[tilespmem:s22+$0x14410] =	vst v4;
	v12 =	vld [tilespmem:s23+$0xABB0]  }
0x51a: {  	[tilespmem:s22+$0x14010] =	vst v11;
	v11 =	vsub.f32 v13, v3  }
0x51b: {  	[tilespmem:s22+$0x14480] =	vst v3;
	v16 =	vld [tilespmem:s23+$0xAC20]  }
0x51c: {  	v14 =	vld [tilespmem:s23+$0xAD00];
	[tilespmem:s22+$0x14080] =	vst v11  }
0x51d: {  	[tilespmem:s22+$0x14500] =	vst v3;
	v11 =	vld [tilespmem:s23+$0xAC90]  }
0x51e: {  	v29 =	vld [tilespmem:s23+$0xAD80];
	[tilespmem:s22+$0x14580] =	vst v3;
	v12 =	vsub.f32 v12, v6  }
0x51f: {  	[tilespmem:s22+$0x143B0] =	vst v6  }
0x520: {  	[tilespmem:s22+$0x13FB0] =	vst v12;
	v17 =	vsub.f32 v16, v5  }
0x521: {  	[tilespmem:s22+$0x14420] =	vst v5;
	v18 =	vld [tilespmem:s23+$0xABC0]  }
0x522: {  	[tilespmem:s22+$0x14020] =	vst v17;
	v11 =	vsub.f32 v11, v4  }
0x523: {  	[tilespmem:s22+$0x14490] =	vst v4;
	v12 =	vld [tilespmem:s23+$0xAC30]  }
0x524: {  	v30 =	vld [tilespmem:s23+$0xAE00];
	[tilespmem:s22+$0x14090] =	vst v11  }
0x525: {  	[tilespmem:s22+$0x14600] =	vst v3;
	v11 =	vld [tilespmem:s23+$0xACA0]  }
0x526: {  	v32 =	vld [tilespmem:s23+$0xAE80];
	[tilespmem:s22+$0x14680] =	vst v3;
	v13 =	vsub.f32 v18, v7  }
0x527: {  	[tilespmem:s22+$0x143C0] =	vst v7  }
0x528: {  	[tilespmem:s22+$0x13FC0] =	vst v13;
	v12 =	vsub.f32 v12, v6  }
0x529: {  	[tilespmem:s22+$0x14430] =	vst v6;
	v13 =	vld [tilespmem:s23+$0xABD0]  }
0x52a: {  	[tilespmem:s22+$0x14030] =	vst v12;
	v11 =	vsub.f32 v11, v5  }
0x52b: {  	[tilespmem:s22+$0x144A0] =	vst v5;
	v12 =	vld [tilespmem:s23+$0xAC40]  }
0x52c: {  	[tilespmem:s22+$0x140A0] =	vst v11;
	v11 =	vsub.f32 v14, v3  }
0x52d: {  	[tilespmem:s22+$0x143D0] =	vst v8;
	v19 =	vld [tilespmem:s23+$0xACB0]  }
0x52e: {  	[tilespmem:s22+$0x14100] =	vst v11;
	v11 =	vsub.f32 v13, v8  }
0x52f: {  	[tilespmem:s22+$0x14440] =	vst v7;
	v20 =	vld [tilespmem:s23+$0xAD10]  }
0x530: {  	[tilespmem:s22+$0x13FD0] =	vst v11;
	v11 =	vsub.f32 v12, v7  }
0x531: {  	[tilespmem:s22+$0x144B0] =	vst v6;
	v21 =	vld [tilespmem:s23+$0xABE0]  }
0x532: {  	[tilespmem:s22+$0x14040] =	vst v11;
	v11 =	vsub.f32 v19, v6  }
0x533: {  	[tilespmem:s22+$0x14510] =	vst v4;
	v22 =	vld [tilespmem:s23+$0xAC50]  }
0x534: {  	[tilespmem:s22+$0x140B0] =	vst v11;
	v11 =	vsub.f32 v20, v4  }
0x535: {  	[tilespmem:s22+$0x143E0] =	vst v9;
	v23 =	vld [tilespmem:s23+$0xACC0]  }
0x536: {  	[tilespmem:s22+$0x14110] =	vst v11;
	v11 =	vsub.f32 v21, v9  }
0x537: {  	[tilespmem:s22+$0x14450] =	vst v8  }
0x538: {  	[tilespmem:s22+$0x13FE0] =	vst v11;
	v11 =	vsub.f32 v22, v8  }
0x539: {  	[tilespmem:s22+$0x144C0] =	vst v7;
	v24 =	vld [tilespmem:s23+$0xAD20]  }
0x53a: {  	[tilespmem:s22+$0x14050] =	vst v11;
	v11 =	vsub.f32 v23, v7  }
0x53b: {  	[tilespmem:s22+$0x14520] =	vst v5;
	v25 =	vld [tilespmem:s23+$0xABF0]  }
0x53c: {  	v26 =	vld [tilespmem:s23+$0xAC60];
	[tilespmem:s22+$0x140C0] =	vst v11  }
0x53d: {  	[tilespmem:s22+$0x143F0] =	vst v10;
	v27 =	vld [tilespmem:s23+$0xACD0]  }
0x53e: {  	[tilespmem:s22+$0x14460] =	vst v9;
	v11 =	vsub.f32 v24, v5  }
0x53f: {  	[tilespmem:s22+$0x144D0] =	vst v8  }
0x540: {  	[tilespmem:s22+$0x14120] =	vst v11;
	v13 =	vsub.f32 v25, v10  }
0x541: {  	v11 =	vld [tilespmem:s23+$0xAD30];
	[tilespmem:s22+$0x14530] =	vst v6;
	v12 =	vsub.f32 v26, v9  }
0x542: {  	[tilespmem:s22+$0x13FF0] =	vst v13;
	v28 =	vsub.f32 v27, v8  }
0x543: {  	[tilespmem:s22+$0x14060] =	vst v12;
	v12 =	vsub.f32 v32, v3  }
0x544: {  	[tilespmem:s22+$0x140D0] =	vst v28  }
0x545: {  	[tilespmem:s22+$0x14280] =	vst v12  }
0x546: {  	v11 =	vsub.f32 v11, v6;
	v13 =	vld [tilespmem:s23+$0xACE0];
	[tilespmem:s22+$0x144E0] =	vst v9  }
0x547: {  	v36 =	vld [tilespmem:s23+$0xAE90];
	[tilespmem:s22+$0x14690] =	vst v4  }
0x548: {  	[tilespmem:s22+$0x14130] =	vst v11;
	v11 =	vsub.f32 v29, v3  }
0x549: {  	v31 =	vld [tilespmem:s23+$0xAD40];
	[tilespmem:s22+$0x14540] =	vst v7  }
0x54a: {  	[tilespmem:s22+$0x14180] =	vst v11;
	v11 =	vsub.f32 v30, v3  }
0x54b: {  	v15 =	vld [tilespmem:s23+$0xAD90];
	[tilespmem:s22+$0x14590] =	vst v4  }
0x54c: {  	v13 =	vsub.f32 v13, v9;
	[tilespmem:s22+$0x14200] =	vst v11  }
0x54d: {  	v33 =	vld [tilespmem:s23+$0xAE10];
	[tilespmem:s22+$0x14610] =	vst v4  }
0x54e: {  	[tilespmem:s22+$0x140E0] =	vst v13;
	v11 =	vsub.f32 v31, v7  }
0x54f: {  	v57 =	vld [tilespmem:s23+$0xACF0];
	[tilespmem:s22+$0x144F0] =	vst v10  }
0x550: {  	[tilespmem:s22+$0x14140] =	vst v11;
	v11 =	vld [tilespmem:s23+$0xAF00];
	v34 =	vsub.f32 v15, v4  }
0x551: {  	[tilespmem:s22+$0x14700] =	vst v3  }
0x552: {  	[tilespmem:s22+$0x14190] =	vst v34;
	v35 =	vsub.f32 v33, v4  }
0x553: {  	v14 =	vld [tilespmem:s23+$0xADA0];
	[tilespmem:s22+$0x145A0] =	vst v5  }
0x554: {  	[tilespmem:s22+$0x14210] =	vst v35;
	v61 =	vsub.f32 v57, v10  }
0x555: {  	v11 =	vsub.f32 v11, v3;
	v12 =	vld [tilespmem:s23+$0xAE20];
	[tilespmem:s22+$0x14620] =	vst v5  }
0x556: {  	[tilespmem:s22+$0x140F0] =	vst v61  }
0x557: {  	[tilespmem:s22+$0x14300] =	vst v11;
	v11 =	vsub.f32 v36, v4  }
0x558: {  	v37 =	vld [tilespmem:s23+$0xAF10];
	[tilespmem:s22+$0x14710] =	vst v4  }
0x559: {  	v14 =	vsub.f32 v14, v5;
	[tilespmem:s22+$0x14290] =	vst v11;
	v11 =	vld [tilespmem:s23+$0xAD50]  }
0x55a: {  	[tilespmem:s22+$0x14550] =	vst v8;
	v38 =	vld [tilespmem:s23+$0xAEA0]  }
0x55b: {  	[tilespmem:s22+$0x141A0] =	vst v14  }
0x55c: {  	v12 =	vsub.f32 v12, v5;
	[tilespmem:s22+$0x146A0] =	vst v5  }
0x55d: {  	v39 =	vld [tilespmem:s23+$0xADB0];
	[tilespmem:s22+$0x145B0] =	vst v6;
	v40 =	vsub.f32 v37, v4  }
0x55e: {  	[tilespmem:s22+$0x14220] =	vst v12;
	v11 =	vsub.f32 v11, v8  }
0x55f: {  	v41 =	vld [tilespmem:s23+$0xAE30];
	[tilespmem:s22+$0x14310] =	vst v40;
	v42 =	vsub.f32 v38, v5  }
0x560: {  	[tilespmem:s22+$0x14150] =	vst v11;
	v11 =	vld [tilespmem:s23+$0xAF20]  }
0x561: {  	[tilespmem:s22+$0x142A0] =	vst v42  }
0x562: {  	[tilespmem:s22+$0x14630] =	vst v6;
	v43 =	vsub.f32 v39, v6;
	v45 =	vld [tilespmem:s23+$0xAEB0]  }
0x563: {  	[tilespmem:s22+$0x14720] =	vst v5  }
0x564: {  	[tilespmem:s22+$0x141B0] =	vst v43;
	v44 =	vsub.f32 v41, v6  }
0x565: {  	[tilespmem:s22+$0x146B0] =	vst v6;
	v11 =	vsub.f32 v11, v5  }
0x566: {  	v14 =	vld [tilespmem:s23+$0xADC0];
	[tilespmem:s22+$0x14230] =	vst v44  }
0x567: {  	v12 =	vld [tilespmem:s23+$0xAE40];
	[tilespmem:s22+$0x14320] =	vst v11;
	v11 =	vsub.f32 v45, v6  }
0x568: {  	[tilespmem:s22+$0x145C0] =	vst v7;
	v46 =	vld [tilespmem:s23+$0xAF30]  }
0x569: {  	[tilespmem:s22+$0x142B0] =	vst v11;
	v11 =	vld [tilespmem:s23+$0xAD60]  }
0x56a: {  	[tilespmem:s22+$0x14640] =	vst v7;
	v47 =	vld [tilespmem:s23+$0xAEC0]  }
0x56b: {  	v14 =	vsub.f32 v14, v7;
	[tilespmem:s22+$0x14730] =	vst v6  }
0x56c: {  	[tilespmem:s22+$0x14560] =	vst v9  }
0x56d: {  	[tilespmem:s22+$0x141C0] =	vst v14;
	v49 =	vsub.f32 v46, v6  }
0x56e: {  	[tilespmem:s22+$0x146C0] =	vst v7;
	v48 =	vld [tilespmem:s23+$0xADD0];
	v11 =	vsub.f32 v11, v9  }
0x56f: {  	[tilespmem:s22+$0x14330] =	vst v49;
	v51 =	vsub.f32 v47, v7  }
0x570: {  	[tilespmem:s22+$0x14160] =	vst v11;
	v11 =	vld [tilespmem:s23+$0xAF40]  }
0x571: {  	v12 =	vsub.f32 v12, v7;
	[tilespmem:s22+$0x142C0] =	vst v51  }
0x572: {  	[tilespmem:s22+$0x145D0] =	vst v8;
	v54 =	vld [tilespmem:s23+$0xAED0]  }
0x573: {  	[tilespmem:s22+$0x14240] =	vst v12;
	v52 =	vsub.f32 v48, v8  }
0x574: {  	v50 =	vld [tilespmem:s23+$0xAE50];
	[tilespmem:s22+$0x14650] =	vst v8  }
0x575: {  	[tilespmem:s22+$0x141D0] =	vst v52;
	v11 =	vsub.f32 v11, v7  }
0x576: {  	[tilespmem:s22+$0x14740] =	vst v7;
	v14 =	vld [tilespmem:s23+$0xADE0]  }
0x577: {  	v59 =	vld [tilespmem:s23+$0xAD70];
	[tilespmem:s22+$0x14340] =	vst v11;
	v11 =	vsub.f32 v54, v8  }
0x578: {  	[tilespmem:s22+$0x146D0] =	vst v8;
	v55 =	vld [tilespmem:s23+$0xAF50]  }
0x579: {  	v53 =	vsub.f32 v50, v8;
	[tilespmem:s22+$0x142D0] =	vst v11;
	v11 =	vld [tilespmem:s23+$0xAC70]  }
0x57a: {  	[tilespmem:s22+$0x14570] =	vst v10;
	v56 =	vld [tilespmem:s23+$0xAEE0]  }
0x57b: {  	[tilespmem:s22+$0x14250] =	vst v53;
	v14 =	vsub.f32 v14, v9  }
0x57c: {  	[tilespmem:s22+$0x14750] =	vst v8  }
0x57d: {  	[tilespmem:s22+$0x141E0] =	vst v14;
	v58 =	vsub.f32 v55, v8  }
0x57e: {  	[tilespmem:s22+$0x146E0] =	vst v9;
	v11 =	vsub.f32 v11, v10  }
0x57f: {  	v12 =	vld [tilespmem:s23+$0xAE60];
	[tilespmem:s22+$0x14350] =	vst v58;
	v14 =	vsub.f32 v56, v9  }
0x580: {  	[tilespmem:s22+$0x14070] =	vst v11;
	v11 =	vld [tilespmem:s23+$0xAF60]  }
0x581: {  	[tilespmem:s22+$0x142E0] =	vst v14  }
0x582: {  	[tilespmem:s22+$0x145E0] =	vst v9;
	v13 =	vsub.f32 v59, v10;
	v63 =	vld [tilespmem:s23+$0xAEF0]  }
0x583: {  	[tilespmem:s22+$0x14660] =	vst v9  }
0x584: {  	[tilespmem:s22+$0x14170] =	vst v13;
	v12 =	vsub.f32 v12, v9  }
0x585: {  	[tilespmem:s22+$0x14470] =	vst v10;
	v16 =	vld [tilespmem:s23+$0xADF0];
	v11 =	vsub.f32 v11, v9  }
0x586: {  	[tilespmem:s22+$0x14260] =	vst v12  }
0x587: {  	v60 =	vld [tilespmem:s23+$0xAE70];
	[tilespmem:s22+$0x14360] =	vst v11;
	v11 =	vsub.f32 v63, v10  }
0x588: {  	[tilespmem:s22+$0x14760] =	vst v9  }
0x589: {  	[tilespmem:s22+$0x142F0] =	vst v11;
	v11 =	vld [tilespmem:s23+$0xAF70]  }
0x58a: {  	[tilespmem:s22+$0x145F0] =	vst v10;
	v62 =	vsub.f32 v16, v10  }
0x58b: {  	p1 =	por p0, p0;
	[tilespmem:s22+$0x14670] =	vst v10  }
.Ltmp14:
0x58c: {  	v12 =	vsub.f32 v60, v10;
	[tilespmem:s22+$0x141F0] =	vst v62;
	(pc) =	sbr.rel @p1 .LBB2_22-.Ltmp14, $4  }
0x58d: {  	[tilespmem:s22+$0x146F0] =	vst v10  }
0x58e: {  	[tilespmem:s22+$0x14270] =	vst v12;
	v11 =	vsub.f32 v11, v10  }
0x58f: {  	[tilespmem:s22+$0x14770] =	vst v10  }
0x590: {  	p0 =	por $0x0, $0x0;
	[tilespmem:s22+$0x14370] =	vst v11;
	s22 =	simm.s32 $0x8  }
0x591: {  	v3 =	vld [tilespmem:$0xBD80]  }
0x592: {  	v4 =	vld [tilespmem:$0xBD90]  }
0x593: {  	v5 =	vld [tilespmem:$0xBDA0]  }
0x594: {  	v6 =	vld [tilespmem:$0xBDB0]  }
0x595: {  	v7 =	vld [tilespmem:$0xBDC0]  }
0x596: {  	v8 =	vld [tilespmem:$0xBDD0]  }
0x597: {  	v9 =	vld [tilespmem:$0xBDE0]  }
0x598: {  	s22 =	simm.s32 $0x0;
	p0 =	por $0x1, $0x1;
	v10 =	vld [tilespmem:$0xBDF0]  }
.LBB2_24:
0x599: {  	s23 =	sshll.u32 s22, $0x7  }
0x59a: {  	s23 =	sand.u32 $0x3FFFFF80, s23  }
0x59b: {  	v11 =	vld [tilespmem:s23+$0xB380];
	_ =	sdelay $0x3  }
0x59c: {  	s31 =	sshll.u32 s22, $0x8  }
0x59d: {  	s22 =	sand.u32 $0x3FFFFF00, s31;
	v11 =	vsub.f32 v11, v3  }
0x59e: {  	[tilespmem:s22+$0x15380] =	vst v3  }
0x59f: {  	[tilespmem:s22+$0x14F80] =	vst v11  }
0x5a0: {  	v11 =	vld [tilespmem:s23+$0xB390];
	_ =	sdelay $0x1  }
0x5a1: {  	v12 =	vld [tilespmem:s23+$0xB400];
	_ =	sdelay $0x2  }
0x5a2: {  	v11 =	vsub.f32 v11, v4  }
0x5a3: {  	[tilespmem:s22+$0x15390] =	vst v4  }
0x5a4: {  	[tilespmem:s22+$0x14F90] =	vst v11;
	v11 =	vsub.f32 v12, v3  }
0x5a5: {  	[tilespmem:s22+$0x15400] =	vst v3;
	v63 =	vld [tilespmem:s23+$0xB3A0]  }
0x5a6: {  	[tilespmem:s22+$0x15000] =	vst v11  }
0x5a7: {  	v11 =	vld [tilespmem:s23+$0xB410];
	_ =	sdelay $0x1  }
0x5a8: {  	v13 =	vld [tilespmem:s23+$0xB480]  }
0x5a9: {  	v12 =	vsub.f32 v63, v5  }
0x5aa: {  	[tilespmem:s22+$0x153A0] =	vst v5  }
0x5ab: {  	[tilespmem:s22+$0x14FA0] =	vst v12;
	v11 =	vsub.f32 v11, v4  }
0x5ac: {  	[tilespmem:s22+$0x15410] =	vst v4;
	v12 =	vld [tilespmem:s23+$0xB3B0]  }
0x5ad: {  	[tilespmem:s22+$0x15010] =	vst v11;
	v11 =	vsub.f32 v13, v3  }
0x5ae: {  	[tilespmem:s22+$0x15480] =	vst v3;
	v16 =	vld [tilespmem:s23+$0xB420]  }
0x5af: {  	v14 =	vld [tilespmem:s23+$0xB500];
	[tilespmem:s22+$0x15080] =	vst v11  }
0x5b0: {  	[tilespmem:s22+$0x15500] =	vst v3;
	v11 =	vld [tilespmem:s23+$0xB490]  }
0x5b1: {  	v29 =	vld [tilespmem:s23+$0xB580];
	[tilespmem:s22+$0x15580] =	vst v3;
	v12 =	vsub.f32 v12, v6  }
0x5b2: {  	[tilespmem:s22+$0x153B0] =	vst v6  }
0x5b3: {  	[tilespmem:s22+$0x14FB0] =	vst v12;
	v17 =	vsub.f32 v16, v5  }
0x5b4: {  	[tilespmem:s22+$0x15420] =	vst v5;
	v18 =	vld [tilespmem:s23+$0xB3C0]  }
0x5b5: {  	[tilespmem:s22+$0x15020] =	vst v17;
	v11 =	vsub.f32 v11, v4  }
0x5b6: {  	[tilespmem:s22+$0x15490] =	vst v4;
	v12 =	vld [tilespmem:s23+$0xB430]  }
0x5b7: {  	v30 =	vld [tilespmem:s23+$0xB600];
	[tilespmem:s22+$0x15090] =	vst v11  }
0x5b8: {  	[tilespmem:s22+$0x15600] =	vst v3;
	v11 =	vld [tilespmem:s23+$0xB4A0]  }
0x5b9: {  	v32 =	vld [tilespmem:s23+$0xB680];
	[tilespmem:s22+$0x15680] =	vst v3;
	v13 =	vsub.f32 v18, v7  }
0x5ba: {  	[tilespmem:s22+$0x153C0] =	vst v7  }
0x5bb: {  	[tilespmem:s22+$0x14FC0] =	vst v13;
	v12 =	vsub.f32 v12, v6  }
0x5bc: {  	[tilespmem:s22+$0x15430] =	vst v6;
	v13 =	vld [tilespmem:s23+$0xB3D0]  }
0x5bd: {  	[tilespmem:s22+$0x15030] =	vst v12;
	v11 =	vsub.f32 v11, v5  }
0x5be: {  	[tilespmem:s22+$0x154A0] =	vst v5;
	v12 =	vld [tilespmem:s23+$0xB440]  }
0x5bf: {  	[tilespmem:s22+$0x150A0] =	vst v11;
	v11 =	vsub.f32 v14, v3  }
0x5c0: {  	[tilespmem:s22+$0x153D0] =	vst v8;
	v19 =	vld [tilespmem:s23+$0xB4B0]  }
0x5c1: {  	[tilespmem:s22+$0x15100] =	vst v11;
	v11 =	vsub.f32 v13, v8  }
0x5c2: {  	[tilespmem:s22+$0x15440] =	vst v7;
	v20 =	vld [tilespmem:s23+$0xB510]  }
0x5c3: {  	[tilespmem:s22+$0x14FD0] =	vst v11;
	v11 =	vsub.f32 v12, v7  }
0x5c4: {  	[tilespmem:s22+$0x154B0] =	vst v6;
	v21 =	vld [tilespmem:s23+$0xB3E0]  }
0x5c5: {  	[tilespmem:s22+$0x15040] =	vst v11;
	v11 =	vsub.f32 v19, v6  }
0x5c6: {  	[tilespmem:s22+$0x15510] =	vst v4;
	v22 =	vld [tilespmem:s23+$0xB450]  }
0x5c7: {  	[tilespmem:s22+$0x150B0] =	vst v11;
	v11 =	vsub.f32 v20, v4  }
0x5c8: {  	[tilespmem:s22+$0x153E0] =	vst v9;
	v23 =	vld [tilespmem:s23+$0xB4C0]  }
0x5c9: {  	[tilespmem:s22+$0x15110] =	vst v11;
	v11 =	vsub.f32 v21, v9  }
0x5ca: {  	[tilespmem:s22+$0x15450] =	vst v8  }
0x5cb: {  	[tilespmem:s22+$0x14FE0] =	vst v11;
	v11 =	vsub.f32 v22, v8  }
0x5cc: {  	[tilespmem:s22+$0x154C0] =	vst v7;
	v24 =	vld [tilespmem:s23+$0xB520]  }
0x5cd: {  	[tilespmem:s22+$0x15050] =	vst v11;
	v11 =	vsub.f32 v23, v7  }
0x5ce: {  	[tilespmem:s22+$0x15520] =	vst v5;
	v25 =	vld [tilespmem:s23+$0xB3F0]  }
0x5cf: {  	v26 =	vld [tilespmem:s23+$0xB460];
	[tilespmem:s22+$0x150C0] =	vst v11  }
0x5d0: {  	[tilespmem:s22+$0x153F0] =	vst v10;
	v27 =	vld [tilespmem:s23+$0xB4D0]  }
0x5d1: {  	[tilespmem:s22+$0x15460] =	vst v9;
	v11 =	vsub.f32 v24, v5  }
0x5d2: {  	[tilespmem:s22+$0x154D0] =	vst v8  }
0x5d3: {  	[tilespmem:s22+$0x15120] =	vst v11;
	v13 =	vsub.f32 v25, v10  }
0x5d4: {  	v11 =	vld [tilespmem:s23+$0xB530];
	[tilespmem:s22+$0x15530] =	vst v6;
	v12 =	vsub.f32 v26, v9  }
0x5d5: {  	[tilespmem:s22+$0x14FF0] =	vst v13;
	v28 =	vsub.f32 v27, v8  }
0x5d6: {  	[tilespmem:s22+$0x15060] =	vst v12;
	v12 =	vsub.f32 v32, v3  }
0x5d7: {  	[tilespmem:s22+$0x150D0] =	vst v28  }
0x5d8: {  	[tilespmem:s22+$0x15280] =	vst v12  }
0x5d9: {  	v11 =	vsub.f32 v11, v6;
	v13 =	vld [tilespmem:s23+$0xB4E0];
	[tilespmem:s22+$0x154E0] =	vst v9  }
0x5da: {  	v36 =	vld [tilespmem:s23+$0xB690];
	[tilespmem:s22+$0x15690] =	vst v4  }
0x5db: {  	[tilespmem:s22+$0x15130] =	vst v11;
	v11 =	vsub.f32 v29, v3  }
0x5dc: {  	v31 =	vld [tilespmem:s23+$0xB540];
	[tilespmem:s22+$0x15540] =	vst v7  }
0x5dd: {  	[tilespmem:s22+$0x15180] =	vst v11;
	v11 =	vsub.f32 v30, v3  }
0x5de: {  	v15 =	vld [tilespmem:s23+$0xB590];
	[tilespmem:s22+$0x15590] =	vst v4  }
0x5df: {  	v13 =	vsub.f32 v13, v9;
	[tilespmem:s22+$0x15200] =	vst v11  }
0x5e0: {  	v33 =	vld [tilespmem:s23+$0xB610];
	[tilespmem:s22+$0x15610] =	vst v4  }
0x5e1: {  	[tilespmem:s22+$0x150E0] =	vst v13;
	v11 =	vsub.f32 v31, v7  }
0x5e2: {  	v57 =	vld [tilespmem:s23+$0xB4F0];
	[tilespmem:s22+$0x154F0] =	vst v10  }
0x5e3: {  	[tilespmem:s22+$0x15140] =	vst v11;
	v11 =	vld [tilespmem:s23+$0xB700];
	v34 =	vsub.f32 v15, v4  }
0x5e4: {  	[tilespmem:s22+$0x15700] =	vst v3  }
0x5e5: {  	[tilespmem:s22+$0x15190] =	vst v34;
	v35 =	vsub.f32 v33, v4  }
0x5e6: {  	v14 =	vld [tilespmem:s23+$0xB5A0];
	[tilespmem:s22+$0x155A0] =	vst v5  }
0x5e7: {  	[tilespmem:s22+$0x15210] =	vst v35;
	v61 =	vsub.f32 v57, v10  }
0x5e8: {  	v11 =	vsub.f32 v11, v3;
	v12 =	vld [tilespmem:s23+$0xB620];
	[tilespmem:s22+$0x15620] =	vst v5  }
0x5e9: {  	[tilespmem:s22+$0x150F0] =	vst v61  }
0x5ea: {  	[tilespmem:s22+$0x15300] =	vst v11;
	v11 =	vsub.f32 v36, v4  }
0x5eb: {  	v37 =	vld [tilespmem:s23+$0xB710];
	[tilespmem:s22+$0x15710] =	vst v4  }
0x5ec: {  	v14 =	vsub.f32 v14, v5;
	[tilespmem:s22+$0x15290] =	vst v11;
	v11 =	vld [tilespmem:s23+$0xB550]  }
0x5ed: {  	[tilespmem:s22+$0x15550] =	vst v8;
	v38 =	vld [tilespmem:s23+$0xB6A0]  }
0x5ee: {  	[tilespmem:s22+$0x151A0] =	vst v14  }
0x5ef: {  	v12 =	vsub.f32 v12, v5;
	[tilespmem:s22+$0x156A0] =	vst v5  }
0x5f0: {  	v39 =	vld [tilespmem:s23+$0xB5B0];
	[tilespmem:s22+$0x155B0] =	vst v6;
	v40 =	vsub.f32 v37, v4  }
0x5f1: {  	[tilespmem:s22+$0x15220] =	vst v12;
	v11 =	vsub.f32 v11, v8  }
0x5f2: {  	v41 =	vld [tilespmem:s23+$0xB630];
	[tilespmem:s22+$0x15310] =	vst v40;
	v42 =	vsub.f32 v38, v5  }
0x5f3: {  	[tilespmem:s22+$0x15150] =	vst v11;
	v11 =	vld [tilespmem:s23+$0xB720]  }
0x5f4: {  	[tilespmem:s22+$0x152A0] =	vst v42  }
0x5f5: {  	[tilespmem:s22+$0x15630] =	vst v6;
	v43 =	vsub.f32 v39, v6;
	v45 =	vld [tilespmem:s23+$0xB6B0]  }
0x5f6: {  	[tilespmem:s22+$0x15720] =	vst v5  }
0x5f7: {  	[tilespmem:s22+$0x151B0] =	vst v43;
	v44 =	vsub.f32 v41, v6  }
0x5f8: {  	[tilespmem:s22+$0x156B0] =	vst v6;
	v11 =	vsub.f32 v11, v5  }
0x5f9: {  	v14 =	vld [tilespmem:s23+$0xB5C0];
	[tilespmem:s22+$0x15230] =	vst v44  }
0x5fa: {  	v12 =	vld [tilespmem:s23+$0xB640];
	[tilespmem:s22+$0x15320] =	vst v11;
	v11 =	vsub.f32 v45, v6  }
0x5fb: {  	[tilespmem:s22+$0x155C0] =	vst v7;
	v46 =	vld [tilespmem:s23+$0xB730]  }
0x5fc: {  	[tilespmem:s22+$0x152B0] =	vst v11;
	v11 =	vld [tilespmem:s23+$0xB560]  }
0x5fd: {  	[tilespmem:s22+$0x15640] =	vst v7;
	v47 =	vld [tilespmem:s23+$0xB6C0]  }
0x5fe: {  	v14 =	vsub.f32 v14, v7;
	[tilespmem:s22+$0x15730] =	vst v6  }
0x5ff: {  	[tilespmem:s22+$0x15560] =	vst v9  }
0x600: {  	[tilespmem:s22+$0x151C0] =	vst v14;
	v49 =	vsub.f32 v46, v6  }
0x601: {  	[tilespmem:s22+$0x156C0] =	vst v7;
	v48 =	vld [tilespmem:s23+$0xB5D0];
	v11 =	vsub.f32 v11, v9  }
0x602: {  	[tilespmem:s22+$0x15330] =	vst v49;
	v51 =	vsub.f32 v47, v7  }
0x603: {  	[tilespmem:s22+$0x15160] =	vst v11;
	v11 =	vld [tilespmem:s23+$0xB740]  }
0x604: {  	v12 =	vsub.f32 v12, v7;
	[tilespmem:s22+$0x152C0] =	vst v51  }
0x605: {  	[tilespmem:s22+$0x155D0] =	vst v8;
	v54 =	vld [tilespmem:s23+$0xB6D0]  }
0x606: {  	[tilespmem:s22+$0x15240] =	vst v12;
	v52 =	vsub.f32 v48, v8  }
0x607: {  	v50 =	vld [tilespmem:s23+$0xB650];
	[tilespmem:s22+$0x15650] =	vst v8  }
0x608: {  	[tilespmem:s22+$0x151D0] =	vst v52;
	v11 =	vsub.f32 v11, v7  }
0x609: {  	[tilespmem:s22+$0x15740] =	vst v7;
	v14 =	vld [tilespmem:s23+$0xB5E0]  }
0x60a: {  	v59 =	vld [tilespmem:s23+$0xB570];
	[tilespmem:s22+$0x15340] =	vst v11;
	v11 =	vsub.f32 v54, v8  }
0x60b: {  	[tilespmem:s22+$0x156D0] =	vst v8;
	v55 =	vld [tilespmem:s23+$0xB750]  }
0x60c: {  	v53 =	vsub.f32 v50, v8;
	[tilespmem:s22+$0x152D0] =	vst v11;
	v11 =	vld [tilespmem:s23+$0xB470]  }
0x60d: {  	[tilespmem:s22+$0x15570] =	vst v10;
	v56 =	vld [tilespmem:s23+$0xB6E0]  }
0x60e: {  	[tilespmem:s22+$0x15250] =	vst v53;
	v14 =	vsub.f32 v14, v9  }
0x60f: {  	[tilespmem:s22+$0x15750] =	vst v8  }
0x610: {  	[tilespmem:s22+$0x151E0] =	vst v14;
	v58 =	vsub.f32 v55, v8  }
0x611: {  	[tilespmem:s22+$0x156E0] =	vst v9;
	v11 =	vsub.f32 v11, v10  }
0x612: {  	v12 =	vld [tilespmem:s23+$0xB660];
	[tilespmem:s22+$0x15350] =	vst v58;
	v14 =	vsub.f32 v56, v9  }
0x613: {  	[tilespmem:s22+$0x15070] =	vst v11;
	v11 =	vld [tilespmem:s23+$0xB760]  }
0x614: {  	[tilespmem:s22+$0x152E0] =	vst v14  }
0x615: {  	[tilespmem:s22+$0x155E0] =	vst v9;
	v13 =	vsub.f32 v59, v10;
	v63 =	vld [tilespmem:s23+$0xB6F0]  }
0x616: {  	[tilespmem:s22+$0x15660] =	vst v9  }
0x617: {  	[tilespmem:s22+$0x15170] =	vst v13;
	v12 =	vsub.f32 v12, v9  }
0x618: {  	[tilespmem:s22+$0x15470] =	vst v10;
	v16 =	vld [tilespmem:s23+$0xB5F0];
	v11 =	vsub.f32 v11, v9  }
0x619: {  	[tilespmem:s22+$0x15260] =	vst v12  }
0x61a: {  	v60 =	vld [tilespmem:s23+$0xB670];
	[tilespmem:s22+$0x15360] =	vst v11;
	v11 =	vsub.f32 v63, v10  }
0x61b: {  	[tilespmem:s22+$0x15760] =	vst v9  }
0x61c: {  	[tilespmem:s22+$0x152F0] =	vst v11;
	v11 =	vld [tilespmem:s23+$0xB770]  }
0x61d: {  	[tilespmem:s22+$0x155F0] =	vst v10;
	v62 =	vsub.f32 v16, v10  }
0x61e: {  	p1 =	por p0, p0;
	[tilespmem:s22+$0x15670] =	vst v10  }
.Ltmp15:
0x61f: {  	v12 =	vsub.f32 v60, v10;
	[tilespmem:s22+$0x151F0] =	vst v62;
	(pc) =	sbr.rel @p1 .LBB2_24-.Ltmp15, $4  }
0x620: {  	[tilespmem:s22+$0x156F0] =	vst v10  }
0x621: {  	[tilespmem:s22+$0x15270] =	vst v12;
	v11 =	vsub.f32 v11, v10  }
0x622: {  	[tilespmem:s22+$0x15770] =	vst v10  }
0x623: {  	p0 =	por $0x0, $0x0;
	[tilespmem:s22+$0x15370] =	vst v11;
	s22 =	simm.s32 $0x8  }
0x624: {  	s21 =	smul.u32 $0x5, s21;
	_ =	sdelay $0x1  }
.Ltmp16:
0x625: {  	s21 =	sadd.s32 s5, s21;
	(pc) =	sbr.rel .LBB2_26-.Ltmp16, $4  }
0x626: {  	s21 =	sshll.u32 s21, $0x9  }
0x627: {  	s21 =	sand.u32 $0x1FFFFE00, s21  }
0x628: {  	s21 =	sadd.s32 s3, s21  }
0x629: {  	[hbm4b:s21+s4] =	stream.linear.scatter [tilespmem:s16], [sflag:$0x4], $0x5000, $0x38;
	[tilespmem:$0x15F80] =	vst v63  }
.LBB2_28:
0x62a: {  	_ =	sfence.sel $0x180000  }
0x62b: {  	[bflag:$0x0] =	sbarrier.arrive $0xFFFF  }
0x62c: {  	p0 =	sne.s32 s0, $0x0;
	_ =	strace $0x90000047  }
0x62d: {  	s0 =	sadd.s32 @!p0 $0x100000, s2;
	[bflag:$0x2] =	sbarrier.arrive $0xFFFF  }
0x62e: {  	[sflag:s0] =	ssyncadd.tile.s32 @!p0 $0x1;
	_ =	shalt  }
.Lfunc_end2:
_tile_overlayer_lowered:
.L_overlay_start_2:
0x62f: {  	(tag) =	ssettag $0x2  }
0x630: {  	s0 =	rddreg [dreg:$0x0];
	s2 =	stileid.u32  }
0x631: {  	s1 =	rddreg [dreg:$0x1];
	p0 =	sne.s32 s2, $0x0  }
0x632: {  	s3 =	rddreg [dreg:$0x2];
	[bflag:$0x3] =	sbarrier.arrive $0xFFFF;
	s2 =	simm.s32 @!p0 $0x1C05  }
0x633: {  	[timem:s3], [sflag:s2] =	dma.local @!p0 [hbm:s0], s1  }
0x634: {  	s0 =	simm.s32 @!p0 $0x5  }
0x635: {  	_ =	swait.ge @!p0 [sflag:s0], s1  }
0x636: {  	s1 =	ssub.s32 @!p0 $0x0, s1;
	[sflag:s0] =	ssyncset.done @!p0 $0x0  }
0x637: {  	[sflag:s0] =	ssyncadd.s32 @!p0 s1  }
0x638: {  	[bflag:$0x3] =	sbarrier.arrive $0xFFFF  }
0x639: {  	_ =	shalt  }

</sc_bundles>
